<compile_context>
chip_gen: v7x
topology: tpu7x:2x2x1
jax: 0.10.2.dev20260603
libtpu: 0.0.44.dev20260713+nightly
codegen_flags: <defaults>
</compile_context>

<pallas_src>
import jax
import jax.numpy as jnp
from jax import lax
from jax.experimental import pallas as pl
from jax.experimental.pallas import tpu as pltpu
from jax.experimental.pallas import tpu_sc as plsc

N = 10000
K = 32
D = 128
DE = 4

NC = 2
NS = 16
NW = NC * NS

NP = 10240
RPW = NP // NW
G = 2
NG = RPW // G
CH = 16
NCH = NG // CH
NH = 2
HV = 4


def _sc_body(nodes_hbm, nlist_hbm, edges_hbm, t_hbm,
             nodes_sh, nlist_v, edges_v0, edges_v1, rows_v0, rows_v1,
             t_v0, t_v1, gsem0, gsem1, osem0, osem1, esem0, esem1):
    cid = lax.axis_index("c")
    sid = lax.axis_index("s")
    wid = sid * NC + cid
    wrow = pl.multiple_of(wid * RPW, RPW)
    rows_bufs = (rows_v0, rows_v1)
    t_bufs = (t_v0, t_v1)
    e_bufs = (edges_v0, edges_v1)
    gsems = (gsem0, gsem1)
    osems = (osem0, osem1)
    esems = (esem0, esem1)

    SROWS = NP // NS
    r0 = pl.multiple_of(sid * SROWS, SROWS)

    @pl.when(sid < NS - 1)
    def _():
        pltpu.sync_copy(nodes_hbm.at[pl.ds(r0, SROWS)],
                        nodes_sh.at[pl.ds(r0, SROWS)])

    @pl.when(sid == NS - 1)
    def _():
        TL = N - (NS - 1) * SROWS
        pltpu.sync_copy(nodes_hbm.at[pl.ds(r0, TL)],
                        nodes_sh.at[pl.ds(r0, TL)])
    plsc.subcore_barrier()

    pltpu.sync_copy(nlist_hbm.at[pl.ds(pl.multiple_of(wid * RPW * K, RPW * K),
                                       RPW * K)], nlist_v)

    def _gcopy(g, b):
        idx = nlist_v.at[pl.ds(pl.multiple_of(g * G * K, G * K), G * K)]
        return pltpu.make_async_copy(nodes_sh.at[idx], rows_bufs[b], gsems[b])

    def start_gather(g, b):
        _gcopy(g, b).start()

    def wait_gather(g, b):
        _gcopy(g, b).wait()

    def echunk_copy(ch, eb):
        src = edges_hbm.at[pl.ds(wrow + ch * CH * G, CH * G), :]
        return pltpu.make_async_copy(src, e_bufs[eb], esems[eb])

    def out_copy(g, b):
        return pltpu.make_async_copy(
            t_bufs[b], t_hbm.at[pl.ds(wrow + g * G, G)], osems[b])

    echunk_copy(0, 0).start()
    start_gather(0, 0)
    start_gather(1, 1)

    def chunk_pair(cp, _):
        for eb in range(2):
            ch = cp * 2 + eb
            echunk_copy(ch, eb).wait()

            @pl.when(ch + 1 < NCH)
            def _():
                echunk_copy(ch + 1, 1 - eb).start()

            edges_v = e_bufs[eb]

            def pair(p, _):
                for b in range(2):
                    gl = p * 2 + b
                    g = ch * CH + gl
                    wait_gather(g, b)

                    @pl.when(g >= 2)
                    def _():
                        out_copy(g - 2, b).wait()

                    rows_v = rows_bufs[b]
                    t_v = t_bufs[b]

                    def cc_body(cc, _):
                        c = gl * G + cc
                        for h in range(NH):
                            def edge(jj, accs):
                                ev = edges_v[
                                    c, pl.ds(pl.multiple_of(jj * 16, 16), 16)]
                                accs = list(accs)
                                for dj in range(4):
                                    r = cc * K + jj * 4 + dj
                                    row = [rows_v[r,
                                                  pl.ds(h * 64 + 16 * v, 16)]
                                           for v in range(HV)]
                                    for n in range(DE):
                                        e = ev[4 * dj + n]
                                        for v in range(HV):
                                            accs[n * HV + v] = \
                                                accs[n * HV + v] + e * row[v]
                                return tuple(accs)

                            accs = lax.fori_loop(
                                0, K // 4, edge,
                                tuple(jnp.zeros((16,), jnp.float32)
                                      for _ in range(DE * HV)))
                            for n in range(DE):
                                for v in range(HV):
                                    t_v[cc, pl.ds(n * D + h * 64 + 16 * v,
                                                  16)] = accs[n * HV + v]
                        return 0

                    lax.fori_loop(0, G, cc_body, 0)

                    @pl.when(g + 2 < NG)
                    def _():
                        start_gather(g + 2, b)

                    out_copy(g, b).start()
                return 0

            lax.fori_loop(0, CH // 2, pair, 0)
        return 0

    lax.fori_loop(0, NCH // 2, chunk_pair, 0)
    out_copy(NG - 2, 0).wait()
    out_copy(NG - 1, 1).wait()


def _mm_body(t_ref, w_ref, o_ref):
    o_ref[...] = jnp.dot(t_ref[...], w_ref[...],
                         preferred_element_type=jnp.float32) * (1.0 / K)


def kernel(nodes, nlist, edges, W):
    pad = NP - N
    nlist_flat = jnp.pad(nlist.astype(jnp.int32), ((0, pad), (0, 0))).reshape(-1)
    edges_p = jnp.pad(edges, ((0, pad), (0, 0), (0, 0))).reshape(NP, K * DE)

    sc = pl.kernel(
        _sc_body,
        out_type=jax.ShapeDtypeStruct((NP, DE * D), jnp.float32),
        mesh=plsc.VectorSubcoreMesh(core_axis_name="c", subcore_axis_name="s",
                                    num_cores=NC, num_subcores=NS),
        scratch_types=[
            pltpu.VMEM_SHARED((NP, D), jnp.float32),
            pltpu.VMEM((RPW * K,), jnp.int32),
            pltpu.VMEM((CH * G, K * DE), jnp.float32),
            pltpu.VMEM((CH * G, K * DE), jnp.float32),
            pltpu.VMEM((G * K, D), jnp.float32),
            pltpu.VMEM((G * K, D), jnp.float32),
            pltpu.VMEM((G, DE * D), jnp.float32),
            pltpu.VMEM((G, DE * D), jnp.float32),
            pltpu.SemaphoreType.DMA,
            pltpu.SemaphoreType.DMA,
            pltpu.SemaphoreType.DMA,
            pltpu.SemaphoreType.DMA,
            pltpu.SemaphoreType.DMA,
            pltpu.SemaphoreType.DMA,
        ],
    )
    T = sc(nodes, nlist_flat, edges_p)

    W2 = W.transpose(2, 0, 1).reshape(DE * D, D)

    MB = 512
    out = pl.pallas_call(
        _mm_body,
        grid=(NP // MB,),
        in_specs=[
            pl.BlockSpec((MB, DE * D), lambda i: (i, 0)),
            pl.BlockSpec((DE * D, D), lambda i: (0, 0)),
        ],
        out_specs=pl.BlockSpec((MB, D), lambda i: (i, 0)),
        out_shape=jax.ShapeDtypeStruct((N, D), jnp.float32),
    )(T, W2)
    return out

# --- scband reference (transcript-rebuilt; emitter-appended) ---
"""Pipeline reference for scband-mplayer-17566416240734 (READ-ONLY COPY).

The authoritative reference and input builder live on the scoring server;
editing this copy changes nothing except your own understanding.
"""

import jax, jax.numpy as jnp
import numpy as np

N = 10000
K = 32
D = 128
DE = 4

def setup_inputs(seed: int = 0) -> dict:
    key = jax.random.key(seed)
    k1, k2, k3, k4 = jax.random.split(key, 4)
    nodes = jax.random.normal(k1, (N, D), dtype=jnp.float32)
    nlist = jax.random.randint(k2, (N, K), 0, N)
    edges = jax.random.normal(k3, (N, K, DE), dtype=jnp.float32)
    # learned weight built in build(): shape (d_feat, d_feat, d_edge)
    W = jax.random.normal(k4, (D, D, DE), dtype=jnp.float32) * 0.05
    return {"nodes": nodes, "nlist": nlist, "edges": edges, "W": W}

def reference(nodes, nlist, edges, W):
    # sliced_features = tf.gather(nodes, nlist) -> [N, K, D]
    sliced_features = jnp.take(nodes, nlist, axis=0)
    # einsum('ijn,ijl,lmn->ijm', edges, sliced_features, w) -> [N, K, D]
    prod = jnp.einsum('ijn,ijl,lmn->ijm', edges, sliced_features, W)
    # reduce_mean over neighbor axis -> [N, D]
    reduced = jnp.mean(prod, axis=1)
    # activation is None -> identity
    return reduced

if __name__ == "__main__":
    import jax
    _d = setup_inputs()
    print(jax.jit(kernel)(*tuple(_d.values())))

</pallas_src>

<mosaic_0001>
#map = affine_map<(d0, d1) -> (0, 0)>
#map1 = affine_map<(d0, d1) -> (0)>
module attributes {stable_mosaic.version = 14 : i64} {
  func.func @_sc_body(%arg0: i32, %arg1: i32, %arg2: memref<10000x128xf32, #tpu.memory_space<hbm>>, %arg3: memref<327680xi32, #tpu.memory_space<hbm>>, %arg4: memref<10240x128xf32, #tpu.memory_space<hbm>>, %arg5: memref<10240x512xf32, #tpu.memory_space<hbm>>, %arg6: memref<10240x128xf32, #tpu.memory_space<vmem_shared>>, %arg7: memref<10240xi32, #tpu.memory_space<vmem>>, %arg8: memref<32x128xf32, #tpu.memory_space<vmem>>, %arg9: memref<32x128xf32, #tpu.memory_space<vmem>>, %arg10: memref<64x128xf32, #tpu.memory_space<vmem>>, %arg11: memref<64x128xf32, #tpu.memory_space<vmem>>, %arg12: memref<2x512xf32, #tpu.memory_space<vmem>>, %arg13: memref<2x512xf32, #tpu.memory_space<vmem>>, %arg14: memref<!tpu.dma_semaphore, #tpu.memory_space<semaphore_mem>>, %arg15: memref<!tpu.dma_semaphore, #tpu.memory_space<semaphore_mem>>, %arg16: memref<!tpu.dma_semaphore, #tpu.memory_space<semaphore_mem>>, %arg17: memref<!tpu.dma_semaphore, #tpu.memory_space<semaphore_mem>>, %arg18: memref<!tpu.dma_semaphore, #tpu.memory_space<semaphore_mem>>, %arg19: memref<!tpu.dma_semaphore, #tpu.memory_space<semaphore_mem>>) attributes {dimension_semantics = [#tpu.dimension_semantics<core_parallel>, #tpu.dimension_semantics<subcore_parallel>], iteration_bounds = array<i64: 2, 16>, scalar_prefetch = 0 : i64, scratch_operands = 14 : i64, tpu.core_type = #tpu.core_type<sc_vector_subcore>, window_params = [{transform_indices = #map}, {transform_indices = #map1}, {transform_indices = #map}, {transform_indices = #map}]} {
    %mul3A = arith.constant 2 : i32
    %mul3A_0 = arith.muli %arg1, %mul3A : i32
    %add3A = arith.addi %mul3A_0, %arg0 : i32
    %mul3A_1 = arith.constant 320 : i32
    %mul3A_2 = arith.muli %add3A, %mul3A_1 : i32
    %multiple_of3A = tpu.assume_multiple %mul3A_2, 320 : i32
    %mul3A_3 = arith.constant 640 : i32
    %mul3A_4 = arith.muli %arg1, %mul3A_3 : i32
    %multiple_of3A_5 = tpu.assume_multiple %mul3A_4, 640 : i32
    %lt3A = arith.constant 15 : i32
    %lt3A_6 = arith.cmpi slt, %arg1, %lt3A : i32
    %convert_element_type3A = arith.extui %lt3A_6 : i1 to i32
    %cond3A = arith.constant 0 : i32
    %cond3A_7 = arith.cmpi ne, %convert_element_type3A, %cond3A : i32
    scf.if %cond3A_7 {
      "tpu.region"() ({
        %run_scoped3A = tpu.sem_alloc : memref<!tpu.dma_semaphore, #tpu.memory_space<semaphore_mem>>
        %dma_start3A_51 = arith.constant 0 : i32
        %dma_start3A_52 = tpu.memref_slice %arg6[%multiple_of3A_5, %dma_start3A_51] : memref<10240x128xf32, #tpu.memory_space<vmem_shared>> -> memref<640x128xf32, #tpu.memory_space<vmem_shared>>
        %dma_start3A_53 = arith.constant 0 : i32
        %dma_start3A_54 = tpu.memref_slice %arg2[%multiple_of3A_5, %dma_start3A_53] : memref<10000x128xf32, #tpu.memory_space<hbm>> -> memref<640x128xf32, #tpu.memory_space<hbm>>
        tpu.enqueue_dma source(%dma_start3A_54 : memref<640x128xf32, #tpu.memory_space<hbm>>) target(%dma_start3A_52 : memref<640x128xf32, #tpu.memory_space<vmem_shared>>) target_semaphore(%run_scoped3A : memref<!tpu.dma_semaphore, #tpu.memory_space<semaphore_mem>>)
        %dma_wait3A_55 = arith.constant 0 : i32
        %dma_wait3A_56 = tpu.memref_slice %arg6[%multiple_of3A_5, %dma_wait3A_55] : memref<10240x128xf32, #tpu.memory_space<vmem_shared>> -> memref<640x128xf32, #tpu.memory_space<vmem_shared>>
        %dma_wait3A_57 = arith.constant 0 : i32
        %dma_wait3A_58 = tpu.memref_slice %arg2[%multiple_of3A_5, %dma_wait3A_57] : memref<10000x128xf32, #tpu.memory_space<hbm>> -> memref<640x128xf32, #tpu.memory_space<hbm>>
        tpu.wait_dma2 semaphore(%run_scoped3A : memref<!tpu.dma_semaphore, #tpu.memory_space<semaphore_mem>>) src(%dma_wait3A_58 : memref<640x128xf32, #tpu.memory_space<hbm>>) dst(%dma_wait3A_56 : memref<640x128xf32, #tpu.memory_space<vmem_shared>>)
        tpu.yield
      }) : () -> ()
    } else {
    }
    %eq3A = arith.constant 15 : i32
    %eq3A_8 = arith.cmpi eq, %arg1, %eq3A : i32
    %convert_element_type3A_9 = arith.extui %eq3A_8 : i1 to i32
    %cond3A_10 = arith.constant 0 : i32
    %cond3A_11 = arith.cmpi ne, %convert_element_type3A_9, %cond3A_10 : i32
    scf.if %cond3A_11 {
      "tpu.region"() ({
        %run_scoped3A = tpu.sem_alloc : memref<!tpu.dma_semaphore, #tpu.memory_space<semaphore_mem>>
        %dma_start3A_51 = arith.constant 0 : i32
        %dma_start3A_52 = tpu.memref_slice %arg6[%multiple_of3A_5, %dma_start3A_51] : memref<10240x128xf32, #tpu.memory_space<vmem_shared>> -> memref<400x128xf32, #tpu.memory_space<vmem_shared>>
        %dma_start3A_53 = arith.constant 0 : i32
        %dma_start3A_54 = tpu.memref_slice %arg2[%multiple_of3A_5, %dma_start3A_53] : memref<10000x128xf32, #tpu.memory_space<hbm>> -> memref<400x128xf32, #tpu.memory_space<hbm>>
        tpu.enqueue_dma source(%dma_start3A_54 : memref<400x128xf32, #tpu.memory_space<hbm>>) target(%dma_start3A_52 : memref<400x128xf32, #tpu.memory_space<vmem_shared>>) target_semaphore(%run_scoped3A : memref<!tpu.dma_semaphore, #tpu.memory_space<semaphore_mem>>)
        %dma_wait3A_55 = arith.constant 0 : i32
        %dma_wait3A_56 = tpu.memref_slice %arg6[%multiple_of3A_5, %dma_wait3A_55] : memref<10240x128xf32, #tpu.memory_space<vmem_shared>> -> memref<400x128xf32, #tpu.memory_space<vmem_shared>>
        %dma_wait3A_57 = arith.constant 0 : i32
        %dma_wait3A_58 = tpu.memref_slice %arg2[%multiple_of3A_5, %dma_wait3A_57] : memref<10000x128xf32, #tpu.memory_space<hbm>> -> memref<400x128xf32, #tpu.memory_space<hbm>>
        tpu.wait_dma2 semaphore(%run_scoped3A : memref<!tpu.dma_semaphore, #tpu.memory_space<semaphore_mem>>) src(%dma_wait3A_58 : memref<400x128xf32, #tpu.memory_space<hbm>>) dst(%dma_wait3A_56 : memref<400x128xf32, #tpu.memory_space<vmem_shared>>)
        tpu.yield
      }) : () -> ()
    } else {
    }
    %barrier3A = arith.constant 0 : index
    tpu.barrier barrier_id(%barrier3A)
    %mul3A_12 = arith.constant 320 : i32
    %mul3A_13 = arith.muli %add3A, %mul3A_12 : i32
    %mul3A_14 = arith.constant 32 : i32
    %mul3A_15 = arith.muli %mul3A_13, %mul3A_14 : i32
    %multiple_of3A_16 = tpu.assume_multiple %mul3A_15, 10240 : i32
    "tpu.region"() ({
      %run_scoped3A = tpu.sem_alloc : memref<!tpu.dma_semaphore, #tpu.memory_space<semaphore_mem>>
      %dma_start3A_51 = tpu.memref_slice %arg3[%multiple_of3A_16] : memref<327680xi32, #tpu.memory_space<hbm>> -> memref<10240xi32, #tpu.memory_space<hbm>>
      %dma_start3A_52 = tpu.memref_slice %arg3[%multiple_of3A_16] : memref<327680xi32, #tpu.memory_space<hbm>> -> memref<10240xi32, #tpu.memory_space<hbm>>
      tpu.enqueue_dma source(%dma_start3A_52 : memref<10240xi32, #tpu.memory_space<hbm>>) target(%arg7 : memref<10240xi32, #tpu.memory_space<vmem>>) target_semaphore(%run_scoped3A : memref<!tpu.dma_semaphore, #tpu.memory_space<semaphore_mem>>)
      %dma_wait3A_53 = tpu.memref_slice %arg3[%multiple_of3A_16] : memref<327680xi32, #tpu.memory_space<hbm>> -> memref<10240xi32, #tpu.memory_space<hbm>>
      %dma_wait3A_54 = tpu.memref_slice %arg3[%multiple_of3A_16] : memref<327680xi32, #tpu.memory_space<hbm>> -> memref<10240xi32, #tpu.memory_space<hbm>>
      tpu.wait_dma2 semaphore(%run_scoped3A : memref<!tpu.dma_semaphore, #tpu.memory_space<semaphore_mem>>) src(%dma_wait3A_54 : memref<10240xi32, #tpu.memory_space<hbm>>) dst(%arg7 : memref<10240xi32, #tpu.memory_space<vmem>>)
      tpu.yield
    }) : () -> ()
    %add3A_17 = arith.constant 0 : i32
    %add3A_18 = arith.addi %multiple_of3A, %add3A_17 : i32
    %dma_start3A = arith.constant 0 : i32
    %dma_start3A_19 = tpu.memref_slice %arg4[%add3A_18, %dma_start3A] : memref<10240x128xf32, #tpu.memory_space<hbm>> -> memref<32x128xf32, #tpu.memory_space<hbm>>
    %dma_start3A_20 = arith.constant 0 : i32
    %dma_start3A_21 = tpu.memref_slice %arg4[%add3A_18, %dma_start3A_20] : memref<10240x128xf32, #tpu.memory_space<hbm>> -> memref<32x128xf32, #tpu.memory_space<hbm>>
    tpu.enqueue_dma source(%dma_start3A_21 : memref<32x128xf32, #tpu.memory_space<hbm>>) target(%arg8 : memref<32x128xf32, #tpu.memory_space<vmem>>) target_semaphore(%arg18 : memref<!tpu.dma_semaphore, #tpu.memory_space<semaphore_mem>>)
    %multiple_of3A_22 = arith.constant 0 : i32
    %multiple_of3A_23 = tpu.assume_multiple %multiple_of3A_22, 64 : i32
    %dma_start3A_24 = tpu.memref_slice %arg7[%multiple_of3A_23] : memref<10240xi32, #tpu.memory_space<vmem>> -> memref<64xi32, #tpu.memory_space<vmem>>
    %dma_start3A_25 = arith.constant 0 : i32
    %dma_start3A_26 = arith.constant 0 : i32
    %dma_start3A_27 = tpu.memref_slice %arg6[%dma_start3A_25, %dma_start3A_26] : memref<10240x128xf32, #tpu.memory_space<vmem_shared>> -> memref<10240x128xf32, #tpu.memory_space<vmem_shared>>
    tpu.enqueue_indirect_dma source(%dma_start3A_27 : memref<10240x128xf32, #tpu.memory_space<vmem_shared>>) target(%arg10 : memref<64x128xf32, #tpu.memory_space<vmem>>) offsets(%dma_start3A_24 : memref<64xi32, #tpu.memory_space<vmem>>) semaphore(%arg14 : memref<!tpu.dma_semaphore, #tpu.memory_space<semaphore_mem>>)
    %multiple_of3A_28 = arith.constant 64 : i32
    %multiple_of3A_29 = tpu.assume_multiple %multiple_of3A_28, 64 : i32
    %dma_start3A_30 = tpu.memref_slice %arg7[%multiple_of3A_29] : memref<10240xi32, #tpu.memory_space<vmem>> -> memref<64xi32, #tpu.memory_space<vmem>>
    %dma_start3A_31 = arith.constant 0 : i32
    %dma_start3A_32 = arith.constant 0 : i32
    %dma_start3A_33 = tpu.memref_slice %arg6[%dma_start3A_31, %dma_start3A_32] : memref<10240x128xf32, #tpu.memory_space<vmem_shared>> -> memref<10240x128xf32, #tpu.memory_space<vmem_shared>>
    tpu.enqueue_indirect_dma source(%dma_start3A_33 : memref<10240x128xf32, #tpu.memory_space<vmem_shared>>) target(%arg11 : memref<64x128xf32, #tpu.memory_space<vmem>>) offsets(%dma_start3A_30 : memref<64xi32, #tpu.memory_space<vmem>>) semaphore(%arg15 : memref<!tpu.dma_semaphore, #tpu.memory_space<semaphore_mem>>)
    %scan3A = arith.constant 0 : i32
    %scan3A_34 = arith.constant 0 : i32
    %scan3A_35 = arith.constant 5 : i32
    %scan3A_36 = arith.addi %scan3A_34, %scan3A_35 : i32
    %scan3A_37 = arith.constant 1 : i32
    %scan3A_38 = scf.for %scan3A_51 = %scan3A_34 to %scan3A_36 step %scan3A_37 iter_args(%scan3A_52 = %scan3A) -> (i32)  : i32 {
      %mul3A_53 = arith.constant 2 : i32
      %mul3A_54 = arith.muli %scan3A_51, %mul3A_53 : i32
      %add3A_55 = arith.constant 0 : i32
      %add3A_56 = arith.addi %mul3A_54, %add3A_55 : i32
      %mul3A_57 = arith.constant 16 : i32
      %mul3A_58 = arith.muli %add3A_56, %mul3A_57 : i32
      %mul3A_59 = arith.constant 2 : i32
      %mul3A_60 = arith.muli %mul3A_58, %mul3A_59 : i32
      %add3A_61 = arith.addi %multiple_of3A, %mul3A_60 : i32
      %dma_wait3A_62 = arith.constant 0 : i32
      %dma_wait3A_63 = tpu.memref_slice %arg4[%add3A_61, %dma_wait3A_62] : memref<10240x128xf32, #tpu.memory_space<hbm>> -> memref<32x128xf32, #tpu.memory_space<hbm>>
      %dma_wait3A_64 = arith.constant 0 : i32
      %dma_wait3A_65 = tpu.memref_slice %arg4[%add3A_61, %dma_wait3A_64] : memref<10240x128xf32, #tpu.memory_space<hbm>> -> memref<32x128xf32, #tpu.memory_space<hbm>>
      tpu.wait_dma2 semaphore(%arg18 : memref<!tpu.dma_semaphore, #tpu.memory_space<semaphore_mem>>) src(%dma_wait3A_65 : memref<32x128xf32, #tpu.memory_space<hbm>>) dst(%arg8 : memref<32x128xf32, #tpu.memory_space<vmem>>)
      %add3A_66 = arith.constant 1 : i32
      %add3A_67 = arith.addi %add3A_56, %add3A_66 : i32
      %lt3A_68 = arith.constant 10 : i32
      %lt3A_69 = arith.cmpi slt, %add3A_67, %lt3A_68 : i32
      %convert_element_type3A_70 = arith.extui %lt3A_69 : i1 to i32
      %cond3A_71 = arith.constant 0 : i32
      %cond3A_72 = arith.cmpi ne, %convert_element_type3A_70, %cond3A_71 : i32
      scf.if %cond3A_72 {
        %add3A_108 = arith.constant 1 : i32
        %add3A_109 = arith.addi %add3A_56, %add3A_108 : i32
        %mul3A_110 = arith.constant 16 : i32
        %mul3A_111 = arith.muli %add3A_109, %mul3A_110 : i32
        %mul3A_112 = arith.constant 2 : i32
        %mul3A_113 = arith.muli %mul3A_111, %mul3A_112 : i32
        %add3A_114 = arith.addi %multiple_of3A, %mul3A_113 : i32
        %dma_start3A_115 = arith.constant 0 : i32
        %dma_start3A_116 = tpu.memref_slice %arg4[%add3A_114, %dma_start3A_115] : memref<10240x128xf32, #tpu.memory_space<hbm>> -> memref<32x128xf32, #tpu.memory_space<hbm>>
        %dma_start3A_117 = arith.constant 0 : i32
        %dma_start3A_118 = tpu.memref_slice %arg4[%add3A_114, %dma_start3A_117] : memref<10240x128xf32, #tpu.memory_space<hbm>> -> memref<32x128xf32, #tpu.memory_space<hbm>>
        tpu.enqueue_dma source(%dma_start3A_118 : memref<32x128xf32, #tpu.memory_space<hbm>>) target(%arg9 : memref<32x128xf32, #tpu.memory_space<vmem>>) target_semaphore(%arg19 : memref<!tpu.dma_semaphore, #tpu.memory_space<semaphore_mem>>)
      } else {
      }
      %scan3A_73 = arith.constant 0 : i32
      %scan3A_74 = arith.constant 0 : i32
      %scan3A_75 = arith.constant 8 : i32
      %scan3A_76 = arith.addi %scan3A_74, %scan3A_75 : i32
      %scan3A_77 = arith.constant 1 : i32
      %scan3A_78 = scf.for %scan3A_108 = %scan3A_74 to %scan3A_76 step %scan3A_77 iter_args(%scan3A_109 = %scan3A_73) -> (i32)  : i32 {
        %mul3A_110 = arith.constant 2 : i32
        %mul3A_111 = arith.muli %scan3A_108, %mul3A_110 : i32
        %add3A_112 = arith.constant 0 : i32
        %add3A_113 = arith.addi %mul3A_111, %add3A_112 : i32
        %mul3A_114 = arith.constant 16 : i32
        %mul3A_115 = arith.muli %add3A_56, %mul3A_114 : i32
        %add3A_116 = arith.addi %mul3A_115, %add3A_113 : i32
        %mul3A_117 = arith.constant 2 : i32
        %mul3A_118 = arith.muli %add3A_116, %mul3A_117 : i32
        %mul3A_119 = arith.constant 32 : i32
        %mul3A_120 = arith.muli %mul3A_118, %mul3A_119 : i32
        %multiple_of3A_121 = tpu.assume_multiple %mul3A_120, 64 : i32
        %dma_wait3A_122 = tpu.memref_slice %arg7[%multiple_of3A_121] : memref<10240xi32, #tpu.memory_space<vmem>> -> memref<64xi32, #tpu.memory_space<vmem>>
        %dma_wait3A_123 = arith.constant 0 : i32
        %dma_wait3A_124 = arith.constant 0 : i32
        %dma_wait3A_125 = tpu.memref_slice %arg6[%dma_wait3A_123, %dma_wait3A_124] : memref<10240x128xf32, #tpu.memory_space<vmem_shared>> -> memref<10240x128xf32, #tpu.memory_space<vmem_shared>>
        tpu.wait_indirect_dma semaphore(%arg14 : memref<!tpu.dma_semaphore, #tpu.memory_space<semaphore_mem>>) src(%dma_wait3A_125 : memref<10240x128xf32, #tpu.memory_space<vmem_shared>>) dst(%arg10 : memref<64x128xf32, #tpu.memory_space<vmem>>)
        %ge3A = arith.constant 2 : i32
        %ge3A_126 = arith.cmpi sge, %add3A_116, %ge3A : i32
        %convert_element_type3A_127 = arith.extui %ge3A_126 : i1 to i32
        %cond3A_128 = arith.constant 0 : i32
        %cond3A_129 = arith.cmpi ne, %convert_element_type3A_127, %cond3A_128 : i32
        scf.if %cond3A_129 {
          %sub3A = arith.constant 2 : i32
          %sub3A_194 = arith.subi %add3A_116, %sub3A : i32
          %mul3A_195 = arith.constant 2 : i32
          %mul3A_196 = arith.muli %sub3A_194, %mul3A_195 : i32
          %add3A_197 = arith.addi %multiple_of3A, %mul3A_196 : i32
          %dma_wait3A_198 = arith.constant 0 : i32
          %dma_wait3A_199 = tpu.memref_slice %arg5[%add3A_197, %dma_wait3A_198] : memref<10240x512xf32, #tpu.memory_space<hbm>> -> memref<2x512xf32, #tpu.memory_space<hbm>>
          %dma_wait3A_200 = arith.constant 0 : i32
          %dma_wait3A_201 = tpu.memref_slice %arg5[%add3A_197, %dma_wait3A_200] : memref<10240x512xf32, #tpu.memory_space<hbm>> -> memref<2x512xf32, #tpu.memory_space<hbm>>
          tpu.wait_dma2 semaphore(%arg16 : memref<!tpu.dma_semaphore, #tpu.memory_space<semaphore_mem>>) src(%arg12 : memref<2x512xf32, #tpu.memory_space<vmem>>) dst(%dma_wait3A_201 : memref<2x512xf32, #tpu.memory_space<hbm>>)
        } else {
        }
        %scan3A_130 = arith.constant 0 : i32
        %scan3A_131 = arith.constant 0 : i32
        %scan3A_132 = arith.constant 2 : i32
        %scan3A_133 = arith.addi %scan3A_131, %scan3A_132 : i32
        %scan3A_134 = arith.constant 1 : i32
        %scan3A_135 = scf.for %scan3A_194 = %scan3A_131 to %scan3A_133 step %scan3A_134 iter_args(%scan3A_195 = %scan3A_130) -> (i32)  : i32 {
          %mul3A_196 = arith.constant 2 : i32
          %mul3A_197 = arith.muli %add3A_113, %mul3A_196 : i32
          %add3A_198 = arith.addi %mul3A_197, %scan3A_194 : i32
          %broadcast_in_dim3A = arith.constant 0.000000e+00 : f32
          %broadcast_in_dim3A_199 = vector.broadcast %broadcast_in_dim3A : f32 to vector<16xf32>
          %broadcast_in_dim3A_200 = arith.constant 0.000000e+00 : f32
          %broadcast_in_dim3A_201 = vector.broadcast %broadcast_in_dim3A_200 : f32 to vector<16xf32>
          %broadcast_in_dim3A_202 = arith.constant 0.000000e+00 : f32
          %broadcast_in_dim3A_203 = vector.broadcast %broadcast_in_dim3A_202 : f32 to vector<16xf32>
          %broadcast_in_dim3A_204 = arith.constant 0.000000e+00 : f32
          %broadcast_in_dim3A_205 = vector.broadcast %broadcast_in_dim3A_204 : f32 to vector<16xf32>
          %broadcast_in_dim3A_206 = arith.constant 0.000000e+00 : f32
          %broadcast_in_dim3A_207 = vector.broadcast %broadcast_in_dim3A_206 : f32 to vector<16xf32>
          %broadcast_in_dim3A_208 = arith.constant 0.000000e+00 : f32
          %broadcast_in_dim3A_209 = vector.broadcast %broadcast_in_dim3A_208 : f32 to vector<16xf32>
          %broadcast_in_dim3A_210 = arith.constant 0.000000e+00 : f32
          %broadcast_in_dim3A_211 = vector.broadcast %broadcast_in_dim3A_210 : f32 to vector<16xf32>
          %broadcast_in_dim3A_212 = arith.constant 0.000000e+00 : f32
          %broadcast_in_dim3A_213 = vector.broadcast %broadcast_in_dim3A_212 : f32 to vector<16xf32>
          %broadcast_in_dim3A_214 = arith.constant 0.000000e+00 : f32
          %broadcast_in_dim3A_215 = vector.broadcast %broadcast_in_dim3A_214 : f32 to vector<16xf32>
          %broadcast_in_dim3A_216 = arith.constant 0.000000e+00 : f32
          %broadcast_in_dim3A_217 = vector.broadcast %broadcast_in_dim3A_216 : f32 to vector<16xf32>
          %broadcast_in_dim3A_218 = arith.constant 0.000000e+00 : f32
          %broadcast_in_dim3A_219 = vector.broadcast %broadcast_in_dim3A_218 : f32 to vector<16xf32>
          %broadcast_in_dim3A_220 = arith.constant 0.000000e+00 : f32
          %broadcast_in_dim3A_221 = vector.broadcast %broadcast_in_dim3A_220 : f32 to vector<16xf32>
          %broadcast_in_dim3A_222 = arith.constant 0.000000e+00 : f32
          %broadcast_in_dim3A_223 = vector.broadcast %broadcast_in_dim3A_222 : f32 to vector<16xf32>
          %broadcast_in_dim3A_224 = arith.constant 0.000000e+00 : f32
          %broadcast_in_dim3A_225 = vector.broadcast %broadcast_in_dim3A_224 : f32 to vector<16xf32>
          %broadcast_in_dim3A_226 = arith.constant 0.000000e+00 : f32
          %broadcast_in_dim3A_227 = vector.broadcast %broadcast_in_dim3A_226 : f32 to vector<16xf32>
          %broadcast_in_dim3A_228 = arith.constant 0.000000e+00 : f32
          %broadcast_in_dim3A_229 = vector.broadcast %broadcast_in_dim3A_228 : f32 to vector<16xf32>
          %scan3A_230 = arith.constant 0 : i32
          %scan3A_231 = arith.constant 8 : i32
          %scan3A_232 = arith.addi %scan3A_230, %scan3A_231 : i32
          %scan3A_233 = arith.constant 1 : i32
          %scan3A_234:16 = scf.for %scan3A_434 = %scan3A_230 to %scan3A_232 step %scan3A_233 iter_args(%scan3A_435 = %broadcast_in_dim3A_199, %scan3A_436 = %broadcast_in_dim3A_201, %scan3A_437 = %broadcast_in_dim3A_203, %scan3A_438 = %broadcast_in_dim3A_205, %scan3A_439 = %broadcast_in_dim3A_207, %scan3A_440 = %broadcast_in_dim3A_209, %scan3A_441 = %broadcast_in_dim3A_211, %scan3A_442 = %broadcast_in_dim3A_213, %scan3A_443 = %broadcast_in_dim3A_215, %scan3A_444 = %broadcast_in_dim3A_217, %scan3A_445 = %broadcast_in_dim3A_219, %scan3A_446 = %broadcast_in_dim3A_221, %scan3A_447 = %broadcast_in_dim3A_223, %scan3A_448 = %broadcast_in_dim3A_225, %scan3A_449 = %broadcast_in_dim3A_227, %scan3A_450 = %broadcast_in_dim3A_229) -> (vector<16xf32>, vector<16xf32>, vector<16xf32>, vector<16xf32>, vector<16xf32>, vector<16xf32>, vector<16xf32>, vector<16xf32>, vector<16xf32>, vector<16xf32>, vector<16xf32>, vector<16xf32>, vector<16xf32>, vector<16xf32>, vector<16xf32>, vector<16xf32>)  : i32 {
            %mul3A_451 = arith.constant 16 : i32
            %mul3A_452 = arith.muli %scan3A_434, %mul3A_451 : i32
            %multiple_of3A_453 = tpu.assume_multiple %mul3A_452, 16 : i32
            %get3A = arith.index_cast %add3A_198 : i32 to index
            %get3A_454 = arith.index_cast %multiple_of3A_453 : i32 to index
            %get3A_455 = tpu.vector_load %arg8[%get3A, %get3A_454] {strides = array<i32>} : memref<32x128xf32, #tpu.memory_space<vmem>>, vector<1x16xf32>,
            %get3A_456 = vector.shape_cast %get3A_455 : vector<1x16xf32> to vector<16xf32>
            %mul3A_457 = arith.constant 32 : i32
            %mul3A_458 = arith.muli %scan3A_194, %mul3A_457 : i32
            %mul3A_459 = arith.constant 4 : i32
            %mul3A_460 = arith.muli %scan3A_434, %mul3A_459 : i32
            %add3A_461 = arith.addi %mul3A_458, %mul3A_460 : i32
            %add3A_462 = arith.constant 0 : i32
            %add3A_463 = arith.addi %add3A_461, %add3A_462 : i32
            %get3A_464 = arith.index_cast %add3A_463 : i32 to index
            %get3A_465 = arith.constant 0 : index
            %get3A_466 = tpu.vector_load %arg10[%get3A_464, %get3A_465] {strides = array<i32>} : memref<64x128xf32, #tpu.memory_space<vmem>>, vector<1x16xf32>,
            %get3A_467 = vector.shape_cast %get3A_466 : vector<1x16xf32> to vector<16xf32>
            %get3A_468 = arith.index_cast %add3A_463 : i32 to index
            %get3A_469 = arith.constant 16 : index
            %get3A_470 = tpu.vector_load %arg10[%get3A_468, %get3A_469] {strides = array<i32>} : memref<64x128xf32, #tpu.memory_space<vmem>>, vector<1x16xf32>,
            %get3A_471 = vector.shape_cast %get3A_470 : vector<1x16xf32> to vector<16xf32>
            %get3A_472 = arith.index_cast %add3A_463 : i32 to index
            %get3A_473 = arith.constant 32 : index
            %get3A_474 = tpu.vector_load %arg10[%get3A_472, %get3A_473] {strides = array<i32>} : memref<64x128xf32, #tpu.memory_space<vmem>>, vector<1x16xf32>,
            %get3A_475 = vector.shape_cast %get3A_474 : vector<1x16xf32> to vector<16xf32>
            %get3A_476 = arith.index_cast %add3A_463 : i32 to index
            %get3A_477 = arith.constant 48 : index
            %get3A_478 = tpu.vector_load %arg10[%get3A_476, %get3A_477] {strides = array<i32>} : memref<64x128xf32, #tpu.memory_space<vmem>>, vector<1x16xf32>,
            %get3A_479 = vector.shape_cast %get3A_478 : vector<1x16xf32> to vector<16xf32>
            %slice3A = vector.extract_strided_slice %get3A_456 {offsets = [0], sizes = [1], strides = [1]} : vector<16xf32> to vector<1xf32>
            %squeeze3A = vector.extract %slice3A[0] : f32 from vector<1xf32>
            %mul3A_480 = vector.broadcast %squeeze3A : f32 to vector<16xf32>
            %mul3A_481 = arith.mulf %mul3A_480, %get3A_467 : vector<16xf32>
            %add3A_482 = arith.addf %scan3A_435, %mul3A_481 : vector<16xf32>
            %mul3A_483 = vector.broadcast %squeeze3A : f32 to vector<16xf32>
            %mul3A_484 = arith.mulf %mul3A_483, %get3A_471 : vector<16xf32>
            %add3A_485 = arith.addf %scan3A_436, %mul3A_484 : vector<16xf32>
            %mul3A_486 = vector.broadcast %squeeze3A : f32 to vector<16xf32>
            %mul3A_487 = arith.mulf %mul3A_486, %get3A_475 : vector<16xf32>
            %add3A_488 = arith.addf %scan3A_437, %mul3A_487 : vector<16xf32>
            %mul3A_489 = vector.broadcast %squeeze3A : f32 to vector<16xf32>
            %mul3A_490 = arith.mulf %mul3A_489, %get3A_479 : vector<16xf32>
            %add3A_491 = arith.addf %scan3A_438, %mul3A_490 : vector<16xf32>
            %slice3A_492 = vector.extract_strided_slice %get3A_456 {offsets = [1], sizes = [1], strides = [1]} : vector<16xf32> to vector<1xf32>
            %squeeze3A_493 = vector.extract %slice3A_492[0] : f32 from vector<1xf32>
            %mul3A_494 = vector.broadcast %squeeze3A_493 : f32 to vector<16xf32>
            %mul3A_495 = arith.mulf %mul3A_494, %get3A_467 : vector<16xf32>
            %add3A_496 = arith.addf %scan3A_439, %mul3A_495 : vector<16xf32>
            %mul3A_497 = vector.broadcast %squeeze3A_493 : f32 to vector<16xf32>
            %mul3A_498 = arith.mulf %mul3A_497, %get3A_471 : vector<16xf32>
            %add3A_499 = arith.addf %scan3A_440, %mul3A_498 : vector<16xf32>
            %mul3A_500 = vector.broadcast %squeeze3A_493 : f32 to vector<16xf32>
            %mul3A_501 = arith.mulf %mul3A_500, %get3A_475 : vector<16xf32>
            %add3A_502 = arith.addf %scan3A_441, %mul3A_501 : vector<16xf32>
            %mul3A_503 = vector.broadcast %squeeze3A_493 : f32 to vector<16xf32>
            %mul3A_504 = arith.mulf %mul3A_503, %get3A_479 : vector<16xf32>
            %add3A_505 = arith.addf %scan3A_442, %mul3A_504 : vector<16xf32>
            %slice3A_506 = vector.extract_strided_slice %get3A_456 {offsets = [2], sizes = [1], strides = [1]} : vector<16xf32> to vector<1xf32>
            %squeeze3A_507 = vector.extract %slice3A_506[0] : f32 from vector<1xf32>
            %mul3A_508 = vector.broadcast %squeeze3A_507 : f32 to vector<16xf32>
            %mul3A_509 = arith.mulf %mul3A_508, %get3A_467 : vector<16xf32>
            %add3A_510 = arith.addf %scan3A_443, %mul3A_509 : vector<16xf32>
            %mul3A_511 = vector.broadcast %squeeze3A_507 : f32 to vector<16xf32>
            %mul3A_512 = arith.mulf %mul3A_511, %get3A_471 : vector<16xf32>
            %add3A_513 = arith.addf %scan3A_444, %mul3A_512 : vector<16xf32>
            %mul3A_514 = vector.broadcast %squeeze3A_507 : f32 to vector<16xf32>
            %mul3A_515 = arith.mulf %mul3A_514, %get3A_475 : vector<16xf32>
            %add3A_516 = arith.addf %scan3A_445, %mul3A_515 : vector<16xf32>
            %mul3A_517 = vector.broadcast %squeeze3A_507 : f32 to vector<16xf32>
            %mul3A_518 = arith.mulf %mul3A_517, %get3A_479 : vector<16xf32>
            %add3A_519 = arith.addf %scan3A_446, %mul3A_518 : vector<16xf32>
            %slice3A_520 = vector.extract_strided_slice %get3A_456 {offsets = [3], sizes = [1], strides = [1]} : vector<16xf32> to vector<1xf32>
            %squeeze3A_521 = vector.extract %slice3A_520[0] : f32 from vector<1xf32>
            %mul3A_522 = vector.broadcast %squeeze3A_521 : f32 to vector<16xf32>
            %mul3A_523 = arith.mulf %mul3A_522, %get3A_467 : vector<16xf32>
            %add3A_524 = arith.addf %scan3A_447, %mul3A_523 : vector<16xf32>
            %mul3A_525 = vector.broadcast %squeeze3A_521 : f32 to vector<16xf32>
            %mul3A_526 = arith.mulf %mul3A_525, %get3A_471 : vector<16xf32>
            %add3A_527 = arith.addf %scan3A_448, %mul3A_526 : vector<16xf32>
            %mul3A_528 = vector.broadcast %squeeze3A_521 : f32 to vector<16xf32>
            %mul3A_529 = arith.mulf %mul3A_528, %get3A_475 : vector<16xf32>
            %add3A_530 = arith.addf %scan3A_449, %mul3A_529 : vector<16xf32>
            %mul3A_531 = vector.broadcast %squeeze3A_521 : f32 to vector<16xf32>
            %mul3A_532 = arith.mulf %mul3A_531, %get3A_479 : vector<16xf32>
            %add3A_533 = arith.addf %scan3A_450, %mul3A_532 : vector<16xf32>
            %mul3A_534 = arith.constant 32 : i32
            %mul3A_535 = arith.muli %scan3A_194, %mul3A_534 : i32
            %mul3A_536 = arith.constant 4 : i32
            %mul3A_537 = arith.muli %scan3A_434, %mul3A_536 : i32
            %add3A_538 = arith.addi %mul3A_535, %mul3A_537 : i32
            %add3A_539 = arith.constant 1 : i32
            %add3A_540 = arith.addi %add3A_538, %add3A_539 : i32
            %get3A_541 = arith.index_cast %add3A_540 : i32 to index
            %get3A_542 = arith.constant 0 : index
            %get3A_543 = tpu.vector_load %arg10[%get3A_541, %get3A_542] {strides = array<i32>} : memref<64x128xf32, #tpu.memory_space<vmem>>, vector<1x16xf32>,
            %get3A_544 = vector.shape_cast %get3A_543 : vector<1x16xf32> to vector<16xf32>
            %get3A_545 = arith.index_cast %add3A_540 : i32 to index
            %get3A_546 = arith.constant 16 : index
            %get3A_547 = tpu.vector_load %arg10[%get3A_545, %get3A_546] {strides = array<i32>} : memref<64x128xf32, #tpu.memory_space<vmem>>, vector<1x16xf32>,
            %get3A_548 = vector.shape_cast %get3A_547 : vector<1x16xf32> to vector<16xf32>
            %get3A_549 = arith.index_cast %add3A_540 : i32 to index
            %get3A_550 = arith.constant 32 : index
            %get3A_551 = tpu.vector_load %arg10[%get3A_549, %get3A_550] {strides = array<i32>} : memref<64x128xf32, #tpu.memory_space<vmem>>, vector<1x16xf32>,
            %get3A_552 = vector.shape_cast %get3A_551 : vector<1x16xf32> to vector<16xf32>
            %get3A_553 = arith.index_cast %add3A_540 : i32 to index
            %get3A_554 = arith.constant 48 : index
            %get3A_555 = tpu.vector_load %arg10[%get3A_553, %get3A_554] {strides = array<i32>} : memref<64x128xf32, #tpu.memory_space<vmem>>, vector<1x16xf32>,
            %get3A_556 = vector.shape_cast %get3A_555 : vector<1x16xf32> to vector<16xf32>
            %slice3A_557 = vector.extract_strided_slice %get3A_456 {offsets = [4], sizes = [1], strides = [1]} : vector<16xf32> to vector<1xf32>
            %squeeze3A_558 = vector.extract %slice3A_557[0] : f32 from vector<1xf32>
            %mul3A_559 = vector.broadcast %squeeze3A_558 : f32 to vector<16xf32>
            %mul3A_560 = arith.mulf %mul3A_559, %get3A_544 : vector<16xf32>
            %add3A_561 = arith.addf %add3A_482, %mul3A_560 : vector<16xf32>
            %mul3A_562 = vector.broadcast %squeeze3A_558 : f32 to vector<16xf32>
            %mul3A_563 = arith.mulf %mul3A_562, %get3A_548 : vector<16xf32>
            %add3A_564 = arith.addf %add3A_485, %mul3A_563 : vector<16xf32>
            %mul3A_565 = vector.broadcast %squeeze3A_558 : f32 to vector<16xf32>
            %mul3A_566 = arith.mulf %mul3A_565, %get3A_552 : vector<16xf32>
            %add3A_567 = arith.addf %add3A_488, %mul3A_566 : vector<16xf32>
            %mul3A_568 = vector.broadcast %squeeze3A_558 : f32 to vector<16xf32>
            %mul3A_569 = arith.mulf %mul3A_568, %get3A_556 : vector<16xf32>
            %add3A_570 = arith.addf %add3A_491, %mul3A_569 : vector<16xf32>
            %slice3A_571 = vector.extract_strided_slice %get3A_456 {offsets = [5], sizes = [1], strides = [1]} : vector<16xf32> to vector<1xf32>
            %squeeze3A_572 = vector.extract %slice3A_571[0] : f32 from vector<1xf32>
            %mul3A_573 = vector.broadcast %squeeze3A_572 : f32 to vector<16xf32>
            %mul3A_574 = arith.mulf %mul3A_573, %get3A_544 : vector<16xf32>
            %add3A_575 = arith.addf %add3A_496, %mul3A_574 : vector<16xf32>
            %mul3A_576 = vector.broadcast %squeeze3A_572 : f32 to vector<16xf32>
            %mul3A_577 = arith.mulf %mul3A_576, %get3A_548 : vector<16xf32>
            %add3A_578 = arith.addf %add3A_499, %mul3A_577 : vector<16xf32>
            %mul3A_579 = vector.broadcast %squeeze3A_572 : f32 to vector<16xf32>
            %mul3A_580 = arith.mulf %mul3A_579, %get3A_552 : vector<16xf32>
            %add3A_581 = arith.addf %add3A_502, %mul3A_580 : vector<16xf32>
            %mul3A_582 = vector.broadcast %squeeze3A_572 : f32 to vector<16xf32>
            %mul3A_583 = arith.mulf %mul3A_582, %get3A_556 : vector<16xf32>
            %add3A_584 = arith.addf %add3A_505, %mul3A_583 : vector<16xf32>
            %slice3A_585 = vector.extract_strided_slice %get3A_456 {offsets = [6], sizes = [1], strides = [1]} : vector<16xf32> to vector<1xf32>
            %squeeze3A_586 = vector.extract %slice3A_585[0] : f32 from vector<1xf32>
            %mul3A_587 = vector.broadcast %squeeze3A_586 : f32 to vector<16xf32>
            %mul3A_588 = arith.mulf %mul3A_587, %get3A_544 : vector<16xf32>
            %add3A_589 = arith.addf %add3A_510, %mul3A_588 : vector<16xf32>
            %mul3A_590 = vector.broadcast %squeeze3A_586 : f32 to vector<16xf32>
            %mul3A_591 = arith.mulf %mul3A_590, %get3A_548 : vector<16xf32>
            %add3A_592 = arith.addf %add3A_513, %mul3A_591 : vector<16xf32>
            %mul3A_593 = vector.broadcast %squeeze3A_586 : f32 to vector<16xf32>
            %mul3A_594 = arith.mulf %mul3A_593, %get3A_552 : vector<16xf32>
            %add3A_595 = arith.addf %add3A_516, %mul3A_594 : vector<16xf32>
            %mul3A_596 = vector.broadcast %squeeze3A_586 : f32 to vector<16xf32>
            %mul3A_597 = arith.mulf %mul3A_596, %get3A_556 : vector<16xf32>
            %add3A_598 = arith.addf %add3A_519, %mul3A_597 : vector<16xf32>
            %slice3A_599 = vector.extract_strided_slice %get3A_456 {offsets = [7], sizes = [1], strides = [1]} : vector<16xf32> to vector<1xf32>
            %squeeze3A_600 = vector.extract %slice3A_599[0] : f32 from vector<1xf32>
            %mul3A_601 = vector.broadcast %squeeze3A_600 : f32 to vector<16xf32>
            %mul3A_602 = arith.mulf %mul3A_601, %get3A_544 : vector<16xf32>
            %add3A_603 = arith.addf %add3A_524, %mul3A_602 : vector<16xf32>
            %mul3A_604 = vector.broadcast %squeeze3A_600 : f32 to vector<16xf32>
            %mul3A_605 = arith.mulf %mul3A_604, %get3A_548 : vector<16xf32>
            %add3A_606 = arith.addf %add3A_527, %mul3A_605 : vector<16xf32>
            %mul3A_607 = vector.broadcast %squeeze3A_600 : f32 to vector<16xf32>
            %mul3A_608 = arith.mulf %mul3A_607, %get3A_552 : vector<16xf32>
            %add3A_609 = arith.addf %add3A_530, %mul3A_608 : vector<16xf32>
            %mul3A_610 = vector.broadcast %squeeze3A_600 : f32 to vector<16xf32>
            %mul3A_611 = arith.mulf %mul3A_610, %get3A_556 : vector<16xf32>
            %add3A_612 = arith.addf %add3A_533, %mul3A_611 : vector<16xf32>
            %mul3A_613 = arith.constant 32 : i32
            %mul3A_614 = arith.muli %scan3A_194, %mul3A_613 : i32
            %mul3A_615 = arith.constant 4 : i32
            %mul3A_616 = arith.muli %scan3A_434, %mul3A_615 : i32
            %add3A_617 = arith.addi %mul3A_614, %mul3A_616 : i32
            %add3A_618 = arith.constant 2 : i32
            %add3A_619 = arith.addi %add3A_617, %add3A_618 : i32
            %get3A_620 = arith.index_cast %add3A_619 : i32 to index
            %get3A_621 = arith.constant 0 : index
            %get3A_622 = tpu.vector_load %arg10[%get3A_620, %get3A_621] {strides = array<i32>} : memref<64x128xf32, #tpu.memory_space<vmem>>, vector<1x16xf32>,
            %get3A_623 = vector.shape_cast %get3A_622 : vector<1x16xf32> to vector<16xf32>
            %get3A_624 = arith.index_cast %add3A_619 : i32 to index
            %get3A_625 = arith.constant 16 : index
            %get3A_626 = tpu.vector_load %arg10[%get3A_624, %get3A_625] {strides = array<i32>} : memref<64x128xf32, #tpu.memory_space<vmem>>, vector<1x16xf32>,
            %get3A_627 = vector.shape_cast %get3A_626 : vector<1x16xf32> to vector<16xf32>
            %get3A_628 = arith.index_cast %add3A_619 : i32 to index
            %get3A_629 = arith.constant 32 : index
            %get3A_630 = tpu.vector_load %arg10[%get3A_628, %get3A_629] {strides = array<i32>} : memref<64x128xf32, #tpu.memory_space<vmem>>, vector<1x16xf32>,
            %get3A_631 = vector.shape_cast %get3A_630 : vector<1x16xf32> to vector<16xf32>
            %get3A_632 = arith.index_cast %add3A_619 : i32 to index
            %get3A_633 = arith.constant 48 : index
            %get3A_634 = tpu.vector_load %arg10[%get3A_632, %get3A_633] {strides = array<i32>} : memref<64x128xf32, #tpu.memory_space<vmem>>, vector<1x16xf32>,
            %get3A_635 = vector.shape_cast %get3A_634 : vector<1x16xf32> to vector<16xf32>
            %slice3A_636 = vector.extract_strided_slice %get3A_456 {offsets = [8], sizes = [1], strides = [1]} : vector<16xf32> to vector<1xf32>
            %squeeze3A_637 = vector.extract %slice3A_636[0] : f32 from vector<1xf32>
            %mul3A_638 = vector.broadcast %squeeze3A_637 : f32 to vector<16xf32>
            %mul3A_639 = arith.mulf %mul3A_638, %get3A_623 : vector<16xf32>
            %add3A_640 = arith.addf %add3A_561, %mul3A_639 : vector<16xf32>
            %mul3A_641 = vector.broadcast %squeeze3A_637 : f32 to vector<16xf32>
            %mul3A_642 = arith.mulf %mul3A_641, %get3A_627 : vector<16xf32>
            %add3A_643 = arith.addf %add3A_564, %mul3A_642 : vector<16xf32>
            %mul3A_644 = vector.broadcast %squeeze3A_637 : f32 to vector<16xf32>
            %mul3A_645 = arith.mulf %mul3A_644, %get3A_631 : vector<16xf32>
            %add3A_646 = arith.addf %add3A_567, %mul3A_645 : vector<16xf32>
            %mul3A_647 = vector.broadcast %squeeze3A_637 : f32 to vector<16xf32>
            %mul3A_648 = arith.mulf %mul3A_647, %get3A_635 : vector<16xf32>
            %add3A_649 = arith.addf %add3A_570, %mul3A_648 : vector<16xf32>
            %slice3A_650 = vector.extract_strided_slice %get3A_456 {offsets = [9], sizes = [1], strides = [1]} : vector<16xf32> to vector<1xf32>
            %squeeze3A_651 = vector.extract %slice3A_650[0] : f32 from vector<1xf32>
            %mul3A_652 = vector.broadcast %squeeze3A_651 : f32 to vector<16xf32>
            %mul3A_653 = arith.mulf %mul3A_652, %get3A_623 : vector<16xf32>
            %add3A_654 = arith.addf %add3A_575, %mul3A_653 : vector<16xf32>
            %mul3A_655 = vector.broadcast %squeeze3A_651 : f32 to vector<16xf32>
            %mul3A_656 = arith.mulf %mul3A_655, %get3A_627 : vector<16xf32>
            %add3A_657 = arith.addf %add3A_578, %mul3A_656 : vector<16xf32>
            %mul3A_658 = vector.broadcast %squeeze3A_651 : f32 to vector<16xf32>
            %mul3A_659 = arith.mulf %mul3A_658, %get3A_631 : vector<16xf32>
            %add3A_660 = arith.addf %add3A_581, %mul3A_659 : vector<16xf32>
            %mul3A_661 = vector.broadcast %squeeze3A_651 : f32 to vector<16xf32>
            %mul3A_662 = arith.mulf %mul3A_661, %get3A_635 : vector<16xf32>
            %add3A_663 = arith.addf %add3A_584, %mul3A_662 : vector<16xf32>
            %slice3A_664 = vector.extract_strided_slice %get3A_456 {offsets = [10], sizes = [1], strides = [1]} : vector<16xf32> to vector<1xf32>
            %squeeze3A_665 = vector.extract %slice3A_664[0] : f32 from vector<1xf32>
            %mul3A_666 = vector.broadcast %squeeze3A_665 : f32 to vector<16xf32>
            %mul3A_667 = arith.mulf %mul3A_666, %get3A_623 : vector<16xf32>
            %add3A_668 = arith.addf %add3A_589, %mul3A_667 : vector<16xf32>
            %mul3A_669 = vector.broadcast %squeeze3A_665 : f32 to vector<16xf32>
            %mul3A_670 = arith.mulf %mul3A_669, %get3A_627 : vector<16xf32>
            %add3A_671 = arith.addf %add3A_592, %mul3A_670 : vector<16xf32>
            %mul3A_672 = vector.broadcast %squeeze3A_665 : f32 to vector<16xf32>
            %mul3A_673 = arith.mulf %mul3A_672, %get3A_631 : vector<16xf32>
            %add3A_674 = arith.addf %add3A_595, %mul3A_673 : vector<16xf32>
            %mul3A_675 = vector.broadcast %squeeze3A_665 : f32 to vector<16xf32>
            %mul3A_676 = arith.mulf %mul3A_675, %get3A_635 : vector<16xf32>
            %add3A_677 = arith.addf %add3A_598, %mul3A_676 : vector<16xf32>
            %slice3A_678 = vector.extract_strided_slice %get3A_456 {offsets = [11], sizes = [1], strides = [1]} : vector<16xf32> to vector<1xf32>
            %squeeze3A_679 = vector.extract %slice3A_678[0] : f32 from vector<1xf32>
            %mul3A_680 = vector.broadcast %squeeze3A_679 : f32 to vector<16xf32>
            %mul3A_681 = arith.mulf %mul3A_680, %get3A_623 : vector<16xf32>
            %add3A_682 = arith.addf %add3A_603, %mul3A_681 : vector<16xf32>
            %mul3A_683 = vector.broadcast %squeeze3A_679 : f32 to vector<16xf32>
            %mul3A_684 = arith.mulf %mul3A_683, %get3A_627 : vector<16xf32>
            %add3A_685 = arith.addf %add3A_606, %mul3A_684 : vector<16xf32>
            %mul3A_686 = vector.broadcast %squeeze3A_679 : f32 to vector<16xf32>
            %mul3A_687 = arith.mulf %mul3A_686, %get3A_631 : vector<16xf32>
            %add3A_688 = arith.addf %add3A_609, %mul3A_687 : vector<16xf32>
            %mul3A_689 = vector.broadcast %squeeze3A_679 : f32 to vector<16xf32>
            %mul3A_690 = arith.mulf %mul3A_689, %get3A_635 : vector<16xf32>
            %add3A_691 = arith.addf %add3A_612, %mul3A_690 : vector<16xf32>
            %mul3A_692 = arith.constant 32 : i32
            %mul3A_693 = arith.muli %scan3A_194, %mul3A_692 : i32
            %mul3A_694 = arith.constant 4 : i32
            %mul3A_695 = arith.muli %scan3A_434, %mul3A_694 : i32
            %add3A_696 = arith.addi %mul3A_693, %mul3A_695 : i32
            %add3A_697 = arith.constant 3 : i32
            %add3A_698 = arith.addi %add3A_696, %add3A_697 : i32
            %get3A_699 = arith.index_cast %add3A_698 : i32 to index
            %get3A_700 = arith.constant 0 : index
            %get3A_701 = tpu.vector_load %arg10[%get3A_699, %get3A_700] {strides = array<i32>} : memref<64x128xf32, #tpu.memory_space<vmem>>, vector<1x16xf32>,
            %get3A_702 = vector.shape_cast %get3A_701 : vector<1x16xf32> to vector<16xf32>
            %get3A_703 = arith.index_cast %add3A_698 : i32 to index
            %get3A_704 = arith.constant 16 : index
            %get3A_705 = tpu.vector_load %arg10[%get3A_703, %get3A_704] {strides = array<i32>} : memref<64x128xf32, #tpu.memory_space<vmem>>, vector<1x16xf32>,
            %get3A_706 = vector.shape_cast %get3A_705 : vector<1x16xf32> to vector<16xf32>
            %get3A_707 = arith.index_cast %add3A_698 : i32 to index
            %get3A_708 = arith.constant 32 : index
            %get3A_709 = tpu.vector_load %arg10[%get3A_707, %get3A_708] {strides = array<i32>} : memref<64x128xf32, #tpu.memory_space<vmem>>, vector<1x16xf32>,
            %get3A_710 = vector.shape_cast %get3A_709 : vector<1x16xf32> to vector<16xf32>
            %get3A_711 = arith.index_cast %add3A_698 : i32 to index
            %get3A_712 = arith.constant 48 : index
            %get3A_713 = tpu.vector_load %arg10[%get3A_711, %get3A_712] {strides = array<i32>} : memref<64x128xf32, #tpu.memory_space<vmem>>, vector<1x16xf32>,
            %get3A_714 = vector.shape_cast %get3A_713 : vector<1x16xf32> to vector<16xf32>
            %slice3A_715 = vector.extract_strided_slice %get3A_456 {offsets = [12], sizes = [1], strides = [1]} : vector<16xf32> to vector<1xf32>
            %squeeze3A_716 = vector.extract %slice3A_715[0] : f32 from vector<1xf32>
            %mul3A_717 = vector.broadcast %squeeze3A_716 : f32 to vector<16xf32>
            %mul3A_718 = arith.mulf %mul3A_717, %get3A_702 : vector<16xf32>
            %add3A_719 = arith.addf %add3A_640, %mul3A_718 : vector<16xf32>
            %mul3A_720 = vector.broadcast %squeeze3A_716 : f32 to vector<16xf32>
            %mul3A_721 = arith.mulf %mul3A_720, %get3A_706 : vector<16xf32>
            %add3A_722 = arith.addf %add3A_643, %mul3A_721 : vector<16xf32>
            %mul3A_723 = vector.broadcast %squeeze3A_716 : f32 to vector<16xf32>
            %mul3A_724 = arith.mulf %mul3A_723, %get3A_710 : vector<16xf32>
            %add3A_725 = arith.addf %add3A_646, %mul3A_724 : vector<16xf32>
            %mul3A_726 = vector.broadcast %squeeze3A_716 : f32 to vector<16xf32>
            %mul3A_727 = arith.mulf %mul3A_726, %get3A_714 : vector<16xf32>
            %add3A_728 = arith.addf %add3A_649, %mul3A_727 : vector<16xf32>
            %slice3A_729 = vector.extract_strided_slice %get3A_456 {offsets = [13], sizes = [1], strides = [1]} : vector<16xf32> to vector<1xf32>
            %squeeze3A_730 = vector.extract %slice3A_729[0] : f32 from vector<1xf32>
            %mul3A_731 = vector.broadcast %squeeze3A_730 : f32 to vector<16xf32>
            %mul3A_732 = arith.mulf %mul3A_731, %get3A_702 : vector<16xf32>
            %add3A_733 = arith.addf %add3A_654, %mul3A_732 : vector<16xf32>
            %mul3A_734 = vector.broadcast %squeeze3A_730 : f32 to vector<16xf32>
            %mul3A_735 = arith.mulf %mul3A_734, %get3A_706 : vector<16xf32>
            %add3A_736 = arith.addf %add3A_657, %mul3A_735 : vector<16xf32>
            %mul3A_737 = vector.broadcast %squeeze3A_730 : f32 to vector<16xf32>
            %mul3A_738 = arith.mulf %mul3A_737, %get3A_710 : vector<16xf32>
            %add3A_739 = arith.addf %add3A_660, %mul3A_738 : vector<16xf32>
            %mul3A_740 = vector.broadcast %squeeze3A_730 : f32 to vector<16xf32>
            %mul3A_741 = arith.mulf %mul3A_740, %get3A_714 : vector<16xf32>
            %add3A_742 = arith.addf %add3A_663, %mul3A_741 : vector<16xf32>
            %slice3A_743 = vector.extract_strided_slice %get3A_456 {offsets = [14], sizes = [1], strides = [1]} : vector<16xf32> to vector<1xf32>
            %squeeze3A_744 = vector.extract %slice3A_743[0] : f32 from vector<1xf32>
            %mul3A_745 = vector.broadcast %squeeze3A_744 : f32 to vector<16xf32>
            %mul3A_746 = arith.mulf %mul3A_745, %get3A_702 : vector<16xf32>
            %add3A_747 = arith.addf %add3A_668, %mul3A_746 : vector<16xf32>
            %mul3A_748 = vector.broadcast %squeeze3A_744 : f32 to vector<16xf32>
            %mul3A_749 = arith.mulf %mul3A_748, %get3A_706 : vector<16xf32>
            %add3A_750 = arith.addf %add3A_671, %mul3A_749 : vector<16xf32>
            %mul3A_751 = vector.broadcast %squeeze3A_744 : f32 to vector<16xf32>
            %mul3A_752 = arith.mulf %mul3A_751, %get3A_710 : vector<16xf32>
            %add3A_753 = arith.addf %add3A_674, %mul3A_752 : vector<16xf32>
            %mul3A_754 = vector.broadcast %squeeze3A_744 : f32 to vector<16xf32>
            %mul3A_755 = arith.mulf %mul3A_754, %get3A_714 : vector<16xf32>
            %add3A_756 = arith.addf %add3A_677, %mul3A_755 : vector<16xf32>
            %slice3A_757 = vector.extract_strided_slice %get3A_456 {offsets = [15], sizes = [1], strides = [1]} : vector<16xf32> to vector<1xf32>
            %squeeze3A_758 = vector.extract %slice3A_757[0] : f32 from vector<1xf32>
            %mul3A_759 = vector.broadcast %squeeze3A_758 : f32 to vector<16xf32>
            %mul3A_760 = arith.mulf %mul3A_759, %get3A_702 : vector<16xf32>
            %add3A_761 = arith.addf %add3A_682, %mul3A_760 : vector<16xf32>
            %mul3A_762 = vector.broadcast %squeeze3A_758 : f32 to vector<16xf32>
            %mul3A_763 = arith.mulf %mul3A_762, %get3A_706 : vector<16xf32>
            %add3A_764 = arith.addf %add3A_685, %mul3A_763 : vector<16xf32>
            %mul3A_765 = vector.broadcast %squeeze3A_758 : f32 to vector<16xf32>
            %mul3A_766 = arith.mulf %mul3A_765, %get3A_710 : vector<16xf32>
            %add3A_767 = arith.addf %add3A_688, %mul3A_766 : vector<16xf32>
            %mul3A_768 = vector.broadcast %squeeze3A_758 : f32 to vector<16xf32>
            %mul3A_769 = arith.mulf %mul3A_768, %get3A_714 : vector<16xf32>
            %add3A_770 = arith.addf %add3A_691, %mul3A_769 : vector<16xf32>
            scf.yield %add3A_719, %add3A_722, %add3A_725, %add3A_728, %add3A_733, %add3A_736, %add3A_739, %add3A_742, %add3A_747, %add3A_750, %add3A_753, %add3A_756, %add3A_761, %add3A_764, %add3A_767, %add3A_770 : vector<16xf32>, vector<16xf32>, vector<16xf32>, vector<16xf32>, vector<16xf32>, vector<16xf32>, vector<16xf32>, vector<16xf32>, vector<16xf32>, vector<16xf32>, vector<16xf32>, vector<16xf32>, vector<16xf32>, vector<16xf32>, vector<16xf32>, vector<16xf32>
          }
          %scan3A_235 = arith.constant 8 : i32
          %swap3A = arith.index_cast %scan3A_194 : i32 to index
          %swap3A_236 = arith.constant 0 : index
          %swap3A_237 = tpu.vector_load %arg12[%swap3A, %swap3A_236] {strides = array<i32>} : memref<2x512xf32, #tpu.memory_space<vmem>>, vector<1x16xf32>,
          %swap3A_238 = vector.shape_cast %swap3A_237 : vector<1x16xf32> to vector<16xf32>
          %swap3A_239 = vector.shape_cast %scan3A_234#0 : vector<16xf32> to vector<1x16xf32>
          tpu.vector_store %arg12[%swap3A, %swap3A_236], %swap3A_239 {strides = array<i32>} : memref<2x512xf32, #tpu.memory_space<vmem>>, vector<1x16xf32>,
          %swap3A_240 = arith.index_cast %scan3A_194 : i32 to index
          %swap3A_241 = arith.constant 16 : index
          %swap3A_242 = tpu.vector_load %arg12[%swap3A_240, %swap3A_241] {strides = array<i32>} : memref<2x512xf32, #tpu.memory_space<vmem>>, vector<1x16xf32>,
          %swap3A_243 = vector.shape_cast %swap3A_242 : vector<1x16xf32> to vector<16xf32>
          %swap3A_244 = vector.shape_cast %scan3A_234#1 : vector<16xf32> to vector<1x16xf32>
          tpu.vector_store %arg12[%swap3A_240, %swap3A_241], %swap3A_244 {strides = array<i32>} : memref<2x512xf32, #tpu.memory_space<vmem>>, vector<1x16xf32>,
          %swap3A_245 = arith.index_cast %scan3A_194 : i32 to index
          %swap3A_246 = arith.constant 32 : index
          %swap3A_247 = tpu.vector_load %arg12[%swap3A_245, %swap3A_246] {strides = array<i32>} : memref<2x512xf32, #tpu.memory_space<vmem>>, vector<1x16xf32>,
          %swap3A_248 = vector.shape_cast %swap3A_247 : vector<1x16xf32> to vector<16xf32>
          %swap3A_249 = vector.shape_cast %scan3A_234#2 : vector<16xf32> to vector<1x16xf32>
          tpu.vector_store %arg12[%swap3A_245, %swap3A_246], %swap3A_249 {strides = array<i32>} : memref<2x512xf32, #tpu.memory_space<vmem>>, vector<1x16xf32>,
          %swap3A_250 = arith.index_cast %scan3A_194 : i32 to index
          %swap3A_251 = arith.constant 48 : index
          %swap3A_252 = tpu.vector_load %arg12[%swap3A_250, %swap3A_251] {strides = array<i32>} : memref<2x512xf32, #tpu.memory_space<vmem>>, vector<1x16xf32>,
          %swap3A_253 = vector.shape_cast %swap3A_252 : vector<1x16xf32> to vector<16xf32>
          %swap3A_254 = vector.shape_cast %scan3A_234#3 : vector<16xf32> to vector<1x16xf32>
          tpu.vector_store %arg12[%swap3A_250, %swap3A_251], %swap3A_254 {strides = array<i32>} : memref<2x512xf32, #tpu.memory_space<vmem>>, vector<1x16xf32>,
          %swap3A_255 = arith.index_cast %scan3A_194 : i32 to index
          %swap3A_256 = arith.constant 128 : index
          %swap3A_257 = tpu.vector_load %arg12[%swap3A_255, %swap3A_256] {strides = array<i32>} : memref<2x512xf32, #tpu.memory_space<vmem>>, vector<1x16xf32>,
          %swap3A_258 = vector.shape_cast %swap3A_257 : vector<1x16xf32> to vector<16xf32>
          %swap3A_259 = vector.shape_cast %scan3A_234#4 : vector<16xf32> to vector<1x16xf32>
          tpu.vector_store %arg12[%swap3A_255, %swap3A_256], %swap3A_259 {strides = array<i32>} : memref<2x512xf32, #tpu.memory_space<vmem>>, vector<1x16xf32>,
          %swap3A_260 = arith.index_cast %scan3A_194 : i32 to index
          %swap3A_261 = arith.constant 144 : index
          %swap3A_262 = tpu.vector_load %arg12[%swap3A_260, %swap3A_261] {strides = array<i32>} : memref<2x512xf32, #tpu.memory_space<vmem>>, vector<1x16xf32>,
          %swap3A_263 = vector.shape_cast %swap3A_262 : vector<1x16xf32> to vector<16xf32>
          %swap3A_264 = vector.shape_cast %scan3A_234#5 : vector<16xf32> to vector<1x16xf32>
          tpu.vector_store %arg12[%swap3A_260, %swap3A_261], %swap3A_264 {strides = array<i32>} : memref<2x512xf32, #tpu.memory_space<vmem>>, vector<1x16xf32>,
          %swap3A_265 = arith.index_cast %scan3A_194 : i32 to index
          %swap3A_266 = arith.constant 160 : index
          %swap3A_267 = tpu.vector_load %arg12[%swap3A_265, %swap3A_266] {strides = array<i32>} : memref<2x512xf32, #tpu.memory_space<vmem>>, vector<1x16xf32>,
          %swap3A_268 = vector.shape_cast %swap3A_267 : vector<1x16xf32> to vector<16xf32>
          %swap3A_269 = vector.shape_cast %scan3A_234#6 : vector<16xf32> to vector<1x16xf32>
          tpu.vector_store %arg12[%swap3A_265, %swap3A_266], %swap3A_269 {strides = array<i32>} : memref<2x512xf32, #tpu.memory_space<vmem>>, vector<1x16xf32>,
          %swap3A_270 = arith.index_cast %scan3A_194 : i32 to index
          %swap3A_271 = arith.constant 176 : index
          %swap3A_272 = tpu.vector_load %arg12[%swap3A_270, %swap3A_271] {strides = array<i32>} : memref<2x512xf32, #tpu.memory_space<vmem>>, vector<1x16xf32>,
          %swap3A_273 = vector.shape_cast %swap3A_272 : vector<1x16xf32> to vector<16xf32>
          %swap3A_274 = vector.shape_cast %scan3A_234#7 : vector<16xf32> to vector<1x16xf32>
          tpu.vector_store %arg12[%swap3A_270, %swap3A_271], %swap3A_274 {strides = array<i32>} : memref<2x512xf32, #tpu.memory_space<vmem>>, vector<1x16xf32>,
          %swap3A_275 = arith.index_cast %scan3A_194 : i32 to index
          %swap3A_276 = arith.constant 256 : index
          %swap3A_277 = tpu.vector_load %arg12[%swap3A_275, %swap3A_276] {strides = array<i32>} : memref<2x512xf32, #tpu.memory_space<vmem>>, vector<1x16xf32>,
          %swap3A_278 = vector.shape_cast %swap3A_277 : vector<1x16xf32> to vector<16xf32>
          %swap3A_279 = vector.shape_cast %scan3A_234#8 : vector<16xf32> to vector<1x16xf32>
          tpu.vector_store %arg12[%swap3A_275, %swap3A_276], %swap3A_279 {strides = array<i32>} : memref<2x512xf32, #tpu.memory_space<vmem>>, vector<1x16xf32>,
          %swap3A_280 = arith.index_cast %scan3A_194 : i32 to index
          %swap3A_281 = arith.constant 272 : index
          %swap3A_282 = tpu.vector_load %arg12[%swap3A_280, %swap3A_281] {strides = array<i32>} : memref<2x512xf32, #tpu.memory_space<vmem>>, vector<1x16xf32>,
          %swap3A_283 = vector.shape_cast %swap3A_282 : vector<1x16xf32> to vector<16xf32>
          %swap3A_284 = vector.shape_cast %scan3A_234#9 : vector<16xf32> to vector<1x16xf32>
          tpu.vector_store %arg12[%swap3A_280, %swap3A_281], %swap3A_284 {strides = array<i32>} : memref<2x512xf32, #tpu.memory_space<vmem>>, vector<1x16xf32>,
          %swap3A_285 = arith.index_cast %scan3A_194 : i32 to index
          %swap3A_286 = arith.constant 288 : index
          %swap3A_287 = tpu.vector_load %arg12[%swap3A_285, %swap3A_286] {strides = array<i32>} : memref<2x512xf32, #tpu.memory_space<vmem>>, vector<1x16xf32>,
          %swap3A_288 = vector.shape_cast %swap3A_287 : vector<1x16xf32> to vector<16xf32>
          %swap3A_289 = vector.shape_cast %scan3A_234#10 : vector<16xf32> to vector<1x16xf32>
          tpu.vector_store %arg12[%swap3A_285, %swap3A_286], %swap3A_289 {strides = array<i32>} : memref<2x512xf32, #tpu.memory_space<vmem>>, vector<1x16xf32>,
          %swap3A_290 = arith.index_cast %scan3A_194 : i32 to index
          %swap3A_291 = arith.constant 304 : index
          %swap3A_292 = tpu.vector_load %arg12[%swap3A_290, %swap3A_291] {strides = array<i32>} : memref<2x512xf32, #tpu.memory_space<vmem>>, vector<1x16xf32>,
          %swap3A_293 = vector.shape_cast %swap3A_292 : vector<1x16xf32> to vector<16xf32>
          %swap3A_294 = vector.shape_cast %scan3A_234#11 : vector<16xf32> to vector<1x16xf32>
          tpu.vector_store %arg12[%swap3A_290, %swap3A_291], %swap3A_294 {strides = array<i32>} : memref<2x512xf32, #tpu.memory_space<vmem>>, vector<1x16xf32>,
          %swap3A_295 = arith.index_cast %scan3A_194 : i32 to index
          %swap3A_296 = arith.constant 384 : index
          %swap3A_297 = tpu.vector_load %arg12[%swap3A_295, %swap3A_296] {strides = array<i32>} : memref<2x512xf32, #tpu.memory_space<vmem>>, vector<1x16xf32>,
          %swap3A_298 = vector.shape_cast %swap3A_297 : vector<1x16xf32> to vector<16xf32>
          %swap3A_299 = vector.shape_cast %scan3A_234#12 : vector<16xf32> to vector<1x16xf32>
          tpu.vector_store %arg12[%swap3A_295, %swap3A_296], %swap3A_299 {strides = array<i32>} : memref<2x512xf32, #tpu.memory_space<vmem>>, vector<1x16xf32>,
          %swap3A_300 = arith.index_cast %scan3A_194 : i32 to index
          %swap3A_301 = arith.constant 400 : index
          %swap3A_302 = tpu.vector_load %arg12[%swap3A_300, %swap3A_301] {strides = array<i32>} : memref<2x512xf32, #tpu.memory_space<vmem>>, vector<1x16xf32>,
          %swap3A_303 = vector.shape_cast %swap3A_302 : vector<1x16xf32> to vector<16xf32>
          %swap3A_304 = vector.shape_cast %scan3A_234#13 : vector<16xf32> to vector<1x16xf32>
          tpu.vector_store %arg12[%swap3A_300, %swap3A_301], %swap3A_304 {strides = array<i32>} : memref<2x512xf32, #tpu.memory_space<vmem>>, vector<1x16xf32>,
          %swap3A_305 = arith.index_cast %scan3A_194 : i32 to index
          %swap3A_306 = arith.constant 416 : index
          %swap3A_307 = tpu.vector_load %arg12[%swap3A_305, %swap3A_306] {strides = array<i32>} : memref<2x512xf32, #tpu.memory_space<vmem>>, vector<1x16xf32>,
          %swap3A_308 = vector.shape_cast %swap3A_307 : vector<1x16xf32> to vector<16xf32>
          %swap3A_309 = vector.shape_cast %scan3A_234#14 : vector<16xf32> to vector<1x16xf32>
          tpu.vector_store %arg12[%swap3A_305, %swap3A_306], %swap3A_309 {strides = array<i32>} : memref<2x512xf32, #tpu.memory_space<vmem>>, vector<1x16xf32>,
          %swap3A_310 = arith.index_cast %scan3A_194 : i32 to index
          %swap3A_311 = arith.constant 432 : index
          %swap3A_312 = tpu.vector_load %arg12[%swap3A_310, %swap3A_311] {strides = array<i32>} : memref<2x512xf32, #tpu.memory_space<vmem>>, vector<1x16xf32>,
          %swap3A_313 = vector.shape_cast %swap3A_312 : vector<1x16xf32> to vector<16xf32>
          %swap3A_314 = vector.shape_cast %scan3A_234#15 : vector<16xf32> to vector<1x16xf32>
          tpu.vector_store %arg12[%swap3A_310, %swap3A_311], %swap3A_314 {strides = array<i32>} : memref<2x512xf32, #tpu.memory_space<vmem>>, vector<1x16xf32>,
          %broadcast_in_dim3A_315 = arith.constant 0.000000e+00 : f32
          %broadcast_in_dim3A_316 = vector.broadcast %broadcast_in_dim3A_315 : f32 to vector<16xf32>
          %broadcast_in_dim3A_317 = arith.constant 0.000000e+00 : f32
          %broadcast_in_dim3A_318 = vector.broadcast %broadcast_in_dim3A_317 : f32 to vector<16xf32>
          %broadcast_in_dim3A_319 = arith.constant 0.000000e+00 : f32
          %broadcast_in_dim3A_320 = vector.broadcast %broadcast_in_dim3A_319 : f32 to vector<16xf32>
          %broadcast_in_dim3A_321 = arith.constant 0.000000e+00 : f32
          %broadcast_in_dim3A_322 = vector.broadcast %broadcast_in_dim3A_321 : f32 to vector<16xf32>
          %broadcast_in_dim3A_323 = arith.constant 0.000000e+00 : f32
          %broadcast_in_dim3A_324 = vector.broadcast %broadcast_in_dim3A_323 : f32 to vector<16xf32>
          %broadcast_in_dim3A_325 = arith.constant 0.000000e+00 : f32
          %broadcast_in_dim3A_326 = vector.broadcast %broadcast_in_dim3A_325 : f32 to vector<16xf32>
          %broadcast_in_dim3A_327 = arith.constant 0.000000e+00 : f32
          %broadcast_in_dim3A_328 = vector.broadcast %broadcast_in_dim3A_327 : f32 to vector<16xf32>
          %broadcast_in_dim3A_329 = arith.constant 0.000000e+00 : f32
          %broadcast_in_dim3A_330 = vector.broadcast %broadcast_in_dim3A_329 : f32 to vector<16xf32>
          %broadcast_in_dim3A_331 = arith.constant 0.000000e+00 : f32
          %broadcast_in_dim3A_332 = vector.broadcast %broadcast_in_dim3A_331 : f32 to vector<16xf32>
          %broadcast_in_dim3A_333 = arith.constant 0.000000e+00 : f32
          %broadcast_in_dim3A_334 = vector.broadcast %broadcast_in_dim3A_333 : f32 to vector<16xf32>
          %broadcast_in_dim3A_335 = arith.constant 0.000000e+00 : f32
          %broadcast_in_dim3A_336 = vector.broadcast %broadcast_in_dim3A_335 : f32 to vector<16xf32>
          %broadcast_in_dim3A_337 = arith.constant 0.000000e+00 : f32
          %broadcast_in_dim3A_338 = vector.broadcast %broadcast_in_dim3A_337 : f32 to vector<16xf32>
          %broadcast_in_dim3A_339 = arith.constant 0.000000e+00 : f32
          %broadcast_in_dim3A_340 = vector.broadcast %broadcast_in_dim3A_339 : f32 to vector<16xf32>
          %broadcast_in_dim3A_341 = arith.constant 0.000000e+00 : f32
          %broadcast_in_dim3A_342 = vector.broadcast %broadcast_in_dim3A_341 : f32 to vector<16xf32>
          %broadcast_in_dim3A_343 = arith.constant 0.000000e+00 : f32
          %broadcast_in_dim3A_344 = vector.broadcast %broadcast_in_dim3A_343 : f32 to vector<16xf32>
          %broadcast_in_dim3A_345 = arith.constant 0.000000e+00 : f32
          %broadcast_in_dim3A_346 = vector.broadcast %broadcast_in_dim3A_345 : f32 to vector<16xf32>
          %scan3A_347 = arith.constant 0 : i32
          %scan3A_348 = arith.constant 8 : i32
          %scan3A_349 = arith.addi %scan3A_347, %scan3A_348 : i32
          %scan3A_350 = arith.constant 1 : i32
          %scan3A_351:16 = scf.for %scan3A_434 = %scan3A_347 to %scan3A_349 step %scan3A_350 iter_args(%scan3A_435 = %broadcast_in_dim3A_316, %scan3A_436 = %broadcast_in_dim3A_318, %scan3A_437 = %broadcast_in_dim3A_320, %scan3A_438 = %broadcast_in_dim3A_322, %scan3A_439 = %broadcast_in_dim3A_324, %scan3A_440 = %broadcast_in_dim3A_326, %scan3A_441 = %broadcast_in_dim3A_328, %scan3A_442 = %broadcast_in_dim3A_330, %scan3A_443 = %broadcast_in_dim3A_332, %scan3A_444 = %broadcast_in_dim3A_334, %scan3A_445 = %broadcast_in_dim3A_336, %scan3A_446 = %broadcast_in_dim3A_338, %scan3A_447 = %broadcast_in_dim3A_340, %scan3A_448 = %broadcast_in_dim3A_342, %scan3A_449 = %broadcast_in_dim3A_344, %scan3A_450 = %broadcast_in_dim3A_346) -> (vector<16xf32>, vector<16xf32>, vector<16xf32>, vector<16xf32>, vector<16xf32>, vector<16xf32>, vector<16xf32>, vector<16xf32>, vector<16xf32>, vector<16xf32>, vector<16xf32>, vector<16xf32>, vector<16xf32>, vector<16xf32>, vector<16xf32>, vector<16xf32>)  : i32 {
            %mul3A_451 = arith.constant 16 : i32
            %mul3A_452 = arith.muli %scan3A_434, %mul3A_451 : i32
            %multiple_of3A_453 = tpu.assume_multiple %mul3A_452, 16 : i32
            %get3A = arith.index_cast %add3A_198 : i32 to index
            %get3A_454 = arith.index_cast %multiple_of3A_453 : i32 to index
            %get3A_455 = tpu.vector_load %arg8[%get3A, %get3A_454] {strides = array<i32>} : memref<32x128xf32, #tpu.memory_space<vmem>>, vector<1x16xf32>,
            %get3A_456 = vector.shape_cast %get3A_455 : vector<1x16xf32> to vector<16xf32>
            %mul3A_457 = arith.constant 32 : i32
            %mul3A_458 = arith.muli %scan3A_194, %mul3A_457 : i32
            %mul3A_459 = arith.constant 4 : i32
            %mul3A_460 = arith.muli %scan3A_434, %mul3A_459 : i32
            %add3A_461 = arith.addi %mul3A_458, %mul3A_460 : i32
            %add3A_462 = arith.constant 0 : i32
            %add3A_463 = arith.addi %add3A_461, %add3A_462 : i32
            %get3A_464 = arith.index_cast %add3A_463 : i32 to index
            %get3A_465 = arith.constant 64 : index
            %get3A_466 = tpu.vector_load %arg10[%get3A_464, %get3A_465] {strides = array<i32>} : memref<64x128xf32, #tpu.memory_space<vmem>>, vector<1x16xf32>,
            %get3A_467 = vector.shape_cast %get3A_466 : vector<1x16xf32> to vector<16xf32>
            %get3A_468 = arith.index_cast %add3A_463 : i32 to index
            %get3A_469 = arith.constant 80 : index
            %get3A_470 = tpu.vector_load %arg10[%get3A_468, %get3A_469] {strides = array<i32>} : memref<64x128xf32, #tpu.memory_space<vmem>>, vector<1x16xf32>,
            %get3A_471 = vector.shape_cast %get3A_470 : vector<1x16xf32> to vector<16xf32>
            %get3A_472 = arith.index_cast %add3A_463 : i32 to index
            %get3A_473 = arith.constant 96 : index
            %get3A_474 = tpu.vector_load %arg10[%get3A_472, %get3A_473] {strides = array<i32>} : memref<64x128xf32, #tpu.memory_space<vmem>>, vector<1x16xf32>,
            %get3A_475 = vector.shape_cast %get3A_474 : vector<1x16xf32> to vector<16xf32>
            %get3A_476 = arith.index_cast %add3A_463 : i32 to index
            %get3A_477 = arith.constant 112 : index
            %get3A_478 = tpu.vector_load %arg10[%get3A_476, %get3A_477] {strides = array<i32>} : memref<64x128xf32, #tpu.memory_space<vmem>>, vector<1x16xf32>,
            %get3A_479 = vector.shape_cast %get3A_478 : vector<1x16xf32> to vector<16xf32>
            %slice3A = vector.extract_strided_slice %get3A_456 {offsets = [0], sizes = [1], strides = [1]} : vector<16xf32> to vector<1xf32>
            %squeeze3A = vector.extract %slice3A[0] : f32 from vector<1xf32>
            %mul3A_480 = vector.broadcast %squeeze3A : f32 to vector<16xf32>
            %mul3A_481 = arith.mulf %mul3A_480, %get3A_467 : vector<16xf32>
            %add3A_482 = arith.addf %scan3A_435, %mul3A_481 : vector<16xf32>
            %mul3A_483 = vector.broadcast %squeeze3A : f32 to vector<16xf32>
            %mul3A_484 = arith.mulf %mul3A_483, %get3A_471 : vector<16xf32>
            %add3A_485 = arith.addf %scan3A_436, %mul3A_484 : vector<16xf32>
            %mul3A_486 = vector.broadcast %squeeze3A : f32 to vector<16xf32>
            %mul3A_487 = arith.mulf %mul3A_486, %get3A_475 : vector<16xf32>
            %add3A_488 = arith.addf %scan3A_437, %mul3A_487 : vector<16xf32>
            %mul3A_489 = vector.broadcast %squeeze3A : f32 to vector<16xf32>
            %mul3A_490 = arith.mulf %mul3A_489, %get3A_479 : vector<16xf32>
            %add3A_491 = arith.addf %scan3A_438, %mul3A_490 : vector<16xf32>
            %slice3A_492 = vector.extract_strided_slice %get3A_456 {offsets = [1], sizes = [1], strides = [1]} : vector<16xf32> to vector<1xf32>
            %squeeze3A_493 = vector.extract %slice3A_492[0] : f32 from vector<1xf32>
            %mul3A_494 = vector.broadcast %squeeze3A_493 : f32 to vector<16xf32>
            %mul3A_495 = arith.mulf %mul3A_494, %get3A_467 : vector<16xf32>
            %add3A_496 = arith.addf %scan3A_439, %mul3A_495 : vector<16xf32>
            %mul3A_497 = vector.broadcast %squeeze3A_493 : f32 to vector<16xf32>
            %mul3A_498 = arith.mulf %mul3A_497, %get3A_471 : vector<16xf32>
            %add3A_499 = arith.addf %scan3A_440, %mul3A_498 : vector<16xf32>
            %mul3A_500 = vector.broadcast %squeeze3A_493 : f32 to vector<16xf32>
            %mul3A_501 = arith.mulf %mul3A_500, %get3A_475 : vector<16xf32>
            %add3A_502 = arith.addf %scan3A_441, %mul3A_501 : vector<16xf32>
            %mul3A_503 = vector.broadcast %squeeze3A_493 : f32 to vector<16xf32>
            %mul3A_504 = arith.mulf %mul3A_503, %get3A_479 : vector<16xf32>
            %add3A_505 = arith.addf %scan3A_442, %mul3A_504 : vector<16xf32>
            %slice3A_506 = vector.extract_strided_slice %get3A_456 {offsets = [2], sizes = [1], strides = [1]} : vector<16xf32> to vector<1xf32>
            %squeeze3A_507 = vector.extract %slice3A_506[0] : f32 from vector<1xf32>
            %mul3A_508 = vector.broadcast %squeeze3A_507 : f32 to vector<16xf32>
            %mul3A_509 = arith.mulf %mul3A_508, %get3A_467 : vector<16xf32>
            %add3A_510 = arith.addf %scan3A_443, %mul3A_509 : vector<16xf32>
            %mul3A_511 = vector.broadcast %squeeze3A_507 : f32 to vector<16xf32>
            %mul3A_512 = arith.mulf %mul3A_511, %get3A_471 : vector<16xf32>
            %add3A_513 = arith.addf %scan3A_444, %mul3A_512 : vector<16xf32>
            %mul3A_514 = vector.broadcast %squeeze3A_507 : f32 to vector<16xf32>
            %mul3A_515 = arith.mulf %mul3A_514, %get3A_475 : vector<16xf32>
            %add3A_516 = arith.addf %scan3A_445, %mul3A_515 : vector<16xf32>
            %mul3A_517 = vector.broadcast %squeeze3A_507 : f32 to vector<16xf32>
            %mul3A_518 = arith.mulf %mul3A_517, %get3A_479 : vector<16xf32>
            %add3A_519 = arith.addf %scan3A_446, %mul3A_518 : vector<16xf32>
            %slice3A_520 = vector.extract_strided_slice %get3A_456 {offsets = [3], sizes = [1], strides = [1]} : vector<16xf32> to vector<1xf32>
            %squeeze3A_521 = vector.extract %slice3A_520[0] : f32 from vector<1xf32>
            %mul3A_522 = vector.broadcast %squeeze3A_521 : f32 to vector<16xf32>
            %mul3A_523 = arith.mulf %mul3A_522, %get3A_467 : vector<16xf32>
            %add3A_524 = arith.addf %scan3A_447, %mul3A_523 : vector<16xf32>
            %mul3A_525 = vector.broadcast %squeeze3A_521 : f32 to vector<16xf32>
            %mul3A_526 = arith.mulf %mul3A_525, %get3A_471 : vector<16xf32>
            %add3A_527 = arith.addf %scan3A_448, %mul3A_526 : vector<16xf32>
            %mul3A_528 = vector.broadcast %squeeze3A_521 : f32 to vector<16xf32>
            %mul3A_529 = arith.mulf %mul3A_528, %get3A_475 : vector<16xf32>
            %add3A_530 = arith.addf %scan3A_449, %mul3A_529 : vector<16xf32>
            %mul3A_531 = vector.broadcast %squeeze3A_521 : f32 to vector<16xf32>
            %mul3A_532 = arith.mulf %mul3A_531, %get3A_479 : vector<16xf32>
            %add3A_533 = arith.addf %scan3A_450, %mul3A_532 : vector<16xf32>
            %mul3A_534 = arith.constant 32 : i32
            %mul3A_535 = arith.muli %scan3A_194, %mul3A_534 : i32
            %mul3A_536 = arith.constant 4 : i32
            %mul3A_537 = arith.muli %scan3A_434, %mul3A_536 : i32
            %add3A_538 = arith.addi %mul3A_535, %mul3A_537 : i32
            %add3A_539 = arith.constant 1 : i32
            %add3A_540 = arith.addi %add3A_538, %add3A_539 : i32
            %get3A_541 = arith.index_cast %add3A_540 : i32 to index
            %get3A_542 = arith.constant 64 : index
            %get3A_543 = tpu.vector_load %arg10[%get3A_541, %get3A_542] {strides = array<i32>} : memref<64x128xf32, #tpu.memory_space<vmem>>, vector<1x16xf32>,
            %get3A_544 = vector.shape_cast %get3A_543 : vector<1x16xf32> to vector<16xf32>
            %get3A_545 = arith.index_cast %add3A_540 : i32 to index
            %get3A_546 = arith.constant 80 : index
            %get3A_547 = tpu.vector_load %arg10[%get3A_545, %get3A_546] {strides = array<i32>} : memref<64x128xf32, #tpu.memory_space<vmem>>, vector<1x16xf32>,
            %get3A_548 = vector.shape_cast %get3A_547 : vector<1x16xf32> to vector<16xf32>
            %get3A_549 = arith.index_cast %add3A_540 : i32 to index
            %get3A_550 = arith.constant 96 : index
            %get3A_551 = tpu.vector_load %arg10[%get3A_549, %get3A_550] {strides = array<i32>} : memref<64x128xf32, #tpu.memory_space<vmem>>, vector<1x16xf32>,
            %get3A_552 = vector.shape_cast %get3A_551 : vector<1x16xf32> to vector<16xf32>
            %get3A_553 = arith.index_cast %add3A_540 : i32 to index
            %get3A_554 = arith.constant 112 : index
            %get3A_555 = tpu.vector_load %arg10[%get3A_553, %get3A_554] {strides = array<i32>} : memref<64x128xf32, #tpu.memory_space<vmem>>, vector<1x16xf32>,
            %get3A_556 = vector.shape_cast %get3A_555 : vector<1x16xf32> to vector<16xf32>
            %slice3A_557 = vector.extract_strided_slice %get3A_456 {offsets = [4], sizes = [1], strides = [1]} : vector<16xf32> to vector<1xf32>
            %squeeze3A_558 = vector.extract %slice3A_557[0] : f32 from vector<1xf32>
            %mul3A_559 = vector.broadcast %squeeze3A_558 : f32 to vector<16xf32>
            %mul3A_560 = arith.mulf %mul3A_559, %get3A_544 : vector<16xf32>
            %add3A_561 = arith.addf %add3A_482, %mul3A_560 : vector<16xf32>
            %mul3A_562 = vector.broadcast %squeeze3A_558 : f32 to vector<16xf32>
            %mul3A_563 = arith.mulf %mul3A_562, %get3A_548 : vector<16xf32>
            %add3A_564 = arith.addf %add3A_485, %mul3A_563 : vector<16xf32>
            %mul3A_565 = vector.broadcast %squeeze3A_558 : f32 to vector<16xf32>
            %mul3A_566 = arith.mulf %mul3A_565, %get3A_552 : vector<16xf32>
            %add3A_567 = arith.addf %add3A_488, %mul3A_566 : vector<16xf32>
            %mul3A_568 = vector.broadcast %squeeze3A_558 : f32 to vector<16xf32>
            %mul3A_569 = arith.mulf %mul3A_568, %get3A_556 : vector<16xf32>
            %add3A_570 = arith.addf %add3A_491, %mul3A_569 : vector<16xf32>
            %slice3A_571 = vector.extract_strided_slice %get3A_456 {offsets = [5], sizes = [1], strides = [1]} : vector<16xf32> to vector<1xf32>
            %squeeze3A_572 = vector.extract %slice3A_571[0] : f32 from vector<1xf32>
            %mul3A_573 = vector.broadcast %squeeze3A_572 : f32 to vector<16xf32>
            %mul3A_574 = arith.mulf %mul3A_573, %get3A_544 : vector<16xf32>
            %add3A_575 = arith.addf %add3A_496, %mul3A_574 : vector<16xf32>
            %mul3A_576 = vector.broadcast %squeeze3A_572 : f32 to vector<16xf32>
            %mul3A_577 = arith.mulf %mul3A_576, %get3A_548 : vector<16xf32>
            %add3A_578 = arith.addf %add3A_499, %mul3A_577 : vector<16xf32>
            %mul3A_579 = vector.broadcast %squeeze3A_572 : f32 to vector<16xf32>
            %mul3A_580 = arith.mulf %mul3A_579, %get3A_552 : vector<16xf32>
            %add3A_581 = arith.addf %add3A_502, %mul3A_580 : vector<16xf32>
            %mul3A_582 = vector.broadcast %squeeze3A_572 : f32 to vector<16xf32>
            %mul3A_583 = arith.mulf %mul3A_582, %get3A_556 : vector<16xf32>
            %add3A_584 = arith.addf %add3A_505, %mul3A_583 : vector<16xf32>
            %slice3A_585 = vector.extract_strided_slice %get3A_456 {offsets = [6], sizes = [1], strides = [1]} : vector<16xf32> to vector<1xf32>
            %squeeze3A_586 = vector.extract %slice3A_585[0] : f32 from vector<1xf32>
            %mul3A_587 = vector.broadcast %squeeze3A_586 : f32 to vector<16xf32>
            %mul3A_588 = arith.mulf %mul3A_587, %get3A_544 : vector<16xf32>
            %add3A_589 = arith.addf %add3A_510, %mul3A_588 : vector<16xf32>
            %mul3A_590 = vector.broadcast %squeeze3A_586 : f32 to vector<16xf32>
            %mul3A_591 = arith.mulf %mul3A_590, %get3A_548 : vector<16xf32>
            %add3A_592 = arith.addf %add3A_513, %mul3A_591 : vector<16xf32>
            %mul3A_593 = vector.broadcast %squeeze3A_586 : f32 to vector<16xf32>
            %mul3A_594 = arith.mulf %mul3A_593, %get3A_552 : vector<16xf32>
            %add3A_595 = arith.addf %add3A_516, %mul3A_594 : vector<16xf32>
            %mul3A_596 = vector.broadcast %squeeze3A_586 : f32 to vector<16xf32>
            %mul3A_597 = arith.mulf %mul3A_596, %get3A_556 : vector<16xf32>
            %add3A_598 = arith.addf %add3A_519, %mul3A_597 : vector<16xf32>
            %slice3A_599 = vector.extract_strided_slice %get3A_456 {offsets = [7], sizes = [1], strides = [1]} : vector<16xf32> to vector<1xf32>
            %squeeze3A_600 = vector.extract %slice3A_599[0] : f32 from vector<1xf32>
            %mul3A_601 = vector.broadcast %squeeze3A_600 : f32 to vector<16xf32>
            %mul3A_602 = arith.mulf %mul3A_601, %get3A_544 : vector<16xf32>
            %add3A_603 = arith.addf %add3A_524, %mul3A_602 : vector<16xf32>
            %mul3A_604 = vector.broadcast %squeeze3A_600 : f32 to vector<16xf32>
            %mul3A_605 = arith.mulf %mul3A_604, %get3A_548 : vector<16xf32>
            %add3A_606 = arith.addf %add3A_527, %mul3A_605 : vector<16xf32>
            %mul3A_607 = vector.broadcast %squeeze3A_600 : f32 to vector<16xf32>
            %mul3A_608 = arith.mulf %mul3A_607, %get3A_552 : vector<16xf32>
            %add3A_609 = arith.addf %add3A_530, %mul3A_608 : vector<16xf32>
            %mul3A_610 = vector.broadcast %squeeze3A_600 : f32 to vector<16xf32>
            %mul3A_611 = arith.mulf %mul3A_610, %get3A_556 : vector<16xf32>
            %add3A_612 = arith.addf %add3A_533, %mul3A_611 : vector<16xf32>
            %mul3A_613 = arith.constant 32 : i32
            %mul3A_614 = arith.muli %scan3A_194, %mul3A_613 : i32
            %mul3A_615 = arith.constant 4 : i32
            %mul3A_616 = arith.muli %scan3A_434, %mul3A_615 : i32
            %add3A_617 = arith.addi %mul3A_614, %mul3A_616 : i32
            %add3A_618 = arith.constant 2 : i32
            %add3A_619 = arith.addi %add3A_617, %add3A_618 : i32
            %get3A_620 = arith.index_cast %add3A_619 : i32 to index
            %get3A_621 = arith.constant 64 : index
            %get3A_622 = tpu.vector_load %arg10[%get3A_620, %get3A_621] {strides = array<i32>} : memref<64x128xf32, #tpu.memory_space<vmem>>, vector<1x16xf32>,
            %get3A_623 = vector.shape_cast %get3A_622 : vector<1x16xf32> to vector<16xf32>
            %get3A_624 = arith.index_cast %add3A_619 : i32 to index
            %get3A_625 = arith.constant 80 : index
            %get3A_626 = tpu.vector_load %arg10[%get3A_624, %get3A_625] {strides = array<i32>} : memref<64x128xf32, #tpu.memory_space<vmem>>, vector<1x16xf32>,
            %get3A_627 = vector.shape_cast %get3A_626 : vector<1x16xf32> to vector<16xf32>
            %get3A_628 = arith.index_cast %add3A_619 : i32 to index
            %get3A_629 = arith.constant 96 : index
            %get3A_630 = tpu.vector_load %arg10[%get3A_628, %get3A_629] {strides = array<i32>} : memref<64x128xf32, #tpu.memory_space<vmem>>, vector<1x16xf32>,
            %get3A_631 = vector.shape_cast %get3A_630 : vector<1x16xf32> to vector<16xf32>
            %get3A_632 = arith.index_cast %add3A_619 : i32 to index
            %get3A_633 = arith.constant 112 : index
            %get3A_634 = tpu.vector_load %arg10[%get3A_632, %get3A_633] {strides = array<i32>} : memref<64x128xf32, #tpu.memory_space<vmem>>, vector<1x16xf32>,
            %get3A_635 = vector.shape_cast %get3A_634 : vector<1x16xf32> to vector<16xf32>
            %slice3A_636 = vector.extract_strided_slice %get3A_456 {offsets = [8], sizes = [1], strides = [1]} : vector<16xf32> to vector<1xf32>
            %squeeze3A_637 = vector.extract %slice3A_636[0] : f32 from vector<1xf32>
            %mul3A_638 = vector.broadcast %squeeze3A_637 : f32 to vector<16xf32>
            %mul3A_639 = arith.mulf %mul3A_638, %get3A_623 : vector<16xf32>
            %add3A_640 = arith.addf %add3A_561, %mul3A_639 : vector<16xf32>
            %mul3A_641 = vector.broadcast %squeeze3A_637 : f32 to vector<16xf32>
            %mul3A_642 = arith.mulf %mul3A_641, %get3A_627 : vector<16xf32>
            %add3A_643 = arith.addf %add3A_564, %mul3A_642 : vector<16xf32>
            %mul3A_644 = vector.broadcast %squeeze3A_637 : f32 to vector<16xf32>
            %mul3A_645 = arith.mulf %mul3A_644, %get3A_631 : vector<16xf32>
            %add3A_646 = arith.addf %add3A_567, %mul3A_645 : vector<16xf32>
            %mul3A_647 = vector.broadcast %squeeze3A_637 : f32 to vector<16xf32>
            %mul3A_648 = arith.mulf %mul3A_647, %get3A_635 : vector<16xf32>
            %add3A_649 = arith.addf %add3A_570, %mul3A_648 : vector<16xf32>
            %slice3A_650 = vector.extract_strided_slice %get3A_456 {offsets = [9], sizes = [1], strides = [1]} : vector<16xf32> to vector<1xf32>
            %squeeze3A_651 = vector.extract %slice3A_650[0] : f32 from vector<1xf32>
            %mul3A_652 = vector.broadcast %squeeze3A_651 : f32 to vector<16xf32>
            %mul3A_653 = arith.mulf %mul3A_652, %get3A_623 : vector<16xf32>
            %add3A_654 = arith.addf %add3A_575, %mul3A_653 : vector<16xf32>
            %mul3A_655 = vector.broadcast %squeeze3A_651 : f32 to vector<16xf32>
            %mul3A_656 = arith.mulf %mul3A_655, %get3A_627 : vector<16xf32>
            %add3A_657 = arith.addf %add3A_578, %mul3A_656 : vector<16xf32>
            %mul3A_658 = vector.broadcast %squeeze3A_651 : f32 to vector<16xf32>
            %mul3A_659 = arith.mulf %mul3A_658, %get3A_631 : vector<16xf32>
            %add3A_660 = arith.addf %add3A_581, %mul3A_659 : vector<16xf32>
            %mul3A_661 = vector.broadcast %squeeze3A_651 : f32 to vector<16xf32>
            %mul3A_662 = arith.mulf %mul3A_661, %get3A_635 : vector<16xf32>
            %add3A_663 = arith.addf %add3A_584, %mul3A_662 : vector<16xf32>
            %slice3A_664 = vector.extract_strided_slice %get3A_456 {offsets = [10], sizes = [1], strides = [1]} : vector<16xf32> to vector<1xf32>
            %squeeze3A_665 = vector.extract %slice3A_664[0] : f32 from vector<1xf32>
            %mul3A_666 = vector.broadcast %squeeze3A_665 : f32 to vector<16xf32>
            %mul3A_667 = arith.mulf %mul3A_666, %get3A_623 : vector<16xf32>
            %add3A_668 = arith.addf %add3A_589, %mul3A_667 : vector<16xf32>
            %mul3A_669 = vector.broadcast %squeeze3A_665 : f32 to vector<16xf32>
            %mul3A_670 = arith.mulf %mul3A_669, %get3A_627 : vector<16xf32>
            %add3A_671 = arith.addf %add3A_592, %mul3A_670 : vector<16xf32>
            %mul3A_672 = vector.broadcast %squeeze3A_665 : f32 to vector<16xf32>
            %mul3A_673 = arith.mulf %mul3A_672, %get3A_631 : vector<16xf32>
            %add3A_674 = arith.addf %add3A_595, %mul3A_673 : vector<16xf32>
            %mul3A_675 = vector.broadcast %squeeze3A_665 : f32 to vector<16xf32>
            %mul3A_676 = arith.mulf %mul3A_675, %get3A_635 : vector<16xf32>
            %add3A_677 = arith.addf %add3A_598, %mul3A_676 : vector<16xf32>
            %slice3A_678 = vector.extract_strided_slice %get3A_456 {offsets = [11], sizes = [1], strides = [1]} : vector<16xf32> to vector<1xf32>
            %squeeze3A_679 = vector.extract %slice3A_678[0] : f32 from vector<1xf32>
            %mul3A_680 = vector.broadcast %squeeze3A_679 : f32 to vector<16xf32>
            %mul3A_681 = arith.mulf %mul3A_680, %get3A_623 : vector<16xf32>
            %add3A_682 = arith.addf %add3A_603, %mul3A_681 : vector<16xf32>
            %mul3A_683 = vector.broadcast %squeeze3A_679 : f32 to vector<16xf32>
            %mul3A_684 = arith.mulf %mul3A_683, %get3A_627 : vector<16xf32>
            %add3A_685 = arith.addf %add3A_606, %mul3A_684 : vector<16xf32>
            %mul3A_686 = vector.broadcast %squeeze3A_679 : f32 to vector<16xf32>
            %mul3A_687 = arith.mulf %mul3A_686, %get3A_631 : vector<16xf32>
            %add3A_688 = arith.addf %add3A_609, %mul3A_687 : vector<16xf32>
            %mul3A_689 = vector.broadcast %squeeze3A_679 : f32 to vector<16xf32>
            %mul3A_690 = arith.mulf %mul3A_689, %get3A_635 : vector<16xf32>
            %add3A_691 = arith.addf %add3A_612, %mul3A_690 : vector<16xf32>
            %mul3A_692 = arith.constant 32 : i32
            %mul3A_693 = arith.muli %scan3A_194, %mul3A_692 : i32
            %mul3A_694 = arith.constant 4 : i32
            %mul3A_695 = arith.muli %scan3A_434, %mul3A_694 : i32
            %add3A_696 = arith.addi %mul3A_693, %mul3A_695 : i32
            %add3A_697 = arith.constant 3 : i32
            %add3A_698 = arith.addi %add3A_696, %add3A_697 : i32
            %get3A_699 = arith.index_cast %add3A_698 : i32 to index
            %get3A_700 = arith.constant 64 : index
            %get3A_701 = tpu.vector_load %arg10[%get3A_699, %get3A_700] {strides = array<i32>} : memref<64x128xf32, #tpu.memory_space<vmem>>, vector<1x16xf32>,
            %get3A_702 = vector.shape_cast %get3A_701 : vector<1x16xf32> to vector<16xf32>
            %get3A_703 = arith.index_cast %add3A_698 : i32 to index
            %get3A_704 = arith.constant 80 : index
            %get3A_705 = tpu.vector_load %arg10[%get3A_703, %get3A_704] {strides = array<i32>} : memref<64x128xf32, #tpu.memory_space<vmem>>, vector<1x16xf32>,
            %get3A_706 = vector.shape_cast %get3A_705 : vector<1x16xf32> to vector<16xf32>
            %get3A_707 = arith.index_cast %add3A_698 : i32 to index
            %get3A_708 = arith.constant 96 : index
            %get3A_709 = tpu.vector_load %arg10[%get3A_707, %get3A_708] {strides = array<i32>} : memref<64x128xf32, #tpu.memory_space<vmem>>, vector<1x16xf32>,
            %get3A_710 = vector.shape_cast %get3A_709 : vector<1x16xf32> to vector<16xf32>
            %get3A_711 = arith.index_cast %add3A_698 : i32 to index
            %get3A_712 = arith.constant 112 : index
            %get3A_713 = tpu.vector_load %arg10[%get3A_711, %get3A_712] {strides = array<i32>} : memref<64x128xf32, #tpu.memory_space<vmem>>, vector<1x16xf32>,
            %get3A_714 = vector.shape_cast %get3A_713 : vector<1x16xf32> to vector<16xf32>
            %slice3A_715 = vector.extract_strided_slice %get3A_456 {offsets = [12], sizes = [1], strides = [1]} : vector<16xf32> to vector<1xf32>
            %squeeze3A_716 = vector.extract %slice3A_715[0] : f32 from vector<1xf32>
            %mul3A_717 = vector.broadcast %squeeze3A_716 : f32 to vector<16xf32>
            %mul3A_718 = arith.mulf %mul3A_717, %get3A_702 : vector<16xf32>
            %add3A_719 = arith.addf %add3A_640, %mul3A_718 : vector<16xf32>
            %mul3A_720 = vector.broadcast %squeeze3A_716 : f32 to vector<16xf32>
            %mul3A_721 = arith.mulf %mul3A_720, %get3A_706 : vector<16xf32>
            %add3A_722 = arith.addf %add3A_643, %mul3A_721 : vector<16xf32>
            %mul3A_723 = vector.broadcast %squeeze3A_716 : f32 to vector<16xf32>
            %mul3A_724 = arith.mulf %mul3A_723, %get3A_710 : vector<16xf32>
            %add3A_725 = arith.addf %add3A_646, %mul3A_724 : vector<16xf32>
            %mul3A_726 = vector.broadcast %squeeze3A_716 : f32 to vector<16xf32>
            %mul3A_727 = arith.mulf %mul3A_726, %get3A_714 : vector<16xf32>
            %add3A_728 = arith.addf %add3A_649, %mul3A_727 : vector<16xf32>
            %slice3A_729 = vector.extract_strided_slice %get3A_456 {offsets = [13], sizes = [1], strides = [1]} : vector<16xf32> to vector<1xf32>
            %squeeze3A_730 = vector.extract %slice3A_729[0] : f32 from vector<1xf32>
            %mul3A_731 = vector.broadcast %squeeze3A_730 : f32 to vector<16xf32>
            %mul3A_732 = arith.mulf %mul3A_731, %get3A_702 : vector<16xf32>
            %add3A_733 = arith.addf %add3A_654, %mul3A_732 : vector<16xf32>
            %mul3A_734 = vector.broadcast %squeeze3A_730 : f32 to vector<16xf32>
            %mul3A_735 = arith.mulf %mul3A_734, %get3A_706 : vector<16xf32>
            %add3A_736 = arith.addf %add3A_657, %mul3A_735 : vector<16xf32>
            %mul3A_737 = vector.broadcast %squeeze3A_730 : f32 to vector<16xf32>
            %mul3A_738 = arith.mulf %mul3A_737, %get3A_710 : vector<16xf32>
            %add3A_739 = arith.addf %add3A_660, %mul3A_738 : vector<16xf32>
            %mul3A_740 = vector.broadcast %squeeze3A_730 : f32 to vector<16xf32>
            %mul3A_741 = arith.mulf %mul3A_740, %get3A_714 : vector<16xf32>
            %add3A_742 = arith.addf %add3A_663, %mul3A_741 : vector<16xf32>
            %slice3A_743 = vector.extract_strided_slice %get3A_456 {offsets = [14], sizes = [1], strides = [1]} : vector<16xf32> to vector<1xf32>
            %squeeze3A_744 = vector.extract %slice3A_743[0] : f32 from vector<1xf32>
            %mul3A_745 = vector.broadcast %squeeze3A_744 : f32 to vector<16xf32>
            %mul3A_746 = arith.mulf %mul3A_745, %get3A_702 : vector<16xf32>
            %add3A_747 = arith.addf %add3A_668, %mul3A_746 : vector<16xf32>
            %mul3A_748 = vector.broadcast %squeeze3A_744 : f32 to vector<16xf32>
            %mul3A_749 = arith.mulf %mul3A_748, %get3A_706 : vector<16xf32>
            %add3A_750 = arith.addf %add3A_671, %mul3A_749 : vector<16xf32>
            %mul3A_751 = vector.broadcast %squeeze3A_744 : f32 to vector<16xf32>
            %mul3A_752 = arith.mulf %mul3A_751, %get3A_710 : vector<16xf32>
            %add3A_753 = arith.addf %add3A_674, %mul3A_752 : vector<16xf32>
            %mul3A_754 = vector.broadcast %squeeze3A_744 : f32 to vector<16xf32>
            %mul3A_755 = arith.mulf %mul3A_754, %get3A_714 : vector<16xf32>
            %add3A_756 = arith.addf %add3A_677, %mul3A_755 : vector<16xf32>
            %slice3A_757 = vector.extract_strided_slice %get3A_456 {offsets = [15], sizes = [1], strides = [1]} : vector<16xf32> to vector<1xf32>
            %squeeze3A_758 = vector.extract %slice3A_757[0] : f32 from vector<1xf32>
            %mul3A_759 = vector.broadcast %squeeze3A_758 : f32 to vector<16xf32>
            %mul3A_760 = arith.mulf %mul3A_759, %get3A_702 : vector<16xf32>
            %add3A_761 = arith.addf %add3A_682, %mul3A_760 : vector<16xf32>
            %mul3A_762 = vector.broadcast %squeeze3A_758 : f32 to vector<16xf32>
            %mul3A_763 = arith.mulf %mul3A_762, %get3A_706 : vector<16xf32>
            %add3A_764 = arith.addf %add3A_685, %mul3A_763 : vector<16xf32>
            %mul3A_765 = vector.broadcast %squeeze3A_758 : f32 to vector<16xf32>
            %mul3A_766 = arith.mulf %mul3A_765, %get3A_710 : vector<16xf32>
            %add3A_767 = arith.addf %add3A_688, %mul3A_766 : vector<16xf32>
            %mul3A_768 = vector.broadcast %squeeze3A_758 : f32 to vector<16xf32>
            %mul3A_769 = arith.mulf %mul3A_768, %get3A_714 : vector<16xf32>
            %add3A_770 = arith.addf %add3A_691, %mul3A_769 : vector<16xf32>
            scf.yield %add3A_719, %add3A_722, %add3A_725, %add3A_728, %add3A_733, %add3A_736, %add3A_739, %add3A_742, %add3A_747, %add3A_750, %add3A_753, %add3A_756, %add3A_761, %add3A_764, %add3A_767, %add3A_770 : vector<16xf32>, vector<16xf32>, vector<16xf32>, vector<16xf32>, vector<16xf32>, vector<16xf32>, vector<16xf32>, vector<16xf32>, vector<16xf32>, vector<16xf32>, vector<16xf32>, vector<16xf32>, vector<16xf32>, vector<16xf32>, vector<16xf32>, vector<16xf32>
          }
          %scan3A_352 = arith.constant 8 : i32
          %swap3A_353 = arith.index_cast %scan3A_194 : i32 to index
          %swap3A_354 = arith.constant 64 : index
          %swap3A_355 = tpu.vector_load %arg12[%swap3A_353, %swap3A_354] {strides = array<i32>} : memref<2x512xf32, #tpu.memory_space<vmem>>, vector<1x16xf32>,
          %swap3A_356 = vector.shape_cast %swap3A_355 : vector<1x16xf32> to vector<16xf32>
          %swap3A_357 = vector.shape_cast %scan3A_351#0 : vector<16xf32> to vector<1x16xf32>
          tpu.vector_store %arg12[%swap3A_353, %swap3A_354], %swap3A_357 {strides = array<i32>} : memref<2x512xf32, #tpu.memory_space<vmem>>, vector<1x16xf32>,
          %swap3A_358 = arith.index_cast %scan3A_194 : i32 to index
          %swap3A_359 = arith.constant 80 : index
          %swap3A_360 = tpu.vector_load %arg12[%swap3A_358, %swap3A_359] {strides = array<i32>} : memref<2x512xf32, #tpu.memory_space<vmem>>, vector<1x16xf32>,
          %swap3A_361 = vector.shape_cast %swap3A_360 : vector<1x16xf32> to vector<16xf32>
          %swap3A_362 = vector.shape_cast %scan3A_351#1 : vector<16xf32> to vector<1x16xf32>
          tpu.vector_store %arg12[%swap3A_358, %swap3A_359], %swap3A_362 {strides = array<i32>} : memref<2x512xf32, #tpu.memory_space<vmem>>, vector<1x16xf32>,
          %swap3A_363 = arith.index_cast %scan3A_194 : i32 to index
          %swap3A_364 = arith.constant 96 : index
          %swap3A_365 = tpu.vector_load %arg12[%swap3A_363, %swap3A_364] {strides = array<i32>} : memref<2x512xf32, #tpu.memory_space<vmem>>, vector<1x16xf32>,
          %swap3A_366 = vector.shape_cast %swap3A_365 : vector<1x16xf32> to vector<16xf32>
          %swap3A_367 = vector.shape_cast %scan3A_351#2 : vector<16xf32> to vector<1x16xf32>
          tpu.vector_store %arg12[%swap3A_363, %swap3A_364], %swap3A_367 {strides = array<i32>} : memref<2x512xf32, #tpu.memory_space<vmem>>, vector<1x16xf32>,
          %swap3A_368 = arith.index_cast %scan3A_194 : i32 to index
          %swap3A_369 = arith.constant 112 : index
          %swap3A_370 = tpu.vector_load %arg12[%swap3A_368, %swap3A_369] {strides = array<i32>} : memref<2x512xf32, #tpu.memory_space<vmem>>, vector<1x16xf32>,
          %swap3A_371 = vector.shape_cast %swap3A_370 : vector<1x16xf32> to vector<16xf32>
          %swap3A_372 = vector.shape_cast %scan3A_351#3 : vector<16xf32> to vector<1x16xf32>
          tpu.vector_store %arg12[%swap3A_368, %swap3A_369], %swap3A_372 {strides = array<i32>} : memref<2x512xf32, #tpu.memory_space<vmem>>, vector<1x16xf32>,
          %swap3A_373 = arith.index_cast %scan3A_194 : i32 to index
          %swap3A_374 = arith.constant 192 : index
          %swap3A_375 = tpu.vector_load %arg12[%swap3A_373, %swap3A_374] {strides = array<i32>} : memref<2x512xf32, #tpu.memory_space<vmem>>, vector<1x16xf32>,
          %swap3A_376 = vector.shape_cast %swap3A_375 : vector<1x16xf32> to vector<16xf32>
          %swap3A_377 = vector.shape_cast %scan3A_351#4 : vector<16xf32> to vector<1x16xf32>
          tpu.vector_store %arg12[%swap3A_373, %swap3A_374], %swap3A_377 {strides = array<i32>} : memref<2x512xf32, #tpu.memory_space<vmem>>, vector<1x16xf32>,
          %swap3A_378 = arith.index_cast %scan3A_194 : i32 to index
          %swap3A_379 = arith.constant 208 : index
          %swap3A_380 = tpu.vector_load %arg12[%swap3A_378, %swap3A_379] {strides = array<i32>} : memref<2x512xf32, #tpu.memory_space<vmem>>, vector<1x16xf32>,
          %swap3A_381 = vector.shape_cast %swap3A_380 : vector<1x16xf32> to vector<16xf32>
          %swap3A_382 = vector.shape_cast %scan3A_351#5 : vector<16xf32> to vector<1x16xf32>
          tpu.vector_store %arg12[%swap3A_378, %swap3A_379], %swap3A_382 {strides = array<i32>} : memref<2x512xf32, #tpu.memory_space<vmem>>, vector<1x16xf32>,
          %swap3A_383 = arith.index_cast %scan3A_194 : i32 to index
          %swap3A_384 = arith.constant 224 : index
          %swap3A_385 = tpu.vector_load %arg12[%swap3A_383, %swap3A_384] {strides = array<i32>} : memref<2x512xf32, #tpu.memory_space<vmem>>, vector<1x16xf32>,
          %swap3A_386 = vector.shape_cast %swap3A_385 : vector<1x16xf32> to vector<16xf32>
          %swap3A_387 = vector.shape_cast %scan3A_351#6 : vector<16xf32> to vector<1x16xf32>
          tpu.vector_store %arg12[%swap3A_383, %swap3A_384], %swap3A_387 {strides = array<i32>} : memref<2x512xf32, #tpu.memory_space<vmem>>, vector<1x16xf32>,
          %swap3A_388 = arith.index_cast %scan3A_194 : i32 to index
          %swap3A_389 = arith.constant 240 : index
          %swap3A_390 = tpu.vector_load %arg12[%swap3A_388, %swap3A_389] {strides = array<i32>} : memref<2x512xf32, #tpu.memory_space<vmem>>, vector<1x16xf32>,
          %swap3A_391 = vector.shape_cast %swap3A_390 : vector<1x16xf32> to vector<16xf32>
          %swap3A_392 = vector.shape_cast %scan3A_351#7 : vector<16xf32> to vector<1x16xf32>
          tpu.vector_store %arg12[%swap3A_388, %swap3A_389], %swap3A_392 {strides = array<i32>} : memref<2x512xf32, #tpu.memory_space<vmem>>, vector<1x16xf32>,
          %swap3A_393 = arith.index_cast %scan3A_194 : i32 to index
          %swap3A_394 = arith.constant 320 : index
          %swap3A_395 = tpu.vector_load %arg12[%swap3A_393, %swap3A_394] {strides = array<i32>} : memref<2x512xf32, #tpu.memory_space<vmem>>, vector<1x16xf32>,
          %swap3A_396 = vector.shape_cast %swap3A_395 : vector<1x16xf32> to vector<16xf32>
          %swap3A_397 = vector.shape_cast %scan3A_351#8 : vector<16xf32> to vector<1x16xf32>
          tpu.vector_store %arg12[%swap3A_393, %swap3A_394], %swap3A_397 {strides = array<i32>} : memref<2x512xf32, #tpu.memory_space<vmem>>, vector<1x16xf32>,
          %swap3A_398 = arith.index_cast %scan3A_194 : i32 to index
          %swap3A_399 = arith.constant 336 : index
          %swap3A_400 = tpu.vector_load %arg12[%swap3A_398, %swap3A_399] {strides = array<i32>} : memref<2x512xf32, #tpu.memory_space<vmem>>, vector<1x16xf32>,
          %swap3A_401 = vector.shape_cast %swap3A_400 : vector<1x16xf32> to vector<16xf32>
          %swap3A_402 = vector.shape_cast %scan3A_351#9 : vector<16xf32> to vector<1x16xf32>
          tpu.vector_store %arg12[%swap3A_398, %swap3A_399], %swap3A_402 {strides = array<i32>} : memref<2x512xf32, #tpu.memory_space<vmem>>, vector<1x16xf32>,
          %swap3A_403 = arith.index_cast %scan3A_194 : i32 to index
          %swap3A_404 = arith.constant 352 : index
          %swap3A_405 = tpu.vector_load %arg12[%swap3A_403, %swap3A_404] {strides = array<i32>} : memref<2x512xf32, #tpu.memory_space<vmem>>, vector<1x16xf32>,
          %swap3A_406 = vector.shape_cast %swap3A_405 : vector<1x16xf32> to vector<16xf32>
          %swap3A_407 = vector.shape_cast %scan3A_351#10 : vector<16xf32> to vector<1x16xf32>
          tpu.vector_store %arg12[%swap3A_403, %swap3A_404], %swap3A_407 {strides = array<i32>} : memref<2x512xf32, #tpu.memory_space<vmem>>, vector<1x16xf32>,
          %swap3A_408 = arith.index_cast %scan3A_194 : i32 to index
          %swap3A_409 = arith.constant 368 : index
          %swap3A_410 = tpu.vector_load %arg12[%swap3A_408, %swap3A_409] {strides = array<i32>} : memref<2x512xf32, #tpu.memory_space<vmem>>, vector<1x16xf32>,
          %swap3A_411 = vector.shape_cast %swap3A_410 : vector<1x16xf32> to vector<16xf32>
          %swap3A_412 = vector.shape_cast %scan3A_351#11 : vector<16xf32> to vector<1x16xf32>
          tpu.vector_store %arg12[%swap3A_408, %swap3A_409], %swap3A_412 {strides = array<i32>} : memref<2x512xf32, #tpu.memory_space<vmem>>, vector<1x16xf32>,
          %swap3A_413 = arith.index_cast %scan3A_194 : i32 to index
          %swap3A_414 = arith.constant 448 : index
          %swap3A_415 = tpu.vector_load %arg12[%swap3A_413, %swap3A_414] {strides = array<i32>} : memref<2x512xf32, #tpu.memory_space<vmem>>, vector<1x16xf32>,
          %swap3A_416 = vector.shape_cast %swap3A_415 : vector<1x16xf32> to vector<16xf32>
          %swap3A_417 = vector.shape_cast %scan3A_351#12 : vector<16xf32> to vector<1x16xf32>
          tpu.vector_store %arg12[%swap3A_413, %swap3A_414], %swap3A_417 {strides = array<i32>} : memref<2x512xf32, #tpu.memory_space<vmem>>, vector<1x16xf32>,
          %swap3A_418 = arith.index_cast %scan3A_194 : i32 to index
          %swap3A_419 = arith.constant 464 : index
          %swap3A_420 = tpu.vector_load %arg12[%swap3A_418, %swap3A_419] {strides = array<i32>} : memref<2x512xf32, #tpu.memory_space<vmem>>, vector<1x16xf32>,
          %swap3A_421 = vector.shape_cast %swap3A_420 : vector<1x16xf32> to vector<16xf32>
          %swap3A_422 = vector.shape_cast %scan3A_351#13 : vector<16xf32> to vector<1x16xf32>
          tpu.vector_store %arg12[%swap3A_418, %swap3A_419], %swap3A_422 {strides = array<i32>} : memref<2x512xf32, #tpu.memory_space<vmem>>, vector<1x16xf32>,
          %swap3A_423 = arith.index_cast %scan3A_194 : i32 to index
          %swap3A_424 = arith.constant 480 : index
          %swap3A_425 = tpu.vector_load %arg12[%swap3A_423, %swap3A_424] {strides = array<i32>} : memref<2x512xf32, #tpu.memory_space<vmem>>, vector<1x16xf32>,
          %swap3A_426 = vector.shape_cast %swap3A_425 : vector<1x16xf32> to vector<16xf32>
          %swap3A_427 = vector.shape_cast %scan3A_351#14 : vector<16xf32> to vector<1x16xf32>
          tpu.vector_store %arg12[%swap3A_423, %swap3A_424], %swap3A_427 {strides = array<i32>} : memref<2x512xf32, #tpu.memory_space<vmem>>, vector<1x16xf32>,
          %swap3A_428 = arith.index_cast %scan3A_194 : i32 to index
          %swap3A_429 = arith.constant 496 : index
          %swap3A_430 = tpu.vector_load %arg12[%swap3A_428, %swap3A_429] {strides = array<i32>} : memref<2x512xf32, #tpu.memory_space<vmem>>, vector<1x16xf32>,
          %swap3A_431 = vector.shape_cast %swap3A_430 : vector<1x16xf32> to vector<16xf32>
          %swap3A_432 = vector.shape_cast %scan3A_351#15 : vector<16xf32> to vector<1x16xf32>
          tpu.vector_store %arg12[%swap3A_428, %swap3A_429], %swap3A_432 {strides = array<i32>} : memref<2x512xf32, #tpu.memory_space<vmem>>, vector<1x16xf32>,
          %scan3A_433 = arith.constant 0 : i32
          scf.yield %scan3A_433 : i32
        }
        %scan3A_136 = arith.constant 2 : i32
        %add3A_137 = arith.constant 2 : i32
        %add3A_138 = arith.addi %add3A_116, %add3A_137 : i32
        %lt3A_139 = arith.constant 160 : i32
        %lt3A_140 = arith.cmpi slt, %add3A_138, %lt3A_139 : i32
        %convert_element_type3A_141 = arith.extui %lt3A_140 : i1 to i32
        %cond3A_142 = arith.constant 0 : i32
        %cond3A_143 = arith.cmpi ne, %convert_element_type3A_141, %cond3A_142 : i32
        scf.if %cond3A_143 {
          %add3A_194 = arith.constant 2 : i32
          %add3A_195 = arith.addi %add3A_116, %add3A_194 : i32
          %mul3A_196 = arith.constant 2 : i32
          %mul3A_197 = arith.muli %add3A_195, %mul3A_196 : i32
          %mul3A_198 = arith.constant 32 : i32
          %mul3A_199 = arith.muli %mul3A_197, %mul3A_198 : i32
          %multiple_of3A_200 = tpu.assume_multiple %mul3A_199, 64 : i32
          %dma_start3A_201 = tpu.memref_slice %arg7[%multiple_of3A_200] : memref<10240xi32, #tpu.memory_space<vmem>> -> memref<64xi32, #tpu.memory_space<vmem>>
          %dma_start3A_202 = arith.constant 0 : i32
          %dma_start3A_203 = arith.constant 0 : i32
          %dma_start3A_204 = tpu.memref_slice %arg6[%dma_start3A_202, %dma_start3A_203] : memref<10240x128xf32, #tpu.memory_space<vmem_shared>> -> memref<10240x128xf32, #tpu.memory_space<vmem_shared>>
          tpu.enqueue_indirect_dma source(%dma_start3A_204 : memref<10240x128xf32, #tpu.memory_space<vmem_shared>>) target(%arg10 : memref<64x128xf32, #tpu.memory_space<vmem>>) offsets(%dma_start3A_201 : memref<64xi32, #tpu.memory_space<vmem>>) semaphore(%arg14 : memref<!tpu.dma_semaphore, #tpu.memory_space<semaphore_mem>>)
        } else {
        }
        %mul3A_144 = arith.constant 2 : i32
        %mul3A_145 = arith.muli %add3A_116, %mul3A_144 : i32
        %add3A_146 = arith.addi %multiple_of3A, %mul3A_145 : i32
        %dma_start3A_147 = arith.constant 0 : i32
        %dma_start3A_148 = tpu.memref_slice %arg5[%add3A_146, %dma_start3A_147] : memref<10240x512xf32, #tpu.memory_space<hbm>> -> memref<2x512xf32, #tpu.memory_space<hbm>>
        %dma_start3A_149 = arith.constant 0 : i32
        %dma_start3A_150 = tpu.memref_slice %arg5[%add3A_146, %dma_start3A_149] : memref<10240x512xf32, #tpu.memory_space<hbm>> -> memref<2x512xf32, #tpu.memory_space<hbm>>
        tpu.enqueue_dma source(%arg12 : memref<2x512xf32, #tpu.memory_space<vmem>>) target(%dma_start3A_150 : memref<2x512xf32, #tpu.memory_space<hbm>>) target_semaphore(%arg16 : memref<!tpu.dma_semaphore, #tpu.memory_space<semaphore_mem>>)
        %mul3A_151 = arith.constant 2 : i32
        %mul3A_152 = arith.muli %scan3A_108, %mul3A_151 : i32
        %add3A_153 = arith.constant 1 : i32
        %add3A_154 = arith.addi %mul3A_152, %add3A_153 : i32
        %mul3A_155 = arith.constant 16 : i32
        %mul3A_156 = arith.muli %add3A_56, %mul3A_155 : i32
        %add3A_157 = arith.addi %mul3A_156, %add3A_154 : i32
        %mul3A_158 = arith.constant 2 : i32
        %mul3A_159 = arith.muli %add3A_157, %mul3A_158 : i32
        %mul3A_160 = arith.constant 32 : i32
        %mul3A_161 = arith.muli %mul3A_159, %mul3A_160 : i32
        %multiple_of3A_162 = tpu.assume_multiple %mul3A_161, 64 : i32
        %dma_wait3A_163 = tpu.memref_slice %arg7[%multiple_of3A_162] : memref<10240xi32, #tpu.memory_space<vmem>> -> memref<64xi32, #tpu.memory_space<vmem>>
        %dma_wait3A_164 = arith.constant 0 : i32
        %dma_wait3A_165 = arith.constant 0 : i32
        %dma_wait3A_166 = tpu.memref_slice %arg6[%dma_wait3A_164, %dma_wait3A_165] : memref<10240x128xf32, #tpu.memory_space<vmem_shared>> -> memref<10240x128xf32, #tpu.memory_space<vmem_shared>>
        tpu.wait_indirect_dma semaphore(%arg15 : memref<!tpu.dma_semaphore, #tpu.memory_space<semaphore_mem>>) src(%dma_wait3A_166 : memref<10240x128xf32, #tpu.memory_space<vmem_shared>>) dst(%arg11 : memref<64x128xf32, #tpu.memory_space<vmem>>)
        %ge3A_167 = arith.constant 2 : i32
        %ge3A_168 = arith.cmpi sge, %add3A_157, %ge3A_167 : i32
        %convert_element_type3A_169 = arith.extui %ge3A_168 : i1 to i32
        %cond3A_170 = arith.constant 0 : i32
        %cond3A_171 = arith.cmpi ne, %convert_element_type3A_169, %cond3A_170 : i32
        scf.if %cond3A_171 {
          %sub3A = arith.constant 2 : i32
          %sub3A_194 = arith.subi %add3A_157, %sub3A : i32
          %mul3A_195 = arith.constant 2 : i32
          %mul3A_196 = arith.muli %sub3A_194, %mul3A_195 : i32
          %add3A_197 = arith.addi %multiple_of3A, %mul3A_196 : i32
          %dma_wait3A_198 = arith.constant 0 : i32
          %dma_wait3A_199 = tpu.memref_slice %arg5[%add3A_197, %dma_wait3A_198] : memref<10240x512xf32, #tpu.memory_space<hbm>> -> memref<2x512xf32, #tpu.memory_space<hbm>>
          %dma_wait3A_200 = arith.constant 0 : i32
          %dma_wait3A_201 = tpu.memref_slice %arg5[%add3A_197, %dma_wait3A_200] : memref<10240x512xf32, #tpu.memory_space<hbm>> -> memref<2x512xf32, #tpu.memory_space<hbm>>
          tpu.wait_dma2 semaphore(%arg17 : memref<!tpu.dma_semaphore, #tpu.memory_space<semaphore_mem>>) src(%arg13 : memref<2x512xf32, #tpu.memory_space<vmem>>) dst(%dma_wait3A_201 : memref<2x512xf32, #tpu.memory_space<hbm>>)
        } else {
        }
        %scan3A_172 = arith.constant 0 : i32
        %scan3A_173 = arith.constant 0 : i32
        %scan3A_174 = arith.constant 2 : i32
        %scan3A_175 = arith.addi %scan3A_173, %scan3A_174 : i32
        %scan3A_176 = arith.constant 1 : i32
        %scan3A_177 = scf.for %scan3A_194 = %scan3A_173 to %scan3A_175 step %scan3A_176 iter_args(%scan3A_195 = %scan3A_172) -> (i32)  : i32 {
          %mul3A_196 = arith.constant 2 : i32
          %mul3A_197 = arith.muli %add3A_154, %mul3A_196 : i32
          %add3A_198 = arith.addi %mul3A_197, %scan3A_194 : i32
          %broadcast_in_dim3A = arith.constant 0.000000e+00 : f32
          %broadcast_in_dim3A_199 = vector.broadcast %broadcast_in_dim3A : f32 to vector<16xf32>
          %broadcast_in_dim3A_200 = arith.constant 0.000000e+00 : f32
          %broadcast_in_dim3A_201 = vector.broadcast %broadcast_in_dim3A_200 : f32 to vector<16xf32>
          %broadcast_in_dim3A_202 = arith.constant 0.000000e+00 : f32
          %broadcast_in_dim3A_203 = vector.broadcast %broadcast_in_dim3A_202 : f32 to vector<16xf32>
          %broadcast_in_dim3A_204 = arith.constant 0.000000e+00 : f32
          %broadcast_in_dim3A_205 = vector.broadcast %broadcast_in_dim3A_204 : f32 to vector<16xf32>
          %broadcast_in_dim3A_206 = arith.constant 0.000000e+00 : f32
          %broadcast_in_dim3A_207 = vector.broadcast %broadcast_in_dim3A_206 : f32 to vector<16xf32>
          %broadcast_in_dim3A_208 = arith.constant 0.000000e+00 : f32
          %broadcast_in_dim3A_209 = vector.broadcast %broadcast_in_dim3A_208 : f32 to vector<16xf32>
          %broadcast_in_dim3A_210 = arith.constant 0.000000e+00 : f32
          %broadcast_in_dim3A_211 = vector.broadcast %broadcast_in_dim3A_210 : f32 to vector<16xf32>
          %broadcast_in_dim3A_212 = arith.constant 0.000000e+00 : f32
          %broadcast_in_dim3A_213 = vector.broadcast %broadcast_in_dim3A_212 : f32 to vector<16xf32>
          %broadcast_in_dim3A_214 = arith.constant 0.000000e+00 : f32
          %broadcast_in_dim3A_215 = vector.broadcast %broadcast_in_dim3A_214 : f32 to vector<16xf32>
          %broadcast_in_dim3A_216 = arith.constant 0.000000e+00 : f32
          %broadcast_in_dim3A_217 = vector.broadcast %broadcast_in_dim3A_216 : f32 to vector<16xf32>
          %broadcast_in_dim3A_218 = arith.constant 0.000000e+00 : f32
          %broadcast_in_dim3A_219 = vector.broadcast %broadcast_in_dim3A_218 : f32 to vector<16xf32>
          %broadcast_in_dim3A_220 = arith.constant 0.000000e+00 : f32
          %broadcast_in_dim3A_221 = vector.broadcast %broadcast_in_dim3A_220 : f32 to vector<16xf32>
          %broadcast_in_dim3A_222 = arith.constant 0.000000e+00 : f32
          %broadcast_in_dim3A_223 = vector.broadcast %broadcast_in_dim3A_222 : f32 to vector<16xf32>
          %broadcast_in_dim3A_224 = arith.constant 0.000000e+00 : f32
          %broadcast_in_dim3A_225 = vector.broadcast %broadcast_in_dim3A_224 : f32 to vector<16xf32>
          %broadcast_in_dim3A_226 = arith.constant 0.000000e+00 : f32
          %broadcast_in_dim3A_227 = vector.broadcast %broadcast_in_dim3A_226 : f32 to vector<16xf32>
          %broadcast_in_dim3A_228 = arith.constant 0.000000e+00 : f32
          %broadcast_in_dim3A_229 = vector.broadcast %broadcast_in_dim3A_228 : f32 to vector<16xf32>
          %scan3A_230 = arith.constant 0 : i32
          %scan3A_231 = arith.constant 8 : i32
          %scan3A_232 = arith.addi %scan3A_230, %scan3A_231 : i32
          %scan3A_233 = arith.constant 1 : i32
          %scan3A_234:16 = scf.for %scan3A_434 = %scan3A_230 to %scan3A_232 step %scan3A_233 iter_args(%scan3A_435 = %broadcast_in_dim3A_199, %scan3A_436 = %broadcast_in_dim3A_201, %scan3A_437 = %broadcast_in_dim3A_203, %scan3A_438 = %broadcast_in_dim3A_205, %scan3A_439 = %broadcast_in_dim3A_207, %scan3A_440 = %broadcast_in_dim3A_209, %scan3A_441 = %broadcast_in_dim3A_211, %scan3A_442 = %broadcast_in_dim3A_213, %scan3A_443 = %broadcast_in_dim3A_215, %scan3A_444 = %broadcast_in_dim3A_217, %scan3A_445 = %broadcast_in_dim3A_219, %scan3A_446 = %broadcast_in_dim3A_221, %scan3A_447 = %broadcast_in_dim3A_223, %scan3A_448 = %broadcast_in_dim3A_225, %scan3A_449 = %broadcast_in_dim3A_227, %scan3A_450 = %broadcast_in_dim3A_229) -> (vector<16xf32>, vector<16xf32>, vector<16xf32>, vector<16xf32>, vector<16xf32>, vector<16xf32>, vector<16xf32>, vector<16xf32>, vector<16xf32>, vector<16xf32>, vector<16xf32>, vector<16xf32>, vector<16xf32>, vector<16xf32>, vector<16xf32>, vector<16xf32>)  : i32 {
            %mul3A_451 = arith.constant 16 : i32
            %mul3A_452 = arith.muli %scan3A_434, %mul3A_451 : i32
            %multiple_of3A_453 = tpu.assume_multiple %mul3A_452, 16 : i32
            %get3A = arith.index_cast %add3A_198 : i32 to index
            %get3A_454 = arith.index_cast %multiple_of3A_453 : i32 to index
            %get3A_455 = tpu.vector_load %arg8[%get3A, %get3A_454] {strides = array<i32>} : memref<32x128xf32, #tpu.memory_space<vmem>>, vector<1x16xf32>,
            %get3A_456 = vector.shape_cast %get3A_455 : vector<1x16xf32> to vector<16xf32>
            %mul3A_457 = arith.constant 32 : i32
            %mul3A_458 = arith.muli %scan3A_194, %mul3A_457 : i32
            %mul3A_459 = arith.constant 4 : i32
            %mul3A_460 = arith.muli %scan3A_434, %mul3A_459 : i32
            %add3A_461 = arith.addi %mul3A_458, %mul3A_460 : i32
            %add3A_462 = arith.constant 0 : i32
            %add3A_463 = arith.addi %add3A_461, %add3A_462 : i32
            %get3A_464 = arith.index_cast %add3A_463 : i32 to index
            %get3A_465 = arith.constant 0 : index
            %get3A_466 = tpu.vector_load %arg11[%get3A_464, %get3A_465] {strides = array<i32>} : memref<64x128xf32, #tpu.memory_space<vmem>>, vector<1x16xf32>,
            %get3A_467 = vector.shape_cast %get3A_466 : vector<1x16xf32> to vector<16xf32>
            %get3A_468 = arith.index_cast %add3A_463 : i32 to index
            %get3A_469 = arith.constant 16 : index
            %get3A_470 = tpu.vector_load %arg11[%get3A_468, %get3A_469] {strides = array<i32>} : memref<64x128xf32, #tpu.memory_space<vmem>>, vector<1x16xf32>,
            %get3A_471 = vector.shape_cast %get3A_470 : vector<1x16xf32> to vector<16xf32>
            %get3A_472 = arith.index_cast %add3A_463 : i32 to index
            %get3A_473 = arith.constant 32 : index
            %get3A_474 = tpu.vector_load %arg11[%get3A_472, %get3A_473] {strides = array<i32>} : memref<64x128xf32, #tpu.memory_space<vmem>>, vector<1x16xf32>,
            %get3A_475 = vector.shape_cast %get3A_474 : vector<1x16xf32> to vector<16xf32>
            %get3A_476 = arith.index_cast %add3A_463 : i32 to index
            %get3A_477 = arith.constant 48 : index
            %get3A_478 = tpu.vector_load %arg11[%get3A_476, %get3A_477] {strides = array<i32>} : memref<64x128xf32, #tpu.memory_space<vmem>>, vector<1x16xf32>,
            %get3A_479 = vector.shape_cast %get3A_478 : vector<1x16xf32> to vector<16xf32>
            %slice3A = vector.extract_strided_slice %get3A_456 {offsets = [0], sizes = [1], strides = [1]} : vector<16xf32> to vector<1xf32>
            %squeeze3A = vector.extract %slice3A[0] : f32 from vector<1xf32>
            %mul3A_480 = vector.broadcast %squeeze3A : f32 to vector<16xf32>
            %mul3A_481 = arith.mulf %mul3A_480, %get3A_467 : vector<16xf32>
            %add3A_482 = arith.addf %scan3A_435, %mul3A_481 : vector<16xf32>
            %mul3A_483 = vector.broadcast %squeeze3A : f32 to vector<16xf32>
            %mul3A_484 = arith.mulf %mul3A_483, %get3A_471 : vector<16xf32>
            %add3A_485 = arith.addf %scan3A_436, %mul3A_484 : vector<16xf32>
            %mul3A_486 = vector.broadcast %squeeze3A : f32 to vector<16xf32>
            %mul3A_487 = arith.mulf %mul3A_486, %get3A_475 : vector<16xf32>
            %add3A_488 = arith.addf %scan3A_437, %mul3A_487 : vector<16xf32>
            %mul3A_489 = vector.broadcast %squeeze3A : f32 to vector<16xf32>
            %mul3A_490 = arith.mulf %mul3A_489, %get3A_479 : vector<16xf32>
            %add3A_491 = arith.addf %scan3A_438, %mul3A_490 : vector<16xf32>
            %slice3A_492 = vector.extract_strided_slice %get3A_456 {offsets = [1], sizes = [1], strides = [1]} : vector<16xf32> to vector<1xf32>
            %squeeze3A_493 = vector.extract %slice3A_492[0] : f32 from vector<1xf32>
            %mul3A_494 = vector.broadcast %squeeze3A_493 : f32 to vector<16xf32>
            %mul3A_495 = arith.mulf %mul3A_494, %get3A_467 : vector<16xf32>
            %add3A_496 = arith.addf %scan3A_439, %mul3A_495 : vector<16xf32>
            %mul3A_497 = vector.broadcast %squeeze3A_493 : f32 to vector<16xf32>
            %mul3A_498 = arith.mulf %mul3A_497, %get3A_471 : vector<16xf32>
            %add3A_499 = arith.addf %scan3A_440, %mul3A_498 : vector<16xf32>
            %mul3A_500 = vector.broadcast %squeeze3A_493 : f32 to vector<16xf32>
            %mul3A_501 = arith.mulf %mul3A_500, %get3A_475 : vector<16xf32>
            %add3A_502 = arith.addf %scan3A_441, %mul3A_501 : vector<16xf32>
            %mul3A_503 = vector.broadcast %squeeze3A_493 : f32 to vector<16xf32>
            %mul3A_504 = arith.mulf %mul3A_503, %get3A_479 : vector<16xf32>
            %add3A_505 = arith.addf %scan3A_442, %mul3A_504 : vector<16xf32>
            %slice3A_506 = vector.extract_strided_slice %get3A_456 {offsets = [2], sizes = [1], strides = [1]} : vector<16xf32> to vector<1xf32>
            %squeeze3A_507 = vector.extract %slice3A_506[0] : f32 from vector<1xf32>
            %mul3A_508 = vector.broadcast %squeeze3A_507 : f32 to vector<16xf32>
            %mul3A_509 = arith.mulf %mul3A_508, %get3A_467 : vector<16xf32>
            %add3A_510 = arith.addf %scan3A_443, %mul3A_509 : vector<16xf32>
            %mul3A_511 = vector.broadcast %squeeze3A_507 : f32 to vector<16xf32>
            %mul3A_512 = arith.mulf %mul3A_511, %get3A_471 : vector<16xf32>
            %add3A_513 = arith.addf %scan3A_444, %mul3A_512 : vector<16xf32>
            %mul3A_514 = vector.broadcast %squeeze3A_507 : f32 to vector<16xf32>
            %mul3A_515 = arith.mulf %mul3A_514, %get3A_475 : vector<16xf32>
            %add3A_516 = arith.addf %scan3A_445, %mul3A_515 : vector<16xf32>
            %mul3A_517 = vector.broadcast %squeeze3A_507 : f32 to vector<16xf32>
            %mul3A_518 = arith.mulf %mul3A_517, %get3A_479 : vector<16xf32>
            %add3A_519 = arith.addf %scan3A_446, %mul3A_518 : vector<16xf32>
            %slice3A_520 = vector.extract_strided_slice %get3A_456 {offsets = [3], sizes = [1], strides = [1]} : vector<16xf32> to vector<1xf32>
            %squeeze3A_521 = vector.extract %slice3A_520[0] : f32 from vector<1xf32>
            %mul3A_522 = vector.broadcast %squeeze3A_521 : f32 to vector<16xf32>
            %mul3A_523 = arith.mulf %mul3A_522, %get3A_467 : vector<16xf32>
            %add3A_524 = arith.addf %scan3A_447, %mul3A_523 : vector<16xf32>
            %mul3A_525 = vector.broadcast %squeeze3A_521 : f32 to vector<16xf32>
            %mul3A_526 = arith.mulf %mul3A_525, %get3A_471 : vector<16xf32>
            %add3A_527 = arith.addf %scan3A_448, %mul3A_526 : vector<16xf32>
            %mul3A_528 = vector.broadcast %squeeze3A_521 : f32 to vector<16xf32>
            %mul3A_529 = arith.mulf %mul3A_528, %get3A_475 : vector<16xf32>
            %add3A_530 = arith.addf %scan3A_449, %mul3A_529 : vector<16xf32>
            %mul3A_531 = vector.broadcast %squeeze3A_521 : f32 to vector<16xf32>
            %mul3A_532 = arith.mulf %mul3A_531, %get3A_479 : vector<16xf32>
            %add3A_533 = arith.addf %scan3A_450, %mul3A_532 : vector<16xf32>
            %mul3A_534 = arith.constant 32 : i32
            %mul3A_535 = arith.muli %scan3A_194, %mul3A_534 : i32
            %mul3A_536 = arith.constant 4 : i32
            %mul3A_537 = arith.muli %scan3A_434, %mul3A_536 : i32
            %add3A_538 = arith.addi %mul3A_535, %mul3A_537 : i32
            %add3A_539 = arith.constant 1 : i32
            %add3A_540 = arith.addi %add3A_538, %add3A_539 : i32
            %get3A_541 = arith.index_cast %add3A_540 : i32 to index
            %get3A_542 = arith.constant 0 : index
            %get3A_543 = tpu.vector_load %arg11[%get3A_541, %get3A_542] {strides = array<i32>} : memref<64x128xf32, #tpu.memory_space<vmem>>, vector<1x16xf32>,
            %get3A_544 = vector.shape_cast %get3A_543 : vector<1x16xf32> to vector<16xf32>
            %get3A_545 = arith.index_cast %add3A_540 : i32 to index
            %get3A_546 = arith.constant 16 : index
            %get3A_547 = tpu.vector_load %arg11[%get3A_545, %get3A_546] {strides = array<i32>} : memref<64x128xf32, #tpu.memory_space<vmem>>, vector<1x16xf32>,
            %get3A_548 = vector.shape_cast %get3A_547 : vector<1x16xf32> to vector<16xf32>
            %get3A_549 = arith.index_cast %add3A_540 : i32 to index
            %get3A_550 = arith.constant 32 : index
            %get3A_551 = tpu.vector_load %arg11[%get3A_549, %get3A_550] {strides = array<i32>} : memref<64x128xf32, #tpu.memory_space<vmem>>, vector<1x16xf32>,
            %get3A_552 = vector.shape_cast %get3A_551 : vector<1x16xf32> to vector<16xf32>
            %get3A_553 = arith.index_cast %add3A_540 : i32 to index
            %get3A_554 = arith.constant 48 : index
            %get3A_555 = tpu.vector_load %arg11[%get3A_553, %get3A_554] {strides = array<i32>} : memref<64x128xf32, #tpu.memory_space<vmem>>, vector<1x16xf32>,
            %get3A_556 = vector.shape_cast %get3A_555 : vector<1x16xf32> to vector<16xf32>
            %slice3A_557 = vector.extract_strided_slice %get3A_456 {offsets = [4], sizes = [1], strides = [1]} : vector<16xf32> to vector<1xf32>
            %squeeze3A_558 = vector.extract %slice3A_557[0] : f32 from vector<1xf32>
            %mul3A_559 = vector.broadcast %squeeze3A_558 : f32 to vector<16xf32>
            %mul3A_560 = arith.mulf %mul3A_559, %get3A_544 : vector<16xf32>
            %add3A_561 = arith.addf %add3A_482, %mul3A_560 : vector<16xf32>
            %mul3A_562 = vector.broadcast %squeeze3A_558 : f32 to vector<16xf32>
            %mul3A_563 = arith.mulf %mul3A_562, %get3A_548 : vector<16xf32>
            %add3A_564 = arith.addf %add3A_485, %mul3A_563 : vector<16xf32>
            %mul3A_565 = vector.broadcast %squeeze3A_558 : f32 to vector<16xf32>
            %mul3A_566 = arith.mulf %mul3A_565, %get3A_552 : vector<16xf32>
            %add3A_567 = arith.addf %add3A_488, %mul3A_566 : vector<16xf32>
            %mul3A_568 = vector.broadcast %squeeze3A_558 : f32 to vector<16xf32>
            %mul3A_569 = arith.mulf %mul3A_568, %get3A_556 : vector<16xf32>
            %add3A_570 = arith.addf %add3A_491, %mul3A_569 : vector<16xf32>
            %slice3A_571 = vector.extract_strided_slice %get3A_456 {offsets = [5], sizes = [1], strides = [1]} : vector<16xf32> to vector<1xf32>
            %squeeze3A_572 = vector.extract %slice3A_571[0] : f32 from vector<1xf32>
            %mul3A_573 = vector.broadcast %squeeze3A_572 : f32 to vector<16xf32>
            %mul3A_574 = arith.mulf %mul3A_573, %get3A_544 : vector<16xf32>
            %add3A_575 = arith.addf %add3A_496, %mul3A_574 : vector<16xf32>
            %mul3A_576 = vector.broadcast %squeeze3A_572 : f32 to vector<16xf32>
            %mul3A_577 = arith.mulf %mul3A_576, %get3A_548 : vector<16xf32>
            %add3A_578 = arith.addf %add3A_499, %mul3A_577 : vector<16xf32>
            %mul3A_579 = vector.broadcast %squeeze3A_572 : f32 to vector<16xf32>
            %mul3A_580 = arith.mulf %mul3A_579, %get3A_552 : vector<16xf32>
            %add3A_581 = arith.addf %add3A_502, %mul3A_580 : vector<16xf32>
            %mul3A_582 = vector.broadcast %squeeze3A_572 : f32 to vector<16xf32>
            %mul3A_583 = arith.mulf %mul3A_582, %get3A_556 : vector<16xf32>
            %add3A_584 = arith.addf %add3A_505, %mul3A_583 : vector<16xf32>
            %slice3A_585 = vector.extract_strided_slice %get3A_456 {offsets = [6], sizes = [1], strides = [1]} : vector<16xf32> to vector<1xf32>
            %squeeze3A_586 = vector.extract %slice3A_585[0] : f32 from vector<1xf32>
            %mul3A_587 = vector.broadcast %squeeze3A_586 : f32 to vector<16xf32>
            %mul3A_588 = arith.mulf %mul3A_587, %get3A_544 : vector<16xf32>
            %add3A_589 = arith.addf %add3A_510, %mul3A_588 : vector<16xf32>
            %mul3A_590 = vector.broadcast %squeeze3A_586 : f32 to vector<16xf32>
            %mul3A_591 = arith.mulf %mul3A_590, %get3A_548 : vector<16xf32>
            %add3A_592 = arith.addf %add3A_513, %mul3A_591 : vector<16xf32>
            %mul3A_593 = vector.broadcast %squeeze3A_586 : f32 to vector<16xf32>
            %mul3A_594 = arith.mulf %mul3A_593, %get3A_552 : vector<16xf32>
            %add3A_595 = arith.addf %add3A_516, %mul3A_594 : vector<16xf32>
            %mul3A_596 = vector.broadcast %squeeze3A_586 : f32 to vector<16xf32>
            %mul3A_597 = arith.mulf %mul3A_596, %get3A_556 : vector<16xf32>
            %add3A_598 = arith.addf %add3A_519, %mul3A_597 : vector<16xf32>
            %slice3A_599 = vector.extract_strided_slice %get3A_456 {offsets = [7], sizes = [1], strides = [1]} : vector<16xf32> to vector<1xf32>
            %squeeze3A_600 = vector.extract %slice3A_599[0] : f32 from vector<1xf32>
            %mul3A_601 = vector.broadcast %squeeze3A_600 : f32 to vector<16xf32>
            %mul3A_602 = arith.mulf %mul3A_601, %get3A_544 : vector<16xf32>
            %add3A_603 = arith.addf %add3A_524, %mul3A_602 : vector<16xf32>
            %mul3A_604 = vector.broadcast %squeeze3A_600 : f32 to vector<16xf32>
            %mul3A_605 = arith.mulf %mul3A_604, %get3A_548 : vector<16xf32>
            %add3A_606 = arith.addf %add3A_527, %mul3A_605 : vector<16xf32>
            %mul3A_607 = vector.broadcast %squeeze3A_600 : f32 to vector<16xf32>
            %mul3A_608 = arith.mulf %mul3A_607, %get3A_552 : vector<16xf32>
            %add3A_609 = arith.addf %add3A_530, %mul3A_608 : vector<16xf32>
            %mul3A_610 = vector.broadcast %squeeze3A_600 : f32 to vector<16xf32>
            %mul3A_611 = arith.mulf %mul3A_610, %get3A_556 : vector<16xf32>
            %add3A_612 = arith.addf %add3A_533, %mul3A_611 : vector<16xf32>
            %mul3A_613 = arith.constant 32 : i32
            %mul3A_614 = arith.muli %scan3A_194, %mul3A_613 : i32
            %mul3A_615 = arith.constant 4 : i32
            %mul3A_616 = arith.muli %scan3A_434, %mul3A_615 : i32
            %add3A_617 = arith.addi %mul3A_614, %mul3A_616 : i32
            %add3A_618 = arith.constant 2 : i32
            %add3A_619 = arith.addi %add3A_617, %add3A_618 : i32
            %get3A_620 = arith.index_cast %add3A_619 : i32 to index
            %get3A_621 = arith.constant 0 : index
            %get3A_622 = tpu.vector_load %arg11[%get3A_620, %get3A_621] {strides = array<i32>} : memref<64x128xf32, #tpu.memory_space<vmem>>, vector<1x16xf32>,
            %get3A_623 = vector.shape_cast %get3A_622 : vector<1x16xf32> to vector<16xf32>
            %get3A_624 = arith.index_cast %add3A_619 : i32 to index
            %get3A_625 = arith.constant 16 : index
            %get3A_626 = tpu.vector_load %arg11[%get3A_624, %get3A_625] {strides = array<i32>} : memref<64x128xf32, #tpu.memory_space<vmem>>, vector<1x16xf32>,
            %get3A_627 = vector.shape_cast %get3A_626 : vector<1x16xf32> to vector<16xf32>
            %get3A_628 = arith.index_cast %add3A_619 : i32 to index
            %get3A_629 = arith.constant 32 : index
            %get3A_630 = tpu.vector_load %arg11[%get3A_628, %get3A_629] {strides = array<i32>} : memref<64x128xf32, #tpu.memory_space<vmem>>, vector<1x16xf32>,
            %get3A_631 = vector.shape_cast %get3A_630 : vector<1x16xf32> to vector<16xf32>
            %get3A_632 = arith.index_cast %add3A_619 : i32 to index
            %get3A_633 = arith.constant 48 : index
            %get3A_634 = tpu.vector_load %arg11[%get3A_632, %get3A_633] {strides = array<i32>} : memref<64x128xf32, #tpu.memory_space<vmem>>, vector<1x16xf32>,
            %get3A_635 = vector.shape_cast %get3A_634 : vector<1x16xf32> to vector<16xf32>
            %slice3A_636 = vector.extract_strided_slice %get3A_456 {offsets = [8], sizes = [1], strides = [1]} : vector<16xf32> to vector<1xf32>
            %squeeze3A_637 = vector.extract %slice3A_636[0] : f32 from vector<1xf32>
            %mul3A_638 = vector.broadcast %squeeze3A_637 : f32 to vector<16xf32>
            %mul3A_639 = arith.mulf %mul3A_638, %get3A_623 : vector<16xf32>
            %add3A_640 = arith.addf %add3A_561, %mul3A_639 : vector<16xf32>
            %mul3A_641 = vector.broadcast %squeeze3A_637 : f32 to vector<16xf32>
            %mul3A_642 = arith.mulf %mul3A_641, %get3A_627 : vector<16xf32>
            %add3A_643 = arith.addf %add3A_564, %mul3A_642 : vector<16xf32>
            %mul3A_644 = vector.broadcast %squeeze3A_637 : f32 to vector<16xf32>
            %mul3A_645 = arith.mulf %mul3A_644, %get3A_631 : vector<16xf32>
            %add3A_646 = arith.addf %add3A_567, %mul3A_645 : vector<16xf32>
            %mul3A_647 = vector.broadcast %squeeze3A_637 : f32 to vector<16xf32>
            %mul3A_648 = arith.mulf %mul3A_647, %get3A_635 : vector<16xf32>
            %add3A_649 = arith.addf %add3A_570, %mul3A_648 : vector<16xf32>
            %slice3A_650 = vector.extract_strided_slice %get3A_456 {offsets = [9], sizes = [1], strides = [1]} : vector<16xf32> to vector<1xf32>
            %squeeze3A_651 = vector.extract %slice3A_650[0] : f32 from vector<1xf32>
            %mul3A_652 = vector.broadcast %squeeze3A_651 : f32 to vector<16xf32>
            %mul3A_653 = arith.mulf %mul3A_652, %get3A_623 : vector<16xf32>
            %add3A_654 = arith.addf %add3A_575, %mul3A_653 : vector<16xf32>
            %mul3A_655 = vector.broadcast %squeeze3A_651 : f32 to vector<16xf32>
            %mul3A_656 = arith.mulf %mul3A_655, %get3A_627 : vector<16xf32>
            %add3A_657 = arith.addf %add3A_578, %mul3A_656 : vector<16xf32>
            %mul3A_658 = vector.broadcast %squeeze3A_651 : f32 to vector<16xf32>
            %mul3A_659 = arith.mulf %mul3A_658, %get3A_631 : vector<16xf32>
            %add3A_660 = arith.addf %add3A_581, %mul3A_659 : vector<16xf32>
            %mul3A_661 = vector.broadcast %squeeze3A_651 : f32 to vector<16xf32>
            %mul3A_662 = arith.mulf %mul3A_661, %get3A_635 : vector<16xf32>
            %add3A_663 = arith.addf %add3A_584, %mul3A_662 : vector<16xf32>
            %slice3A_664 = vector.extract_strided_slice %get3A_456 {offsets = [10], sizes = [1], strides = [1]} : vector<16xf32> to vector<1xf32>
            %squeeze3A_665 = vector.extract %slice3A_664[0] : f32 from vector<1xf32>
            %mul3A_666 = vector.broadcast %squeeze3A_665 : f32 to vector<16xf32>
            %mul3A_667 = arith.mulf %mul3A_666, %get3A_623 : vector<16xf32>
            %add3A_668 = arith.addf %add3A_589, %mul3A_667 : vector<16xf32>
            %mul3A_669 = vector.broadcast %squeeze3A_665 : f32 to vector<16xf32>
            %mul3A_670 = arith.mulf %mul3A_669, %get3A_627 : vector<16xf32>
            %add3A_671 = arith.addf %add3A_592, %mul3A_670 : vector<16xf32>
            %mul3A_672 = vector.broadcast %squeeze3A_665 : f32 to vector<16xf32>
            %mul3A_673 = arith.mulf %mul3A_672, %get3A_631 : vector<16xf32>
            %add3A_674 = arith.addf %add3A_595, %mul3A_673 : vector<16xf32>
            %mul3A_675 = vector.broadcast %squeeze3A_665 : f32 to vector<16xf32>
            %mul3A_676 = arith.mulf %mul3A_675, %get3A_635 : vector<16xf32>
            %add3A_677 = arith.addf %add3A_598, %mul3A_676 : vector<16xf32>
            %slice3A_678 = vector.extract_strided_slice %get3A_456 {offsets = [11], sizes = [1], strides = [1]} : vector<16xf32> to vector<1xf32>
            %squeeze3A_679 = vector.extract %slice3A_678[0] : f32 from vector<1xf32>
            %mul3A_680 = vector.broadcast %squeeze3A_679 : f32 to vector<16xf32>
            %mul3A_681 = arith.mulf %mul3A_680, %get3A_623 : vector<16xf32>
            %add3A_682 = arith.addf %add3A_603, %mul3A_681 : vector<16xf32>
            %mul3A_683 = vector.broadcast %squeeze3A_679 : f32 to vector<16xf32>
            %mul3A_684 = arith.mulf %mul3A_683, %get3A_627 : vector<16xf32>
            %add3A_685 = arith.addf %add3A_606, %mul3A_684 : vector<16xf32>
            %mul3A_686 = vector.broadcast %squeeze3A_679 : f32 to vector<16xf32>
            %mul3A_687 = arith.mulf %mul3A_686, %get3A_631 : vector<16xf32>
            %add3A_688 = arith.addf %add3A_609, %mul3A_687 : vector<16xf32>
            %mul3A_689 = vector.broadcast %squeeze3A_679 : f32 to vector<16xf32>
            %mul3A_690 = arith.mulf %mul3A_689, %get3A_635 : vector<16xf32>
            %add3A_691 = arith.addf %add3A_612, %mul3A_690 : vector<16xf32>
            %mul3A_692 = arith.constant 32 : i32
            %mul3A_693 = arith.muli %scan3A_194, %mul3A_692 : i32
            %mul3A_694 = arith.constant 4 : i32
            %mul3A_695 = arith.muli %scan3A_434, %mul3A_694 : i32
            %add3A_696 = arith.addi %mul3A_693, %mul3A_695 : i32
            %add3A_697 = arith.constant 3 : i32
            %add3A_698 = arith.addi %add3A_696, %add3A_697 : i32
            %get3A_699 = arith.index_cast %add3A_698 : i32 to index
            %get3A_700 = arith.constant 0 : index
            %get3A_701 = tpu.vector_load %arg11[%get3A_699, %get3A_700] {strides = array<i32>} : memref<64x128xf32, #tpu.memory_space<vmem>>, vector<1x16xf32>,
            %get3A_702 = vector.shape_cast %get3A_701 : vector<1x16xf32> to vector<16xf32>
            %get3A_703 = arith.index_cast %add3A_698 : i32 to index
            %get3A_704 = arith.constant 16 : index
            %get3A_705 = tpu.vector_load %arg11[%get3A_703, %get3A_704] {strides = array<i32>} : memref<64x128xf32, #tpu.memory_space<vmem>>, vector<1x16xf32>,
            %get3A_706 = vector.shape_cast %get3A_705 : vector<1x16xf32> to vector<16xf32>
            %get3A_707 = arith.index_cast %add3A_698 : i32 to index
            %get3A_708 = arith.constant 32 : index
            %get3A_709 = tpu.vector_load %arg11[%get3A_707, %get3A_708] {strides = array<i32>} : memref<64x128xf32, #tpu.memory_space<vmem>>, vector<1x16xf32>,
            %get3A_710 = vector.shape_cast %get3A_709 : vector<1x16xf32> to vector<16xf32>
            %get3A_711 = arith.index_cast %add3A_698 : i32 to index
            %get3A_712 = arith.constant 48 : index
            %get3A_713 = tpu.vector_load %arg11[%get3A_711, %get3A_712] {strides = array<i32>} : memref<64x128xf32, #tpu.memory_space<vmem>>, vector<1x16xf32>,
            %get3A_714 = vector.shape_cast %get3A_713 : vector<1x16xf32> to vector<16xf32>
            %slice3A_715 = vector.extract_strided_slice %get3A_456 {offsets = [12], sizes = [1], strides = [1]} : vector<16xf32> to vector<1xf32>
            %squeeze3A_716 = vector.extract %slice3A_715[0] : f32 from vector<1xf32>
            %mul3A_717 = vector.broadcast %squeeze3A_716 : f32 to vector<16xf32>
            %mul3A_718 = arith.mulf %mul3A_717, %get3A_702 : vector<16xf32>
            %add3A_719 = arith.addf %add3A_640, %mul3A_718 : vector<16xf32>
            %mul3A_720 = vector.broadcast %squeeze3A_716 : f32 to vector<16xf32>
            %mul3A_721 = arith.mulf %mul3A_720, %get3A_706 : vector<16xf32>
            %add3A_722 = arith.addf %add3A_643, %mul3A_721 : vector<16xf32>
            %mul3A_723 = vector.broadcast %squeeze3A_716 : f32 to vector<16xf32>
            %mul3A_724 = arith.mulf %mul3A_723, %get3A_710 : vector<16xf32>
            %add3A_725 = arith.addf %add3A_646, %mul3A_724 : vector<16xf32>
            %mul3A_726 = vector.broadcast %squeeze3A_716 : f32 to vector<16xf32>
            %mul3A_727 = arith.mulf %mul3A_726, %get3A_714 : vector<16xf32>
            %add3A_728 = arith.addf %add3A_649, %mul3A_727 : vector<16xf32>
            %slice3A_729 = vector.extract_strided_slice %get3A_456 {offsets = [13], sizes = [1], strides = [1]} : vector<16xf32> to vector<1xf32>
            %squeeze3A_730 = vector.extract %slice3A_729[0] : f32 from vector<1xf32>
            %mul3A_731 = vector.broadcast %squeeze3A_730 : f32 to vector<16xf32>
            %mul3A_732 = arith.mulf %mul3A_731, %get3A_702 : vector<16xf32>
            %add3A_733 = arith.addf %add3A_654, %mul3A_732 : vector<16xf32>
            %mul3A_734 = vector.broadcast %squeeze3A_730 : f32 to vector<16xf32>
            %mul3A_735 = arith.mulf %mul3A_734, %get3A_706 : vector<16xf32>
            %add3A_736 = arith.addf %add3A_657, %mul3A_735 : vector<16xf32>
            %mul3A_737 = vector.broadcast %squeeze3A_730 : f32 to vector<16xf32>
            %mul3A_738 = arith.mulf %mul3A_737, %get3A_710 : vector<16xf32>
            %add3A_739 = arith.addf %add3A_660, %mul3A_738 : vector<16xf32>
            %mul3A_740 = vector.broadcast %squeeze3A_730 : f32 to vector<16xf32>
            %mul3A_741 = arith.mulf %mul3A_740, %get3A_714 : vector<16xf32>
            %add3A_742 = arith.addf %add3A_663, %mul3A_741 : vector<16xf32>
            %slice3A_743 = vector.extract_strided_slice %get3A_456 {offsets = [14], sizes = [1], strides = [1]} : vector<16xf32> to vector<1xf32>
            %squeeze3A_744 = vector.extract %slice3A_743[0] : f32 from vector<1xf32>
            %mul3A_745 = vector.broadcast %squeeze3A_744 : f32 to vector<16xf32>
            %mul3A_746 = arith.mulf %mul3A_745, %get3A_702 : vector<16xf32>
            %add3A_747 = arith.addf %add3A_668, %mul3A_746 : vector<16xf32>
            %mul3A_748 = vector.broadcast %squeeze3A_744 : f32 to vector<16xf32>
            %mul3A_749 = arith.mulf %mul3A_748, %get3A_706 : vector<16xf32>
            %add3A_750 = arith.addf %add3A_671, %mul3A_749 : vector<16xf32>
            %mul3A_751 = vector.broadcast %squeeze3A_744 : f32 to vector<16xf32>
            %mul3A_752 = arith.mulf %mul3A_751, %get3A_710 : vector<16xf32>
            %add3A_753 = arith.addf %add3A_674, %mul3A_752 : vector<16xf32>
            %mul3A_754 = vector.broadcast %squeeze3A_744 : f32 to vector<16xf32>
            %mul3A_755 = arith.mulf %mul3A_754, %get3A_714 : vector<16xf32>
            %add3A_756 = arith.addf %add3A_677, %mul3A_755 : vector<16xf32>
            %slice3A_757 = vector.extract_strided_slice %get3A_456 {offsets = [15], sizes = [1], strides = [1]} : vector<16xf32> to vector<1xf32>
            %squeeze3A_758 = vector.extract %slice3A_757[0] : f32 from vector<1xf32>
            %mul3A_759 = vector.broadcast %squeeze3A_758 : f32 to vector<16xf32>
            %mul3A_760 = arith.mulf %mul3A_759, %get3A_702 : vector<16xf32>
            %add3A_761 = arith.addf %add3A_682, %mul3A_760 : vector<16xf32>
            %mul3A_762 = vector.broadcast %squeeze3A_758 : f32 to vector<16xf32>
            %mul3A_763 = arith.mulf %mul3A_762, %get3A_706 : vector<16xf32>
            %add3A_764 = arith.addf %add3A_685, %mul3A_763 : vector<16xf32>
            %mul3A_765 = vector.broadcast %squeeze3A_758 : f32 to vector<16xf32>
            %mul3A_766 = arith.mulf %mul3A_765, %get3A_710 : vector<16xf32>
            %add3A_767 = arith.addf %add3A_688, %mul3A_766 : vector<16xf32>
            %mul3A_768 = vector.broadcast %squeeze3A_758 : f32 to vector<16xf32>
            %mul3A_769 = arith.mulf %mul3A_768, %get3A_714 : vector<16xf32>
            %add3A_770 = arith.addf %add3A_691, %mul3A_769 : vector<16xf32>
            scf.yield %add3A_719, %add3A_722, %add3A_725, %add3A_728, %add3A_733, %add3A_736, %add3A_739, %add3A_742, %add3A_747, %add3A_750, %add3A_753, %add3A_756, %add3A_761, %add3A_764, %add3A_767, %add3A_770 : vector<16xf32>, vector<16xf32>, vector<16xf32>, vector<16xf32>, vector<16xf32>, vector<16xf32>, vector<16xf32>, vector<16xf32>, vector<16xf32>, vector<16xf32>, vector<16xf32>, vector<16xf32>, vector<16xf32>, vector<16xf32>, vector<16xf32>, vector<16xf32>
          }
          %scan3A_235 = arith.constant 8 : i32
          %swap3A = arith.index_cast %scan3A_194 : i32 to index
          %swap3A_236 = arith.constant 0 : index
          %swap3A_237 = tpu.vector_load %arg13[%swap3A, %swap3A_236] {strides = array<i32>} : memref<2x512xf32, #tpu.memory_space<vmem>>, vector<1x16xf32>,
          %swap3A_238 = vector.shape_cast %swap3A_237 : vector<1x16xf32> to vector<16xf32>
          %swap3A_239 = vector.shape_cast %scan3A_234#0 : vector<16xf32> to vector<1x16xf32>
          tpu.vector_store %arg13[%swap3A, %swap3A_236], %swap3A_239 {strides = array<i32>} : memref<2x512xf32, #tpu.memory_space<vmem>>, vector<1x16xf32>,
          %swap3A_240 = arith.index_cast %scan3A_194 : i32 to index
          %swap3A_241 = arith.constant 16 : index
          %swap3A_242 = tpu.vector_load %arg13[%swap3A_240, %swap3A_241] {strides = array<i32>} : memref<2x512xf32, #tpu.memory_space<vmem>>, vector<1x16xf32>,
          %swap3A_243 = vector.shape_cast %swap3A_242 : vector<1x16xf32> to vector<16xf32>
          %swap3A_244 = vector.shape_cast %scan3A_234#1 : vector<16xf32> to vector<1x16xf32>
          tpu.vector_store %arg13[%swap3A_240, %swap3A_241], %swap3A_244 {strides = array<i32>} : memref<2x512xf32, #tpu.memory_space<vmem>>, vector<1x16xf32>,
          %swap3A_245 = arith.index_cast %scan3A_194 : i32 to index
          %swap3A_246 = arith.constant 32 : index
          %swap3A_247 = tpu.vector_load %arg13[%swap3A_245, %swap3A_246] {strides = array<i32>} : memref<2x512xf32, #tpu.memory_space<vmem>>, vector<1x16xf32>,
          %swap3A_248 = vector.shape_cast %swap3A_247 : vector<1x16xf32> to vector<16xf32>
          %swap3A_249 = vector.shape_cast %scan3A_234#2 : vector<16xf32> to vector<1x16xf32>
          tpu.vector_store %arg13[%swap3A_245, %swap3A_246], %swap3A_249 {strides = array<i32>} : memref<2x512xf32, #tpu.memory_space<vmem>>, vector<1x16xf32>,
          %swap3A_250 = arith.index_cast %scan3A_194 : i32 to index
          %swap3A_251 = arith.constant 48 : index
          %swap3A_252 = tpu.vector_load %arg13[%swap3A_250, %swap3A_251] {strides = array<i32>} : memref<2x512xf32, #tpu.memory_space<vmem>>, vector<1x16xf32>,
          %swap3A_253 = vector.shape_cast %swap3A_252 : vector<1x16xf32> to vector<16xf32>
          %swap3A_254 = vector.shape_cast %scan3A_234#3 : vector<16xf32> to vector<1x16xf32>
          tpu.vector_store %arg13[%swap3A_250, %swap3A_251], %swap3A_254 {strides = array<i32>} : memref<2x512xf32, #tpu.memory_space<vmem>>, vector<1x16xf32>,
          %swap3A_255 = arith.index_cast %scan3A_194 : i32 to index
          %swap3A_256 = arith.constant 128 : index
          %swap3A_257 = tpu.vector_load %arg13[%swap3A_255, %swap3A_256] {strides = array<i32>} : memref<2x512xf32, #tpu.memory_space<vmem>>, vector<1x16xf32>,
          %swap3A_258 = vector.shape_cast %swap3A_257 : vector<1x16xf32> to vector<16xf32>
          %swap3A_259 = vector.shape_cast %scan3A_234#4 : vector<16xf32> to vector<1x16xf32>
          tpu.vector_store %arg13[%swap3A_255, %swap3A_256], %swap3A_259 {strides = array<i32>} : memref<2x512xf32, #tpu.memory_space<vmem>>, vector<1x16xf32>,
          %swap3A_260 = arith.index_cast %scan3A_194 : i32 to index
          %swap3A_261 = arith.constant 144 : index
          %swap3A_262 = tpu.vector_load %arg13[%swap3A_260, %swap3A_261] {strides = array<i32>} : memref<2x512xf32, #tpu.memory_space<vmem>>, vector<1x16xf32>,
          %swap3A_263 = vector.shape_cast %swap3A_262 : vector<1x16xf32> to vector<16xf32>
          %swap3A_264 = vector.shape_cast %scan3A_234#5 : vector<16xf32> to vector<1x16xf32>
          tpu.vector_store %arg13[%swap3A_260, %swap3A_261], %swap3A_264 {strides = array<i32>} : memref<2x512xf32, #tpu.memory_space<vmem>>, vector<1x16xf32>,
          %swap3A_265 = arith.index_cast %scan3A_194 : i32 to index
          %swap3A_266 = arith.constant 160 : index
          %swap3A_267 = tpu.vector_load %arg13[%swap3A_265, %swap3A_266] {strides = array<i32>} : memref<2x512xf32, #tpu.memory_space<vmem>>, vector<1x16xf32>,
          %swap3A_268 = vector.shape_cast %swap3A_267 : vector<1x16xf32> to vector<16xf32>
          %swap3A_269 = vector.shape_cast %scan3A_234#6 : vector<16xf32> to vector<1x16xf32>
          tpu.vector_store %arg13[%swap3A_265, %swap3A_266], %swap3A_269 {strides = array<i32>} : memref<2x512xf32, #tpu.memory_space<vmem>>, vector<1x16xf32>,
          %swap3A_270 = arith.index_cast %scan3A_194 : i32 to index
          %swap3A_271 = arith.constant 176 : index
          %swap3A_272 = tpu.vector_load %arg13[%swap3A_270, %swap3A_271] {strides = array<i32>} : memref<2x512xf32, #tpu.memory_space<vmem>>, vector<1x16xf32>,
          %swap3A_273 = vector.shape_cast %swap3A_272 : vector<1x16xf32> to vector<16xf32>
          %swap3A_274 = vector.shape_cast %scan3A_234#7 : vector<16xf32> to vector<1x16xf32>
          tpu.vector_store %arg13[%swap3A_270, %swap3A_271], %swap3A_274 {strides = array<i32>} : memref<2x512xf32, #tpu.memory_space<vmem>>, vector<1x16xf32>,
          %swap3A_275 = arith.index_cast %scan3A_194 : i32 to index
          %swap3A_276 = arith.constant 256 : index
          %swap3A_277 = tpu.vector_load %arg13[%swap3A_275, %swap3A_276] {strides = array<i32>} : memref<2x512xf32, #tpu.memory_space<vmem>>, vector<1x16xf32>,
          %swap3A_278 = vector.shape_cast %swap3A_277 : vector<1x16xf32> to vector<16xf32>
          %swap3A_279 = vector.shape_cast %scan3A_234#8 : vector<16xf32> to vector<1x16xf32>
          tpu.vector_store %arg13[%swap3A_275, %swap3A_276], %swap3A_279 {strides = array<i32>} : memref<2x512xf32, #tpu.memory_space<vmem>>, vector<1x16xf32>,
          %swap3A_280 = arith.index_cast %scan3A_194 : i32 to index
          %swap3A_281 = arith.constant 272 : index
          %swap3A_282 = tpu.vector_load %arg13[%swap3A_280, %swap3A_281] {strides = array<i32>} : memref<2x512xf32, #tpu.memory_space<vmem>>, vector<1x16xf32>,
          %swap3A_283 = vector.shape_cast %swap3A_282 : vector<1x16xf32> to vector<16xf32>
          %swap3A_284 = vector.shape_cast %scan3A_234#9 : vector<16xf32> to vector<1x16xf32>
          tpu.vector_store %arg13[%swap3A_280, %swap3A_281], %swap3A_284 {strides = array<i32>} : memref<2x512xf32, #tpu.memory_space<vmem>>, vector<1x16xf32>,
          %swap3A_285 = arith.index_cast %scan3A_194 : i32 to index
          %swap3A_286 = arith.constant 288 : index
          %swap3A_287 = tpu.vector_load %arg13[%swap3A_285, %swap3A_286] {strides = array<i32>} : memref<2x512xf32, #tpu.memory_space<vmem>>, vector<1x16xf32>,
          %swap3A_288 = vector.shape_cast %swap3A_287 : vector<1x16xf32> to vector<16xf32>
          %swap3A_289 = vector.shape_cast %scan3A_234#10 : vector<16xf32> to vector<1x16xf32>
          tpu.vector_store %arg13[%swap3A_285, %swap3A_286], %swap3A_289 {strides = array<i32>} : memref<2x512xf32, #tpu.memory_space<vmem>>, vector<1x16xf32>,
          %swap3A_290 = arith.index_cast %scan3A_194 : i32 to index
          %swap3A_291 = arith.constant 304 : index
          %swap3A_292 = tpu.vector_load %arg13[%swap3A_290, %swap3A_291] {strides = array<i32>} : memref<2x512xf32, #tpu.memory_space<vmem>>, vector<1x16xf32>,
          %swap3A_293 = vector.shape_cast %swap3A_292 : vector<1x16xf32> to vector<16xf32>
          %swap3A_294 = vector.shape_cast %scan3A_234#11 : vector<16xf32> to vector<1x16xf32>
          tpu.vector_store %arg13[%swap3A_290, %swap3A_291], %swap3A_294 {strides = array<i32>} : memref<2x512xf32, #tpu.memory_space<vmem>>, vector<1x16xf32>,
          %swap3A_295 = arith.index_cast %scan3A_194 : i32 to index
          %swap3A_296 = arith.constant 384 : index
          %swap3A_297 = tpu.vector_load %arg13[%swap3A_295, %swap3A_296] {strides = array<i32>} : memref<2x512xf32, #tpu.memory_space<vmem>>, vector<1x16xf32>,
          %swap3A_298 = vector.shape_cast %swap3A_297 : vector<1x16xf32> to vector<16xf32>
          %swap3A_299 = vector.shape_cast %scan3A_234#12 : vector<16xf32> to vector<1x16xf32>
          tpu.vector_store %arg13[%swap3A_295, %swap3A_296], %swap3A_299 {strides = array<i32>} : memref<2x512xf32, #tpu.memory_space<vmem>>, vector<1x16xf32>,
          %swap3A_300 = arith.index_cast %scan3A_194 : i32 to index
          %swap3A_301 = arith.constant 400 : index
          %swap3A_302 = tpu.vector_load %arg13[%swap3A_300, %swap3A_301] {strides = array<i32>} : memref<2x512xf32, #tpu.memory_space<vmem>>, vector<1x16xf32>,
          %swap3A_303 = vector.shape_cast %swap3A_302 : vector<1x16xf32> to vector<16xf32>
          %swap3A_304 = vector.shape_cast %scan3A_234#13 : vector<16xf32> to vector<1x16xf32>
          tpu.vector_store %arg13[%swap3A_300, %swap3A_301], %swap3A_304 {strides = array<i32>} : memref<2x512xf32, #tpu.memory_space<vmem>>, vector<1x16xf32>,
          %swap3A_305 = arith.index_cast %scan3A_194 : i32 to index
          %swap3A_306 = arith.constant 416 : index
          %swap3A_307 = tpu.vector_load %arg13[%swap3A_305, %swap3A_306] {strides = array<i32>} : memref<2x512xf32, #tpu.memory_space<vmem>>, vector<1x16xf32>,
          %swap3A_308 = vector.shape_cast %swap3A_307 : vector<1x16xf32> to vector<16xf32>
          %swap3A_309 = vector.shape_cast %scan3A_234#14 : vector<16xf32> to vector<1x16xf32>
          tpu.vector_store %arg13[%swap3A_305, %swap3A_306], %swap3A_309 {strides = array<i32>} : memref<2x512xf32, #tpu.memory_space<vmem>>, vector<1x16xf32>,
          %swap3A_310 = arith.index_cast %scan3A_194 : i32 to index
          %swap3A_311 = arith.constant 432 : index
          %swap3A_312 = tpu.vector_load %arg13[%swap3A_310, %swap3A_311] {strides = array<i32>} : memref<2x512xf32, #tpu.memory_space<vmem>>, vector<1x16xf32>,
          %swap3A_313 = vector.shape_cast %swap3A_312 : vector<1x16xf32> to vector<16xf32>
          %swap3A_314 = vector.shape_cast %scan3A_234#15 : vector<16xf32> to vector<1x16xf32>
          tpu.vector_store %arg13[%swap3A_310, %swap3A_311], %swap3A_314 {strides = array<i32>} : memref<2x512xf32, #tpu.memory_space<vmem>>, vector<1x16xf32>,
          %broadcast_in_dim3A_315 = arith.constant 0.000000e+00 : f32
          %broadcast_in_dim3A_316 = vector.broadcast %broadcast_in_dim3A_315 : f32 to vector<16xf32>
          %broadcast_in_dim3A_317 = arith.constant 0.000000e+00 : f32
          %broadcast_in_dim3A_318 = vector.broadcast %broadcast_in_dim3A_317 : f32 to vector<16xf32>
          %broadcast_in_dim3A_319 = arith.constant 0.000000e+00 : f32
          %broadcast_in_dim3A_320 = vector.broadcast %broadcast_in_dim3A_319 : f32 to vector<16xf32>
          %broadcast_in_dim3A_321 = arith.constant 0.000000e+00 : f32
          %broadcast_in_dim3A_322 = vector.broadcast %broadcast_in_dim3A_321 : f32 to vector<16xf32>
          %broadcast_in_dim3A_323 = arith.constant 0.000000e+00 : f32
          %broadcast_in_dim3A_324 = vector.broadcast %broadcast_in_dim3A_323 : f32 to vector<16xf32>
          %broadcast_in_dim3A_325 = arith.constant 0.000000e+00 : f32
          %broadcast_in_dim3A_326 = vector.broadcast %broadcast_in_dim3A_325 : f32 to vector<16xf32>
          %broadcast_in_dim3A_327 = arith.constant 0.000000e+00 : f32
          %broadcast_in_dim3A_328 = vector.broadcast %broadcast_in_dim3A_327 : f32 to vector<16xf32>
          %broadcast_in_dim3A_329 = arith.constant 0.000000e+00 : f32
          %broadcast_in_dim3A_330 = vector.broadcast %broadcast_in_dim3A_329 : f32 to vector<16xf32>
          %broadcast_in_dim3A_331 = arith.constant 0.000000e+00 : f32
          %broadcast_in_dim3A_332 = vector.broadcast %broadcast_in_dim3A_331 : f32 to vector<16xf32>
          %broadcast_in_dim3A_333 = arith.constant 0.000000e+00 : f32
          %broadcast_in_dim3A_334 = vector.broadcast %broadcast_in_dim3A_333 : f32 to vector<16xf32>
          %broadcast_in_dim3A_335 = arith.constant 0.000000e+00 : f32
          %broadcast_in_dim3A_336 = vector.broadcast %broadcast_in_dim3A_335 : f32 to vector<16xf32>
          %broadcast_in_dim3A_337 = arith.constant 0.000000e+00 : f32
          %broadcast_in_dim3A_338 = vector.broadcast %broadcast_in_dim3A_337 : f32 to vector<16xf32>
          %broadcast_in_dim3A_339 = arith.constant 0.000000e+00 : f32
          %broadcast_in_dim3A_340 = vector.broadcast %broadcast_in_dim3A_339 : f32 to vector<16xf32>
          %broadcast_in_dim3A_341 = arith.constant 0.000000e+00 : f32
          %broadcast_in_dim3A_342 = vector.broadcast %broadcast_in_dim3A_341 : f32 to vector<16xf32>
          %broadcast_in_dim3A_343 = arith.constant 0.000000e+00 : f32
          %broadcast_in_dim3A_344 = vector.broadcast %broadcast_in_dim3A_343 : f32 to vector<16xf32>
          %broadcast_in_dim3A_345 = arith.constant 0.000000e+00 : f32
          %broadcast_in_dim3A_346 = vector.broadcast %broadcast_in_dim3A_345 : f32 to vector<16xf32>
          %scan3A_347 = arith.constant 0 : i32
          %scan3A_348 = arith.constant 8 : i32
          %scan3A_349 = arith.addi %scan3A_347, %scan3A_348 : i32
          %scan3A_350 = arith.constant 1 : i32
          %scan3A_351:16 = scf.for %scan3A_434 = %scan3A_347 to %scan3A_349 step %scan3A_350 iter_args(%scan3A_435 = %broadcast_in_dim3A_316, %scan3A_436 = %broadcast_in_dim3A_318, %scan3A_437 = %broadcast_in_dim3A_320, %scan3A_438 = %broadcast_in_dim3A_322, %scan3A_439 = %broadcast_in_dim3A_324, %scan3A_440 = %broadcast_in_dim3A_326, %scan3A_441 = %broadcast_in_dim3A_328, %scan3A_442 = %broadcast_in_dim3A_330, %scan3A_443 = %broadcast_in_dim3A_332, %scan3A_444 = %broadcast_in_dim3A_334, %scan3A_445 = %broadcast_in_dim3A_336, %scan3A_446 = %broadcast_in_dim3A_338, %scan3A_447 = %broadcast_in_dim3A_340, %scan3A_448 = %broadcast_in_dim3A_342, %scan3A_449 = %broadcast_in_dim3A_344, %scan3A_450 = %broadcast_in_dim3A_346) -> (vector<16xf32>, vector<16xf32>, vector<16xf32>, vector<16xf32>, vector<16xf32>, vector<16xf32>, vector<16xf32>, vector<16xf32>, vector<16xf32>, vector<16xf32>, vector<16xf32>, vector<16xf32>, vector<16xf32>, vector<16xf32>, vector<16xf32>, vector<16xf32>)  : i32 {
            %mul3A_451 = arith.constant 16 : i32
            %mul3A_452 = arith.muli %scan3A_434, %mul3A_451 : i32
            %multiple_of3A_453 = tpu.assume_multiple %mul3A_452, 16 : i32
            %get3A = arith.index_cast %add3A_198 : i32 to index
            %get3A_454 = arith.index_cast %multiple_of3A_453 : i32 to index
            %get3A_455 = tpu.vector_load %arg8[%get3A, %get3A_454] {strides = array<i32>} : memref<32x128xf32, #tpu.memory_space<vmem>>, vector<1x16xf32>,
            %get3A_456 = vector.shape_cast %get3A_455 : vector<1x16xf32> to vector<16xf32>
            %mul3A_457 = arith.constant 32 : i32
            %mul3A_458 = arith.muli %scan3A_194, %mul3A_457 : i32
            %mul3A_459 = arith.constant 4 : i32
            %mul3A_460 = arith.muli %scan3A_434, %mul3A_459 : i32
            %add3A_461 = arith.addi %mul3A_458, %mul3A_460 : i32
            %add3A_462 = arith.constant 0 : i32
            %add3A_463 = arith.addi %add3A_461, %add3A_462 : i32
            %get3A_464 = arith.index_cast %add3A_463 : i32 to index
            %get3A_465 = arith.constant 64 : index
            %get3A_466 = tpu.vector_load %arg11[%get3A_464, %get3A_465] {strides = array<i32>} : memref<64x128xf32, #tpu.memory_space<vmem>>, vector<1x16xf32>,
            %get3A_467 = vector.shape_cast %get3A_466 : vector<1x16xf32> to vector<16xf32>
            %get3A_468 = arith.index_cast %add3A_463 : i32 to index
            %get3A_469 = arith.constant 80 : index
            %get3A_470 = tpu.vector_load %arg11[%get3A_468, %get3A_469] {strides = array<i32>} : memref<64x128xf32, #tpu.memory_space<vmem>>, vector<1x16xf32>,
            %get3A_471 = vector.shape_cast %get3A_470 : vector<1x16xf32> to vector<16xf32>
            %get3A_472 = arith.index_cast %add3A_463 : i32 to index
            %get3A_473 = arith.constant 96 : index
            %get3A_474 = tpu.vector_load %arg11[%get3A_472, %get3A_473] {strides = array<i32>} : memref<64x128xf32, #tpu.memory_space<vmem>>, vector<1x16xf32>,
            %get3A_475 = vector.shape_cast %get3A_474 : vector<1x16xf32> to vector<16xf32>
            %get3A_476 = arith.index_cast %add3A_463 : i32 to index
            %get3A_477 = arith.constant 112 : index
            %get3A_478 = tpu.vector_load %arg11[%get3A_476, %get3A_477] {strides = array<i32>} : memref<64x128xf32, #tpu.memory_space<vmem>>, vector<1x16xf32>,
            %get3A_479 = vector.shape_cast %get3A_478 : vector<1x16xf32> to vector<16xf32>
            %slice3A = vector.extract_strided_slice %get3A_456 {offsets = [0], sizes = [1], strides = [1]} : vector<16xf32> to vector<1xf32>
            %squeeze3A = vector.extract %slice3A[0] : f32 from vector<1xf32>
            %mul3A_480 = vector.broadcast %squeeze3A : f32 to vector<16xf32>
            %mul3A_481 = arith.mulf %mul3A_480, %get3A_467 : vector<16xf32>
            %add3A_482 = arith.addf %scan3A_435, %mul3A_481 : vector<16xf32>
            %mul3A_483 = vector.broadcast %squeeze3A : f32 to vector<16xf32>
            %mul3A_484 = arith.mulf %mul3A_483, %get3A_471 : vector<16xf32>
            %add3A_485 = arith.addf %scan3A_436, %mul3A_484 : vector<16xf32>
            %mul3A_486 = vector.broadcast %squeeze3A : f32 to vector<16xf32>
            %mul3A_487 = arith.mulf %mul3A_486, %get3A_475 : vector<16xf32>
            %add3A_488 = arith.addf %scan3A_437, %mul3A_487 : vector<16xf32>
            %mul3A_489 = vector.broadcast %squeeze3A : f32 to vector<16xf32>
            %mul3A_490 = arith.mulf %mul3A_489, %get3A_479 : vector<16xf32>
            %add3A_491 = arith.addf %scan3A_438, %mul3A_490 : vector<16xf32>
            %slice3A_492 = vector.extract_strided_slice %get3A_456 {offsets = [1], sizes = [1], strides = [1]} : vector<16xf32> to vector<1xf32>
            %squeeze3A_493 = vector.extract %slice3A_492[0] : f32 from vector<1xf32>
            %mul3A_494 = vector.broadcast %squeeze3A_493 : f32 to vector<16xf32>
            %mul3A_495 = arith.mulf %mul3A_494, %get3A_467 : vector<16xf32>
            %add3A_496 = arith.addf %scan3A_439, %mul3A_495 : vector<16xf32>
            %mul3A_497 = vector.broadcast %squeeze3A_493 : f32 to vector<16xf32>
            %mul3A_498 = arith.mulf %mul3A_497, %get3A_471 : vector<16xf32>
            %add3A_499 = arith.addf %scan3A_440, %mul3A_498 : vector<16xf32>
            %mul3A_500 = vector.broadcast %squeeze3A_493 : f32 to vector<16xf32>
            %mul3A_501 = arith.mulf %mul3A_500, %get3A_475 : vector<16xf32>
            %add3A_502 = arith.addf %scan3A_441, %mul3A_501 : vector<16xf32>
            %mul3A_503 = vector.broadcast %squeeze3A_493 : f32 to vector<16xf32>
            %mul3A_504 = arith.mulf %mul3A_503, %get3A_479 : vector<16xf32>
            %add3A_505 = arith.addf %scan3A_442, %mul3A_504 : vector<16xf32>
            %slice3A_506 = vector.extract_strided_slice %get3A_456 {offsets = [2], sizes = [1], strides = [1]} : vector<16xf32> to vector<1xf32>
            %squeeze3A_507 = vector.extract %slice3A_506[0] : f32 from vector<1xf32>
            %mul3A_508 = vector.broadcast %squeeze3A_507 : f32 to vector<16xf32>
            %mul3A_509 = arith.mulf %mul3A_508, %get3A_467 : vector<16xf32>
            %add3A_510 = arith.addf %scan3A_443, %mul3A_509 : vector<16xf32>
            %mul3A_511 = vector.broadcast %squeeze3A_507 : f32 to vector<16xf32>
            %mul3A_512 = arith.mulf %mul3A_511, %get3A_471 : vector<16xf32>
            %add3A_513 = arith.addf %scan3A_444, %mul3A_512 : vector<16xf32>
            %mul3A_514 = vector.broadcast %squeeze3A_507 : f32 to vector<16xf32>
            %mul3A_515 = arith.mulf %mul3A_514, %get3A_475 : vector<16xf32>
            %add3A_516 = arith.addf %scan3A_445, %mul3A_515 : vector<16xf32>
            %mul3A_517 = vector.broadcast %squeeze3A_507 : f32 to vector<16xf32>
            %mul3A_518 = arith.mulf %mul3A_517, %get3A_479 : vector<16xf32>
            %add3A_519 = arith.addf %scan3A_446, %mul3A_518 : vector<16xf32>
            %slice3A_520 = vector.extract_strided_slice %get3A_456 {offsets = [3], sizes = [1], strides = [1]} : vector<16xf32> to vector<1xf32>
            %squeeze3A_521 = vector.extract %slice3A_520[0] : f32 from vector<1xf32>
            %mul3A_522 = vector.broadcast %squeeze3A_521 : f32 to vector<16xf32>
            %mul3A_523 = arith.mulf %mul3A_522, %get3A_467 : vector<16xf32>
            %add3A_524 = arith.addf %scan3A_447, %mul3A_523 : vector<16xf32>
            %mul3A_525 = vector.broadcast %squeeze3A_521 : f32 to vector<16xf32>
            %mul3A_526 = arith.mulf %mul3A_525, %get3A_471 : vector<16xf32>
            %add3A_527 = arith.addf %scan3A_448, %mul3A_526 : vector<16xf32>
            %mul3A_528 = vector.broadcast %squeeze3A_521 : f32 to vector<16xf32>
            %mul3A_529 = arith.mulf %mul3A_528, %get3A_475 : vector<16xf32>
            %add3A_530 = arith.addf %scan3A_449, %mul3A_529 : vector<16xf32>
            %mul3A_531 = vector.broadcast %squeeze3A_521 : f32 to vector<16xf32>
            %mul3A_532 = arith.mulf %mul3A_531, %get3A_479 : vector<16xf32>
            %add3A_533 = arith.addf %scan3A_450, %mul3A_532 : vector<16xf32>
            %mul3A_534 = arith.constant 32 : i32
            %mul3A_535 = arith.muli %scan3A_194, %mul3A_534 : i32
            %mul3A_536 = arith.constant 4 : i32
            %mul3A_537 = arith.muli %scan3A_434, %mul3A_536 : i32
            %add3A_538 = arith.addi %mul3A_535, %mul3A_537 : i32
            %add3A_539 = arith.constant 1 : i32
            %add3A_540 = arith.addi %add3A_538, %add3A_539 : i32
            %get3A_541 = arith.index_cast %add3A_540 : i32 to index
            %get3A_542 = arith.constant 64 : index
            %get3A_543 = tpu.vector_load %arg11[%get3A_541, %get3A_542] {strides = array<i32>} : memref<64x128xf32, #tpu.memory_space<vmem>>, vector<1x16xf32>,
            %get3A_544 = vector.shape_cast %get3A_543 : vector<1x16xf32> to vector<16xf32>
            %get3A_545 = arith.index_cast %add3A_540 : i32 to index
            %get3A_546 = arith.constant 80 : index
            %get3A_547 = tpu.vector_load %arg11[%get3A_545, %get3A_546] {strides = array<i32>} : memref<64x128xf32, #tpu.memory_space<vmem>>, vector<1x16xf32>,
            %get3A_548 = vector.shape_cast %get3A_547 : vector<1x16xf32> to vector<16xf32>
            %get3A_549 = arith.index_cast %add3A_540 : i32 to index
            %get3A_550 = arith.constant 96 : index
            %get3A_551 = tpu.vector_load %arg11[%get3A_549, %get3A_550] {strides = array<i32>} : memref<64x128xf32, #tpu.memory_space<vmem>>, vector<1x16xf32>,
            %get3A_552 = vector.shape_cast %get3A_551 : vector<1x16xf32> to vector<16xf32>
            %get3A_553 = arith.index_cast %add3A_540 : i32 to index
            %get3A_554 = arith.constant 112 : index
            %get3A_555 = tpu.vector_load %arg11[%get3A_553, %get3A_554] {strides = array<i32>} : memref<64x128xf32, #tpu.memory_space<vmem>>, vector<1x16xf32>,
            %get3A_556 = vector.shape_cast %get3A_555 : vector<1x16xf32> to vector<16xf32>
            %slice3A_557 = vector.extract_strided_slice %get3A_456 {offsets = [4], sizes = [1], strides = [1]} : vector<16xf32> to vector<1xf32>
            %squeeze3A_558 = vector.extract %slice3A_557[0] : f32 from vector<1xf32>
            %mul3A_559 = vector.broadcast %squeeze3A_558 : f32 to vector<16xf32>
            %mul3A_560 = arith.mulf %mul3A_559, %get3A_544 : vector<16xf32>
            %add3A_561 = arith.addf %add3A_482, %mul3A_560 : vector<16xf32>
            %mul3A_562 = vector.broadcast %squeeze3A_558 : f32 to vector<16xf32>
            %mul3A_563 = arith.mulf %mul3A_562, %get3A_548 : vector<16xf32>
            %add3A_564 = arith.addf %add3A_485, %mul3A_563 : vector<16xf32>
            %mul3A_565 = vector.broadcast %squeeze3A_558 : f32 to vector<16xf32>
            %mul3A_566 = arith.mulf %mul3A_565, %get3A_552 : vector<16xf32>
            %add3A_567 = arith.addf %add3A_488, %mul3A_566 : vector<16xf32>
            %mul3A_568 = vector.broadcast %squeeze3A_558 : f32 to vector<16xf32>
            %mul3A_569 = arith.mulf %mul3A_568, %get3A_556 : vector<16xf32>
            %add3A_570 = arith.addf %add3A_491, %mul3A_569 : vector<16xf32>
            %slice3A_571 = vector.extract_strided_slice %get3A_456 {offsets = [5], sizes = [1], strides = [1]} : vector<16xf32> to vector<1xf32>
            %squeeze3A_572 = vector.extract %slice3A_571[0] : f32 from vector<1xf32>
            %mul3A_573 = vector.broadcast %squeeze3A_572 : f32 to vector<16xf32>
            %mul3A_574 = arith.mulf %mul3A_573, %get3A_544 : vector<16xf32>
            %add3A_575 = arith.addf %add3A_496, %mul3A_574 : vector<16xf32>
            %mul3A_576 = vector.broadcast %squeeze3A_572 : f32 to vector<16xf32>
            %mul3A_577 = arith.mulf %mul3A_576, %get3A_548 : vector<16xf32>
            %add3A_578 = arith.addf %add3A_499, %mul3A_577 : vector<16xf32>
            %mul3A_579 = vector.broadcast %squeeze3A_572 : f32 to vector<16xf32>
            %mul3A_580 = arith.mulf %mul3A_579, %get3A_552 : vector<16xf32>
            %add3A_581 = arith.addf %add3A_502, %mul3A_580 : vector<16xf32>
            %mul3A_582 = vector.broadcast %squeeze3A_572 : f32 to vector<16xf32>
            %mul3A_583 = arith.mulf %mul3A_582, %get3A_556 : vector<16xf32>
            %add3A_584 = arith.addf %add3A_505, %mul3A_583 : vector<16xf32>
            %slice3A_585 = vector.extract_strided_slice %get3A_456 {offsets = [6], sizes = [1], strides = [1]} : vector<16xf32> to vector<1xf32>
            %squeeze3A_586 = vector.extract %slice3A_585[0] : f32 from vector<1xf32>
            %mul3A_587 = vector.broadcast %squeeze3A_586 : f32 to vector<16xf32>
            %mul3A_588 = arith.mulf %mul3A_587, %get3A_544 : vector<16xf32>
            %add3A_589 = arith.addf %add3A_510, %mul3A_588 : vector<16xf32>
            %mul3A_590 = vector.broadcast %squeeze3A_586 : f32 to vector<16xf32>
            %mul3A_591 = arith.mulf %mul3A_590, %get3A_548 : vector<16xf32>
            %add3A_592 = arith.addf %add3A_513, %mul3A_591 : vector<16xf32>
            %mul3A_593 = vector.broadcast %squeeze3A_586 : f32 to vector<16xf32>
            %mul3A_594 = arith.mulf %mul3A_593, %get3A_552 : vector<16xf32>
            %add3A_595 = arith.addf %add3A_516, %mul3A_594 : vector<16xf32>
            %mul3A_596 = vector.broadcast %squeeze3A_586 : f32 to vector<16xf32>
            %mul3A_597 = arith.mulf %mul3A_596, %get3A_556 : vector<16xf32>
            %add3A_598 = arith.addf %add3A_519, %mul3A_597 : vector<16xf32>
            %slice3A_599 = vector.extract_strided_slice %get3A_456 {offsets = [7], sizes = [1], strides = [1]} : vector<16xf32> to vector<1xf32>
            %squeeze3A_600 = vector.extract %slice3A_599[0] : f32 from vector<1xf32>
            %mul3A_601 = vector.broadcast %squeeze3A_600 : f32 to vector<16xf32>
            %mul3A_602 = arith.mulf %mul3A_601, %get3A_544 : vector<16xf32>
            %add3A_603 = arith.addf %add3A_524, %mul3A_602 : vector<16xf32>
            %mul3A_604 = vector.broadcast %squeeze3A_600 : f32 to vector<16xf32>
            %mul3A_605 = arith.mulf %mul3A_604, %get3A_548 : vector<16xf32>
            %add3A_606 = arith.addf %add3A_527, %mul3A_605 : vector<16xf32>
            %mul3A_607 = vector.broadcast %squeeze3A_600 : f32 to vector<16xf32>
            %mul3A_608 = arith.mulf %mul3A_607, %get3A_552 : vector<16xf32>
            %add3A_609 = arith.addf %add3A_530, %mul3A_608 : vector<16xf32>
            %mul3A_610 = vector.broadcast %squeeze3A_600 : f32 to vector<16xf32>
            %mul3A_611 = arith.mulf %mul3A_610, %get3A_556 : vector<16xf32>
            %add3A_612 = arith.addf %add3A_533, %mul3A_611 : vector<16xf32>
            %mul3A_613 = arith.constant 32 : i32
            %mul3A_614 = arith.muli %scan3A_194, %mul3A_613 : i32
            %mul3A_615 = arith.constant 4 : i32
            %mul3A_616 = arith.muli %scan3A_434, %mul3A_615 : i32
            %add3A_617 = arith.addi %mul3A_614, %mul3A_616 : i32
            %add3A_618 = arith.constant 2 : i32
            %add3A_619 = arith.addi %add3A_617, %add3A_618 : i32
            %get3A_620 = arith.index_cast %add3A_619 : i32 to index
            %get3A_621 = arith.constant 64 : index
            %get3A_622 = tpu.vector_load %arg11[%get3A_620, %get3A_621] {strides = array<i32>} : memref<64x128xf32, #tpu.memory_space<vmem>>, vector<1x16xf32>,
            %get3A_623 = vector.shape_cast %get3A_622 : vector<1x16xf32> to vector<16xf32>
            %get3A_624 = arith.index_cast %add3A_619 : i32 to index
            %get3A_625 = arith.constant 80 : index
            %get3A_626 = tpu.vector_load %arg11[%get3A_624, %get3A_625] {strides = array<i32>} : memref<64x128xf32, #tpu.memory_space<vmem>>, vector<1x16xf32>,
            %get3A_627 = vector.shape_cast %get3A_626 : vector<1x16xf32> to vector<16xf32>
            %get3A_628 = arith.index_cast %add3A_619 : i32 to index
            %get3A_629 = arith.constant 96 : index
            %get3A_630 = tpu.vector_load %arg11[%get3A_628, %get3A_629] {strides = array<i32>} : memref<64x128xf32, #tpu.memory_space<vmem>>, vector<1x16xf32>,
            %get3A_631 = vector.shape_cast %get3A_630 : vector<1x16xf32> to vector<16xf32>
            %get3A_632 = arith.index_cast %add3A_619 : i32 to index
            %get3A_633 = arith.constant 112 : index
            %get3A_634 = tpu.vector_load %arg11[%get3A_632, %get3A_633] {strides = array<i32>} : memref<64x128xf32, #tpu.memory_space<vmem>>, vector<1x16xf32>,
            %get3A_635 = vector.shape_cast %get3A_634 : vector<1x16xf32> to vector<16xf32>
            %slice3A_636 = vector.extract_strided_slice %get3A_456 {offsets = [8], sizes = [1], strides = [1]} : vector<16xf32> to vector<1xf32>
            %squeeze3A_637 = vector.extract %slice3A_636[0] : f32 from vector<1xf32>
            %mul3A_638 = vector.broadcast %squeeze3A_637 : f32 to vector<16xf32>
            %mul3A_639 = arith.mulf %mul3A_638, %get3A_623 : vector<16xf32>
            %add3A_640 = arith.addf %add3A_561, %mul3A_639 : vector<16xf32>
            %mul3A_641 = vector.broadcast %squeeze3A_637 : f32 to vector<16xf32>
            %mul3A_642 = arith.mulf %mul3A_641, %get3A_627 : vector<16xf32>
            %add3A_643 = arith.addf %add3A_564, %mul3A_642 : vector<16xf32>
            %mul3A_644 = vector.broadcast %squeeze3A_637 : f32 to vector<16xf32>
            %mul3A_645 = arith.mulf %mul3A_644, %get3A_631 : vector<16xf32>
            %add3A_646 = arith.addf %add3A_567, %mul3A_645 : vector<16xf32>
            %mul3A_647 = vector.broadcast %squeeze3A_637 : f32 to vector<16xf32>
            %mul3A_648 = arith.mulf %mul3A_647, %get3A_635 : vector<16xf32>
            %add3A_649 = arith.addf %add3A_570, %mul3A_648 : vector<16xf32>
            %slice3A_650 = vector.extract_strided_slice %get3A_456 {offsets = [9], sizes = [1], strides = [1]} : vector<16xf32> to vector<1xf32>
            %squeeze3A_651 = vector.extract %slice3A_650[0] : f32 from vector<1xf32>
            %mul3A_652 = vector.broadcast %squeeze3A_651 : f32 to vector<16xf32>
            %mul3A_653 = arith.mulf %mul3A_652, %get3A_623 : vector<16xf32>
            %add3A_654 = arith.addf %add3A_575, %mul3A_653 : vector<16xf32>
            %mul3A_655 = vector.broadcast %squeeze3A_651 : f32 to vector<16xf32>
            %mul3A_656 = arith.mulf %mul3A_655, %get3A_627 : vector<16xf32>
            %add3A_657 = arith.addf %add3A_578, %mul3A_656 : vector<16xf32>
            %mul3A_658 = vector.broadcast %squeeze3A_651 : f32 to vector<16xf32>
            %mul3A_659 = arith.mulf %mul3A_658, %get3A_631 : vector<16xf32>
            %add3A_660 = arith.addf %add3A_581, %mul3A_659 : vector<16xf32>
            %mul3A_661 = vector.broadcast %squeeze3A_651 : f32 to vector<16xf32>
            %mul3A_662 = arith.mulf %mul3A_661, %get3A_635 : vector<16xf32>
            %add3A_663 = arith.addf %add3A_584, %mul3A_662 : vector<16xf32>
            %slice3A_664 = vector.extract_strided_slice %get3A_456 {offsets = [10], sizes = [1], strides = [1]} : vector<16xf32> to vector<1xf32>
            %squeeze3A_665 = vector.extract %slice3A_664[0] : f32 from vector<1xf32>
            %mul3A_666 = vector.broadcast %squeeze3A_665 : f32 to vector<16xf32>
            %mul3A_667 = arith.mulf %mul3A_666, %get3A_623 : vector<16xf32>
            %add3A_668 = arith.addf %add3A_589, %mul3A_667 : vector<16xf32>
            %mul3A_669 = vector.broadcast %squeeze3A_665 : f32 to vector<16xf32>
            %mul3A_670 = arith.mulf %mul3A_669, %get3A_627 : vector<16xf32>
            %add3A_671 = arith.addf %add3A_592, %mul3A_670 : vector<16xf32>
            %mul3A_672 = vector.broadcast %squeeze3A_665 : f32 to vector<16xf32>
            %mul3A_673 = arith.mulf %mul3A_672, %get3A_631 : vector<16xf32>
            %add3A_674 = arith.addf %add3A_595, %mul3A_673 : vector<16xf32>
            %mul3A_675 = vector.broadcast %squeeze3A_665 : f32 to vector<16xf32>
            %mul3A_676 = arith.mulf %mul3A_675, %get3A_635 : vector<16xf32>
            %add3A_677 = arith.addf %add3A_598, %mul3A_676 : vector<16xf32>
            %slice3A_678 = vector.extract_strided_slice %get3A_456 {offsets = [11], sizes = [1], strides = [1]} : vector<16xf32> to vector<1xf32>
            %squeeze3A_679 = vector.extract %slice3A_678[0] : f32 from vector<1xf32>
            %mul3A_680 = vector.broadcast %squeeze3A_679 : f32 to vector<16xf32>
            %mul3A_681 = arith.mulf %mul3A_680, %get3A_623 : vector<16xf32>
            %add3A_682 = arith.addf %add3A_603, %mul3A_681 : vector<16xf32>
            %mul3A_683 = vector.broadcast %squeeze3A_679 : f32 to vector<16xf32>
            %mul3A_684 = arith.mulf %mul3A_683, %get3A_627 : vector<16xf32>
            %add3A_685 = arith.addf %add3A_606, %mul3A_684 : vector<16xf32>
            %mul3A_686 = vector.broadcast %squeeze3A_679 : f32 to vector<16xf32>
            %mul3A_687 = arith.mulf %mul3A_686, %get3A_631 : vector<16xf32>
            %add3A_688 = arith.addf %add3A_609, %mul3A_687 : vector<16xf32>
            %mul3A_689 = vector.broadcast %squeeze3A_679 : f32 to vector<16xf32>
            %mul3A_690 = arith.mulf %mul3A_689, %get3A_635 : vector<16xf32>
            %add3A_691 = arith.addf %add3A_612, %mul3A_690 : vector<16xf32>
            %mul3A_692 = arith.constant 32 : i32
            %mul3A_693 = arith.muli %scan3A_194, %mul3A_692 : i32
            %mul3A_694 = arith.constant 4 : i32
            %mul3A_695 = arith.muli %scan3A_434, %mul3A_694 : i32
            %add3A_696 = arith.addi %mul3A_693, %mul3A_695 : i32
            %add3A_697 = arith.constant 3 : i32
            %add3A_698 = arith.addi %add3A_696, %add3A_697 : i32
            %get3A_699 = arith.index_cast %add3A_698 : i32 to index
            %get3A_700 = arith.constant 64 : index
            %get3A_701 = tpu.vector_load %arg11[%get3A_699, %get3A_700] {strides = array<i32>} : memref<64x128xf32, #tpu.memory_space<vmem>>, vector<1x16xf32>,
            %get3A_702 = vector.shape_cast %get3A_701 : vector<1x16xf32> to vector<16xf32>
            %get3A_703 = arith.index_cast %add3A_698 : i32 to index
            %get3A_704 = arith.constant 80 : index
            %get3A_705 = tpu.vector_load %arg11[%get3A_703, %get3A_704] {strides = array<i32>} : memref<64x128xf32, #tpu.memory_space<vmem>>, vector<1x16xf32>,
            %get3A_706 = vector.shape_cast %get3A_705 : vector<1x16xf32> to vector<16xf32>
            %get3A_707 = arith.index_cast %add3A_698 : i32 to index
            %get3A_708 = arith.constant 96 : index
            %get3A_709 = tpu.vector_load %arg11[%get3A_707, %get3A_708] {strides = array<i32>} : memref<64x128xf32, #tpu.memory_space<vmem>>, vector<1x16xf32>,
            %get3A_710 = vector.shape_cast %get3A_709 : vector<1x16xf32> to vector<16xf32>
            %get3A_711 = arith.index_cast %add3A_698 : i32 to index
            %get3A_712 = arith.constant 112 : index
            %get3A_713 = tpu.vector_load %arg11[%get3A_711, %get3A_712] {strides = array<i32>} : memref<64x128xf32, #tpu.memory_space<vmem>>, vector<1x16xf32>,
            %get3A_714 = vector.shape_cast %get3A_713 : vector<1x16xf32> to vector<16xf32>
            %slice3A_715 = vector.extract_strided_slice %get3A_456 {offsets = [12], sizes = [1], strides = [1]} : vector<16xf32> to vector<1xf32>
            %squeeze3A_716 = vector.extract %slice3A_715[0] : f32 from vector<1xf32>
            %mul3A_717 = vector.broadcast %squeeze3A_716 : f32 to vector<16xf32>
            %mul3A_718 = arith.mulf %mul3A_717, %get3A_702 : vector<16xf32>
            %add3A_719 = arith.addf %add3A_640, %mul3A_718 : vector<16xf32>
            %mul3A_720 = vector.broadcast %squeeze3A_716 : f32 to vector<16xf32>
            %mul3A_721 = arith.mulf %mul3A_720, %get3A_706 : vector<16xf32>
            %add3A_722 = arith.addf %add3A_643, %mul3A_721 : vector<16xf32>
            %mul3A_723 = vector.broadcast %squeeze3A_716 : f32 to vector<16xf32>
            %mul3A_724 = arith.mulf %mul3A_723, %get3A_710 : vector<16xf32>
            %add3A_725 = arith.addf %add3A_646, %mul3A_724 : vector<16xf32>
            %mul3A_726 = vector.broadcast %squeeze3A_716 : f32 to vector<16xf32>
            %mul3A_727 = arith.mulf %mul3A_726, %get3A_714 : vector<16xf32>
            %add3A_728 = arith.addf %add3A_649, %mul3A_727 : vector<16xf32>
            %slice3A_729 = vector.extract_strided_slice %get3A_456 {offsets = [13], sizes = [1], strides = [1]} : vector<16xf32> to vector<1xf32>
            %squeeze3A_730 = vector.extract %slice3A_729[0] : f32 from vector<1xf32>
            %mul3A_731 = vector.broadcast %squeeze3A_730 : f32 to vector<16xf32>
            %mul3A_732 = arith.mulf %mul3A_731, %get3A_702 : vector<16xf32>
            %add3A_733 = arith.addf %add3A_654, %mul3A_732 : vector<16xf32>
            %mul3A_734 = vector.broadcast %squeeze3A_730 : f32 to vector<16xf32>
            %mul3A_735 = arith.mulf %mul3A_734, %get3A_706 : vector<16xf32>
            %add3A_736 = arith.addf %add3A_657, %mul3A_735 : vector<16xf32>
            %mul3A_737 = vector.broadcast %squeeze3A_730 : f32 to vector<16xf32>
            %mul3A_738 = arith.mulf %mul3A_737, %get3A_710 : vector<16xf32>
            %add3A_739 = arith.addf %add3A_660, %mul3A_738 : vector<16xf32>
            %mul3A_740 = vector.broadcast %squeeze3A_730 : f32 to vector<16xf32>
            %mul3A_741 = arith.mulf %mul3A_740, %get3A_714 : vector<16xf32>
            %add3A_742 = arith.addf %add3A_663, %mul3A_741 : vector<16xf32>
            %slice3A_743 = vector.extract_strided_slice %get3A_456 {offsets = [14], sizes = [1], strides = [1]} : vector<16xf32> to vector<1xf32>
            %squeeze3A_744 = vector.extract %slice3A_743[0] : f32 from vector<1xf32>
            %mul3A_745 = vector.broadcast %squeeze3A_744 : f32 to vector<16xf32>
            %mul3A_746 = arith.mulf %mul3A_745, %get3A_702 : vector<16xf32>
            %add3A_747 = arith.addf %add3A_668, %mul3A_746 : vector<16xf32>
            %mul3A_748 = vector.broadcast %squeeze3A_744 : f32 to vector<16xf32>
            %mul3A_749 = arith.mulf %mul3A_748, %get3A_706 : vector<16xf32>
            %add3A_750 = arith.addf %add3A_671, %mul3A_749 : vector<16xf32>
            %mul3A_751 = vector.broadcast %squeeze3A_744 : f32 to vector<16xf32>
            %mul3A_752 = arith.mulf %mul3A_751, %get3A_710 : vector<16xf32>
            %add3A_753 = arith.addf %add3A_674, %mul3A_752 : vector<16xf32>
            %mul3A_754 = vector.broadcast %squeeze3A_744 : f32 to vector<16xf32>
            %mul3A_755 = arith.mulf %mul3A_754, %get3A_714 : vector<16xf32>
            %add3A_756 = arith.addf %add3A_677, %mul3A_755 : vector<16xf32>
            %slice3A_757 = vector.extract_strided_slice %get3A_456 {offsets = [15], sizes = [1], strides = [1]} : vector<16xf32> to vector<1xf32>
            %squeeze3A_758 = vector.extract %slice3A_757[0] : f32 from vector<1xf32>
            %mul3A_759 = vector.broadcast %squeeze3A_758 : f32 to vector<16xf32>
            %mul3A_760 = arith.mulf %mul3A_759, %get3A_702 : vector<16xf32>
            %add3A_761 = arith.addf %add3A_682, %mul3A_760 : vector<16xf32>
            %mul3A_762 = vector.broadcast %squeeze3A_758 : f32 to vector<16xf32>
            %mul3A_763 = arith.mulf %mul3A_762, %get3A_706 : vector<16xf32>
            %add3A_764 = arith.addf %add3A_685, %mul3A_763 : vector<16xf32>
            %mul3A_765 = vector.broadcast %squeeze3A_758 : f32 to vector<16xf32>
            %mul3A_766 = arith.mulf %mul3A_765, %get3A_710 : vector<16xf32>
            %add3A_767 = arith.addf %add3A_688, %mul3A_766 : vector<16xf32>
            %mul3A_768 = vector.broadcast %squeeze3A_758 : f32 to vector<16xf32>
            %mul3A_769 = arith.mulf %mul3A_768, %get3A_714 : vector<16xf32>
            %add3A_770 = arith.addf %add3A_691, %mul3A_769 : vector<16xf32>
            scf.yield %add3A_719, %add3A_722, %add3A_725, %add3A_728, %add3A_733, %add3A_736, %add3A_739, %add3A_742, %add3A_747, %add3A_750, %add3A_753, %add3A_756, %add3A_761, %add3A_764, %add3A_767, %add3A_770 : vector<16xf32>, vector<16xf32>, vector<16xf32>, vector<16xf32>, vector<16xf32>, vector<16xf32>, vector<16xf32>, vector<16xf32>, vector<16xf32>, vector<16xf32>, vector<16xf32>, vector<16xf32>, vector<16xf32>, vector<16xf32>, vector<16xf32>, vector<16xf32>
          }
          %scan3A_352 = arith.constant 8 : i32
          %swap3A_353 = arith.index_cast %scan3A_194 : i32 to index
          %swap3A_354 = arith.constant 64 : index
          %swap3A_355 = tpu.vector_load %arg13[%swap3A_353, %swap3A_354] {strides = array<i32>} : memref<2x512xf32, #tpu.memory_space<vmem>>, vector<1x16xf32>,
          %swap3A_356 = vector.shape_cast %swap3A_355 : vector<1x16xf32> to vector<16xf32>
          %swap3A_357 = vector.shape_cast %scan3A_351#0 : vector<16xf32> to vector<1x16xf32>
          tpu.vector_store %arg13[%swap3A_353, %swap3A_354], %swap3A_357 {strides = array<i32>} : memref<2x512xf32, #tpu.memory_space<vmem>>, vector<1x16xf32>,
          %swap3A_358 = arith.index_cast %scan3A_194 : i32 to index
          %swap3A_359 = arith.constant 80 : index
          %swap3A_360 = tpu.vector_load %arg13[%swap3A_358, %swap3A_359] {strides = array<i32>} : memref<2x512xf32, #tpu.memory_space<vmem>>, vector<1x16xf32>,
          %swap3A_361 = vector.shape_cast %swap3A_360 : vector<1x16xf32> to vector<16xf32>
          %swap3A_362 = vector.shape_cast %scan3A_351#1 : vector<16xf32> to vector<1x16xf32>
          tpu.vector_store %arg13[%swap3A_358, %swap3A_359], %swap3A_362 {strides = array<i32>} : memref<2x512xf32, #tpu.memory_space<vmem>>, vector<1x16xf32>,
          %swap3A_363 = arith.index_cast %scan3A_194 : i32 to index
          %swap3A_364 = arith.constant 96 : index
          %swap3A_365 = tpu.vector_load %arg13[%swap3A_363, %swap3A_364] {strides = array<i32>} : memref<2x512xf32, #tpu.memory_space<vmem>>, vector<1x16xf32>,
          %swap3A_366 = vector.shape_cast %swap3A_365 : vector<1x16xf32> to vector<16xf32>
          %swap3A_367 = vector.shape_cast %scan3A_351#2 : vector<16xf32> to vector<1x16xf32>
          tpu.vector_store %arg13[%swap3A_363, %swap3A_364], %swap3A_367 {strides = array<i32>} : memref<2x512xf32, #tpu.memory_space<vmem>>, vector<1x16xf32>,
          %swap3A_368 = arith.index_cast %scan3A_194 : i32 to index
          %swap3A_369 = arith.constant 112 : index
          %swap3A_370 = tpu.vector_load %arg13[%swap3A_368, %swap3A_369] {strides = array<i32>} : memref<2x512xf32, #tpu.memory_space<vmem>>, vector<1x16xf32>,
          %swap3A_371 = vector.shape_cast %swap3A_370 : vector<1x16xf32> to vector<16xf32>
          %swap3A_372 = vector.shape_cast %scan3A_351#3 : vector<16xf32> to vector<1x16xf32>
          tpu.vector_store %arg13[%swap3A_368, %swap3A_369], %swap3A_372 {strides = array<i32>} : memref<2x512xf32, #tpu.memory_space<vmem>>, vector<1x16xf32>,
          %swap3A_373 = arith.index_cast %scan3A_194 : i32 to index
          %swap3A_374 = arith.constant 192 : index
          %swap3A_375 = tpu.vector_load %arg13[%swap3A_373, %swap3A_374] {strides = array<i32>} : memref<2x512xf32, #tpu.memory_space<vmem>>, vector<1x16xf32>,
          %swap3A_376 = vector.shape_cast %swap3A_375 : vector<1x16xf32> to vector<16xf32>
          %swap3A_377 = vector.shape_cast %scan3A_351#4 : vector<16xf32> to vector<1x16xf32>
          tpu.vector_store %arg13[%swap3A_373, %swap3A_374], %swap3A_377 {strides = array<i32>} : memref<2x512xf32, #tpu.memory_space<vmem>>, vector<1x16xf32>,
          %swap3A_378 = arith.index_cast %scan3A_194 : i32 to index
          %swap3A_379 = arith.constant 208 : index
          %swap3A_380 = tpu.vector_load %arg13[%swap3A_378, %swap3A_379] {strides = array<i32>} : memref<2x512xf32, #tpu.memory_space<vmem>>, vector<1x16xf32>,
          %swap3A_381 = vector.shape_cast %swap3A_380 : vector<1x16xf32> to vector<16xf32>
          %swap3A_382 = vector.shape_cast %scan3A_351#5 : vector<16xf32> to vector<1x16xf32>
          tpu.vector_store %arg13[%swap3A_378, %swap3A_379], %swap3A_382 {strides = array<i32>} : memref<2x512xf32, #tpu.memory_space<vmem>>, vector<1x16xf32>,
          %swap3A_383 = arith.index_cast %scan3A_194 : i32 to index
          %swap3A_384 = arith.constant 224 : index
          %swap3A_385 = tpu.vector_load %arg13[%swap3A_383, %swap3A_384] {strides = array<i32>} : memref<2x512xf32, #tpu.memory_space<vmem>>, vector<1x16xf32>,
          %swap3A_386 = vector.shape_cast %swap3A_385 : vector<1x16xf32> to vector<16xf32>
          %swap3A_387 = vector.shape_cast %scan3A_351#6 : vector<16xf32> to vector<1x16xf32>
          tpu.vector_store %arg13[%swap3A_383, %swap3A_384], %swap3A_387 {strides = array<i32>} : memref<2x512xf32, #tpu.memory_space<vmem>>, vector<1x16xf32>,
          %swap3A_388 = arith.index_cast %scan3A_194 : i32 to index
          %swap3A_389 = arith.constant 240 : index
          %swap3A_390 = tpu.vector_load %arg13[%swap3A_388, %swap3A_389] {strides = array<i32>} : memref<2x512xf32, #tpu.memory_space<vmem>>, vector<1x16xf32>,
          %swap3A_391 = vector.shape_cast %swap3A_390 : vector<1x16xf32> to vector<16xf32>
          %swap3A_392 = vector.shape_cast %scan3A_351#7 : vector<16xf32> to vector<1x16xf32>
          tpu.vector_store %arg13[%swap3A_388, %swap3A_389], %swap3A_392 {strides = array<i32>} : memref<2x512xf32, #tpu.memory_space<vmem>>, vector<1x16xf32>,
          %swap3A_393 = arith.index_cast %scan3A_194 : i32 to index
          %swap3A_394 = arith.constant 320 : index
          %swap3A_395 = tpu.vector_load %arg13[%swap3A_393, %swap3A_394] {strides = array<i32>} : memref<2x512xf32, #tpu.memory_space<vmem>>, vector<1x16xf32>,
          %swap3A_396 = vector.shape_cast %swap3A_395 : vector<1x16xf32> to vector<16xf32>
          %swap3A_397 = vector.shape_cast %scan3A_351#8 : vector<16xf32> to vector<1x16xf32>
          tpu.vector_store %arg13[%swap3A_393, %swap3A_394], %swap3A_397 {strides = array<i32>} : memref<2x512xf32, #tpu.memory_space<vmem>>, vector<1x16xf32>,
          %swap3A_398 = arith.index_cast %scan3A_194 : i32 to index
          %swap3A_399 = arith.constant 336 : index
          %swap3A_400 = tpu.vector_load %arg13[%swap3A_398, %swap3A_399] {strides = array<i32>} : memref<2x512xf32, #tpu.memory_space<vmem>>, vector<1x16xf32>,
          %swap3A_401 = vector.shape_cast %swap3A_400 : vector<1x16xf32> to vector<16xf32>
          %swap3A_402 = vector.shape_cast %scan3A_351#9 : vector<16xf32> to vector<1x16xf32>
          tpu.vector_store %arg13[%swap3A_398, %swap3A_399], %swap3A_402 {strides = array<i32>} : memref<2x512xf32, #tpu.memory_space<vmem>>, vector<1x16xf32>,
          %swap3A_403 = arith.index_cast %scan3A_194 : i32 to index
          %swap3A_404 = arith.constant 352 : index
          %swap3A_405 = tpu.vector_load %arg13[%swap3A_403, %swap3A_404] {strides = array<i32>} : memref<2x512xf32, #tpu.memory_space<vmem>>, vector<1x16xf32>,
          %swap3A_406 = vector.shape_cast %swap3A_405 : vector<1x16xf32> to vector<16xf32>
          %swap3A_407 = vector.shape_cast %scan3A_351#10 : vector<16xf32> to vector<1x16xf32>
          tpu.vector_store %arg13[%swap3A_403, %swap3A_404], %swap3A_407 {strides = array<i32>} : memref<2x512xf32, #tpu.memory_space<vmem>>, vector<1x16xf32>,
          %swap3A_408 = arith.index_cast %scan3A_194 : i32 to index
          %swap3A_409 = arith.constant 368 : index
          %swap3A_410 = tpu.vector_load %arg13[%swap3A_408, %swap3A_409] {strides = array<i32>} : memref<2x512xf32, #tpu.memory_space<vmem>>, vector<1x16xf32>,
          %swap3A_411 = vector.shape_cast %swap3A_410 : vector<1x16xf32> to vector<16xf32>
          %swap3A_412 = vector.shape_cast %scan3A_351#11 : vector<16xf32> to vector<1x16xf32>
          tpu.vector_store %arg13[%swap3A_408, %swap3A_409], %swap3A_412 {strides = array<i32>} : memref<2x512xf32, #tpu.memory_space<vmem>>, vector<1x16xf32>,
          %swap3A_413 = arith.index_cast %scan3A_194 : i32 to index
          %swap3A_414 = arith.constant 448 : index
          %swap3A_415 = tpu.vector_load %arg13[%swap3A_413, %swap3A_414] {strides = array<i32>} : memref<2x512xf32, #tpu.memory_space<vmem>>, vector<1x16xf32>,
          %swap3A_416 = vector.shape_cast %swap3A_415 : vector<1x16xf32> to vector<16xf32>
          %swap3A_417 = vector.shape_cast %scan3A_351#12 : vector<16xf32> to vector<1x16xf32>
          tpu.vector_store %arg13[%swap3A_413, %swap3A_414], %swap3A_417 {strides = array<i32>} : memref<2x512xf32, #tpu.memory_space<vmem>>, vector<1x16xf32>,
          %swap3A_418 = arith.index_cast %scan3A_194 : i32 to index
          %swap3A_419 = arith.constant 464 : index
          %swap3A_420 = tpu.vector_load %arg13[%swap3A_418, %swap3A_419] {strides = array<i32>} : memref<2x512xf32, #tpu.memory_space<vmem>>, vector<1x16xf32>,
          %swap3A_421 = vector.shape_cast %swap3A_420 : vector<1x16xf32> to vector<16xf32>
          %swap3A_422 = vector.shape_cast %scan3A_351#13 : vector<16xf32> to vector<1x16xf32>
          tpu.vector_store %arg13[%swap3A_418, %swap3A_419], %swap3A_422 {strides = array<i32>} : memref<2x512xf32, #tpu.memory_space<vmem>>, vector<1x16xf32>,
          %swap3A_423 = arith.index_cast %scan3A_194 : i32 to index
          %swap3A_424 = arith.constant 480 : index
          %swap3A_425 = tpu.vector_load %arg13[%swap3A_423, %swap3A_424] {strides = array<i32>} : memref<2x512xf32, #tpu.memory_space<vmem>>, vector<1x16xf32>,
          %swap3A_426 = vector.shape_cast %swap3A_425 : vector<1x16xf32> to vector<16xf32>
          %swap3A_427 = vector.shape_cast %scan3A_351#14 : vector<16xf32> to vector<1x16xf32>
          tpu.vector_store %arg13[%swap3A_423, %swap3A_424], %swap3A_427 {strides = array<i32>} : memref<2x512xf32, #tpu.memory_space<vmem>>, vector<1x16xf32>,
          %swap3A_428 = arith.index_cast %scan3A_194 : i32 to index
          %swap3A_429 = arith.constant 496 : index
          %swap3A_430 = tpu.vector_load %arg13[%swap3A_428, %swap3A_429] {strides = array<i32>} : memref<2x512xf32, #tpu.memory_space<vmem>>, vector<1x16xf32>,
          %swap3A_431 = vector.shape_cast %swap3A_430 : vector<1x16xf32> to vector<16xf32>
          %swap3A_432 = vector.shape_cast %scan3A_351#15 : vector<16xf32> to vector<1x16xf32>
          tpu.vector_store %arg13[%swap3A_428, %swap3A_429], %swap3A_432 {strides = array<i32>} : memref<2x512xf32, #tpu.memory_space<vmem>>, vector<1x16xf32>,
          %scan3A_433 = arith.constant 0 : i32
          scf.yield %scan3A_433 : i32
        }
        %scan3A_178 = arith.constant 2 : i32
        %add3A_179 = arith.constant 2 : i32
        %add3A_180 = arith.addi %add3A_157, %add3A_179 : i32
        %lt3A_181 = arith.constant 160 : i32
        %lt3A_182 = arith.cmpi slt, %add3A_180, %lt3A_181 : i32
        %convert_element_type3A_183 = arith.extui %lt3A_182 : i1 to i32
        %cond3A_184 = arith.constant 0 : i32
        %cond3A_185 = arith.cmpi ne, %convert_element_type3A_183, %cond3A_184 : i32
        scf.if %cond3A_185 {
          %add3A_194 = arith.constant 2 : i32
          %add3A_195 = arith.addi %add3A_157, %add3A_194 : i32
          %mul3A_196 = arith.constant 2 : i32
          %mul3A_197 = arith.muli %add3A_195, %mul3A_196 : i32
          %mul3A_198 = arith.constant 32 : i32
          %mul3A_199 = arith.muli %mul3A_197, %mul3A_198 : i32
          %multiple_of3A_200 = tpu.assume_multiple %mul3A_199, 64 : i32
          %dma_start3A_201 = tpu.memref_slice %arg7[%multiple_of3A_200] : memref<10240xi32, #tpu.memory_space<vmem>> -> memref<64xi32, #tpu.memory_space<vmem>>
          %dma_start3A_202 = arith.constant 0 : i32
          %dma_start3A_203 = arith.constant 0 : i32
          %dma_start3A_204 = tpu.memref_slice %arg6[%dma_start3A_202, %dma_start3A_203] : memref<10240x128xf32, #tpu.memory_space<vmem_shared>> -> memref<10240x128xf32, #tpu.memory_space<vmem_shared>>
          tpu.enqueue_indirect_dma source(%dma_start3A_204 : memref<10240x128xf32, #tpu.memory_space<vmem_shared>>) target(%arg11 : memref<64x128xf32, #tpu.memory_space<vmem>>) offsets(%dma_start3A_201 : memref<64xi32, #tpu.memory_space<vmem>>) semaphore(%arg15 : memref<!tpu.dma_semaphore, #tpu.memory_space<semaphore_mem>>)
        } else {
        }
        %mul3A_186 = arith.constant 2 : i32
        %mul3A_187 = arith.muli %add3A_157, %mul3A_186 : i32
        %add3A_188 = arith.addi %multiple_of3A, %mul3A_187 : i32
        %dma_start3A_189 = arith.constant 0 : i32
        %dma_start3A_190 = tpu.memref_slice %arg5[%add3A_188, %dma_start3A_189] : memref<10240x512xf32, #tpu.memory_space<hbm>> -> memref<2x512xf32, #tpu.memory_space<hbm>>
        %dma_start3A_191 = arith.constant 0 : i32
        %dma_start3A_192 = tpu.memref_slice %arg5[%add3A_188, %dma_start3A_191] : memref<10240x512xf32, #tpu.memory_space<hbm>> -> memref<2x512xf32, #tpu.memory_space<hbm>>
        tpu.enqueue_dma source(%arg13 : memref<2x512xf32, #tpu.memory_space<vmem>>) target(%dma_start3A_192 : memref<2x512xf32, #tpu.memory_space<hbm>>) target_semaphore(%arg17 : memref<!tpu.dma_semaphore, #tpu.memory_space<semaphore_mem>>)
        %scan3A_193 = arith.constant 0 : i32
        scf.yield %scan3A_193 : i32
      }
      %scan3A_79 = arith.constant 8 : i32
      %mul3A_80 = arith.constant 2 : i32
      %mul3A_81 = arith.muli %scan3A_51, %mul3A_80 : i32
      %add3A_82 = arith.constant 1 : i32
      %add3A_83 = arith.addi %mul3A_81, %add3A_82 : i32
      %mul3A_84 = arith.constant 16 : i32
      %mul3A_85 = arith.muli %add3A_83, %mul3A_84 : i32
      %mul3A_86 = arith.constant 2 : i32
      %mul3A_87 = arith.muli %mul3A_85, %mul3A_86 : i32
      %add3A_88 = arith.addi %multiple_of3A, %mul3A_87 : i32
      %dma_wait3A_89 = arith.constant 0 : i32
      %dma_wait3A_90 = tpu.memref_slice %arg4[%add3A_88, %dma_wait3A_89] : memref<10240x128xf32, #tpu.memory_space<hbm>> -> memref<32x128xf32, #tpu.memory_space<hbm>>
      %dma_wait3A_91 = arith.constant 0 : i32
      %dma_wait3A_92 = tpu.memref_slice %arg4[%add3A_88, %dma_wait3A_91] : memref<10240x128xf32, #tpu.memory_space<hbm>> -> memref<32x128xf32, #tpu.memory_space<hbm>>
      tpu.wait_dma2 semaphore(%arg19 : memref<!tpu.dma_semaphore, #tpu.memory_space<semaphore_mem>>) src(%dma_wait3A_92 : memref<32x128xf32, #tpu.memory_space<hbm>>) dst(%arg9 : memref<32x128xf32, #tpu.memory_space<vmem>>)
      %add3A_93 = arith.constant 1 : i32
      %add3A_94 = arith.addi %add3A_83, %add3A_93 : i32
      %lt3A_95 = arith.constant 10 : i32
      %lt3A_96 = arith.cmpi slt, %add3A_94, %lt3A_95 : i32
      %convert_element_type3A_97 = arith.extui %lt3A_96 : i1 to i32
      %cond3A_98 = arith.constant 0 : i32
      %cond3A_99 = arith.cmpi ne, %convert_element_type3A_97, %cond3A_98 : i32
      scf.if %cond3A_99 {
        %add3A_108 = arith.constant 1 : i32
        %add3A_109 = arith.addi %add3A_83, %add3A_108 : i32
        %mul3A_110 = arith.constant 16 : i32
        %mul3A_111 = arith.muli %add3A_109, %mul3A_110 : i32
        %mul3A_112 = arith.constant 2 : i32
        %mul3A_113 = arith.muli %mul3A_111, %mul3A_112 : i32
        %add3A_114 = arith.addi %multiple_of3A, %mul3A_113 : i32
        %dma_start3A_115 = arith.constant 0 : i32
        %dma_start3A_116 = tpu.memref_slice %arg4[%add3A_114, %dma_start3A_115] : memref<10240x128xf32, #tpu.memory_space<hbm>> -> memref<32x128xf32, #tpu.memory_space<hbm>>
        %dma_start3A_117 = arith.constant 0 : i32
        %dma_start3A_118 = tpu.memref_slice %arg4[%add3A_114, %dma_start3A_117] : memref<10240x128xf32, #tpu.memory_space<hbm>> -> memref<32x128xf32, #tpu.memory_space<hbm>>
        tpu.enqueue_dma source(%dma_start3A_118 : memref<32x128xf32, #tpu.memory_space<hbm>>) target(%arg8 : memref<32x128xf32, #tpu.memory_space<vmem>>) target_semaphore(%arg18 : memref<!tpu.dma_semaphore, #tpu.memory_space<semaphore_mem>>)
      } else {
      }
      %scan3A_100 = arith.constant 0 : i32
      %scan3A_101 = arith.constant 0 : i32
      %scan3A_102 = arith.constant 8 : i32
      %scan3A_103 = arith.addi %scan3A_101, %scan3A_102 : i32
      %scan3A_104 = arith.constant 1 : i32
      %scan3A_105 = scf.for %scan3A_108 = %scan3A_101 to %scan3A_103 step %scan3A_104 iter_args(%scan3A_109 = %scan3A_100) -> (i32)  : i32 {
        %mul3A_110 = arith.constant 2 : i32
        %mul3A_111 = arith.muli %scan3A_108, %mul3A_110 : i32
        %add3A_112 = arith.constant 0 : i32
        %add3A_113 = arith.addi %mul3A_111, %add3A_112 : i32
        %mul3A_114 = arith.constant 16 : i32
        %mul3A_115 = arith.muli %add3A_83, %mul3A_114 : i32
        %add3A_116 = arith.addi %mul3A_115, %add3A_113 : i32
        %mul3A_117 = arith.constant 2 : i32
        %mul3A_118 = arith.muli %add3A_116, %mul3A_117 : i32
        %mul3A_119 = arith.constant 32 : i32
        %mul3A_120 = arith.muli %mul3A_118, %mul3A_119 : i32
        %multiple_of3A_121 = tpu.assume_multiple %mul3A_120, 64 : i32
        %dma_wait3A_122 = tpu.memref_slice %arg7[%multiple_of3A_121] : memref<10240xi32, #tpu.memory_space<vmem>> -> memref<64xi32, #tpu.memory_space<vmem>>
        %dma_wait3A_123 = arith.constant 0 : i32
        %dma_wait3A_124 = arith.constant 0 : i32
        %dma_wait3A_125 = tpu.memref_slice %arg6[%dma_wait3A_123, %dma_wait3A_124] : memref<10240x128xf32, #tpu.memory_space<vmem_shared>> -> memref<10240x128xf32, #tpu.memory_space<vmem_shared>>
        tpu.wait_indirect_dma semaphore(%arg14 : memref<!tpu.dma_semaphore, #tpu.memory_space<semaphore_mem>>) src(%dma_wait3A_125 : memref<10240x128xf32, #tpu.memory_space<vmem_shared>>) dst(%arg10 : memref<64x128xf32, #tpu.memory_space<vmem>>)
        %ge3A = arith.constant 2 : i32
        %ge3A_126 = arith.cmpi sge, %add3A_116, %ge3A : i32
        %convert_element_type3A_127 = arith.extui %ge3A_126 : i1 to i32
        %cond3A_128 = arith.constant 0 : i32
        %cond3A_129 = arith.cmpi ne, %convert_element_type3A_127, %cond3A_128 : i32
        scf.if %cond3A_129 {
          %sub3A = arith.constant 2 : i32
          %sub3A_194 = arith.subi %add3A_116, %sub3A : i32
          %mul3A_195 = arith.constant 2 : i32
          %mul3A_196 = arith.muli %sub3A_194, %mul3A_195 : i32
          %add3A_197 = arith.addi %multiple_of3A, %mul3A_196 : i32
          %dma_wait3A_198 = arith.constant 0 : i32
          %dma_wait3A_199 = tpu.memref_slice %arg5[%add3A_197, %dma_wait3A_198] : memref<10240x512xf32, #tpu.memory_space<hbm>> -> memref<2x512xf32, #tpu.memory_space<hbm>>
          %dma_wait3A_200 = arith.constant 0 : i32
          %dma_wait3A_201 = tpu.memref_slice %arg5[%add3A_197, %dma_wait3A_200] : memref<10240x512xf32, #tpu.memory_space<hbm>> -> memref<2x512xf32, #tpu.memory_space<hbm>>
          tpu.wait_dma2 semaphore(%arg16 : memref<!tpu.dma_semaphore, #tpu.memory_space<semaphore_mem>>) src(%arg12 : memref<2x512xf32, #tpu.memory_space<vmem>>) dst(%dma_wait3A_201 : memref<2x512xf32, #tpu.memory_space<hbm>>)
        } else {
        }
        %scan3A_130 = arith.constant 0 : i32
        %scan3A_131 = arith.constant 0 : i32
        %scan3A_132 = arith.constant 2 : i32
        %scan3A_133 = arith.addi %scan3A_131, %scan3A_132 : i32
        %scan3A_134 = arith.constant 1 : i32
        %scan3A_135 = scf.for %scan3A_194 = %scan3A_131 to %scan3A_133 step %scan3A_134 iter_args(%scan3A_195 = %scan3A_130) -> (i32)  : i32 {
          %mul3A_196 = arith.constant 2 : i32
          %mul3A_197 = arith.muli %add3A_113, %mul3A_196 : i32
          %add3A_198 = arith.addi %mul3A_197, %scan3A_194 : i32
          %broadcast_in_dim3A = arith.constant 0.000000e+00 : f32
          %broadcast_in_dim3A_199 = vector.broadcast %broadcast_in_dim3A : f32 to vector<16xf32>
          %broadcast_in_dim3A_200 = arith.constant 0.000000e+00 : f32
          %broadcast_in_dim3A_201 = vector.broadcast %broadcast_in_dim3A_200 : f32 to vector<16xf32>
          %broadcast_in_dim3A_202 = arith.constant 0.000000e+00 : f32
          %broadcast_in_dim3A_203 = vector.broadcast %broadcast_in_dim3A_202 : f32 to vector<16xf32>
          %broadcast_in_dim3A_204 = arith.constant 0.000000e+00 : f32
          %broadcast_in_dim3A_205 = vector.broadcast %broadcast_in_dim3A_204 : f32 to vector<16xf32>
          %broadcast_in_dim3A_206 = arith.constant 0.000000e+00 : f32
          %broadcast_in_dim3A_207 = vector.broadcast %broadcast_in_dim3A_206 : f32 to vector<16xf32>
          %broadcast_in_dim3A_208 = arith.constant 0.000000e+00 : f32
          %broadcast_in_dim3A_209 = vector.broadcast %broadcast_in_dim3A_208 : f32 to vector<16xf32>
          %broadcast_in_dim3A_210 = arith.constant 0.000000e+00 : f32
          %broadcast_in_dim3A_211 = vector.broadcast %broadcast_in_dim3A_210 : f32 to vector<16xf32>
          %broadcast_in_dim3A_212 = arith.constant 0.000000e+00 : f32
          %broadcast_in_dim3A_213 = vector.broadcast %broadcast_in_dim3A_212 : f32 to vector<16xf32>
          %broadcast_in_dim3A_214 = arith.constant 0.000000e+00 : f32
          %broadcast_in_dim3A_215 = vector.broadcast %broadcast_in_dim3A_214 : f32 to vector<16xf32>
          %broadcast_in_dim3A_216 = arith.constant 0.000000e+00 : f32
          %broadcast_in_dim3A_217 = vector.broadcast %broadcast_in_dim3A_216 : f32 to vector<16xf32>
          %broadcast_in_dim3A_218 = arith.constant 0.000000e+00 : f32
          %broadcast_in_dim3A_219 = vector.broadcast %broadcast_in_dim3A_218 : f32 to vector<16xf32>
          %broadcast_in_dim3A_220 = arith.constant 0.000000e+00 : f32
          %broadcast_in_dim3A_221 = vector.broadcast %broadcast_in_dim3A_220 : f32 to vector<16xf32>
          %broadcast_in_dim3A_222 = arith.constant 0.000000e+00 : f32
          %broadcast_in_dim3A_223 = vector.broadcast %broadcast_in_dim3A_222 : f32 to vector<16xf32>
          %broadcast_in_dim3A_224 = arith.constant 0.000000e+00 : f32
          %broadcast_in_dim3A_225 = vector.broadcast %broadcast_in_dim3A_224 : f32 to vector<16xf32>
          %broadcast_in_dim3A_226 = arith.constant 0.000000e+00 : f32
          %broadcast_in_dim3A_227 = vector.broadcast %broadcast_in_dim3A_226 : f32 to vector<16xf32>
          %broadcast_in_dim3A_228 = arith.constant 0.000000e+00 : f32
          %broadcast_in_dim3A_229 = vector.broadcast %broadcast_in_dim3A_228 : f32 to vector<16xf32>
          %scan3A_230 = arith.constant 0 : i32
          %scan3A_231 = arith.constant 8 : i32
          %scan3A_232 = arith.addi %scan3A_230, %scan3A_231 : i32
          %scan3A_233 = arith.constant 1 : i32
          %scan3A_234:16 = scf.for %scan3A_434 = %scan3A_230 to %scan3A_232 step %scan3A_233 iter_args(%scan3A_435 = %broadcast_in_dim3A_199, %scan3A_436 = %broadcast_in_dim3A_201, %scan3A_437 = %broadcast_in_dim3A_203, %scan3A_438 = %broadcast_in_dim3A_205, %scan3A_439 = %broadcast_in_dim3A_207, %scan3A_440 = %broadcast_in_dim3A_209, %scan3A_441 = %broadcast_in_dim3A_211, %scan3A_442 = %broadcast_in_dim3A_213, %scan3A_443 = %broadcast_in_dim3A_215, %scan3A_444 = %broadcast_in_dim3A_217, %scan3A_445 = %broadcast_in_dim3A_219, %scan3A_446 = %broadcast_in_dim3A_221, %scan3A_447 = %broadcast_in_dim3A_223, %scan3A_448 = %broadcast_in_dim3A_225, %scan3A_449 = %broadcast_in_dim3A_227, %scan3A_450 = %broadcast_in_dim3A_229) -> (vector<16xf32>, vector<16xf32>, vector<16xf32>, vector<16xf32>, vector<16xf32>, vector<16xf32>, vector<16xf32>, vector<16xf32>, vector<16xf32>, vector<16xf32>, vector<16xf32>, vector<16xf32>, vector<16xf32>, vector<16xf32>, vector<16xf32>, vector<16xf32>)  : i32 {
            %mul3A_451 = arith.constant 16 : i32
            %mul3A_452 = arith.muli %scan3A_434, %mul3A_451 : i32
            %multiple_of3A_453 = tpu.assume_multiple %mul3A_452, 16 : i32
            %get3A = arith.index_cast %add3A_198 : i32 to index
            %get3A_454 = arith.index_cast %multiple_of3A_453 : i32 to index
            %get3A_455 = tpu.vector_load %arg9[%get3A, %get3A_454] {strides = array<i32>} : memref<32x128xf32, #tpu.memory_space<vmem>>, vector<1x16xf32>,
            %get3A_456 = vector.shape_cast %get3A_455 : vector<1x16xf32> to vector<16xf32>
            %mul3A_457 = arith.constant 32 : i32
            %mul3A_458 = arith.muli %scan3A_194, %mul3A_457 : i32
            %mul3A_459 = arith.constant 4 : i32
            %mul3A_460 = arith.muli %scan3A_434, %mul3A_459 : i32
            %add3A_461 = arith.addi %mul3A_458, %mul3A_460 : i32
            %add3A_462 = arith.constant 0 : i32
            %add3A_463 = arith.addi %add3A_461, %add3A_462 : i32
            %get3A_464 = arith.index_cast %add3A_463 : i32 to index
            %get3A_465 = arith.constant 0 : index
            %get3A_466 = tpu.vector_load %arg10[%get3A_464, %get3A_465] {strides = array<i32>} : memref<64x128xf32, #tpu.memory_space<vmem>>, vector<1x16xf32>,
            %get3A_467 = vector.shape_cast %get3A_466 : vector<1x16xf32> to vector<16xf32>
            %get3A_468 = arith.index_cast %add3A_463 : i32 to index
            %get3A_469 = arith.constant 16 : index
            %get3A_470 = tpu.vector_load %arg10[%get3A_468, %get3A_469] {strides = array<i32>} : memref<64x128xf32, #tpu.memory_space<vmem>>, vector<1x16xf32>,
            %get3A_471 = vector.shape_cast %get3A_470 : vector<1x16xf32> to vector<16xf32>
            %get3A_472 = arith.index_cast %add3A_463 : i32 to index
            %get3A_473 = arith.constant 32 : index
            %get3A_474 = tpu.vector_load %arg10[%get3A_472, %get3A_473] {strides = array<i32>} : memref<64x128xf32, #tpu.memory_space<vmem>>, vector<1x16xf32>,
            %get3A_475 = vector.shape_cast %get3A_474 : vector<1x16xf32> to vector<16xf32>
            %get3A_476 = arith.index_cast %add3A_463 : i32 to index
            %get3A_477 = arith.constant 48 : index
            %get3A_478 = tpu.vector_load %arg10[%get3A_476, %get3A_477] {strides = array<i32>} : memref<64x128xf32, #tpu.memory_space<vmem>>, vector<1x16xf32>,
            %get3A_479 = vector.shape_cast %get3A_478 : vector<1x16xf32> to vector<16xf32>
            %slice3A = vector.extract_strided_slice %get3A_456 {offsets = [0], sizes = [1], strides = [1]} : vector<16xf32> to vector<1xf32>
            %squeeze3A = vector.extract %slice3A[0] : f32 from vector<1xf32>
            %mul3A_480 = vector.broadcast %squeeze3A : f32 to vector<16xf32>
            %mul3A_481 = arith.mulf %mul3A_480, %get3A_467 : vector<16xf32>
            %add3A_482 = arith.addf %scan3A_435, %mul3A_481 : vector<16xf32>
            %mul3A_483 = vector.broadcast %squeeze3A : f32 to vector<16xf32>
            %mul3A_484 = arith.mulf %mul3A_483, %get3A_471 : vector<16xf32>
            %add3A_485 = arith.addf %scan3A_436, %mul3A_484 : vector<16xf32>
            %mul3A_486 = vector.broadcast %squeeze3A : f32 to vector<16xf32>
            %mul3A_487 = arith.mulf %mul3A_486, %get3A_475 : vector<16xf32>
            %add3A_488 = arith.addf %scan3A_437, %mul3A_487 : vector<16xf32>
            %mul3A_489 = vector.broadcast %squeeze3A : f32 to vector<16xf32>
            %mul3A_490 = arith.mulf %mul3A_489, %get3A_479 : vector<16xf32>
            %add3A_491 = arith.addf %scan3A_438, %mul3A_490 : vector<16xf32>
            %slice3A_492 = vector.extract_strided_slice %get3A_456 {offsets = [1], sizes = [1], strides = [1]} : vector<16xf32> to vector<1xf32>
            %squeeze3A_493 = vector.extract %slice3A_492[0] : f32 from vector<1xf32>
            %mul3A_494 = vector.broadcast %squeeze3A_493 : f32 to vector<16xf32>
            %mul3A_495 = arith.mulf %mul3A_494, %get3A_467 : vector<16xf32>
            %add3A_496 = arith.addf %scan3A_439, %mul3A_495 : vector<16xf32>
            %mul3A_497 = vector.broadcast %squeeze3A_493 : f32 to vector<16xf32>
            %mul3A_498 = arith.mulf %mul3A_497, %get3A_471 : vector<16xf32>
            %add3A_499 = arith.addf %scan3A_440, %mul3A_498 : vector<16xf32>
            %mul3A_500 = vector.broadcast %squeeze3A_493 : f32 to vector<16xf32>
            %mul3A_501 = arith.mulf %mul3A_500, %get3A_475 : vector<16xf32>
            %add3A_502 = arith.addf %scan3A_441, %mul3A_501 : vector<16xf32>
            %mul3A_503 = vector.broadcast %squeeze3A_493 : f32 to vector<16xf32>
            %mul3A_504 = arith.mulf %mul3A_503, %get3A_479 : vector<16xf32>
            %add3A_505 = arith.addf %scan3A_442, %mul3A_504 : vector<16xf32>
            %slice3A_506 = vector.extract_strided_slice %get3A_456 {offsets = [2], sizes = [1], strides = [1]} : vector<16xf32> to vector<1xf32>
            %squeeze3A_507 = vector.extract %slice3A_506[0] : f32 from vector<1xf32>
            %mul3A_508 = vector.broadcast %squeeze3A_507 : f32 to vector<16xf32>
            %mul3A_509 = arith.mulf %mul3A_508, %get3A_467 : vector<16xf32>
            %add3A_510 = arith.addf %scan3A_443, %mul3A_509 : vector<16xf32>
            %mul3A_511 = vector.broadcast %squeeze3A_507 : f32 to vector<16xf32>
            %mul3A_512 = arith.mulf %mul3A_511, %get3A_471 : vector<16xf32>
            %add3A_513 = arith.addf %scan3A_444, %mul3A_512 : vector<16xf32>
            %mul3A_514 = vector.broadcast %squeeze3A_507 : f32 to vector<16xf32>
            %mul3A_515 = arith.mulf %mul3A_514, %get3A_475 : vector<16xf32>
            %add3A_516 = arith.addf %scan3A_445, %mul3A_515 : vector<16xf32>
            %mul3A_517 = vector.broadcast %squeeze3A_507 : f32 to vector<16xf32>
            %mul3A_518 = arith.mulf %mul3A_517, %get3A_479 : vector<16xf32>
            %add3A_519 = arith.addf %scan3A_446, %mul3A_518 : vector<16xf32>
            %slice3A_520 = vector.extract_strided_slice %get3A_456 {offsets = [3], sizes = [1], strides = [1]} : vector<16xf32> to vector<1xf32>
            %squeeze3A_521 = vector.extract %slice3A_520[0] : f32 from vector<1xf32>
            %mul3A_522 = vector.broadcast %squeeze3A_521 : f32 to vector<16xf32>
            %mul3A_523 = arith.mulf %mul3A_522, %get3A_467 : vector<16xf32>
            %add3A_524 = arith.addf %scan3A_447, %mul3A_523 : vector<16xf32>
            %mul3A_525 = vector.broadcast %squeeze3A_521 : f32 to vector<16xf32>
            %mul3A_526 = arith.mulf %mul3A_525, %get3A_471 : vector<16xf32>
            %add3A_527 = arith.addf %scan3A_448, %mul3A_526 : vector<16xf32>
            %mul3A_528 = vector.broadcast %squeeze3A_521 : f32 to vector<16xf32>
            %mul3A_529 = arith.mulf %mul3A_528, %get3A_475 : vector<16xf32>
            %add3A_530 = arith.addf %scan3A_449, %mul3A_529 : vector<16xf32>
            %mul3A_531 = vector.broadcast %squeeze3A_521 : f32 to vector<16xf32>
            %mul3A_532 = arith.mulf %mul3A_531, %get3A_479 : vector<16xf32>
            %add3A_533 = arith.addf %scan3A_450, %mul3A_532 : vector<16xf32>
            %mul3A_534 = arith.constant 32 : i32
            %mul3A_535 = arith.muli %scan3A_194, %mul3A_534 : i32
            %mul3A_536 = arith.constant 4 : i32
            %mul3A_537 = arith.muli %scan3A_434, %mul3A_536 : i32
            %add3A_538 = arith.addi %mul3A_535, %mul3A_537 : i32
            %add3A_539 = arith.constant 1 : i32
            %add3A_540 = arith.addi %add3A_538, %add3A_539 : i32
            %get3A_541 = arith.index_cast %add3A_540 : i32 to index
            %get3A_542 = arith.constant 0 : index
            %get3A_543 = tpu.vector_load %arg10[%get3A_541, %get3A_542] {strides = array<i32>} : memref<64x128xf32, #tpu.memory_space<vmem>>, vector<1x16xf32>,
            %get3A_544 = vector.shape_cast %get3A_543 : vector<1x16xf32> to vector<16xf32>
            %get3A_545 = arith.index_cast %add3A_540 : i32 to index
            %get3A_546 = arith.constant 16 : index
            %get3A_547 = tpu.vector_load %arg10[%get3A_545, %get3A_546] {strides = array<i32>} : memref<64x128xf32, #tpu.memory_space<vmem>>, vector<1x16xf32>,
            %get3A_548 = vector.shape_cast %get3A_547 : vector<1x16xf32> to vector<16xf32>
            %get3A_549 = arith.index_cast %add3A_540 : i32 to index
            %get3A_550 = arith.constant 32 : index
            %get3A_551 = tpu.vector_load %arg10[%get3A_549, %get3A_550] {strides = array<i32>} : memref<64x128xf32, #tpu.memory_space<vmem>>, vector<1x16xf32>,
            %get3A_552 = vector.shape_cast %get3A_551 : vector<1x16xf32> to vector<16xf32>
            %get3A_553 = arith.index_cast %add3A_540 : i32 to index
            %get3A_554 = arith.constant 48 : index
            %get3A_555 = tpu.vector_load %arg10[%get3A_553, %get3A_554] {strides = array<i32>} : memref<64x128xf32, #tpu.memory_space<vmem>>, vector<1x16xf32>,
            %get3A_556 = vector.shape_cast %get3A_555 : vector<1x16xf32> to vector<16xf32>
            %slice3A_557 = vector.extract_strided_slice %get3A_456 {offsets = [4], sizes = [1], strides = [1]} : vector<16xf32> to vector<1xf32>
            %squeeze3A_558 = vector.extract %slice3A_557[0] : f32 from vector<1xf32>
            %mul3A_559 = vector.broadcast %squeeze3A_558 : f32 to vector<16xf32>
            %mul3A_560 = arith.mulf %mul3A_559, %get3A_544 : vector<16xf32>
            %add3A_561 = arith.addf %add3A_482, %mul3A_560 : vector<16xf32>
            %mul3A_562 = vector.broadcast %squeeze3A_558 : f32 to vector<16xf32>
            %mul3A_563 = arith.mulf %mul3A_562, %get3A_548 : vector<16xf32>
            %add3A_564 = arith.addf %add3A_485, %mul3A_563 : vector<16xf32>
            %mul3A_565 = vector.broadcast %squeeze3A_558 : f32 to vector<16xf32>
            %mul3A_566 = arith.mulf %mul3A_565, %get3A_552 : vector<16xf32>
            %add3A_567 = arith.addf %add3A_488, %mul3A_566 : vector<16xf32>
            %mul3A_568 = vector.broadcast %squeeze3A_558 : f32 to vector<16xf32>
            %mul3A_569 = arith.mulf %mul3A_568, %get3A_556 : vector<16xf32>
            %add3A_570 = arith.addf %add3A_491, %mul3A_569 : vector<16xf32>
            %slice3A_571 = vector.extract_strided_slice %get3A_456 {offsets = [5], sizes = [1], strides = [1]} : vector<16xf32> to vector<1xf32>
            %squeeze3A_572 = vector.extract %slice3A_571[0] : f32 from vector<1xf32>
            %mul3A_573 = vector.broadcast %squeeze3A_572 : f32 to vector<16xf32>
            %mul3A_574 = arith.mulf %mul3A_573, %get3A_544 : vector<16xf32>
            %add3A_575 = arith.addf %add3A_496, %mul3A_574 : vector<16xf32>
            %mul3A_576 = vector.broadcast %squeeze3A_572 : f32 to vector<16xf32>
            %mul3A_577 = arith.mulf %mul3A_576, %get3A_548 : vector<16xf32>
            %add3A_578 = arith.addf %add3A_499, %mul3A_577 : vector<16xf32>
            %mul3A_579 = vector.broadcast %squeeze3A_572 : f32 to vector<16xf32>
            %mul3A_580 = arith.mulf %mul3A_579, %get3A_552 : vector<16xf32>
            %add3A_581 = arith.addf %add3A_502, %mul3A_580 : vector<16xf32>
            %mul3A_582 = vector.broadcast %squeeze3A_572 : f32 to vector<16xf32>
            %mul3A_583 = arith.mulf %mul3A_582, %get3A_556 : vector<16xf32>
            %add3A_584 = arith.addf %add3A_505, %mul3A_583 : vector<16xf32>
            %slice3A_585 = vector.extract_strided_slice %get3A_456 {offsets = [6], sizes = [1], strides = [1]} : vector<16xf32> to vector<1xf32>
            %squeeze3A_586 = vector.extract %slice3A_585[0] : f32 from vector<1xf32>
            %mul3A_587 = vector.broadcast %squeeze3A_586 : f32 to vector<16xf32>
            %mul3A_588 = arith.mulf %mul3A_587, %get3A_544 : vector<16xf32>
            %add3A_589 = arith.addf %add3A_510, %mul3A_588 : vector<16xf32>
            %mul3A_590 = vector.broadcast %squeeze3A_586 : f32 to vector<16xf32>
            %mul3A_591 = arith.mulf %mul3A_590, %get3A_548 : vector<16xf32>
            %add3A_592 = arith.addf %add3A_513, %mul3A_591 : vector<16xf32>
            %mul3A_593 = vector.broadcast %squeeze3A_586 : f32 to vector<16xf32>
            %mul3A_594 = arith.mulf %mul3A_593, %get3A_552 : vector<16xf32>
            %add3A_595 = arith.addf %add3A_516, %mul3A_594 : vector<16xf32>
            %mul3A_596 = vector.broadcast %squeeze3A_586 : f32 to vector<16xf32>
            %mul3A_597 = arith.mulf %mul3A_596, %get3A_556 : vector<16xf32>
            %add3A_598 = arith.addf %add3A_519, %mul3A_597 : vector<16xf32>
            %slice3A_599 = vector.extract_strided_slice %get3A_456 {offsets = [7], sizes = [1], strides = [1]} : vector<16xf32> to vector<1xf32>
            %squeeze3A_600 = vector.extract %slice3A_599[0] : f32 from vector<1xf32>
            %mul3A_601 = vector.broadcast %squeeze3A_600 : f32 to vector<16xf32>
            %mul3A_602 = arith.mulf %mul3A_601, %get3A_544 : vector<16xf32>
            %add3A_603 = arith.addf %add3A_524, %mul3A_602 : vector<16xf32>
            %mul3A_604 = vector.broadcast %squeeze3A_600 : f32 to vector<16xf32>
            %mul3A_605 = arith.mulf %mul3A_604, %get3A_548 : vector<16xf32>
            %add3A_606 = arith.addf %add3A_527, %mul3A_605 : vector<16xf32>
            %mul3A_607 = vector.broadcast %squeeze3A_600 : f32 to vector<16xf32>
            %mul3A_608 = arith.mulf %mul3A_607, %get3A_552 : vector<16xf32>
            %add3A_609 = arith.addf %add3A_530, %mul3A_608 : vector<16xf32>
            %mul3A_610 = vector.broadcast %squeeze3A_600 : f32 to vector<16xf32>
            %mul3A_611 = arith.mulf %mul3A_610, %get3A_556 : vector<16xf32>
            %add3A_612 = arith.addf %add3A_533, %mul3A_611 : vector<16xf32>
            %mul3A_613 = arith.constant 32 : i32
            %mul3A_614 = arith.muli %scan3A_194, %mul3A_613 : i32
            %mul3A_615 = arith.constant 4 : i32
            %mul3A_616 = arith.muli %scan3A_434, %mul3A_615 : i32
            %add3A_617 = arith.addi %mul3A_614, %mul3A_616 : i32
            %add3A_618 = arith.constant 2 : i32
            %add3A_619 = arith.addi %add3A_617, %add3A_618 : i32
            %get3A_620 = arith.index_cast %add3A_619 : i32 to index
            %get3A_621 = arith.constant 0 : index
            %get3A_622 = tpu.vector_load %arg10[%get3A_620, %get3A_621] {strides = array<i32>} : memref<64x128xf32, #tpu.memory_space<vmem>>, vector<1x16xf32>,
            %get3A_623 = vector.shape_cast %get3A_622 : vector<1x16xf32> to vector<16xf32>
            %get3A_624 = arith.index_cast %add3A_619 : i32 to index
            %get3A_625 = arith.constant 16 : index
            %get3A_626 = tpu.vector_load %arg10[%get3A_624, %get3A_625] {strides = array<i32>} : memref<64x128xf32, #tpu.memory_space<vmem>>, vector<1x16xf32>,
            %get3A_627 = vector.shape_cast %get3A_626 : vector<1x16xf32> to vector<16xf32>
            %get3A_628 = arith.index_cast %add3A_619 : i32 to index
            %get3A_629 = arith.constant 32 : index
            %get3A_630 = tpu.vector_load %arg10[%get3A_628, %get3A_629] {strides = array<i32>} : memref<64x128xf32, #tpu.memory_space<vmem>>, vector<1x16xf32>,
            %get3A_631 = vector.shape_cast %get3A_630 : vector<1x16xf32> to vector<16xf32>
            %get3A_632 = arith.index_cast %add3A_619 : i32 to index
            %get3A_633 = arith.constant 48 : index
            %get3A_634 = tpu.vector_load %arg10[%get3A_632, %get3A_633] {strides = array<i32>} : memref<64x128xf32, #tpu.memory_space<vmem>>, vector<1x16xf32>,
            %get3A_635 = vector.shape_cast %get3A_634 : vector<1x16xf32> to vector<16xf32>
            %slice3A_636 = vector.extract_strided_slice %get3A_456 {offsets = [8], sizes = [1], strides = [1]} : vector<16xf32> to vector<1xf32>
            %squeeze3A_637 = vector.extract %slice3A_636[0] : f32 from vector<1xf32>
            %mul3A_638 = vector.broadcast %squeeze3A_637 : f32 to vector<16xf32>
            %mul3A_639 = arith.mulf %mul3A_638, %get3A_623 : vector<16xf32>
            %add3A_640 = arith.addf %add3A_561, %mul3A_639 : vector<16xf32>
            %mul3A_641 = vector.broadcast %squeeze3A_637 : f32 to vector<16xf32>
            %mul3A_642 = arith.mulf %mul3A_641, %get3A_627 : vector<16xf32>
            %add3A_643 = arith.addf %add3A_564, %mul3A_642 : vector<16xf32>
            %mul3A_644 = vector.broadcast %squeeze3A_637 : f32 to vector<16xf32>
            %mul3A_645 = arith.mulf %mul3A_644, %get3A_631 : vector<16xf32>
            %add3A_646 = arith.addf %add3A_567, %mul3A_645 : vector<16xf32>
            %mul3A_647 = vector.broadcast %squeeze3A_637 : f32 to vector<16xf32>
            %mul3A_648 = arith.mulf %mul3A_647, %get3A_635 : vector<16xf32>
            %add3A_649 = arith.addf %add3A_570, %mul3A_648 : vector<16xf32>
            %slice3A_650 = vector.extract_strided_slice %get3A_456 {offsets = [9], sizes = [1], strides = [1]} : vector<16xf32> to vector<1xf32>
            %squeeze3A_651 = vector.extract %slice3A_650[0] : f32 from vector<1xf32>
            %mul3A_652 = vector.broadcast %squeeze3A_651 : f32 to vector<16xf32>
            %mul3A_653 = arith.mulf %mul3A_652, %get3A_623 : vector<16xf32>
            %add3A_654 = arith.addf %add3A_575, %mul3A_653 : vector<16xf32>
            %mul3A_655 = vector.broadcast %squeeze3A_651 : f32 to vector<16xf32>
            %mul3A_656 = arith.mulf %mul3A_655, %get3A_627 : vector<16xf32>
            %add3A_657 = arith.addf %add3A_578, %mul3A_656 : vector<16xf32>
            %mul3A_658 = vector.broadcast %squeeze3A_651 : f32 to vector<16xf32>
            %mul3A_659 = arith.mulf %mul3A_658, %get3A_631 : vector<16xf32>
            %add3A_660 = arith.addf %add3A_581, %mul3A_659 : vector<16xf32>
            %mul3A_661 = vector.broadcast %squeeze3A_651 : f32 to vector<16xf32>
            %mul3A_662 = arith.mulf %mul3A_661, %get3A_635 : vector<16xf32>
            %add3A_663 = arith.addf %add3A_584, %mul3A_662 : vector<16xf32>
            %slice3A_664 = vector.extract_strided_slice %get3A_456 {offsets = [10], sizes = [1], strides = [1]} : vector<16xf32> to vector<1xf32>
            %squeeze3A_665 = vector.extract %slice3A_664[0] : f32 from vector<1xf32>
            %mul3A_666 = vector.broadcast %squeeze3A_665 : f32 to vector<16xf32>
            %mul3A_667 = arith.mulf %mul3A_666, %get3A_623 : vector<16xf32>
            %add3A_668 = arith.addf %add3A_589, %mul3A_667 : vector<16xf32>
            %mul3A_669 = vector.broadcast %squeeze3A_665 : f32 to vector<16xf32>
            %mul3A_670 = arith.mulf %mul3A_669, %get3A_627 : vector<16xf32>
            %add3A_671 = arith.addf %add3A_592, %mul3A_670 : vector<16xf32>
            %mul3A_672 = vector.broadcast %squeeze3A_665 : f32 to vector<16xf32>
            %mul3A_673 = arith.mulf %mul3A_672, %get3A_631 : vector<16xf32>
            %add3A_674 = arith.addf %add3A_595, %mul3A_673 : vector<16xf32>
            %mul3A_675 = vector.broadcast %squeeze3A_665 : f32 to vector<16xf32>
            %mul3A_676 = arith.mulf %mul3A_675, %get3A_635 : vector<16xf32>
            %add3A_677 = arith.addf %add3A_598, %mul3A_676 : vector<16xf32>
            %slice3A_678 = vector.extract_strided_slice %get3A_456 {offsets = [11], sizes = [1], strides = [1]} : vector<16xf32> to vector<1xf32>
            %squeeze3A_679 = vector.extract %slice3A_678[0] : f32 from vector<1xf32>
            %mul3A_680 = vector.broadcast %squeeze3A_679 : f32 to vector<16xf32>
            %mul3A_681 = arith.mulf %mul3A_680, %get3A_623 : vector<16xf32>
            %add3A_682 = arith.addf %add3A_603, %mul3A_681 : vector<16xf32>
            %mul3A_683 = vector.broadcast %squeeze3A_679 : f32 to vector<16xf32>
            %mul3A_684 = arith.mulf %mul3A_683, %get3A_627 : vector<16xf32>
            %add3A_685 = arith.addf %add3A_606, %mul3A_684 : vector<16xf32>
            %mul3A_686 = vector.broadcast %squeeze3A_679 : f32 to vector<16xf32>
            %mul3A_687 = arith.mulf %mul3A_686, %get3A_631 : vector<16xf32>
            %add3A_688 = arith.addf %add3A_609, %mul3A_687 : vector<16xf32>
            %mul3A_689 = vector.broadcast %squeeze3A_679 : f32 to vector<16xf32>
            %mul3A_690 = arith.mulf %mul3A_689, %get3A_635 : vector<16xf32>
            %add3A_691 = arith.addf %add3A_612, %mul3A_690 : vector<16xf32>
            %mul3A_692 = arith.constant 32 : i32
            %mul3A_693 = arith.muli %scan3A_194, %mul3A_692 : i32
            %mul3A_694 = arith.constant 4 : i32
            %mul3A_695 = arith.muli %scan3A_434, %mul3A_694 : i32
            %add3A_696 = arith.addi %mul3A_693, %mul3A_695 : i32
            %add3A_697 = arith.constant 3 : i32
            %add3A_698 = arith.addi %add3A_696, %add3A_697 : i32
            %get3A_699 = arith.index_cast %add3A_698 : i32 to index
            %get3A_700 = arith.constant 0 : index
            %get3A_701 = tpu.vector_load %arg10[%get3A_699, %get3A_700] {strides = array<i32>} : memref<64x128xf32, #tpu.memory_space<vmem>>, vector<1x16xf32>,
            %get3A_702 = vector.shape_cast %get3A_701 : vector<1x16xf32> to vector<16xf32>
            %get3A_703 = arith.index_cast %add3A_698 : i32 to index
            %get3A_704 = arith.constant 16 : index
            %get3A_705 = tpu.vector_load %arg10[%get3A_703, %get3A_704] {strides = array<i32>} : memref<64x128xf32, #tpu.memory_space<vmem>>, vector<1x16xf32>,
            %get3A_706 = vector.shape_cast %get3A_705 : vector<1x16xf32> to vector<16xf32>
            %get3A_707 = arith.index_cast %add3A_698 : i32 to index
            %get3A_708 = arith.constant 32 : index
            %get3A_709 = tpu.vector_load %arg10[%get3A_707, %get3A_708] {strides = array<i32>} : memref<64x128xf32, #tpu.memory_space<vmem>>, vector<1x16xf32>,
            %get3A_710 = vector.shape_cast %get3A_709 : vector<1x16xf32> to vector<16xf32>
            %get3A_711 = arith.index_cast %add3A_698 : i32 to index
            %get3A_712 = arith.constant 48 : index
            %get3A_713 = tpu.vector_load %arg10[%get3A_711, %get3A_712] {strides = array<i32>} : memref<64x128xf32, #tpu.memory_space<vmem>>, vector<1x16xf32>,
            %get3A_714 = vector.shape_cast %get3A_713 : vector<1x16xf32> to vector<16xf32>
            %slice3A_715 = vector.extract_strided_slice %get3A_456 {offsets = [12], sizes = [1], strides = [1]} : vector<16xf32> to vector<1xf32>
            %squeeze3A_716 = vector.extract %slice3A_715[0] : f32 from vector<1xf32>
            %mul3A_717 = vector.broadcast %squeeze3A_716 : f32 to vector<16xf32>
            %mul3A_718 = arith.mulf %mul3A_717, %get3A_702 : vector<16xf32>
            %add3A_719 = arith.addf %add3A_640, %mul3A_718 : vector<16xf32>
            %mul3A_720 = vector.broadcast %squeeze3A_716 : f32 to vector<16xf32>
            %mul3A_721 = arith.mulf %mul3A_720, %get3A_706 : vector<16xf32>
            %add3A_722 = arith.addf %add3A_643, %mul3A_721 : vector<16xf32>
            %mul3A_723 = vector.broadcast %squeeze3A_716 : f32 to vector<16xf32>
            %mul3A_724 = arith.mulf %mul3A_723, %get3A_710 : vector<16xf32>
            %add3A_725 = arith.addf %add3A_646, %mul3A_724 : vector<16xf32>
            %mul3A_726 = vector.broadcast %squeeze3A_716 : f32 to vector<16xf32>
            %mul3A_727 = arith.mulf %mul3A_726, %get3A_714 : vector<16xf32>
            %add3A_728 = arith.addf %add3A_649, %mul3A_727 : vector<16xf32>
            %slice3A_729 = vector.extract_strided_slice %get3A_456 {offsets = [13], sizes = [1], strides = [1]} : vector<16xf32> to vector<1xf32>
            %squeeze3A_730 = vector.extract %slice3A_729[0] : f32 from vector<1xf32>
            %mul3A_731 = vector.broadcast %squeeze3A_730 : f32 to vector<16xf32>
            %mul3A_732 = arith.mulf %mul3A_731, %get3A_702 : vector<16xf32>
            %add3A_733 = arith.addf %add3A_654, %mul3A_732 : vector<16xf32>
            %mul3A_734 = vector.broadcast %squeeze3A_730 : f32 to vector<16xf32>
            %mul3A_735 = arith.mulf %mul3A_734, %get3A_706 : vector<16xf32>
            %add3A_736 = arith.addf %add3A_657, %mul3A_735 : vector<16xf32>
            %mul3A_737 = vector.broadcast %squeeze3A_730 : f32 to vector<16xf32>
            %mul3A_738 = arith.mulf %mul3A_737, %get3A_710 : vector<16xf32>
            %add3A_739 = arith.addf %add3A_660, %mul3A_738 : vector<16xf32>
            %mul3A_740 = vector.broadcast %squeeze3A_730 : f32 to vector<16xf32>
            %mul3A_741 = arith.mulf %mul3A_740, %get3A_714 : vector<16xf32>
            %add3A_742 = arith.addf %add3A_663, %mul3A_741 : vector<16xf32>
            %slice3A_743 = vector.extract_strided_slice %get3A_456 {offsets = [14], sizes = [1], strides = [1]} : vector<16xf32> to vector<1xf32>
            %squeeze3A_744 = vector.extract %slice3A_743[0] : f32 from vector<1xf32>
            %mul3A_745 = vector.broadcast %squeeze3A_744 : f32 to vector<16xf32>
            %mul3A_746 = arith.mulf %mul3A_745, %get3A_702 : vector<16xf32>
            %add3A_747 = arith.addf %add3A_668, %mul3A_746 : vector<16xf32>
            %mul3A_748 = vector.broadcast %squeeze3A_744 : f32 to vector<16xf32>
            %mul3A_749 = arith.mulf %mul3A_748, %get3A_706 : vector<16xf32>
            %add3A_750 = arith.addf %add3A_671, %mul3A_749 : vector<16xf32>
            %mul3A_751 = vector.broadcast %squeeze3A_744 : f32 to vector<16xf32>
            %mul3A_752 = arith.mulf %mul3A_751, %get3A_710 : vector<16xf32>
            %add3A_753 = arith.addf %add3A_674, %mul3A_752 : vector<16xf32>
            %mul3A_754 = vector.broadcast %squeeze3A_744 : f32 to vector<16xf32>
            %mul3A_755 = arith.mulf %mul3A_754, %get3A_714 : vector<16xf32>
            %add3A_756 = arith.addf %add3A_677, %mul3A_755 : vector<16xf32>
            %slice3A_757 = vector.extract_strided_slice %get3A_456 {offsets = [15], sizes = [1], strides = [1]} : vector<16xf32> to vector<1xf32>
            %squeeze3A_758 = vector.extract %slice3A_757[0] : f32 from vector<1xf32>
            %mul3A_759 = vector.broadcast %squeeze3A_758 : f32 to vector<16xf32>
            %mul3A_760 = arith.mulf %mul3A_759, %get3A_702 : vector<16xf32>
            %add3A_761 = arith.addf %add3A_682, %mul3A_760 : vector<16xf32>
            %mul3A_762 = vector.broadcast %squeeze3A_758 : f32 to vector<16xf32>
            %mul3A_763 = arith.mulf %mul3A_762, %get3A_706 : vector<16xf32>
            %add3A_764 = arith.addf %add3A_685, %mul3A_763 : vector<16xf32>
            %mul3A_765 = vector.broadcast %squeeze3A_758 : f32 to vector<16xf32>
            %mul3A_766 = arith.mulf %mul3A_765, %get3A_710 : vector<16xf32>
            %add3A_767 = arith.addf %add3A_688, %mul3A_766 : vector<16xf32>
            %mul3A_768 = vector.broadcast %squeeze3A_758 : f32 to vector<16xf32>
            %mul3A_769 = arith.mulf %mul3A_768, %get3A_714 : vector<16xf32>
            %add3A_770 = arith.addf %add3A_691, %mul3A_769 : vector<16xf32>
            scf.yield %add3A_719, %add3A_722, %add3A_725, %add3A_728, %add3A_733, %add3A_736, %add3A_739, %add3A_742, %add3A_747, %add3A_750, %add3A_753, %add3A_756, %add3A_761, %add3A_764, %add3A_767, %add3A_770 : vector<16xf32>, vector<16xf32>, vector<16xf32>, vector<16xf32>, vector<16xf32>, vector<16xf32>, vector<16xf32>, vector<16xf32>, vector<16xf32>, vector<16xf32>, vector<16xf32>, vector<16xf32>, vector<16xf32>, vector<16xf32>, vector<16xf32>, vector<16xf32>
          }
          %scan3A_235 = arith.constant 8 : i32
          %swap3A = arith.index_cast %scan3A_194 : i32 to index
          %swap3A_236 = arith.constant 0 : index
          %swap3A_237 = tpu.vector_load %arg12[%swap3A, %swap3A_236] {strides = array<i32>} : memref<2x512xf32, #tpu.memory_space<vmem>>, vector<1x16xf32>,
          %swap3A_238 = vector.shape_cast %swap3A_237 : vector<1x16xf32> to vector<16xf32>
          %swap3A_239 = vector.shape_cast %scan3A_234#0 : vector<16xf32> to vector<1x16xf32>
          tpu.vector_store %arg12[%swap3A, %swap3A_236], %swap3A_239 {strides = array<i32>} : memref<2x512xf32, #tpu.memory_space<vmem>>, vector<1x16xf32>,
          %swap3A_240 = arith.index_cast %scan3A_194 : i32 to index
          %swap3A_241 = arith.constant 16 : index
          %swap3A_242 = tpu.vector_load %arg12[%swap3A_240, %swap3A_241] {strides = array<i32>} : memref<2x512xf32, #tpu.memory_space<vmem>>, vector<1x16xf32>,
          %swap3A_243 = vector.shape_cast %swap3A_242 : vector<1x16xf32> to vector<16xf32>
          %swap3A_244 = vector.shape_cast %scan3A_234#1 : vector<16xf32> to vector<1x16xf32>
          tpu.vector_store %arg12[%swap3A_240, %swap3A_241], %swap3A_244 {strides = array<i32>} : memref<2x512xf32, #tpu.memory_space<vmem>>, vector<1x16xf32>,
          %swap3A_245 = arith.index_cast %scan3A_194 : i32 to index
          %swap3A_246 = arith.constant 32 : index
          %swap3A_247 = tpu.vector_load %arg12[%swap3A_245, %swap3A_246] {strides = array<i32>} : memref<2x512xf32, #tpu.memory_space<vmem>>, vector<1x16xf32>,
          %swap3A_248 = vector.shape_cast %swap3A_247 : vector<1x16xf32> to vector<16xf32>
          %swap3A_249 = vector.shape_cast %scan3A_234#2 : vector<16xf32> to vector<1x16xf32>
          tpu.vector_store %arg12[%swap3A_245, %swap3A_246], %swap3A_249 {strides = array<i32>} : memref<2x512xf32, #tpu.memory_space<vmem>>, vector<1x16xf32>,
          %swap3A_250 = arith.index_cast %scan3A_194 : i32 to index
          %swap3A_251 = arith.constant 48 : index
          %swap3A_252 = tpu.vector_load %arg12[%swap3A_250, %swap3A_251] {strides = array<i32>} : memref<2x512xf32, #tpu.memory_space<vmem>>, vector<1x16xf32>,
          %swap3A_253 = vector.shape_cast %swap3A_252 : vector<1x16xf32> to vector<16xf32>
          %swap3A_254 = vector.shape_cast %scan3A_234#3 : vector<16xf32> to vector<1x16xf32>
          tpu.vector_store %arg12[%swap3A_250, %swap3A_251], %swap3A_254 {strides = array<i32>} : memref<2x512xf32, #tpu.memory_space<vmem>>, vector<1x16xf32>,
          %swap3A_255 = arith.index_cast %scan3A_194 : i32 to index
          %swap3A_256 = arith.constant 128 : index
          %swap3A_257 = tpu.vector_load %arg12[%swap3A_255, %swap3A_256] {strides = array<i32>} : memref<2x512xf32, #tpu.memory_space<vmem>>, vector<1x16xf32>,
          %swap3A_258 = vector.shape_cast %swap3A_257 : vector<1x16xf32> to vector<16xf32>
          %swap3A_259 = vector.shape_cast %scan3A_234#4 : vector<16xf32> to vector<1x16xf32>
          tpu.vector_store %arg12[%swap3A_255, %swap3A_256], %swap3A_259 {strides = array<i32>} : memref<2x512xf32, #tpu.memory_space<vmem>>, vector<1x16xf32>,
          %swap3A_260 = arith.index_cast %scan3A_194 : i32 to index
          %swap3A_261 = arith.constant 144 : index
          %swap3A_262 = tpu.vector_load %arg12[%swap3A_260, %swap3A_261] {strides = array<i32>} : memref<2x512xf32, #tpu.memory_space<vmem>>, vector<1x16xf32>,
          %swap3A_263 = vector.shape_cast %swap3A_262 : vector<1x16xf32> to vector<16xf32>
          %swap3A_264 = vector.shape_cast %scan3A_234#5 : vector<16xf32> to vector<1x16xf32>
          tpu.vector_store %arg12[%swap3A_260, %swap3A_261], %swap3A_264 {strides = array<i32>} : memref<2x512xf32, #tpu.memory_space<vmem>>, vector<1x16xf32>,
          %swap3A_265 = arith.index_cast %scan3A_194 : i32 to index
          %swap3A_266 = arith.constant 160 : index
          %swap3A_267 = tpu.vector_load %arg12[%swap3A_265, %swap3A_266] {strides = array<i32>} : memref<2x512xf32, #tpu.memory_space<vmem>>, vector<1x16xf32>,
          %swap3A_268 = vector.shape_cast %swap3A_267 : vector<1x16xf32> to vector<16xf32>
          %swap3A_269 = vector.shape_cast %scan3A_234#6 : vector<16xf32> to vector<1x16xf32>
          tpu.vector_store %arg12[%swap3A_265, %swap3A_266], %swap3A_269 {strides = array<i32>} : memref<2x512xf32, #tpu.memory_space<vmem>>, vector<1x16xf32>,
          %swap3A_270 = arith.index_cast %scan3A_194 : i32 to index
          %swap3A_271 = arith.constant 176 : index
          %swap3A_272 = tpu.vector_load %arg12[%swap3A_270, %swap3A_271] {strides = array<i32>} : memref<2x512xf32, #tpu.memory_space<vmem>>, vector<1x16xf32>,
          %swap3A_273 = vector.shape_cast %swap3A_272 : vector<1x16xf32> to vector<16xf32>
          %swap3A_274 = vector.shape_cast %scan3A_234#7 : vector<16xf32> to vector<1x16xf32>
          tpu.vector_store %arg12[%swap3A_270, %swap3A_271], %swap3A_274 {strides = array<i32>} : memref<2x512xf32, #tpu.memory_space<vmem>>, vector<1x16xf32>,
          %swap3A_275 = arith.index_cast %scan3A_194 : i32 to index
          %swap3A_276 = arith.constant 256 : index
          %swap3A_277 = tpu.vector_load %arg12[%swap3A_275, %swap3A_276] {strides = array<i32>} : memref<2x512xf32, #tpu.memory_space<vmem>>, vector<1x16xf32>,
          %swap3A_278 = vector.shape_cast %swap3A_277 : vector<1x16xf32> to vector<16xf32>
          %swap3A_279 = vector.shape_cast %scan3A_234#8 : vector<16xf32> to vector<1x16xf32>
          tpu.vector_store %arg12[%swap3A_275, %swap3A_276], %swap3A_279 {strides = array<i32>} : memref<2x512xf32, #tpu.memory_space<vmem>>, vector<1x16xf32>,
          %swap3A_280 = arith.index_cast %scan3A_194 : i32 to index
          %swap3A_281 = arith.constant 272 : index
          %swap3A_282 = tpu.vector_load %arg12[%swap3A_280, %swap3A_281] {strides = array<i32>} : memref<2x512xf32, #tpu.memory_space<vmem>>, vector<1x16xf32>,
          %swap3A_283 = vector.shape_cast %swap3A_282 : vector<1x16xf32> to vector<16xf32>
          %swap3A_284 = vector.shape_cast %scan3A_234#9 : vector<16xf32> to vector<1x16xf32>
          tpu.vector_store %arg12[%swap3A_280, %swap3A_281], %swap3A_284 {strides = array<i32>} : memref<2x512xf32, #tpu.memory_space<vmem>>, vector<1x16xf32>,
          %swap3A_285 = arith.index_cast %scan3A_194 : i32 to index
          %swap3A_286 = arith.constant 288 : index
          %swap3A_287 = tpu.vector_load %arg12[%swap3A_285, %swap3A_286] {strides = array<i32>} : memref<2x512xf32, #tpu.memory_space<vmem>>, vector<1x16xf32>,
          %swap3A_288 = vector.shape_cast %swap3A_287 : vector<1x16xf32> to vector<16xf32>
          %swap3A_289 = vector.shape_cast %scan3A_234#10 : vector<16xf32> to vector<1x16xf32>
          tpu.vector_store %arg12[%swap3A_285, %swap3A_286], %swap3A_289 {strides = array<i32>} : memref<2x512xf32, #tpu.memory_space<vmem>>, vector<1x16xf32>,
          %swap3A_290 = arith.index_cast %scan3A_194 : i32 to index
          %swap3A_291 = arith.constant 304 : index
          %swap3A_292 = tpu.vector_load %arg12[%swap3A_290, %swap3A_291] {strides = array<i32>} : memref<2x512xf32, #tpu.memory_space<vmem>>, vector<1x16xf32>,
          %swap3A_293 = vector.shape_cast %swap3A_292 : vector<1x16xf32> to vector<16xf32>
          %swap3A_294 = vector.shape_cast %scan3A_234#11 : vector<16xf32> to vector<1x16xf32>
          tpu.vector_store %arg12[%swap3A_290, %swap3A_291], %swap3A_294 {strides = array<i32>} : memref<2x512xf32, #tpu.memory_space<vmem>>, vector<1x16xf32>,
          %swap3A_295 = arith.index_cast %scan3A_194 : i32 to index
          %swap3A_296 = arith.constant 384 : index
          %swap3A_297 = tpu.vector_load %arg12[%swap3A_295, %swap3A_296] {strides = array<i32>} : memref<2x512xf32, #tpu.memory_space<vmem>>, vector<1x16xf32>,
          %swap3A_298 = vector.shape_cast %swap3A_297 : vector<1x16xf32> to vector<16xf32>
          %swap3A_299 = vector.shape_cast %scan3A_234#12 : vector<16xf32> to vector<1x16xf32>
          tpu.vector_store %arg12[%swap3A_295, %swap3A_296], %swap3A_299 {strides = array<i32>} : memref<2x512xf32, #tpu.memory_space<vmem>>, vector<1x16xf32>,
          %swap3A_300 = arith.index_cast %scan3A_194 : i32 to index
          %swap3A_301 = arith.constant 400 : index
          %swap3A_302 = tpu.vector_load %arg12[%swap3A_300, %swap3A_301] {strides = array<i32>} : memref<2x512xf32, #tpu.memory_space<vmem>>, vector<1x16xf32>,
          %swap3A_303 = vector.shape_cast %swap3A_302 : vector<1x16xf32> to vector<16xf32>
          %swap3A_304 = vector.shape_cast %scan3A_234#13 : vector<16xf32> to vector<1x16xf32>
          tpu.vector_store %arg12[%swap3A_300, %swap3A_301], %swap3A_304 {strides = array<i32>} : memref<2x512xf32, #tpu.memory_space<vmem>>, vector<1x16xf32>,
          %swap3A_305 = arith.index_cast %scan3A_194 : i32 to index
          %swap3A_306 = arith.constant 416 : index
          %swap3A_307 = tpu.vector_load %arg12[%swap3A_305, %swap3A_306] {strides = array<i32>} : memref<2x512xf32, #tpu.memory_space<vmem>>, vector<1x16xf32>,
          %swap3A_308 = vector.shape_cast %swap3A_307 : vector<1x16xf32> to vector<16xf32>
          %swap3A_309 = vector.shape_cast %scan3A_234#14 : vector<16xf32> to vector<1x16xf32>
          tpu.vector_store %arg12[%swap3A_305, %swap3A_306], %swap3A_309 {strides = array<i32>} : memref<2x512xf32, #tpu.memory_space<vmem>>, vector<1x16xf32>,
          %swap3A_310 = arith.index_cast %scan3A_194 : i32 to index
          %swap3A_311 = arith.constant 432 : index
          %swap3A_312 = tpu.vector_load %arg12[%swap3A_310, %swap3A_311] {strides = array<i32>} : memref<2x512xf32, #tpu.memory_space<vmem>>, vector<1x16xf32>,
          %swap3A_313 = vector.shape_cast %swap3A_312 : vector<1x16xf32> to vector<16xf32>
          %swap3A_314 = vector.shape_cast %scan3A_234#15 : vector<16xf32> to vector<1x16xf32>
          tpu.vector_store %arg12[%swap3A_310, %swap3A_311], %swap3A_314 {strides = array<i32>} : memref<2x512xf32, #tpu.memory_space<vmem>>, vector<1x16xf32>,
          %broadcast_in_dim3A_315 = arith.constant 0.000000e+00 : f32
          %broadcast_in_dim3A_316 = vector.broadcast %broadcast_in_dim3A_315 : f32 to vector<16xf32>
          %broadcast_in_dim3A_317 = arith.constant 0.000000e+00 : f32
          %broadcast_in_dim3A_318 = vector.broadcast %broadcast_in_dim3A_317 : f32 to vector<16xf32>
          %broadcast_in_dim3A_319 = arith.constant 0.000000e+00 : f32
          %broadcast_in_dim3A_320 = vector.broadcast %broadcast_in_dim3A_319 : f32 to vector<16xf32>
          %broadcast_in_dim3A_321 = arith.constant 0.000000e+00 : f32
          %broadcast_in_dim3A_322 = vector.broadcast %broadcast_in_dim3A_321 : f32 to vector<16xf32>
          %broadcast_in_dim3A_323 = arith.constant 0.000000e+00 : f32
          %broadcast_in_dim3A_324 = vector.broadcast %broadcast_in_dim3A_323 : f32 to vector<16xf32>
          %broadcast_in_dim3A_325 = arith.constant 0.000000e+00 : f32
          %broadcast_in_dim3A_326 = vector.broadcast %broadcast_in_dim3A_325 : f32 to vector<16xf32>
          %broadcast_in_dim3A_327 = arith.constant 0.000000e+00 : f32
          %broadcast_in_dim3A_328 = vector.broadcast %broadcast_in_dim3A_327 : f32 to vector<16xf32>
          %broadcast_in_dim3A_329 = arith.constant 0.000000e+00 : f32
          %broadcast_in_dim3A_330 = vector.broadcast %broadcast_in_dim3A_329 : f32 to vector<16xf32>
          %broadcast_in_dim3A_331 = arith.constant 0.000000e+00 : f32
          %broadcast_in_dim3A_332 = vector.broadcast %broadcast_in_dim3A_331 : f32 to vector<16xf32>
          %broadcast_in_dim3A_333 = arith.constant 0.000000e+00 : f32
          %broadcast_in_dim3A_334 = vector.broadcast %broadcast_in_dim3A_333 : f32 to vector<16xf32>
          %broadcast_in_dim3A_335 = arith.constant 0.000000e+00 : f32
          %broadcast_in_dim3A_336 = vector.broadcast %broadcast_in_dim3A_335 : f32 to vector<16xf32>
          %broadcast_in_dim3A_337 = arith.constant 0.000000e+00 : f32
          %broadcast_in_dim3A_338 = vector.broadcast %broadcast_in_dim3A_337 : f32 to vector<16xf32>
          %broadcast_in_dim3A_339 = arith.constant 0.000000e+00 : f32
          %broadcast_in_dim3A_340 = vector.broadcast %broadcast_in_dim3A_339 : f32 to vector<16xf32>
          %broadcast_in_dim3A_341 = arith.constant 0.000000e+00 : f32
          %broadcast_in_dim3A_342 = vector.broadcast %broadcast_in_dim3A_341 : f32 to vector<16xf32>
          %broadcast_in_dim3A_343 = arith.constant 0.000000e+00 : f32
          %broadcast_in_dim3A_344 = vector.broadcast %broadcast_in_dim3A_343 : f32 to vector<16xf32>
          %broadcast_in_dim3A_345 = arith.constant 0.000000e+00 : f32
          %broadcast_in_dim3A_346 = vector.broadcast %broadcast_in_dim3A_345 : f32 to vector<16xf32>
          %scan3A_347 = arith.constant 0 : i32
          %scan3A_348 = arith.constant 8 : i32
          %scan3A_349 = arith.addi %scan3A_347, %scan3A_348 : i32
          %scan3A_350 = arith.constant 1 : i32
          %scan3A_351:16 = scf.for %scan3A_434 = %scan3A_347 to %scan3A_349 step %scan3A_350 iter_args(%scan3A_435 = %broadcast_in_dim3A_316, %scan3A_436 = %broadcast_in_dim3A_318, %scan3A_437 = %broadcast_in_dim3A_320, %scan3A_438 = %broadcast_in_dim3A_322, %scan3A_439 = %broadcast_in_dim3A_324, %scan3A_440 = %broadcast_in_dim3A_326, %scan3A_441 = %broadcast_in_dim3A_328, %scan3A_442 = %broadcast_in_dim3A_330, %scan3A_443 = %broadcast_in_dim3A_332, %scan3A_444 = %broadcast_in_dim3A_334, %scan3A_445 = %broadcast_in_dim3A_336, %scan3A_446 = %broadcast_in_dim3A_338, %scan3A_447 = %broadcast_in_dim3A_340, %scan3A_448 = %broadcast_in_dim3A_342, %scan3A_449 = %broadcast_in_dim3A_344, %scan3A_450 = %broadcast_in_dim3A_346) -> (vector<16xf32>, vector<16xf32>, vector<16xf32>, vector<16xf32>, vector<16xf32>, vector<16xf32>, vector<16xf32>, vector<16xf32>, vector<16xf32>, vector<16xf32>, vector<16xf32>, vector<16xf32>, vector<16xf32>, vector<16xf32>, vector<16xf32>, vector<16xf32>)  : i32 {
            %mul3A_451 = arith.constant 16 : i32
            %mul3A_452 = arith.muli %scan3A_434, %mul3A_451 : i32
            %multiple_of3A_453 = tpu.assume_multiple %mul3A_452, 16 : i32
            %get3A = arith.index_cast %add3A_198 : i32 to index
            %get3A_454 = arith.index_cast %multiple_of3A_453 : i32 to index
            %get3A_455 = tpu.vector_load %arg9[%get3A, %get3A_454] {strides = array<i32>} : memref<32x128xf32, #tpu.memory_space<vmem>>, vector<1x16xf32>,
            %get3A_456 = vector.shape_cast %get3A_455 : vector<1x16xf32> to vector<16xf32>
            %mul3A_457 = arith.constant 32 : i32
            %mul3A_458 = arith.muli %scan3A_194, %mul3A_457 : i32
            %mul3A_459 = arith.constant 4 : i32
            %mul3A_460 = arith.muli %scan3A_434, %mul3A_459 : i32
            %add3A_461 = arith.addi %mul3A_458, %mul3A_460 : i32
            %add3A_462 = arith.constant 0 : i32
            %add3A_463 = arith.addi %add3A_461, %add3A_462 : i32
            %get3A_464 = arith.index_cast %add3A_463 : i32 to index
            %get3A_465 = arith.constant 64 : index
            %get3A_466 = tpu.vector_load %arg10[%get3A_464, %get3A_465] {strides = array<i32>} : memref<64x128xf32, #tpu.memory_space<vmem>>, vector<1x16xf32>,
            %get3A_467 = vector.shape_cast %get3A_466 : vector<1x16xf32> to vector<16xf32>
            %get3A_468 = arith.index_cast %add3A_463 : i32 to index
            %get3A_469 = arith.constant 80 : index
            %get3A_470 = tpu.vector_load %arg10[%get3A_468, %get3A_469] {strides = array<i32>} : memref<64x128xf32, #tpu.memory_space<vmem>>, vector<1x16xf32>,
            %get3A_471 = vector.shape_cast %get3A_470 : vector<1x16xf32> to vector<16xf32>
            %get3A_472 = arith.index_cast %add3A_463 : i32 to index
            %get3A_473 = arith.constant 96 : index
            %get3A_474 = tpu.vector_load %arg10[%get3A_472, %get3A_473] {strides = array<i32>} : memref<64x128xf32, #tpu.memory_space<vmem>>, vector<1x16xf32>,
            %get3A_475 = vector.shape_cast %get3A_474 : vector<1x16xf32> to vector<16xf32>
            %get3A_476 = arith.index_cast %add3A_463 : i32 to index
            %get3A_477 = arith.constant 112 : index
            %get3A_478 = tpu.vector_load %arg10[%get3A_476, %get3A_477] {strides = array<i32>} : memref<64x128xf32, #tpu.memory_space<vmem>>, vector<1x16xf32>,
            %get3A_479 = vector.shape_cast %get3A_478 : vector<1x16xf32> to vector<16xf32>
            %slice3A = vector.extract_strided_slice %get3A_456 {offsets = [0], sizes = [1], strides = [1]} : vector<16xf32> to vector<1xf32>
            %squeeze3A = vector.extract %slice3A[0] : f32 from vector<1xf32>
            %mul3A_480 = vector.broadcast %squeeze3A : f32 to vector<16xf32>
            %mul3A_481 = arith.mulf %mul3A_480, %get3A_467 : vector<16xf32>
            %add3A_482 = arith.addf %scan3A_435, %mul3A_481 : vector<16xf32>
            %mul3A_483 = vector.broadcast %squeeze3A : f32 to vector<16xf32>
            %mul3A_484 = arith.mulf %mul3A_483, %get3A_471 : vector<16xf32>
            %add3A_485 = arith.addf %scan3A_436, %mul3A_484 : vector<16xf32>
            %mul3A_486 = vector.broadcast %squeeze3A : f32 to vector<16xf32>
            %mul3A_487 = arith.mulf %mul3A_486, %get3A_475 : vector<16xf32>
            %add3A_488 = arith.addf %scan3A_437, %mul3A_487 : vector<16xf32>
            %mul3A_489 = vector.broadcast %squeeze3A : f32 to vector<16xf32>
            %mul3A_490 = arith.mulf %mul3A_489, %get3A_479 : vector<16xf32>
            %add3A_491 = arith.addf %scan3A_438, %mul3A_490 : vector<16xf32>
            %slice3A_492 = vector.extract_strided_slice %get3A_456 {offsets = [1], sizes = [1], strides = [1]} : vector<16xf32> to vector<1xf32>
            %squeeze3A_493 = vector.extract %slice3A_492[0] : f32 from vector<1xf32>
            %mul3A_494 = vector.broadcast %squeeze3A_493 : f32 to vector<16xf32>
            %mul3A_495 = arith.mulf %mul3A_494, %get3A_467 : vector<16xf32>
            %add3A_496 = arith.addf %scan3A_439, %mul3A_495 : vector<16xf32>
            %mul3A_497 = vector.broadcast %squeeze3A_493 : f32 to vector<16xf32>
            %mul3A_498 = arith.mulf %mul3A_497, %get3A_471 : vector<16xf32>
            %add3A_499 = arith.addf %scan3A_440, %mul3A_498 : vector<16xf32>
            %mul3A_500 = vector.broadcast %squeeze3A_493 : f32 to vector<16xf32>
            %mul3A_501 = arith.mulf %mul3A_500, %get3A_475 : vector<16xf32>
            %add3A_502 = arith.addf %scan3A_441, %mul3A_501 : vector<16xf32>
            %mul3A_503 = vector.broadcast %squeeze3A_493 : f32 to vector<16xf32>
            %mul3A_504 = arith.mulf %mul3A_503, %get3A_479 : vector<16xf32>
            %add3A_505 = arith.addf %scan3A_442, %mul3A_504 : vector<16xf32>
            %slice3A_506 = vector.extract_strided_slice %get3A_456 {offsets = [2], sizes = [1], strides = [1]} : vector<16xf32> to vector<1xf32>
            %squeeze3A_507 = vector.extract %slice3A_506[0] : f32 from vector<1xf32>
            %mul3A_508 = vector.broadcast %squeeze3A_507 : f32 to vector<16xf32>
            %mul3A_509 = arith.mulf %mul3A_508, %get3A_467 : vector<16xf32>
            %add3A_510 = arith.addf %scan3A_443, %mul3A_509 : vector<16xf32>
            %mul3A_511 = vector.broadcast %squeeze3A_507 : f32 to vector<16xf32>
            %mul3A_512 = arith.mulf %mul3A_511, %get3A_471 : vector<16xf32>
            %add3A_513 = arith.addf %scan3A_444, %mul3A_512 : vector<16xf32>
            %mul3A_514 = vector.broadcast %squeeze3A_507 : f32 to vector<16xf32>
            %mul3A_515 = arith.mulf %mul3A_514, %get3A_475 : vector<16xf32>
            %add3A_516 = arith.addf %scan3A_445, %mul3A_515 : vector<16xf32>
            %mul3A_517 = vector.broadcast %squeeze3A_507 : f32 to vector<16xf32>
            %mul3A_518 = arith.mulf %mul3A_517, %get3A_479 : vector<16xf32>
            %add3A_519 = arith.addf %scan3A_446, %mul3A_518 : vector<16xf32>
            %slice3A_520 = vector.extract_strided_slice %get3A_456 {offsets = [3], sizes = [1], strides = [1]} : vector<16xf32> to vector<1xf32>
            %squeeze3A_521 = vector.extract %slice3A_520[0] : f32 from vector<1xf32>
            %mul3A_522 = vector.broadcast %squeeze3A_521 : f32 to vector<16xf32>
            %mul3A_523 = arith.mulf %mul3A_522, %get3A_467 : vector<16xf32>
            %add3A_524 = arith.addf %scan3A_447, %mul3A_523 : vector<16xf32>
            %mul3A_525 = vector.broadcast %squeeze3A_521 : f32 to vector<16xf32>
            %mul3A_526 = arith.mulf %mul3A_525, %get3A_471 : vector<16xf32>
            %add3A_527 = arith.addf %scan3A_448, %mul3A_526 : vector<16xf32>
            %mul3A_528 = vector.broadcast %squeeze3A_521 : f32 to vector<16xf32>
            %mul3A_529 = arith.mulf %mul3A_528, %get3A_475 : vector<16xf32>
            %add3A_530 = arith.addf %scan3A_449, %mul3A_529 : vector<16xf32>
            %mul3A_531 = vector.broadcast %squeeze3A_521 : f32 to vector<16xf32>
            %mul3A_532 = arith.mulf %mul3A_531, %get3A_479 : vector<16xf32>
            %add3A_533 = arith.addf %scan3A_450, %mul3A_532 : vector<16xf32>
            %mul3A_534 = arith.constant 32 : i32
            %mul3A_535 = arith.muli %scan3A_194, %mul3A_534 : i32
            %mul3A_536 = arith.constant 4 : i32
            %mul3A_537 = arith.muli %scan3A_434, %mul3A_536 : i32
            %add3A_538 = arith.addi %mul3A_535, %mul3A_537 : i32
            %add3A_539 = arith.constant 1 : i32
            %add3A_540 = arith.addi %add3A_538, %add3A_539 : i32
            %get3A_541 = arith.index_cast %add3A_540 : i32 to index
            %get3A_542 = arith.constant 64 : index
            %get3A_543 = tpu.vector_load %arg10[%get3A_541, %get3A_542] {strides = array<i32>} : memref<64x128xf32, #tpu.memory_space<vmem>>, vector<1x16xf32>,
            %get3A_544 = vector.shape_cast %get3A_543 : vector<1x16xf32> to vector<16xf32>
            %get3A_545 = arith.index_cast %add3A_540 : i32 to index
            %get3A_546 = arith.constant 80 : index
            %get3A_547 = tpu.vector_load %arg10[%get3A_545, %get3A_546] {strides = array<i32>} : memref<64x128xf32, #tpu.memory_space<vmem>>, vector<1x16xf32>,
            %get3A_548 = vector.shape_cast %get3A_547 : vector<1x16xf32> to vector<16xf32>
            %get3A_549 = arith.index_cast %add3A_540 : i32 to index
            %get3A_550 = arith.constant 96 : index
            %get3A_551 = tpu.vector_load %arg10[%get3A_549, %get3A_550] {strides = array<i32>} : memref<64x128xf32, #tpu.memory_space<vmem>>, vector<1x16xf32>,
            %get3A_552 = vector.shape_cast %get3A_551 : vector<1x16xf32> to vector<16xf32>
            %get3A_553 = arith.index_cast %add3A_540 : i32 to index
            %get3A_554 = arith.constant 112 : index
            %get3A_555 = tpu.vector_load %arg10[%get3A_553, %get3A_554] {strides = array<i32>} : memref<64x128xf32, #tpu.memory_space<vmem>>, vector<1x16xf32>,
            %get3A_556 = vector.shape_cast %get3A_555 : vector<1x16xf32> to vector<16xf32>
            %slice3A_557 = vector.extract_strided_slice %get3A_456 {offsets = [4], sizes = [1], strides = [1]} : vector<16xf32> to vector<1xf32>
            %squeeze3A_558 = vector.extract %slice3A_557[0] : f32 from vector<1xf32>
            %mul3A_559 = vector.broadcast %squeeze3A_558 : f32 to vector<16xf32>
            %mul3A_560 = arith.mulf %mul3A_559, %get3A_544 : vector<16xf32>
            %add3A_561 = arith.addf %add3A_482, %mul3A_560 : vector<16xf32>
            %mul3A_562 = vector.broadcast %squeeze3A_558 : f32 to vector<16xf32>
            %mul3A_563 = arith.mulf %mul3A_562, %get3A_548 : vector<16xf32>
            %add3A_564 = arith.addf %add3A_485, %mul3A_563 : vector<16xf32>
            %mul3A_565 = vector.broadcast %squeeze3A_558 : f32 to vector<16xf32>
            %mul3A_566 = arith.mulf %mul3A_565, %get3A_552 : vector<16xf32>
            %add3A_567 = arith.addf %add3A_488, %mul3A_566 : vector<16xf32>
            %mul3A_568 = vector.broadcast %squeeze3A_558 : f32 to vector<16xf32>
            %mul3A_569 = arith.mulf %mul3A_568, %get3A_556 : vector<16xf32>
            %add3A_570 = arith.addf %add3A_491, %mul3A_569 : vector<16xf32>
            %slice3A_571 = vector.extract_strided_slice %get3A_456 {offsets = [5], sizes = [1], strides = [1]} : vector<16xf32> to vector<1xf32>
            %squeeze3A_572 = vector.extract %slice3A_571[0] : f32 from vector<1xf32>
            %mul3A_573 = vector.broadcast %squeeze3A_572 : f32 to vector<16xf32>
            %mul3A_574 = arith.mulf %mul3A_573, %get3A_544 : vector<16xf32>
            %add3A_575 = arith.addf %add3A_496, %mul3A_574 : vector<16xf32>
            %mul3A_576 = vector.broadcast %squeeze3A_572 : f32 to vector<16xf32>
            %mul3A_577 = arith.mulf %mul3A_576, %get3A_548 : vector<16xf32>
            %add3A_578 = arith.addf %add3A_499, %mul3A_577 : vector<16xf32>
            %mul3A_579 = vector.broadcast %squeeze3A_572 : f32 to vector<16xf32>
            %mul3A_580 = arith.mulf %mul3A_579, %get3A_552 : vector<16xf32>
            %add3A_581 = arith.addf %add3A_502, %mul3A_580 : vector<16xf32>
            %mul3A_582 = vector.broadcast %squeeze3A_572 : f32 to vector<16xf32>
            %mul3A_583 = arith.mulf %mul3A_582, %get3A_556 : vector<16xf32>
            %add3A_584 = arith.addf %add3A_505, %mul3A_583 : vector<16xf32>
            %slice3A_585 = vector.extract_strided_slice %get3A_456 {offsets = [6], sizes = [1], strides = [1]} : vector<16xf32> to vector<1xf32>
            %squeeze3A_586 = vector.extract %slice3A_585[0] : f32 from vector<1xf32>
            %mul3A_587 = vector.broadcast %squeeze3A_586 : f32 to vector<16xf32>
            %mul3A_588 = arith.mulf %mul3A_587, %get3A_544 : vector<16xf32>
            %add3A_589 = arith.addf %add3A_510, %mul3A_588 : vector<16xf32>
            %mul3A_590 = vector.broadcast %squeeze3A_586 : f32 to vector<16xf32>
            %mul3A_591 = arith.mulf %mul3A_590, %get3A_548 : vector<16xf32>
            %add3A_592 = arith.addf %add3A_513, %mul3A_591 : vector<16xf32>
            %mul3A_593 = vector.broadcast %squeeze3A_586 : f32 to vector<16xf32>
            %mul3A_594 = arith.mulf %mul3A_593, %get3A_552 : vector<16xf32>
            %add3A_595 = arith.addf %add3A_516, %mul3A_594 : vector<16xf32>
            %mul3A_596 = vector.broadcast %squeeze3A_586 : f32 to vector<16xf32>
            %mul3A_597 = arith.mulf %mul3A_596, %get3A_556 : vector<16xf32>
            %add3A_598 = arith.addf %add3A_519, %mul3A_597 : vector<16xf32>
            %slice3A_599 = vector.extract_strided_slice %get3A_456 {offsets = [7], sizes = [1], strides = [1]} : vector<16xf32> to vector<1xf32>
            %squeeze3A_600 = vector.extract %slice3A_599[0] : f32 from vector<1xf32>
            %mul3A_601 = vector.broadcast %squeeze3A_600 : f32 to vector<16xf32>
            %mul3A_602 = arith.mulf %mul3A_601, %get3A_544 : vector<16xf32>
            %add3A_603 = arith.addf %add3A_524, %mul3A_602 : vector<16xf32>
            %mul3A_604 = vector.broadcast %squeeze3A_600 : f32 to vector<16xf32>
            %mul3A_605 = arith.mulf %mul3A_604, %get3A_548 : vector<16xf32>
            %add3A_606 = arith.addf %add3A_527, %mul3A_605 : vector<16xf32>
            %mul3A_607 = vector.broadcast %squeeze3A_600 : f32 to vector<16xf32>
            %mul3A_608 = arith.mulf %mul3A_607, %get3A_552 : vector<16xf32>
            %add3A_609 = arith.addf %add3A_530, %mul3A_608 : vector<16xf32>
            %mul3A_610 = vector.broadcast %squeeze3A_600 : f32 to vector<16xf32>
            %mul3A_611 = arith.mulf %mul3A_610, %get3A_556 : vector<16xf32>
            %add3A_612 = arith.addf %add3A_533, %mul3A_611 : vector<16xf32>
            %mul3A_613 = arith.constant 32 : i32
            %mul3A_614 = arith.muli %scan3A_194, %mul3A_613 : i32
            %mul3A_615 = arith.constant 4 : i32
            %mul3A_616 = arith.muli %scan3A_434, %mul3A_615 : i32
            %add3A_617 = arith.addi %mul3A_614, %mul3A_616 : i32
            %add3A_618 = arith.constant 2 : i32
            %add3A_619 = arith.addi %add3A_617, %add3A_618 : i32
            %get3A_620 = arith.index_cast %add3A_619 : i32 to index
            %get3A_621 = arith.constant 64 : index
            %get3A_622 = tpu.vector_load %arg10[%get3A_620, %get3A_621] {strides = array<i32>} : memref<64x128xf32, #tpu.memory_space<vmem>>, vector<1x16xf32>,
            %get3A_623 = vector.shape_cast %get3A_622 : vector<1x16xf32> to vector<16xf32>
            %get3A_624 = arith.index_cast %add3A_619 : i32 to index
            %get3A_625 = arith.constant 80 : index
            %get3A_626 = tpu.vector_load %arg10[%get3A_624, %get3A_625] {strides = array<i32>} : memref<64x128xf32, #tpu.memory_space<vmem>>, vector<1x16xf32>,
            %get3A_627 = vector.shape_cast %get3A_626 : vector<1x16xf32> to vector<16xf32>
            %get3A_628 = arith.index_cast %add3A_619 : i32 to index
            %get3A_629 = arith.constant 96 : index
            %get3A_630 = tpu.vector_load %arg10[%get3A_628, %get3A_629] {strides = array<i32>} : memref<64x128xf32, #tpu.memory_space<vmem>>, vector<1x16xf32>,
            %get3A_631 = vector.shape_cast %get3A_630 : vector<1x16xf32> to vector<16xf32>
            %get3A_632 = arith.index_cast %add3A_619 : i32 to index
            %get3A_633 = arith.constant 112 : index
            %get3A_634 = tpu.vector_load %arg10[%get3A_632, %get3A_633] {strides = array<i32>} : memref<64x128xf32, #tpu.memory_space<vmem>>, vector<1x16xf32>,
            %get3A_635 = vector.shape_cast %get3A_634 : vector<1x16xf32> to vector<16xf32>
            %slice3A_636 = vector.extract_strided_slice %get3A_456 {offsets = [8], sizes = [1], strides = [1]} : vector<16xf32> to vector<1xf32>
            %squeeze3A_637 = vector.extract %slice3A_636[0] : f32 from vector<1xf32>
            %mul3A_638 = vector.broadcast %squeeze3A_637 : f32 to vector<16xf32>
            %mul3A_639 = arith.mulf %mul3A_638, %get3A_623 : vector<16xf32>
            %add3A_640 = arith.addf %add3A_561, %mul3A_639 : vector<16xf32>
            %mul3A_641 = vector.broadcast %squeeze3A_637 : f32 to vector<16xf32>
            %mul3A_642 = arith.mulf %mul3A_641, %get3A_627 : vector<16xf32>
            %add3A_643 = arith.addf %add3A_564, %mul3A_642 : vector<16xf32>
            %mul3A_644 = vector.broadcast %squeeze3A_637 : f32 to vector<16xf32>
            %mul3A_645 = arith.mulf %mul3A_644, %get3A_631 : vector<16xf32>
            %add3A_646 = arith.addf %add3A_567, %mul3A_645 : vector<16xf32>
            %mul3A_647 = vector.broadcast %squeeze3A_637 : f32 to vector<16xf32>
            %mul3A_648 = arith.mulf %mul3A_647, %get3A_635 : vector<16xf32>
            %add3A_649 = arith.addf %add3A_570, %mul3A_648 : vector<16xf32>
            %slice3A_650 = vector.extract_strided_slice %get3A_456 {offsets = [9], sizes = [1], strides = [1]} : vector<16xf32> to vector<1xf32>
            %squeeze3A_651 = vector.extract %slice3A_650[0] : f32 from vector<1xf32>
            %mul3A_652 = vector.broadcast %squeeze3A_651 : f32 to vector<16xf32>
            %mul3A_653 = arith.mulf %mul3A_652, %get3A_623 : vector<16xf32>
            %add3A_654 = arith.addf %add3A_575, %mul3A_653 : vector<16xf32>
            %mul3A_655 = vector.broadcast %squeeze3A_651 : f32 to vector<16xf32>
            %mul3A_656 = arith.mulf %mul3A_655, %get3A_627 : vector<16xf32>
            %add3A_657 = arith.addf %add3A_578, %mul3A_656 : vector<16xf32>
            %mul3A_658 = vector.broadcast %squeeze3A_651 : f32 to vector<16xf32>
            %mul3A_659 = arith.mulf %mul3A_658, %get3A_631 : vector<16xf32>
            %add3A_660 = arith.addf %add3A_581, %mul3A_659 : vector<16xf32>
            %mul3A_661 = vector.broadcast %squeeze3A_651 : f32 to vector<16xf32>
            %mul3A_662 = arith.mulf %mul3A_661, %get3A_635 : vector<16xf32>
            %add3A_663 = arith.addf %add3A_584, %mul3A_662 : vector<16xf32>
            %slice3A_664 = vector.extract_strided_slice %get3A_456 {offsets = [10], sizes = [1], strides = [1]} : vector<16xf32> to vector<1xf32>
            %squeeze3A_665 = vector.extract %slice3A_664[0] : f32 from vector<1xf32>
            %mul3A_666 = vector.broadcast %squeeze3A_665 : f32 to vector<16xf32>
            %mul3A_667 = arith.mulf %mul3A_666, %get3A_623 : vector<16xf32>
            %add3A_668 = arith.addf %add3A_589, %mul3A_667 : vector<16xf32>
            %mul3A_669 = vector.broadcast %squeeze3A_665 : f32 to vector<16xf32>
            %mul3A_670 = arith.mulf %mul3A_669, %get3A_627 : vector<16xf32>
            %add3A_671 = arith.addf %add3A_592, %mul3A_670 : vector<16xf32>
            %mul3A_672 = vector.broadcast %squeeze3A_665 : f32 to vector<16xf32>
            %mul3A_673 = arith.mulf %mul3A_672, %get3A_631 : vector<16xf32>
            %add3A_674 = arith.addf %add3A_595, %mul3A_673 : vector<16xf32>
            %mul3A_675 = vector.broadcast %squeeze3A_665 : f32 to vector<16xf32>
            %mul3A_676 = arith.mulf %mul3A_675, %get3A_635 : vector<16xf32>
            %add3A_677 = arith.addf %add3A_598, %mul3A_676 : vector<16xf32>
            %slice3A_678 = vector.extract_strided_slice %get3A_456 {offsets = [11], sizes = [1], strides = [1]} : vector<16xf32> to vector<1xf32>
            %squeeze3A_679 = vector.extract %slice3A_678[0] : f32 from vector<1xf32>
            %mul3A_680 = vector.broadcast %squeeze3A_679 : f32 to vector<16xf32>
            %mul3A_681 = arith.mulf %mul3A_680, %get3A_623 : vector<16xf32>
            %add3A_682 = arith.addf %add3A_603, %mul3A_681 : vector<16xf32>
            %mul3A_683 = vector.broadcast %squeeze3A_679 : f32 to vector<16xf32>
            %mul3A_684 = arith.mulf %mul3A_683, %get3A_627 : vector<16xf32>
            %add3A_685 = arith.addf %add3A_606, %mul3A_684 : vector<16xf32>
            %mul3A_686 = vector.broadcast %squeeze3A_679 : f32 to vector<16xf32>
            %mul3A_687 = arith.mulf %mul3A_686, %get3A_631 : vector<16xf32>
            %add3A_688 = arith.addf %add3A_609, %mul3A_687 : vector<16xf32>
            %mul3A_689 = vector.broadcast %squeeze3A_679 : f32 to vector<16xf32>
            %mul3A_690 = arith.mulf %mul3A_689, %get3A_635 : vector<16xf32>
            %add3A_691 = arith.addf %add3A_612, %mul3A_690 : vector<16xf32>
            %mul3A_692 = arith.constant 32 : i32
            %mul3A_693 = arith.muli %scan3A_194, %mul3A_692 : i32
            %mul3A_694 = arith.constant 4 : i32
            %mul3A_695 = arith.muli %scan3A_434, %mul3A_694 : i32
            %add3A_696 = arith.addi %mul3A_693, %mul3A_695 : i32
            %add3A_697 = arith.constant 3 : i32
            %add3A_698 = arith.addi %add3A_696, %add3A_697 : i32
            %get3A_699 = arith.index_cast %add3A_698 : i32 to index
            %get3A_700 = arith.constant 64 : index
            %get3A_701 = tpu.vector_load %arg10[%get3A_699, %get3A_700] {strides = array<i32>} : memref<64x128xf32, #tpu.memory_space<vmem>>, vector<1x16xf32>,
            %get3A_702 = vector.shape_cast %get3A_701 : vector<1x16xf32> to vector<16xf32>
            %get3A_703 = arith.index_cast %add3A_698 : i32 to index
            %get3A_704 = arith.constant 80 : index
            %get3A_705 = tpu.vector_load %arg10[%get3A_703, %get3A_704] {strides = array<i32>} : memref<64x128xf32, #tpu.memory_space<vmem>>, vector<1x16xf32>,
            %get3A_706 = vector.shape_cast %get3A_705 : vector<1x16xf32> to vector<16xf32>
            %get3A_707 = arith.index_cast %add3A_698 : i32 to index
            %get3A_708 = arith.constant 96 : index
            %get3A_709 = tpu.vector_load %arg10[%get3A_707, %get3A_708] {strides = array<i32>} : memref<64x128xf32, #tpu.memory_space<vmem>>, vector<1x16xf32>,
            %get3A_710 = vector.shape_cast %get3A_709 : vector<1x16xf32> to vector<16xf32>
            %get3A_711 = arith.index_cast %add3A_698 : i32 to index
            %get3A_712 = arith.constant 112 : index
            %get3A_713 = tpu.vector_load %arg10[%get3A_711, %get3A_712] {strides = array<i32>} : memref<64x128xf32, #tpu.memory_space<vmem>>, vector<1x16xf32>,
            %get3A_714 = vector.shape_cast %get3A_713 : vector<1x16xf32> to vector<16xf32>
            %slice3A_715 = vector.extract_strided_slice %get3A_456 {offsets = [12], sizes = [1], strides = [1]} : vector<16xf32> to vector<1xf32>
            %squeeze3A_716 = vector.extract %slice3A_715[0] : f32 from vector<1xf32>
            %mul3A_717 = vector.broadcast %squeeze3A_716 : f32 to vector<16xf32>
            %mul3A_718 = arith.mulf %mul3A_717, %get3A_702 : vector<16xf32>
            %add3A_719 = arith.addf %add3A_640, %mul3A_718 : vector<16xf32>
            %mul3A_720 = vector.broadcast %squeeze3A_716 : f32 to vector<16xf32>
            %mul3A_721 = arith.mulf %mul3A_720, %get3A_706 : vector<16xf32>
            %add3A_722 = arith.addf %add3A_643, %mul3A_721 : vector<16xf32>
            %mul3A_723 = vector.broadcast %squeeze3A_716 : f32 to vector<16xf32>
            %mul3A_724 = arith.mulf %mul3A_723, %get3A_710 : vector<16xf32>
            %add3A_725 = arith.addf %add3A_646, %mul3A_724 : vector<16xf32>
            %mul3A_726 = vector.broadcast %squeeze3A_716 : f32 to vector<16xf32>
            %mul3A_727 = arith.mulf %mul3A_726, %get3A_714 : vector<16xf32>
            %add3A_728 = arith.addf %add3A_649, %mul3A_727 : vector<16xf32>
            %slice3A_729 = vector.extract_strided_slice %get3A_456 {offsets = [13], sizes = [1], strides = [1]} : vector<16xf32> to vector<1xf32>
            %squeeze3A_730 = vector.extract %slice3A_729[0] : f32 from vector<1xf32>
            %mul3A_731 = vector.broadcast %squeeze3A_730 : f32 to vector<16xf32>
            %mul3A_732 = arith.mulf %mul3A_731, %get3A_702 : vector<16xf32>
            %add3A_733 = arith.addf %add3A_654, %mul3A_732 : vector<16xf32>
            %mul3A_734 = vector.broadcast %squeeze3A_730 : f32 to vector<16xf32>
            %mul3A_735 = arith.mulf %mul3A_734, %get3A_706 : vector<16xf32>
            %add3A_736 = arith.addf %add3A_657, %mul3A_735 : vector<16xf32>
            %mul3A_737 = vector.broadcast %squeeze3A_730 : f32 to vector<16xf32>
            %mul3A_738 = arith.mulf %mul3A_737, %get3A_710 : vector<16xf32>
            %add3A_739 = arith.addf %add3A_660, %mul3A_738 : vector<16xf32>
            %mul3A_740 = vector.broadcast %squeeze3A_730 : f32 to vector<16xf32>
            %mul3A_741 = arith.mulf %mul3A_740, %get3A_714 : vector<16xf32>
            %add3A_742 = arith.addf %add3A_663, %mul3A_741 : vector<16xf32>
            %slice3A_743 = vector.extract_strided_slice %get3A_456 {offsets = [14], sizes = [1], strides = [1]} : vector<16xf32> to vector<1xf32>
            %squeeze3A_744 = vector.extract %slice3A_743[0] : f32 from vector<1xf32>
            %mul3A_745 = vector.broadcast %squeeze3A_744 : f32 to vector<16xf32>
            %mul3A_746 = arith.mulf %mul3A_745, %get3A_702 : vector<16xf32>
            %add3A_747 = arith.addf %add3A_668, %mul3A_746 : vector<16xf32>
            %mul3A_748 = vector.broadcast %squeeze3A_744 : f32 to vector<16xf32>
            %mul3A_749 = arith.mulf %mul3A_748, %get3A_706 : vector<16xf32>
            %add3A_750 = arith.addf %add3A_671, %mul3A_749 : vector<16xf32>
            %mul3A_751 = vector.broadcast %squeeze3A_744 : f32 to vector<16xf32>
            %mul3A_752 = arith.mulf %mul3A_751, %get3A_710 : vector<16xf32>
            %add3A_753 = arith.addf %add3A_674, %mul3A_752 : vector<16xf32>
            %mul3A_754 = vector.broadcast %squeeze3A_744 : f32 to vector<16xf32>
            %mul3A_755 = arith.mulf %mul3A_754, %get3A_714 : vector<16xf32>
            %add3A_756 = arith.addf %add3A_677, %mul3A_755 : vector<16xf32>
            %slice3A_757 = vector.extract_strided_slice %get3A_456 {offsets = [15], sizes = [1], strides = [1]} : vector<16xf32> to vector<1xf32>
            %squeeze3A_758 = vector.extract %slice3A_757[0] : f32 from vector<1xf32>
            %mul3A_759 = vector.broadcast %squeeze3A_758 : f32 to vector<16xf32>
            %mul3A_760 = arith.mulf %mul3A_759, %get3A_702 : vector<16xf32>
            %add3A_761 = arith.addf %add3A_682, %mul3A_760 : vector<16xf32>
            %mul3A_762 = vector.broadcast %squeeze3A_758 : f32 to vector<16xf32>
            %mul3A_763 = arith.mulf %mul3A_762, %get3A_706 : vector<16xf32>
            %add3A_764 = arith.addf %add3A_685, %mul3A_763 : vector<16xf32>
            %mul3A_765 = vector.broadcast %squeeze3A_758 : f32 to vector<16xf32>
            %mul3A_766 = arith.mulf %mul3A_765, %get3A_710 : vector<16xf32>
            %add3A_767 = arith.addf %add3A_688, %mul3A_766 : vector<16xf32>
            %mul3A_768 = vector.broadcast %squeeze3A_758 : f32 to vector<16xf32>
            %mul3A_769 = arith.mulf %mul3A_768, %get3A_714 : vector<16xf32>
            %add3A_770 = arith.addf %add3A_691, %mul3A_769 : vector<16xf32>
            scf.yield %add3A_719, %add3A_722, %add3A_725, %add3A_728, %add3A_733, %add3A_736, %add3A_739, %add3A_742, %add3A_747, %add3A_750, %add3A_753, %add3A_756, %add3A_761, %add3A_764, %add3A_767, %add3A_770 : vector<16xf32>, vector<16xf32>, vector<16xf32>, vector<16xf32>, vector<16xf32>, vector<16xf32>, vector<16xf32>, vector<16xf32>, vector<16xf32>, vector<16xf32>, vector<16xf32>, vector<16xf32>, vector<16xf32>, vector<16xf32>, vector<16xf32>, vector<16xf32>
          }
          %scan3A_352 = arith.constant 8 : i32
          %swap3A_353 = arith.index_cast %scan3A_194 : i32 to index
          %swap3A_354 = arith.constant 64 : index
          %swap3A_355 = tpu.vector_load %arg12[%swap3A_353, %swap3A_354] {strides = array<i32>} : memref<2x512xf32, #tpu.memory_space<vmem>>, vector<1x16xf32>,
          %swap3A_356 = vector.shape_cast %swap3A_355 : vector<1x16xf32> to vector<16xf32>
          %swap3A_357 = vector.shape_cast %scan3A_351#0 : vector<16xf32> to vector<1x16xf32>
          tpu.vector_store %arg12[%swap3A_353, %swap3A_354], %swap3A_357 {strides = array<i32>} : memref<2x512xf32, #tpu.memory_space<vmem>>, vector<1x16xf32>,
          %swap3A_358 = arith.index_cast %scan3A_194 : i32 to index
          %swap3A_359 = arith.constant 80 : index
          %swap3A_360 = tpu.vector_load %arg12[%swap3A_358, %swap3A_359] {strides = array<i32>} : memref<2x512xf32, #tpu.memory_space<vmem>>, vector<1x16xf32>,
          %swap3A_361 = vector.shape_cast %swap3A_360 : vector<1x16xf32> to vector<16xf32>
          %swap3A_362 = vector.shape_cast %scan3A_351#1 : vector<16xf32> to vector<1x16xf32>
          tpu.vector_store %arg12[%swap3A_358, %swap3A_359], %swap3A_362 {strides = array<i32>} : memref<2x512xf32, #tpu.memory_space<vmem>>, vector<1x16xf32>,
          %swap3A_363 = arith.index_cast %scan3A_194 : i32 to index
          %swap3A_364 = arith.constant 96 : index
          %swap3A_365 = tpu.vector_load %arg12[%swap3A_363, %swap3A_364] {strides = array<i32>} : memref<2x512xf32, #tpu.memory_space<vmem>>, vector<1x16xf32>,
          %swap3A_366 = vector.shape_cast %swap3A_365 : vector<1x16xf32> to vector<16xf32>
          %swap3A_367 = vector.shape_cast %scan3A_351#2 : vector<16xf32> to vector<1x16xf32>
          tpu.vector_store %arg12[%swap3A_363, %swap3A_364], %swap3A_367 {strides = array<i32>} : memref<2x512xf32, #tpu.memory_space<vmem>>, vector<1x16xf32>,
          %swap3A_368 = arith.index_cast %scan3A_194 : i32 to index
          %swap3A_369 = arith.constant 112 : index
          %swap3A_370 = tpu.vector_load %arg12[%swap3A_368, %swap3A_369] {strides = array<i32>} : memref<2x512xf32, #tpu.memory_space<vmem>>, vector<1x16xf32>,
          %swap3A_371 = vector.shape_cast %swap3A_370 : vector<1x16xf32> to vector<16xf32>
          %swap3A_372 = vector.shape_cast %scan3A_351#3 : vector<16xf32> to vector<1x16xf32>
          tpu.vector_store %arg12[%swap3A_368, %swap3A_369], %swap3A_372 {strides = array<i32>} : memref<2x512xf32, #tpu.memory_space<vmem>>, vector<1x16xf32>,
          %swap3A_373 = arith.index_cast %scan3A_194 : i32 to index
          %swap3A_374 = arith.constant 192 : index
          %swap3A_375 = tpu.vector_load %arg12[%swap3A_373, %swap3A_374] {strides = array<i32>} : memref<2x512xf32, #tpu.memory_space<vmem>>, vector<1x16xf32>,
          %swap3A_376 = vector.shape_cast %swap3A_375 : vector<1x16xf32> to vector<16xf32>
          %swap3A_377 = vector.shape_cast %scan3A_351#4 : vector<16xf32> to vector<1x16xf32>
          tpu.vector_store %arg12[%swap3A_373, %swap3A_374], %swap3A_377 {strides = array<i32>} : memref<2x512xf32, #tpu.memory_space<vmem>>, vector<1x16xf32>,
          %swap3A_378 = arith.index_cast %scan3A_194 : i32 to index
          %swap3A_379 = arith.constant 208 : index
          %swap3A_380 = tpu.vector_load %arg12[%swap3A_378, %swap3A_379] {strides = array<i32>} : memref<2x512xf32, #tpu.memory_space<vmem>>, vector<1x16xf32>,
          %swap3A_381 = vector.shape_cast %swap3A_380 : vector<1x16xf32> to vector<16xf32>
          %swap3A_382 = vector.shape_cast %scan3A_351#5 : vector<16xf32> to vector<1x16xf32>
          tpu.vector_store %arg12[%swap3A_378, %swap3A_379], %swap3A_382 {strides = array<i32>} : memref<2x512xf32, #tpu.memory_space<vmem>>, vector<1x16xf32>,
          %swap3A_383 = arith.index_cast %scan3A_194 : i32 to index
          %swap3A_384 = arith.constant 224 : index
          %swap3A_385 = tpu.vector_load %arg12[%swap3A_383, %swap3A_384] {strides = array<i32>} : memref<2x512xf32, #tpu.memory_space<vmem>>, vector<1x16xf32>,
          %swap3A_386 = vector.shape_cast %swap3A_385 : vector<1x16xf32> to vector<16xf32>
          %swap3A_387 = vector.shape_cast %scan3A_351#6 : vector<16xf32> to vector<1x16xf32>
          tpu.vector_store %arg12[%swap3A_383, %swap3A_384], %swap3A_387 {strides = array<i32>} : memref<2x512xf32, #tpu.memory_space<vmem>>, vector<1x16xf32>,
          %swap3A_388 = arith.index_cast %scan3A_194 : i32 to index
          %swap3A_389 = arith.constant 240 : index
          %swap3A_390 = tpu.vector_load %arg12[%swap3A_388, %swap3A_389] {strides = array<i32>} : memref<2x512xf32, #tpu.memory_space<vmem>>, vector<1x16xf32>,
          %swap3A_391 = vector.shape_cast %swap3A_390 : vector<1x16xf32> to vector<16xf32>
          %swap3A_392 = vector.shape_cast %scan3A_351#7 : vector<16xf32> to vector<1x16xf32>
          tpu.vector_store %arg12[%swap3A_388, %swap3A_389], %swap3A_392 {strides = array<i32>} : memref<2x512xf32, #tpu.memory_space<vmem>>, vector<1x16xf32>,
          %swap3A_393 = arith.index_cast %scan3A_194 : i32 to index
          %swap3A_394 = arith.constant 320 : index
          %swap3A_395 = tpu.vector_load %arg12[%swap3A_393, %swap3A_394] {strides = array<i32>} : memref<2x512xf32, #tpu.memory_space<vmem>>, vector<1x16xf32>,
          %swap3A_396 = vector.shape_cast %swap3A_395 : vector<1x16xf32> to vector<16xf32>
          %swap3A_397 = vector.shape_cast %scan3A_351#8 : vector<16xf32> to vector<1x16xf32>
          tpu.vector_store %arg12[%swap3A_393, %swap3A_394], %swap3A_397 {strides = array<i32>} : memref<2x512xf32, #tpu.memory_space<vmem>>, vector<1x16xf32>,
          %swap3A_398 = arith.index_cast %scan3A_194 : i32 to index
          %swap3A_399 = arith.constant 336 : index
          %swap3A_400 = tpu.vector_load %arg12[%swap3A_398, %swap3A_399] {strides = array<i32>} : memref<2x512xf32, #tpu.memory_space<vmem>>, vector<1x16xf32>,
          %swap3A_401 = vector.shape_cast %swap3A_400 : vector<1x16xf32> to vector<16xf32>
          %swap3A_402 = vector.shape_cast %scan3A_351#9 : vector<16xf32> to vector<1x16xf32>
          tpu.vector_store %arg12[%swap3A_398, %swap3A_399], %swap3A_402 {strides = array<i32>} : memref<2x512xf32, #tpu.memory_space<vmem>>, vector<1x16xf32>,
          %swap3A_403 = arith.index_cast %scan3A_194 : i32 to index
          %swap3A_404 = arith.constant 352 : index
          %swap3A_405 = tpu.vector_load %arg12[%swap3A_403, %swap3A_404] {strides = array<i32>} : memref<2x512xf32, #tpu.memory_space<vmem>>, vector<1x16xf32>,
          %swap3A_406 = vector.shape_cast %swap3A_405 : vector<1x16xf32> to vector<16xf32>
          %swap3A_407 = vector.shape_cast %scan3A_351#10 : vector<16xf32> to vector<1x16xf32>
          tpu.vector_store %arg12[%swap3A_403, %swap3A_404], %swap3A_407 {strides = array<i32>} : memref<2x512xf32, #tpu.memory_space<vmem>>, vector<1x16xf32>,
          %swap3A_408 = arith.index_cast %scan3A_194 : i32 to index
          %swap3A_409 = arith.constant 368 : index
          %swap3A_410 = tpu.vector_load %arg12[%swap3A_408, %swap3A_409] {strides = array<i32>} : memref<2x512xf32, #tpu.memory_space<vmem>>, vector<1x16xf32>,
          %swap3A_411 = vector.shape_cast %swap3A_410 : vector<1x16xf32> to vector<16xf32>
          %swap3A_412 = vector.shape_cast %scan3A_351#11 : vector<16xf32> to vector<1x16xf32>
          tpu.vector_store %arg12[%swap3A_408, %swap3A_409], %swap3A_412 {strides = array<i32>} : memref<2x512xf32, #tpu.memory_space<vmem>>, vector<1x16xf32>,
          %swap3A_413 = arith.index_cast %scan3A_194 : i32 to index
          %swap3A_414 = arith.constant 448 : index
          %swap3A_415 = tpu.vector_load %arg12[%swap3A_413, %swap3A_414] {strides = array<i32>} : memref<2x512xf32, #tpu.memory_space<vmem>>, vector<1x16xf32>,
          %swap3A_416 = vector.shape_cast %swap3A_415 : vector<1x16xf32> to vector<16xf32>
          %swap3A_417 = vector.shape_cast %scan3A_351#12 : vector<16xf32> to vector<1x16xf32>
          tpu.vector_store %arg12[%swap3A_413, %swap3A_414], %swap3A_417 {strides = array<i32>} : memref<2x512xf32, #tpu.memory_space<vmem>>, vector<1x16xf32>,
          %swap3A_418 = arith.index_cast %scan3A_194 : i32 to index
          %swap3A_419 = arith.constant 464 : index
          %swap3A_420 = tpu.vector_load %arg12[%swap3A_418, %swap3A_419] {strides = array<i32>} : memref<2x512xf32, #tpu.memory_space<vmem>>, vector<1x16xf32>,
          %swap3A_421 = vector.shape_cast %swap3A_420 : vector<1x16xf32> to vector<16xf32>
          %swap3A_422 = vector.shape_cast %scan3A_351#13 : vector<16xf32> to vector<1x16xf32>
          tpu.vector_store %arg12[%swap3A_418, %swap3A_419], %swap3A_422 {strides = array<i32>} : memref<2x512xf32, #tpu.memory_space<vmem>>, vector<1x16xf32>,
          %swap3A_423 = arith.index_cast %scan3A_194 : i32 to index
          %swap3A_424 = arith.constant 480 : index
          %swap3A_425 = tpu.vector_load %arg12[%swap3A_423, %swap3A_424] {strides = array<i32>} : memref<2x512xf32, #tpu.memory_space<vmem>>, vector<1x16xf32>,
          %swap3A_426 = vector.shape_cast %swap3A_425 : vector<1x16xf32> to vector<16xf32>
          %swap3A_427 = vector.shape_cast %scan3A_351#14 : vector<16xf32> to vector<1x16xf32>
          tpu.vector_store %arg12[%swap3A_423, %swap3A_424], %swap3A_427 {strides = array<i32>} : memref<2x512xf32, #tpu.memory_space<vmem>>, vector<1x16xf32>,
          %swap3A_428 = arith.index_cast %scan3A_194 : i32 to index
          %swap3A_429 = arith.constant 496 : index
          %swap3A_430 = tpu.vector_load %arg12[%swap3A_428, %swap3A_429] {strides = array<i32>} : memref<2x512xf32, #tpu.memory_space<vmem>>, vector<1x16xf32>,
          %swap3A_431 = vector.shape_cast %swap3A_430 : vector<1x16xf32> to vector<16xf32>
          %swap3A_432 = vector.shape_cast %scan3A_351#15 : vector<16xf32> to vector<1x16xf32>
          tpu.vector_store %arg12[%swap3A_428, %swap3A_429], %swap3A_432 {strides = array<i32>} : memref<2x512xf32, #tpu.memory_space<vmem>>, vector<1x16xf32>,
          %scan3A_433 = arith.constant 0 : i32
          scf.yield %scan3A_433 : i32
        }
        %scan3A_136 = arith.constant 2 : i32
        %add3A_137 = arith.constant 2 : i32
        %add3A_138 = arith.addi %add3A_116, %add3A_137 : i32
        %lt3A_139 = arith.constant 160 : i32
        %lt3A_140 = arith.cmpi slt, %add3A_138, %lt3A_139 : i32
        %convert_element_type3A_141 = arith.extui %lt3A_140 : i1 to i32
        %cond3A_142 = arith.constant 0 : i32
        %cond3A_143 = arith.cmpi ne, %convert_element_type3A_141, %cond3A_142 : i32
        scf.if %cond3A_143 {
          %add3A_194 = arith.constant 2 : i32
          %add3A_195 = arith.addi %add3A_116, %add3A_194 : i32
          %mul3A_196 = arith.constant 2 : i32
          %mul3A_197 = arith.muli %add3A_195, %mul3A_196 : i32
          %mul3A_198 = arith.constant 32 : i32
          %mul3A_199 = arith.muli %mul3A_197, %mul3A_198 : i32
          %multiple_of3A_200 = tpu.assume_multiple %mul3A_199, 64 : i32
          %dma_start3A_201 = tpu.memref_slice %arg7[%multiple_of3A_200] : memref<10240xi32, #tpu.memory_space<vmem>> -> memref<64xi32, #tpu.memory_space<vmem>>
          %dma_start3A_202 = arith.constant 0 : i32
          %dma_start3A_203 = arith.constant 0 : i32
          %dma_start3A_204 = tpu.memref_slice %arg6[%dma_start3A_202, %dma_start3A_203] : memref<10240x128xf32, #tpu.memory_space<vmem_shared>> -> memref<10240x128xf32, #tpu.memory_space<vmem_shared>>
          tpu.enqueue_indirect_dma source(%dma_start3A_204 : memref<10240x128xf32, #tpu.memory_space<vmem_shared>>) target(%arg10 : memref<64x128xf32, #tpu.memory_space<vmem>>) offsets(%dma_start3A_201 : memref<64xi32, #tpu.memory_space<vmem>>) semaphore(%arg14 : memref<!tpu.dma_semaphore, #tpu.memory_space<semaphore_mem>>)
        } else {
        }
        %mul3A_144 = arith.constant 2 : i32
        %mul3A_145 = arith.muli %add3A_116, %mul3A_144 : i32
        %add3A_146 = arith.addi %multiple_of3A, %mul3A_145 : i32
        %dma_start3A_147 = arith.constant 0 : i32
        %dma_start3A_148 = tpu.memref_slice %arg5[%add3A_146, %dma_start3A_147] : memref<10240x512xf32, #tpu.memory_space<hbm>> -> memref<2x512xf32, #tpu.memory_space<hbm>>
        %dma_start3A_149 = arith.constant 0 : i32
        %dma_start3A_150 = tpu.memref_slice %arg5[%add3A_146, %dma_start3A_149] : memref<10240x512xf32, #tpu.memory_space<hbm>> -> memref<2x512xf32, #tpu.memory_space<hbm>>
        tpu.enqueue_dma source(%arg12 : memref<2x512xf32, #tpu.memory_space<vmem>>) target(%dma_start3A_150 : memref<2x512xf32, #tpu.memory_space<hbm>>) target_semaphore(%arg16 : memref<!tpu.dma_semaphore, #tpu.memory_space<semaphore_mem>>)
        %mul3A_151 = arith.constant 2 : i32
        %mul3A_152 = arith.muli %scan3A_108, %mul3A_151 : i32
        %add3A_153 = arith.constant 1 : i32
        %add3A_154 = arith.addi %mul3A_152, %add3A_153 : i32
        %mul3A_155 = arith.constant 16 : i32
        %mul3A_156 = arith.muli %add3A_83, %mul3A_155 : i32
        %add3A_157 = arith.addi %mul3A_156, %add3A_154 : i32
        %mul3A_158 = arith.constant 2 : i32
        %mul3A_159 = arith.muli %add3A_157, %mul3A_158 : i32
        %mul3A_160 = arith.constant 32 : i32
        %mul3A_161 = arith.muli %mul3A_159, %mul3A_160 : i32
        %multiple_of3A_162 = tpu.assume_multiple %mul3A_161, 64 : i32
        %dma_wait3A_163 = tpu.memref_slice %arg7[%multiple_of3A_162] : memref<10240xi32, #tpu.memory_space<vmem>> -> memref<64xi32, #tpu.memory_space<vmem>>
        %dma_wait3A_164 = arith.constant 0 : i32
        %dma_wait3A_165 = arith.constant 0 : i32
        %dma_wait3A_166 = tpu.memref_slice %arg6[%dma_wait3A_164, %dma_wait3A_165] : memref<10240x128xf32, #tpu.memory_space<vmem_shared>> -> memref<10240x128xf32, #tpu.memory_space<vmem_shared>>
        tpu.wait_indirect_dma semaphore(%arg15 : memref<!tpu.dma_semaphore, #tpu.memory_space<semaphore_mem>>) src(%dma_wait3A_166 : memref<10240x128xf32, #tpu.memory_space<vmem_shared>>) dst(%arg11 : memref<64x128xf32, #tpu.memory_space<vmem>>)
        %ge3A_167 = arith.constant 2 : i32
        %ge3A_168 = arith.cmpi sge, %add3A_157, %ge3A_167 : i32
        %convert_element_type3A_169 = arith.extui %ge3A_168 : i1 to i32
        %cond3A_170 = arith.constant 0 : i32
        %cond3A_171 = arith.cmpi ne, %convert_element_type3A_169, %cond3A_170 : i32
        scf.if %cond3A_171 {
          %sub3A = arith.constant 2 : i32
          %sub3A_194 = arith.subi %add3A_157, %sub3A : i32
          %mul3A_195 = arith.constant 2 : i32
          %mul3A_196 = arith.muli %sub3A_194, %mul3A_195 : i32
          %add3A_197 = arith.addi %multiple_of3A, %mul3A_196 : i32
          %dma_wait3A_198 = arith.constant 0 : i32
          %dma_wait3A_199 = tpu.memref_slice %arg5[%add3A_197, %dma_wait3A_198] : memref<10240x512xf32, #tpu.memory_space<hbm>> -> memref<2x512xf32, #tpu.memory_space<hbm>>
          %dma_wait3A_200 = arith.constant 0 : i32
          %dma_wait3A_201 = tpu.memref_slice %arg5[%add3A_197, %dma_wait3A_200] : memref<10240x512xf32, #tpu.memory_space<hbm>> -> memref<2x512xf32, #tpu.memory_space<hbm>>
          tpu.wait_dma2 semaphore(%arg17 : memref<!tpu.dma_semaphore, #tpu.memory_space<semaphore_mem>>) src(%arg13 : memref<2x512xf32, #tpu.memory_space<vmem>>) dst(%dma_wait3A_201 : memref<2x512xf32, #tpu.memory_space<hbm>>)
        } else {
        }
        %scan3A_172 = arith.constant 0 : i32
        %scan3A_173 = arith.constant 0 : i32
        %scan3A_174 = arith.constant 2 : i32
        %scan3A_175 = arith.addi %scan3A_173, %scan3A_174 : i32
        %scan3A_176 = arith.constant 1 : i32
        %scan3A_177 = scf.for %scan3A_194 = %scan3A_173 to %scan3A_175 step %scan3A_176 iter_args(%scan3A_195 = %scan3A_172) -> (i32)  : i32 {
          %mul3A_196 = arith.constant 2 : i32
          %mul3A_197 = arith.muli %add3A_154, %mul3A_196 : i32
          %add3A_198 = arith.addi %mul3A_197, %scan3A_194 : i32
          %broadcast_in_dim3A = arith.constant 0.000000e+00 : f32
          %broadcast_in_dim3A_199 = vector.broadcast %broadcast_in_dim3A : f32 to vector<16xf32>
          %broadcast_in_dim3A_200 = arith.constant 0.000000e+00 : f32
          %broadcast_in_dim3A_201 = vector.broadcast %broadcast_in_dim3A_200 : f32 to vector<16xf32>
          %broadcast_in_dim3A_202 = arith.constant 0.000000e+00 : f32
          %broadcast_in_dim3A_203 = vector.broadcast %broadcast_in_dim3A_202 : f32 to vector<16xf32>
          %broadcast_in_dim3A_204 = arith.constant 0.000000e+00 : f32
          %broadcast_in_dim3A_205 = vector.broadcast %broadcast_in_dim3A_204 : f32 to vector<16xf32>
          %broadcast_in_dim3A_206 = arith.constant 0.000000e+00 : f32
          %broadcast_in_dim3A_207 = vector.broadcast %broadcast_in_dim3A_206 : f32 to vector<16xf32>
          %broadcast_in_dim3A_208 = arith.constant 0.000000e+00 : f32
          %broadcast_in_dim3A_209 = vector.broadcast %broadcast_in_dim3A_208 : f32 to vector<16xf32>
          %broadcast_in_dim3A_210 = arith.constant 0.000000e+00 : f32
          %broadcast_in_dim3A_211 = vector.broadcast %broadcast_in_dim3A_210 : f32 to vector<16xf32>
          %broadcast_in_dim3A_212 = arith.constant 0.000000e+00 : f32
          %broadcast_in_dim3A_213 = vector.broadcast %broadcast_in_dim3A_212 : f32 to vector<16xf32>
          %broadcast_in_dim3A_214 = arith.constant 0.000000e+00 : f32
          %broadcast_in_dim3A_215 = vector.broadcast %broadcast_in_dim3A_214 : f32 to vector<16xf32>
          %broadcast_in_dim3A_216 = arith.constant 0.000000e+00 : f32
          %broadcast_in_dim3A_217 = vector.broadcast %broadcast_in_dim3A_216 : f32 to vector<16xf32>
          %broadcast_in_dim3A_218 = arith.constant 0.000000e+00 : f32
          %broadcast_in_dim3A_219 = vector.broadcast %broadcast_in_dim3A_218 : f32 to vector<16xf32>
          %broadcast_in_dim3A_220 = arith.constant 0.000000e+00 : f32
          %broadcast_in_dim3A_221 = vector.broadcast %broadcast_in_dim3A_220 : f32 to vector<16xf32>
          %broadcast_in_dim3A_222 = arith.constant 0.000000e+00 : f32
          %broadcast_in_dim3A_223 = vector.broadcast %broadcast_in_dim3A_222 : f32 to vector<16xf32>
          %broadcast_in_dim3A_224 = arith.constant 0.000000e+00 : f32
          %broadcast_in_dim3A_225 = vector.broadcast %broadcast_in_dim3A_224 : f32 to vector<16xf32>
          %broadcast_in_dim3A_226 = arith.constant 0.000000e+00 : f32
          %broadcast_in_dim3A_227 = vector.broadcast %broadcast_in_dim3A_226 : f32 to vector<16xf32>
          %broadcast_in_dim3A_228 = arith.constant 0.000000e+00 : f32
          %broadcast_in_dim3A_229 = vector.broadcast %broadcast_in_dim3A_228 : f32 to vector<16xf32>
          %scan3A_230 = arith.constant 0 : i32
          %scan3A_231 = arith.constant 8 : i32
          %scan3A_232 = arith.addi %scan3A_230, %scan3A_231 : i32
          %scan3A_233 = arith.constant 1 : i32
          %scan3A_234:16 = scf.for %scan3A_434 = %scan3A_230 to %scan3A_232 step %scan3A_233 iter_args(%scan3A_435 = %broadcast_in_dim3A_199, %scan3A_436 = %broadcast_in_dim3A_201, %scan3A_437 = %broadcast_in_dim3A_203, %scan3A_438 = %broadcast_in_dim3A_205, %scan3A_439 = %broadcast_in_dim3A_207, %scan3A_440 = %broadcast_in_dim3A_209, %scan3A_441 = %broadcast_in_dim3A_211, %scan3A_442 = %broadcast_in_dim3A_213, %scan3A_443 = %broadcast_in_dim3A_215, %scan3A_444 = %broadcast_in_dim3A_217, %scan3A_445 = %broadcast_in_dim3A_219, %scan3A_446 = %broadcast_in_dim3A_221, %scan3A_447 = %broadcast_in_dim3A_223, %scan3A_448 = %broadcast_in_dim3A_225, %scan3A_449 = %broadcast_in_dim3A_227, %scan3A_450 = %broadcast_in_dim3A_229) -> (vector<16xf32>, vector<16xf32>, vector<16xf32>, vector<16xf32>, vector<16xf32>, vector<16xf32>, vector<16xf32>, vector<16xf32>, vector<16xf32>, vector<16xf32>, vector<16xf32>, vector<16xf32>, vector<16xf32>, vector<16xf32>, vector<16xf32>, vector<16xf32>)  : i32 {
            %mul3A_451 = arith.constant 16 : i32
            %mul3A_452 = arith.muli %scan3A_434, %mul3A_451 : i32
            %multiple_of3A_453 = tpu.assume_multiple %mul3A_452, 16 : i32
            %get3A = arith.index_cast %add3A_198 : i32 to index
            %get3A_454 = arith.index_cast %multiple_of3A_453 : i32 to index
            %get3A_455 = tpu.vector_load %arg9[%get3A, %get3A_454] {strides = array<i32>} : memref<32x128xf32, #tpu.memory_space<vmem>>, vector<1x16xf32>,
            %get3A_456 = vector.shape_cast %get3A_455 : vector<1x16xf32> to vector<16xf32>
            %mul3A_457 = arith.constant 32 : i32
            %mul3A_458 = arith.muli %scan3A_194, %mul3A_457 : i32
            %mul3A_459 = arith.constant 4 : i32
            %mul3A_460 = arith.muli %scan3A_434, %mul3A_459 : i32
            %add3A_461 = arith.addi %mul3A_458, %mul3A_460 : i32
            %add3A_462 = arith.constant 0 : i32
            %add3A_463 = arith.addi %add3A_461, %add3A_462 : i32
            %get3A_464 = arith.index_cast %add3A_463 : i32 to index
            %get3A_465 = arith.constant 0 : index
            %get3A_466 = tpu.vector_load %arg11[%get3A_464, %get3A_465] {strides = array<i32>} : memref<64x128xf32, #tpu.memory_space<vmem>>, vector<1x16xf32>,
            %get3A_467 = vector.shape_cast %get3A_466 : vector<1x16xf32> to vector<16xf32>
            %get3A_468 = arith.index_cast %add3A_463 : i32 to index
            %get3A_469 = arith.constant 16 : index
            %get3A_470 = tpu.vector_load %arg11[%get3A_468, %get3A_469] {strides = array<i32>} : memref<64x128xf32, #tpu.memory_space<vmem>>, vector<1x16xf32>,
            %get3A_471 = vector.shape_cast %get3A_470 : vector<1x16xf32> to vector<16xf32>
            %get3A_472 = arith.index_cast %add3A_463 : i32 to index
            %get3A_473 = arith.constant 32 : index
            %get3A_474 = tpu.vector_load %arg11[%get3A_472, %get3A_473] {strides = array<i32>} : memref<64x128xf32, #tpu.memory_space<vmem>>, vector<1x16xf32>,
            %get3A_475 = vector.shape_cast %get3A_474 : vector<1x16xf32> to vector<16xf32>
            %get3A_476 = arith.index_cast %add3A_463 : i32 to index
            %get3A_477 = arith.constant 48 : index
            %get3A_478 = tpu.vector_load %arg11[%get3A_476, %get3A_477] {strides = array<i32>} : memref<64x128xf32, #tpu.memory_space<vmem>>, vector<1x16xf32>,
            %get3A_479 = vector.shape_cast %get3A_478 : vector<1x16xf32> to vector<16xf32>
            %slice3A = vector.extract_strided_slice %get3A_456 {offsets = [0], sizes = [1], strides = [1]} : vector<16xf32> to vector<1xf32>
            %squeeze3A = vector.extract %slice3A[0] : f32 from vector<1xf32>
            %mul3A_480 = vector.broadcast %squeeze3A : f32 to vector<16xf32>
            %mul3A_481 = arith.mulf %mul3A_480, %get3A_467 : vector<16xf32>
            %add3A_482 = arith.addf %scan3A_435, %mul3A_481 : vector<16xf32>
            %mul3A_483 = vector.broadcast %squeeze3A : f32 to vector<16xf32>
            %mul3A_484 = arith.mulf %mul3A_483, %get3A_471 : vector<16xf32>
            %add3A_485 = arith.addf %scan3A_436, %mul3A_484 : vector<16xf32>
            %mul3A_486 = vector.broadcast %squeeze3A : f32 to vector<16xf32>
            %mul3A_487 = arith.mulf %mul3A_486, %get3A_475 : vector<16xf32>
            %add3A_488 = arith.addf %scan3A_437, %mul3A_487 : vector<16xf32>
            %mul3A_489 = vector.broadcast %squeeze3A : f32 to vector<16xf32>
            %mul3A_490 = arith.mulf %mul3A_489, %get3A_479 : vector<16xf32>
            %add3A_491 = arith.addf %scan3A_438, %mul3A_490 : vector<16xf32>
            %slice3A_492 = vector.extract_strided_slice %get3A_456 {offsets = [1], sizes = [1], strides = [1]} : vector<16xf32> to vector<1xf32>
            %squeeze3A_493 = vector.extract %slice3A_492[0] : f32 from vector<1xf32>
            %mul3A_494 = vector.broadcast %squeeze3A_493 : f32 to vector<16xf32>
            %mul3A_495 = arith.mulf %mul3A_494, %get3A_467 : vector<16xf32>
            %add3A_496 = arith.addf %scan3A_439, %mul3A_495 : vector<16xf32>
            %mul3A_497 = vector.broadcast %squeeze3A_493 : f32 to vector<16xf32>
            %mul3A_498 = arith.mulf %mul3A_497, %get3A_471 : vector<16xf32>
            %add3A_499 = arith.addf %scan3A_440, %mul3A_498 : vector<16xf32>
            %mul3A_500 = vector.broadcast %squeeze3A_493 : f32 to vector<16xf32>
            %mul3A_501 = arith.mulf %mul3A_500, %get3A_475 : vector<16xf32>
            %add3A_502 = arith.addf %scan3A_441, %mul3A_501 : vector<16xf32>
            %mul3A_503 = vector.broadcast %squeeze3A_493 : f32 to vector<16xf32>
            %mul3A_504 = arith.mulf %mul3A_503, %get3A_479 : vector<16xf32>
            %add3A_505 = arith.addf %scan3A_442, %mul3A_504 : vector<16xf32>
            %slice3A_506 = vector.extract_strided_slice %get3A_456 {offsets = [2], sizes = [1], strides = [1]} : vector<16xf32> to vector<1xf32>
            %squeeze3A_507 = vector.extract %slice3A_506[0] : f32 from vector<1xf32>
            %mul3A_508 = vector.broadcast %squeeze3A_507 : f32 to vector<16xf32>
            %mul3A_509 = arith.mulf %mul3A_508, %get3A_467 : vector<16xf32>
            %add3A_510 = arith.addf %scan3A_443, %mul3A_509 : vector<16xf32>
            %mul3A_511 = vector.broadcast %squeeze3A_507 : f32 to vector<16xf32>
            %mul3A_512 = arith.mulf %mul3A_511, %get3A_471 : vector<16xf32>
            %add3A_513 = arith.addf %scan3A_444, %mul3A_512 : vector<16xf32>
            %mul3A_514 = vector.broadcast %squeeze3A_507 : f32 to vector<16xf32>
            %mul3A_515 = arith.mulf %mul3A_514, %get3A_475 : vector<16xf32>
            %add3A_516 = arith.addf %scan3A_445, %mul3A_515 : vector<16xf32>
            %mul3A_517 = vector.broadcast %squeeze3A_507 : f32 to vector<16xf32>
            %mul3A_518 = arith.mulf %mul3A_517, %get3A_479 : vector<16xf32>
            %add3A_519 = arith.addf %scan3A_446, %mul3A_518 : vector<16xf32>
            %slice3A_520 = vector.extract_strided_slice %get3A_456 {offsets = [3], sizes = [1], strides = [1]} : vector<16xf32> to vector<1xf32>
            %squeeze3A_521 = vector.extract %slice3A_520[0] : f32 from vector<1xf32>
            %mul3A_522 = vector.broadcast %squeeze3A_521 : f32 to vector<16xf32>
            %mul3A_523 = arith.mulf %mul3A_522, %get3A_467 : vector<16xf32>
            %add3A_524 = arith.addf %scan3A_447, %mul3A_523 : vector<16xf32>
            %mul3A_525 = vector.broadcast %squeeze3A_521 : f32 to vector<16xf32>
            %mul3A_526 = arith.mulf %mul3A_525, %get3A_471 : vector<16xf32>
            %add3A_527 = arith.addf %scan3A_448, %mul3A_526 : vector<16xf32>
            %mul3A_528 = vector.broadcast %squeeze3A_521 : f32 to vector<16xf32>
            %mul3A_529 = arith.mulf %mul3A_528, %get3A_475 : vector<16xf32>
            %add3A_530 = arith.addf %scan3A_449, %mul3A_529 : vector<16xf32>
            %mul3A_531 = vector.broadcast %squeeze3A_521 : f32 to vector<16xf32>
            %mul3A_532 = arith.mulf %mul3A_531, %get3A_479 : vector<16xf32>
            %add3A_533 = arith.addf %scan3A_450, %mul3A_532 : vector<16xf32>
            %mul3A_534 = arith.constant 32 : i32
            %mul3A_535 = arith.muli %scan3A_194, %mul3A_534 : i32
            %mul3A_536 = arith.constant 4 : i32
            %mul3A_537 = arith.muli %scan3A_434, %mul3A_536 : i32
            %add3A_538 = arith.addi %mul3A_535, %mul3A_537 : i32
            %add3A_539 = arith.constant 1 : i32
            %add3A_540 = arith.addi %add3A_538, %add3A_539 : i32
            %get3A_541 = arith.index_cast %add3A_540 : i32 to index
            %get3A_542 = arith.constant 0 : index
            %get3A_543 = tpu.vector_load %arg11[%get3A_541, %get3A_542] {strides = array<i32>} : memref<64x128xf32, #tpu.memory_space<vmem>>, vector<1x16xf32>,
            %get3A_544 = vector.shape_cast %get3A_543 : vector<1x16xf32> to vector<16xf32>
            %get3A_545 = arith.index_cast %add3A_540 : i32 to index
            %get3A_546 = arith.constant 16 : index
            %get3A_547 = tpu.vector_load %arg11[%get3A_545, %get3A_546] {strides = array<i32>} : memref<64x128xf32, #tpu.memory_space<vmem>>, vector<1x16xf32>,
            %get3A_548 = vector.shape_cast %get3A_547 : vector<1x16xf32> to vector<16xf32>
            %get3A_549 = arith.index_cast %add3A_540 : i32 to index
            %get3A_550 = arith.constant 32 : index
            %get3A_551 = tpu.vector_load %arg11[%get3A_549, %get3A_550] {strides = array<i32>} : memref<64x128xf32, #tpu.memory_space<vmem>>, vector<1x16xf32>,
            %get3A_552 = vector.shape_cast %get3A_551 : vector<1x16xf32> to vector<16xf32>
            %get3A_553 = arith.index_cast %add3A_540 : i32 to index
            %get3A_554 = arith.constant 48 : index
            %get3A_555 = tpu.vector_load %arg11[%get3A_553, %get3A_554] {strides = array<i32>} : memref<64x128xf32, #tpu.memory_space<vmem>>, vector<1x16xf32>,
            %get3A_556 = vector.shape_cast %get3A_555 : vector<1x16xf32> to vector<16xf32>
            %slice3A_557 = vector.extract_strided_slice %get3A_456 {offsets = [4], sizes = [1], strides = [1]} : vector<16xf32> to vector<1xf32>
            %squeeze3A_558 = vector.extract %slice3A_557[0] : f32 from vector<1xf32>
            %mul3A_559 = vector.broadcast %squeeze3A_558 : f32 to vector<16xf32>
            %mul3A_560 = arith.mulf %mul3A_559, %get3A_544 : vector<16xf32>
            %add3A_561 = arith.addf %add3A_482, %mul3A_560 : vector<16xf32>
            %mul3A_562 = vector.broadcast %squeeze3A_558 : f32 to vector<16xf32>
            %mul3A_563 = arith.mulf %mul3A_562, %get3A_548 : vector<16xf32>
            %add3A_564 = arith.addf %add3A_485, %mul3A_563 : vector<16xf32>
            %mul3A_565 = vector.broadcast %squeeze3A_558 : f32 to vector<16xf32>
            %mul3A_566 = arith.mulf %mul3A_565, %get3A_552 : vector<16xf32>
            %add3A_567 = arith.addf %add3A_488, %mul3A_566 : vector<16xf32>
            %mul3A_568 = vector.broadcast %squeeze3A_558 : f32 to vector<16xf32>
            %mul3A_569 = arith.mulf %mul3A_568, %get3A_556 : vector<16xf32>
            %add3A_570 = arith.addf %add3A_491, %mul3A_569 : vector<16xf32>
            %slice3A_571 = vector.extract_strided_slice %get3A_456 {offsets = [5], sizes = [1], strides = [1]} : vector<16xf32> to vector<1xf32>
            %squeeze3A_572 = vector.extract %slice3A_571[0] : f32 from vector<1xf32>
            %mul3A_573 = vector.broadcast %squeeze3A_572 : f32 to vector<16xf32>
            %mul3A_574 = arith.mulf %mul3A_573, %get3A_544 : vector<16xf32>
            %add3A_575 = arith.addf %add3A_496, %mul3A_574 : vector<16xf32>
            %mul3A_576 = vector.broadcast %squeeze3A_572 : f32 to vector<16xf32>
            %mul3A_577 = arith.mulf %mul3A_576, %get3A_548 : vector<16xf32>
            %add3A_578 = arith.addf %add3A_499, %mul3A_577 : vector<16xf32>
            %mul3A_579 = vector.broadcast %squeeze3A_572 : f32 to vector<16xf32>
            %mul3A_580 = arith.mulf %mul3A_579, %get3A_552 : vector<16xf32>
            %add3A_581 = arith.addf %add3A_502, %mul3A_580 : vector<16xf32>
            %mul3A_582 = vector.broadcast %squeeze3A_572 : f32 to vector<16xf32>
            %mul3A_583 = arith.mulf %mul3A_582, %get3A_556 : vector<16xf32>
            %add3A_584 = arith.addf %add3A_505, %mul3A_583 : vector<16xf32>
            %slice3A_585 = vector.extract_strided_slice %get3A_456 {offsets = [6], sizes = [1], strides = [1]} : vector<16xf32> to vector<1xf32>
            %squeeze3A_586 = vector.extract %slice3A_585[0] : f32 from vector<1xf32>
            %mul3A_587 = vector.broadcast %squeeze3A_586 : f32 to vector<16xf32>
            %mul3A_588 = arith.mulf %mul3A_587, %get3A_544 : vector<16xf32>
            %add3A_589 = arith.addf %add3A_510, %mul3A_588 : vector<16xf32>
            %mul3A_590 = vector.broadcast %squeeze3A_586 : f32 to vector<16xf32>
            %mul3A_591 = arith.mulf %mul3A_590, %get3A_548 : vector<16xf32>
            %add3A_592 = arith.addf %add3A_513, %mul3A_591 : vector<16xf32>
            %mul3A_593 = vector.broadcast %squeeze3A_586 : f32 to vector<16xf32>
            %mul3A_594 = arith.mulf %mul3A_593, %get3A_552 : vector<16xf32>
            %add3A_595 = arith.addf %add3A_516, %mul3A_594 : vector<16xf32>
            %mul3A_596 = vector.broadcast %squeeze3A_586 : f32 to vector<16xf32>
            %mul3A_597 = arith.mulf %mul3A_596, %get3A_556 : vector<16xf32>
            %add3A_598 = arith.addf %add3A_519, %mul3A_597 : vector<16xf32>
            %slice3A_599 = vector.extract_strided_slice %get3A_456 {offsets = [7], sizes = [1], strides = [1]} : vector<16xf32> to vector<1xf32>
            %squeeze3A_600 = vector.extract %slice3A_599[0] : f32 from vector<1xf32>
            %mul3A_601 = vector.broadcast %squeeze3A_600 : f32 to vector<16xf32>
            %mul3A_602 = arith.mulf %mul3A_601, %get3A_544 : vector<16xf32>
            %add3A_603 = arith.addf %add3A_524, %mul3A_602 : vector<16xf32>
            %mul3A_604 = vector.broadcast %squeeze3A_600 : f32 to vector<16xf32>
            %mul3A_605 = arith.mulf %mul3A_604, %get3A_548 : vector<16xf32>
            %add3A_606 = arith.addf %add3A_527, %mul3A_605 : vector<16xf32>
            %mul3A_607 = vector.broadcast %squeeze3A_600 : f32 to vector<16xf32>
            %mul3A_608 = arith.mulf %mul3A_607, %get3A_552 : vector<16xf32>
            %add3A_609 = arith.addf %add3A_530, %mul3A_608 : vector<16xf32>
            %mul3A_610 = vector.broadcast %squeeze3A_600 : f32 to vector<16xf32>
            %mul3A_611 = arith.mulf %mul3A_610, %get3A_556 : vector<16xf32>
            %add3A_612 = arith.addf %add3A_533, %mul3A_611 : vector<16xf32>
            %mul3A_613 = arith.constant 32 : i32
            %mul3A_614 = arith.muli %scan3A_194, %mul3A_613 : i32
            %mul3A_615 = arith.constant 4 : i32
            %mul3A_616 = arith.muli %scan3A_434, %mul3A_615 : i32
            %add3A_617 = arith.addi %mul3A_614, %mul3A_616 : i32
            %add3A_618 = arith.constant 2 : i32
            %add3A_619 = arith.addi %add3A_617, %add3A_618 : i32
            %get3A_620 = arith.index_cast %add3A_619 : i32 to index
            %get3A_621 = arith.constant 0 : index
            %get3A_622 = tpu.vector_load %arg11[%get3A_620, %get3A_621] {strides = array<i32>} : memref<64x128xf32, #tpu.memory_space<vmem>>, vector<1x16xf32>,
            %get3A_623 = vector.shape_cast %get3A_622 : vector<1x16xf32> to vector<16xf32>
            %get3A_624 = arith.index_cast %add3A_619 : i32 to index
            %get3A_625 = arith.constant 16 : index
            %get3A_626 = tpu.vector_load %arg11[%get3A_624, %get3A_625] {strides = array<i32>} : memref<64x128xf32, #tpu.memory_space<vmem>>, vector<1x16xf32>,
            %get3A_627 = vector.shape_cast %get3A_626 : vector<1x16xf32> to vector<16xf32>
            %get3A_628 = arith.index_cast %add3A_619 : i32 to index
            %get3A_629 = arith.constant 32 : index
            %get3A_630 = tpu.vector_load %arg11[%get3A_628, %get3A_629] {strides = array<i32>} : memref<64x128xf32, #tpu.memory_space<vmem>>, vector<1x16xf32>,
            %get3A_631 = vector.shape_cast %get3A_630 : vector<1x16xf32> to vector<16xf32>
            %get3A_632 = arith.index_cast %add3A_619 : i32 to index
            %get3A_633 = arith.constant 48 : index
            %get3A_634 = tpu.vector_load %arg11[%get3A_632, %get3A_633] {strides = array<i32>} : memref<64x128xf32, #tpu.memory_space<vmem>>, vector<1x16xf32>,
            %get3A_635 = vector.shape_cast %get3A_634 : vector<1x16xf32> to vector<16xf32>
            %slice3A_636 = vector.extract_strided_slice %get3A_456 {offsets = [8], sizes = [1], strides = [1]} : vector<16xf32> to vector<1xf32>
            %squeeze3A_637 = vector.extract %slice3A_636[0] : f32 from vector<1xf32>
            %mul3A_638 = vector.broadcast %squeeze3A_637 : f32 to vector<16xf32>
            %mul3A_639 = arith.mulf %mul3A_638, %get3A_623 : vector<16xf32>
            %add3A_640 = arith.addf %add3A_561, %mul3A_639 : vector<16xf32>
            %mul3A_641 = vector.broadcast %squeeze3A_637 : f32 to vector<16xf32>
            %mul3A_642 = arith.mulf %mul3A_641, %get3A_627 : vector<16xf32>
            %add3A_643 = arith.addf %add3A_564, %mul3A_642 : vector<16xf32>
            %mul3A_644 = vector.broadcast %squeeze3A_637 : f32 to vector<16xf32>
            %mul3A_645 = arith.mulf %mul3A_644, %get3A_631 : vector<16xf32>
            %add3A_646 = arith.addf %add3A_567, %mul3A_645 : vector<16xf32>
            %mul3A_647 = vector.broadcast %squeeze3A_637 : f32 to vector<16xf32>
            %mul3A_648 = arith.mulf %mul3A_647, %get3A_635 : vector<16xf32>
            %add3A_649 = arith.addf %add3A_570, %mul3A_648 : vector<16xf32>
            %slice3A_650 = vector.extract_strided_slice %get3A_456 {offsets = [9], sizes = [1], strides = [1]} : vector<16xf32> to vector<1xf32>
            %squeeze3A_651 = vector.extract %slice3A_650[0] : f32 from vector<1xf32>
            %mul3A_652 = vector.broadcast %squeeze3A_651 : f32 to vector<16xf32>
            %mul3A_653 = arith.mulf %mul3A_652, %get3A_623 : vector<16xf32>
            %add3A_654 = arith.addf %add3A_575, %mul3A_653 : vector<16xf32>
            %mul3A_655 = vector.broadcast %squeeze3A_651 : f32 to vector<16xf32>
            %mul3A_656 = arith.mulf %mul3A_655, %get3A_627 : vector<16xf32>
            %add3A_657 = arith.addf %add3A_578, %mul3A_656 : vector<16xf32>
            %mul3A_658 = vector.broadcast %squeeze3A_651 : f32 to vector<16xf32>
            %mul3A_659 = arith.mulf %mul3A_658, %get3A_631 : vector<16xf32>
            %add3A_660 = arith.addf %add3A_581, %mul3A_659 : vector<16xf32>
            %mul3A_661 = vector.broadcast %squeeze3A_651 : f32 to vector<16xf32>
            %mul3A_662 = arith.mulf %mul3A_661, %get3A_635 : vector<16xf32>
            %add3A_663 = arith.addf %add3A_584, %mul3A_662 : vector<16xf32>
            %slice3A_664 = vector.extract_strided_slice %get3A_456 {offsets = [10], sizes = [1], strides = [1]} : vector<16xf32> to vector<1xf32>
            %squeeze3A_665 = vector.extract %slice3A_664[0] : f32 from vector<1xf32>
            %mul3A_666 = vector.broadcast %squeeze3A_665 : f32 to vector<16xf32>
            %mul3A_667 = arith.mulf %mul3A_666, %get3A_623 : vector<16xf32>
            %add3A_668 = arith.addf %add3A_589, %mul3A_667 : vector<16xf32>
            %mul3A_669 = vector.broadcast %squeeze3A_665 : f32 to vector<16xf32>
            %mul3A_670 = arith.mulf %mul3A_669, %get3A_627 : vector<16xf32>
            %add3A_671 = arith.addf %add3A_592, %mul3A_670 : vector<16xf32>
            %mul3A_672 = vector.broadcast %squeeze3A_665 : f32 to vector<16xf32>
            %mul3A_673 = arith.mulf %mul3A_672, %get3A_631 : vector<16xf32>
            %add3A_674 = arith.addf %add3A_595, %mul3A_673 : vector<16xf32>
            %mul3A_675 = vector.broadcast %squeeze3A_665 : f32 to vector<16xf32>
            %mul3A_676 = arith.mulf %mul3A_675, %get3A_635 : vector<16xf32>
            %add3A_677 = arith.addf %add3A_598, %mul3A_676 : vector<16xf32>
            %slice3A_678 = vector.extract_strided_slice %get3A_456 {offsets = [11], sizes = [1], strides = [1]} : vector<16xf32> to vector<1xf32>
            %squeeze3A_679 = vector.extract %slice3A_678[0] : f32 from vector<1xf32>
            %mul3A_680 = vector.broadcast %squeeze3A_679 : f32 to vector<16xf32>
            %mul3A_681 = arith.mulf %mul3A_680, %get3A_623 : vector<16xf32>
            %add3A_682 = arith.addf %add3A_603, %mul3A_681 : vector<16xf32>
            %mul3A_683 = vector.broadcast %squeeze3A_679 : f32 to vector<16xf32>
            %mul3A_684 = arith.mulf %mul3A_683, %get3A_627 : vector<16xf32>
            %add3A_685 = arith.addf %add3A_606, %mul3A_684 : vector<16xf32>
            %mul3A_686 = vector.broadcast %squeeze3A_679 : f32 to vector<16xf32>
            %mul3A_687 = arith.mulf %mul3A_686, %get3A_631 : vector<16xf32>
            %add3A_688 = arith.addf %add3A_609, %mul3A_687 : vector<16xf32>
            %mul3A_689 = vector.broadcast %squeeze3A_679 : f32 to vector<16xf32>
            %mul3A_690 = arith.mulf %mul3A_689, %get3A_635 : vector<16xf32>
            %add3A_691 = arith.addf %add3A_612, %mul3A_690 : vector<16xf32>
            %mul3A_692 = arith.constant 32 : i32
            %mul3A_693 = arith.muli %scan3A_194, %mul3A_692 : i32
            %mul3A_694 = arith.constant 4 : i32
            %mul3A_695 = arith.muli %scan3A_434, %mul3A_694 : i32
            %add3A_696 = arith.addi %mul3A_693, %mul3A_695 : i32
            %add3A_697 = arith.constant 3 : i32
            %add3A_698 = arith.addi %add3A_696, %add3A_697 : i32
            %get3A_699 = arith.index_cast %add3A_698 : i32 to index
            %get3A_700 = arith.constant 0 : index
            %get3A_701 = tpu.vector_load %arg11[%get3A_699, %get3A_700] {strides = array<i32>} : memref<64x128xf32, #tpu.memory_space<vmem>>, vector<1x16xf32>,
            %get3A_702 = vector.shape_cast %get3A_701 : vector<1x16xf32> to vector<16xf32>
            %get3A_703 = arith.index_cast %add3A_698 : i32 to index
            %get3A_704 = arith.constant 16 : index
            %get3A_705 = tpu.vector_load %arg11[%get3A_703, %get3A_704] {strides = array<i32>} : memref<64x128xf32, #tpu.memory_space<vmem>>, vector<1x16xf32>,
            %get3A_706 = vector.shape_cast %get3A_705 : vector<1x16xf32> to vector<16xf32>
            %get3A_707 = arith.index_cast %add3A_698 : i32 to index
            %get3A_708 = arith.constant 32 : index
            %get3A_709 = tpu.vector_load %arg11[%get3A_707, %get3A_708] {strides = array<i32>} : memref<64x128xf32, #tpu.memory_space<vmem>>, vector<1x16xf32>,
            %get3A_710 = vector.shape_cast %get3A_709 : vector<1x16xf32> to vector<16xf32>
            %get3A_711 = arith.index_cast %add3A_698 : i32 to index
            %get3A_712 = arith.constant 48 : index
            %get3A_713 = tpu.vector_load %arg11[%get3A_711, %get3A_712] {strides = array<i32>} : memref<64x128xf32, #tpu.memory_space<vmem>>, vector<1x16xf32>,
            %get3A_714 = vector.shape_cast %get3A_713 : vector<1x16xf32> to vector<16xf32>
            %slice3A_715 = vector.extract_strided_slice %get3A_456 {offsets = [12], sizes = [1], strides = [1]} : vector<16xf32> to vector<1xf32>
            %squeeze3A_716 = vector.extract %slice3A_715[0] : f32 from vector<1xf32>
            %mul3A_717 = vector.broadcast %squeeze3A_716 : f32 to vector<16xf32>
            %mul3A_718 = arith.mulf %mul3A_717, %get3A_702 : vector<16xf32>
            %add3A_719 = arith.addf %add3A_640, %mul3A_718 : vector<16xf32>
            %mul3A_720 = vector.broadcast %squeeze3A_716 : f32 to vector<16xf32>
            %mul3A_721 = arith.mulf %mul3A_720, %get3A_706 : vector<16xf32>
            %add3A_722 = arith.addf %add3A_643, %mul3A_721 : vector<16xf32>
            %mul3A_723 = vector.broadcast %squeeze3A_716 : f32 to vector<16xf32>
            %mul3A_724 = arith.mulf %mul3A_723, %get3A_710 : vector<16xf32>
            %add3A_725 = arith.addf %add3A_646, %mul3A_724 : vector<16xf32>
            %mul3A_726 = vector.broadcast %squeeze3A_716 : f32 to vector<16xf32>
            %mul3A_727 = arith.mulf %mul3A_726, %get3A_714 : vector<16xf32>
            %add3A_728 = arith.addf %add3A_649, %mul3A_727 : vector<16xf32>
            %slice3A_729 = vector.extract_strided_slice %get3A_456 {offsets = [13], sizes = [1], strides = [1]} : vector<16xf32> to vector<1xf32>
            %squeeze3A_730 = vector.extract %slice3A_729[0] : f32 from vector<1xf32>
            %mul3A_731 = vector.broadcast %squeeze3A_730 : f32 to vector<16xf32>
            %mul3A_732 = arith.mulf %mul3A_731, %get3A_702 : vector<16xf32>
            %add3A_733 = arith.addf %add3A_654, %mul3A_732 : vector<16xf32>
            %mul3A_734 = vector.broadcast %squeeze3A_730 : f32 to vector<16xf32>
            %mul3A_735 = arith.mulf %mul3A_734, %get3A_706 : vector<16xf32>
            %add3A_736 = arith.addf %add3A_657, %mul3A_735 : vector<16xf32>
            %mul3A_737 = vector.broadcast %squeeze3A_730 : f32 to vector<16xf32>
            %mul3A_738 = arith.mulf %mul3A_737, %get3A_710 : vector<16xf32>
            %add3A_739 = arith.addf %add3A_660, %mul3A_738 : vector<16xf32>
            %mul3A_740 = vector.broadcast %squeeze3A_730 : f32 to vector<16xf32>
            %mul3A_741 = arith.mulf %mul3A_740, %get3A_714 : vector<16xf32>
            %add3A_742 = arith.addf %add3A_663, %mul3A_741 : vector<16xf32>
            %slice3A_743 = vector.extract_strided_slice %get3A_456 {offsets = [14], sizes = [1], strides = [1]} : vector<16xf32> to vector<1xf32>
            %squeeze3A_744 = vector.extract %slice3A_743[0] : f32 from vector<1xf32>
            %mul3A_745 = vector.broadcast %squeeze3A_744 : f32 to vector<16xf32>
            %mul3A_746 = arith.mulf %mul3A_745, %get3A_702 : vector<16xf32>
            %add3A_747 = arith.addf %add3A_668, %mul3A_746 : vector<16xf32>
            %mul3A_748 = vector.broadcast %squeeze3A_744 : f32 to vector<16xf32>
            %mul3A_749 = arith.mulf %mul3A_748, %get3A_706 : vector<16xf32>
            %add3A_750 = arith.addf %add3A_671, %mul3A_749 : vector<16xf32>
            %mul3A_751 = vector.broadcast %squeeze3A_744 : f32 to vector<16xf32>
            %mul3A_752 = arith.mulf %mul3A_751, %get3A_710 : vector<16xf32>
            %add3A_753 = arith.addf %add3A_674, %mul3A_752 : vector<16xf32>
            %mul3A_754 = vector.broadcast %squeeze3A_744 : f32 to vector<16xf32>
            %mul3A_755 = arith.mulf %mul3A_754, %get3A_714 : vector<16xf32>
            %add3A_756 = arith.addf %add3A_677, %mul3A_755 : vector<16xf32>
            %slice3A_757 = vector.extract_strided_slice %get3A_456 {offsets = [15], sizes = [1], strides = [1]} : vector<16xf32> to vector<1xf32>
            %squeeze3A_758 = vector.extract %slice3A_757[0] : f32 from vector<1xf32>
            %mul3A_759 = vector.broadcast %squeeze3A_758 : f32 to vector<16xf32>
            %mul3A_760 = arith.mulf %mul3A_759, %get3A_702 : vector<16xf32>
            %add3A_761 = arith.addf %add3A_682, %mul3A_760 : vector<16xf32>
            %mul3A_762 = vector.broadcast %squeeze3A_758 : f32 to vector<16xf32>
            %mul3A_763 = arith.mulf %mul3A_762, %get3A_706 : vector<16xf32>
            %add3A_764 = arith.addf %add3A_685, %mul3A_763 : vector<16xf32>
            %mul3A_765 = vector.broadcast %squeeze3A_758 : f32 to vector<16xf32>
            %mul3A_766 = arith.mulf %mul3A_765, %get3A_710 : vector<16xf32>
            %add3A_767 = arith.addf %add3A_688, %mul3A_766 : vector<16xf32>
            %mul3A_768 = vector.broadcast %squeeze3A_758 : f32 to vector<16xf32>
            %mul3A_769 = arith.mulf %mul3A_768, %get3A_714 : vector<16xf32>
            %add3A_770 = arith.addf %add3A_691, %mul3A_769 : vector<16xf32>
            scf.yield %add3A_719, %add3A_722, %add3A_725, %add3A_728, %add3A_733, %add3A_736, %add3A_739, %add3A_742, %add3A_747, %add3A_750, %add3A_753, %add3A_756, %add3A_761, %add3A_764, %add3A_767, %add3A_770 : vector<16xf32>, vector<16xf32>, vector<16xf32>, vector<16xf32>, vector<16xf32>, vector<16xf32>, vector<16xf32>, vector<16xf32>, vector<16xf32>, vector<16xf32>, vector<16xf32>, vector<16xf32>, vector<16xf32>, vector<16xf32>, vector<16xf32>, vector<16xf32>
          }
          %scan3A_235 = arith.constant 8 : i32
          %swap3A = arith.index_cast %scan3A_194 : i32 to index
          %swap3A_236 = arith.constant 0 : index
          %swap3A_237 = tpu.vector_load %arg13[%swap3A, %swap3A_236] {strides = array<i32>} : memref<2x512xf32, #tpu.memory_space<vmem>>, vector<1x16xf32>,
          %swap3A_238 = vector.shape_cast %swap3A_237 : vector<1x16xf32> to vector<16xf32>
          %swap3A_239 = vector.shape_cast %scan3A_234#0 : vector<16xf32> to vector<1x16xf32>
          tpu.vector_store %arg13[%swap3A, %swap3A_236], %swap3A_239 {strides = array<i32>} : memref<2x512xf32, #tpu.memory_space<vmem>>, vector<1x16xf32>,
          %swap3A_240 = arith.index_cast %scan3A_194 : i32 to index
          %swap3A_241 = arith.constant 16 : index
          %swap3A_242 = tpu.vector_load %arg13[%swap3A_240, %swap3A_241] {strides = array<i32>} : memref<2x512xf32, #tpu.memory_space<vmem>>, vector<1x16xf32>,
          %swap3A_243 = vector.shape_cast %swap3A_242 : vector<1x16xf32> to vector<16xf32>
          %swap3A_244 = vector.shape_cast %scan3A_234#1 : vector<16xf32> to vector<1x16xf32>
          tpu.vector_store %arg13[%swap3A_240, %swap3A_241], %swap3A_244 {strides = array<i32>} : memref<2x512xf32, #tpu.memory_space<vmem>>, vector<1x16xf32>,
          %swap3A_245 = arith.index_cast %scan3A_194 : i32 to index
          %swap3A_246 = arith.constant 32 : index
          %swap3A_247 = tpu.vector_load %arg13[%swap3A_245, %swap3A_246] {strides = array<i32>} : memref<2x512xf32, #tpu.memory_space<vmem>>, vector<1x16xf32>,
          %swap3A_248 = vector.shape_cast %swap3A_247 : vector<1x16xf32> to vector<16xf32>
          %swap3A_249 = vector.shape_cast %scan3A_234#2 : vector<16xf32> to vector<1x16xf32>
          tpu.vector_store %arg13[%swap3A_245, %swap3A_246], %swap3A_249 {strides = array<i32>} : memref<2x512xf32, #tpu.memory_space<vmem>>, vector<1x16xf32>,
          %swap3A_250 = arith.index_cast %scan3A_194 : i32 to index
          %swap3A_251 = arith.constant 48 : index
          %swap3A_252 = tpu.vector_load %arg13[%swap3A_250, %swap3A_251] {strides = array<i32>} : memref<2x512xf32, #tpu.memory_space<vmem>>, vector<1x16xf32>,
          %swap3A_253 = vector.shape_cast %swap3A_252 : vector<1x16xf32> to vector<16xf32>
          %swap3A_254 = vector.shape_cast %scan3A_234#3 : vector<16xf32> to vector<1x16xf32>
          tpu.vector_store %arg13[%swap3A_250, %swap3A_251], %swap3A_254 {strides = array<i32>} : memref<2x512xf32, #tpu.memory_space<vmem>>, vector<1x16xf32>,
          %swap3A_255 = arith.index_cast %scan3A_194 : i32 to index
          %swap3A_256 = arith.constant 128 : index
          %swap3A_257 = tpu.vector_load %arg13[%swap3A_255, %swap3A_256] {strides = array<i32>} : memref<2x512xf32, #tpu.memory_space<vmem>>, vector<1x16xf32>,
          %swap3A_258 = vector.shape_cast %swap3A_257 : vector<1x16xf32> to vector<16xf32>
          %swap3A_259 = vector.shape_cast %scan3A_234#4 : vector<16xf32> to vector<1x16xf32>
          tpu.vector_store %arg13[%swap3A_255, %swap3A_256], %swap3A_259 {strides = array<i32>} : memref<2x512xf32, #tpu.memory_space<vmem>>, vector<1x16xf32>,
          %swap3A_260 = arith.index_cast %scan3A_194 : i32 to index
          %swap3A_261 = arith.constant 144 : index
          %swap3A_262 = tpu.vector_load %arg13[%swap3A_260, %swap3A_261] {strides = array<i32>} : memref<2x512xf32, #tpu.memory_space<vmem>>, vector<1x16xf32>,
          %swap3A_263 = vector.shape_cast %swap3A_262 : vector<1x16xf32> to vector<16xf32>
          %swap3A_264 = vector.shape_cast %scan3A_234#5 : vector<16xf32> to vector<1x16xf32>
          tpu.vector_store %arg13[%swap3A_260, %swap3A_261], %swap3A_264 {strides = array<i32>} : memref<2x512xf32, #tpu.memory_space<vmem>>, vector<1x16xf32>,
          %swap3A_265 = arith.index_cast %scan3A_194 : i32 to index
          %swap3A_266 = arith.constant 160 : index
          %swap3A_267 = tpu.vector_load %arg13[%swap3A_265, %swap3A_266] {strides = array<i32>} : memref<2x512xf32, #tpu.memory_space<vmem>>, vector<1x16xf32>,
          %swap3A_268 = vector.shape_cast %swap3A_267 : vector<1x16xf32> to vector<16xf32>
          %swap3A_269 = vector.shape_cast %scan3A_234#6 : vector<16xf32> to vector<1x16xf32>
          tpu.vector_store %arg13[%swap3A_265, %swap3A_266], %swap3A_269 {strides = array<i32>} : memref<2x512xf32, #tpu.memory_space<vmem>>, vector<1x16xf32>,
          %swap3A_270 = arith.index_cast %scan3A_194 : i32 to index
          %swap3A_271 = arith.constant 176 : index
          %swap3A_272 = tpu.vector_load %arg13[%swap3A_270, %swap3A_271] {strides = array<i32>} : memref<2x512xf32, #tpu.memory_space<vmem>>, vector<1x16xf32>,
          %swap3A_273 = vector.shape_cast %swap3A_272 : vector<1x16xf32> to vector<16xf32>
          %swap3A_274 = vector.shape_cast %scan3A_234#7 : vector<16xf32> to vector<1x16xf32>
          tpu.vector_store %arg13[%swap3A_270, %swap3A_271], %swap3A_274 {strides = array<i32>} : memref<2x512xf32, #tpu.memory_space<vmem>>, vector<1x16xf32>,
          %swap3A_275 = arith.index_cast %scan3A_194 : i32 to index
          %swap3A_276 = arith.constant 256 : index
          %swap3A_277 = tpu.vector_load %arg13[%swap3A_275, %swap3A_276] {strides = array<i32>} : memref<2x512xf32, #tpu.memory_space<vmem>>, vector<1x16xf32>,
          %swap3A_278 = vector.shape_cast %swap3A_277 : vector<1x16xf32> to vector<16xf32>
          %swap3A_279 = vector.shape_cast %scan3A_234#8 : vector<16xf32> to vector<1x16xf32>
          tpu.vector_store %arg13[%swap3A_275, %swap3A_276], %swap3A_279 {strides = array<i32>} : memref<2x512xf32, #tpu.memory_space<vmem>>, vector<1x16xf32>,
          %swap3A_280 = arith.index_cast %scan3A_194 : i32 to index
          %swap3A_281 = arith.constant 272 : index
          %swap3A_282 = tpu.vector_load %arg13[%swap3A_280, %swap3A_281] {strides = array<i32>} : memref<2x512xf32, #tpu.memory_space<vmem>>, vector<1x16xf32>,
          %swap3A_283 = vector.shape_cast %swap3A_282 : vector<1x16xf32> to vector<16xf32>
          %swap3A_284 = vector.shape_cast %scan3A_234#9 : vector<16xf32> to vector<1x16xf32>
          tpu.vector_store %arg13[%swap3A_280, %swap3A_281], %swap3A_284 {strides = array<i32>} : memref<2x512xf32, #tpu.memory_space<vmem>>, vector<1x16xf32>,
          %swap3A_285 = arith.index_cast %scan3A_194 : i32 to index
          %swap3A_286 = arith.constant 288 : index
          %swap3A_287 = tpu.vector_load %arg13[%swap3A_285, %swap3A_286] {strides = array<i32>} : memref<2x512xf32, #tpu.memory_space<vmem>>, vector<1x16xf32>,
          %swap3A_288 = vector.shape_cast %swap3A_287 : vector<1x16xf32> to vector<16xf32>
          %swap3A_289 = vector.shape_cast %scan3A_234#10 : vector<16xf32> to vector<1x16xf32>
          tpu.vector_store %arg13[%swap3A_285, %swap3A_286], %swap3A_289 {strides = array<i32>} : memref<2x512xf32, #tpu.memory_space<vmem>>, vector<1x16xf32>,
          %swap3A_290 = arith.index_cast %scan3A_194 : i32 to index
          %swap3A_291 = arith.constant 304 : index
          %swap3A_292 = tpu.vector_load %arg13[%swap3A_290, %swap3A_291] {strides = array<i32>} : memref<2x512xf32, #tpu.memory_space<vmem>>, vector<1x16xf32>,
          %swap3A_293 = vector.shape_cast %swap3A_292 : vector<1x16xf32> to vector<16xf32>
          %swap3A_294 = vector.shape_cast %scan3A_234#11 : vector<16xf32> to vector<1x16xf32>
          tpu.vector_store %arg13[%swap3A_290, %swap3A_291], %swap3A_294 {strides = array<i32>} : memref<2x512xf32, #tpu.memory_space<vmem>>, vector<1x16xf32>,
          %swap3A_295 = arith.index_cast %scan3A_194 : i32 to index
          %swap3A_296 = arith.constant 384 : index
          %swap3A_297 = tpu.vector_load %arg13[%swap3A_295, %swap3A_296] {strides = array<i32>} : memref<2x512xf32, #tpu.memory_space<vmem>>, vector<1x16xf32>,
          %swap3A_298 = vector.shape_cast %swap3A_297 : vector<1x16xf32> to vector<16xf32>
          %swap3A_299 = vector.shape_cast %scan3A_234#12 : vector<16xf32> to vector<1x16xf32>
          tpu.vector_store %arg13[%swap3A_295, %swap3A_296], %swap3A_299 {strides = array<i32>} : memref<2x512xf32, #tpu.memory_space<vmem>>, vector<1x16xf32>,
          %swap3A_300 = arith.index_cast %scan3A_194 : i32 to index
          %swap3A_301 = arith.constant 400 : index
          %swap3A_302 = tpu.vector_load %arg13[%swap3A_300, %swap3A_301] {strides = array<i32>} : memref<2x512xf32, #tpu.memory_space<vmem>>, vector<1x16xf32>,
          %swap3A_303 = vector.shape_cast %swap3A_302 : vector<1x16xf32> to vector<16xf32>
          %swap3A_304 = vector.shape_cast %scan3A_234#13 : vector<16xf32> to vector<1x16xf32>
          tpu.vector_store %arg13[%swap3A_300, %swap3A_301], %swap3A_304 {strides = array<i32>} : memref<2x512xf32, #tpu.memory_space<vmem>>, vector<1x16xf32>,
          %swap3A_305 = arith.index_cast %scan3A_194 : i32 to index
          %swap3A_306 = arith.constant 416 : index
          %swap3A_307 = tpu.vector_load %arg13[%swap3A_305, %swap3A_306] {strides = array<i32>} : memref<2x512xf32, #tpu.memory_space<vmem>>, vector<1x16xf32>,
          %swap3A_308 = vector.shape_cast %swap3A_307 : vector<1x16xf32> to vector<16xf32>
          %swap3A_309 = vector.shape_cast %scan3A_234#14 : vector<16xf32> to vector<1x16xf32>
          tpu.vector_store %arg13[%swap3A_305, %swap3A_306], %swap3A_309 {strides = array<i32>} : memref<2x512xf32, #tpu.memory_space<vmem>>, vector<1x16xf32>,
          %swap3A_310 = arith.index_cast %scan3A_194 : i32 to index
          %swap3A_311 = arith.constant 432 : index
          %swap3A_312 = tpu.vector_load %arg13[%swap3A_310, %swap3A_311] {strides = array<i32>} : memref<2x512xf32, #tpu.memory_space<vmem>>, vector<1x16xf32>,
          %swap3A_313 = vector.shape_cast %swap3A_312 : vector<1x16xf32> to vector<16xf32>
          %swap3A_314 = vector.shape_cast %scan3A_234#15 : vector<16xf32> to vector<1x16xf32>
          tpu.vector_store %arg13[%swap3A_310, %swap3A_311], %swap3A_314 {strides = array<i32>} : memref<2x512xf32, #tpu.memory_space<vmem>>, vector<1x16xf32>,
          %broadcast_in_dim3A_315 = arith.constant 0.000000e+00 : f32
          %broadcast_in_dim3A_316 = vector.broadcast %broadcast_in_dim3A_315 : f32 to vector<16xf32>
          %broadcast_in_dim3A_317 = arith.constant 0.000000e+00 : f32
          %broadcast_in_dim3A_318 = vector.broadcast %broadcast_in_dim3A_317 : f32 to vector<16xf32>
          %broadcast_in_dim3A_319 = arith.constant 0.000000e+00 : f32
          %broadcast_in_dim3A_320 = vector.broadcast %broadcast_in_dim3A_319 : f32 to vector<16xf32>
          %broadcast_in_dim3A_321 = arith.constant 0.000000e+00 : f32
          %broadcast_in_dim3A_322 = vector.broadcast %broadcast_in_dim3A_321 : f32 to vector<16xf32>
          %broadcast_in_dim3A_323 = arith.constant 0.000000e+00 : f32
          %broadcast_in_dim3A_324 = vector.broadcast %broadcast_in_dim3A_323 : f32 to vector<16xf32>
          %broadcast_in_dim3A_325 = arith.constant 0.000000e+00 : f32
          %broadcast_in_dim3A_326 = vector.broadcast %broadcast_in_dim3A_325 : f32 to vector<16xf32>
          %broadcast_in_dim3A_327 = arith.constant 0.000000e+00 : f32
          %broadcast_in_dim3A_328 = vector.broadcast %broadcast_in_dim3A_327 : f32 to vector<16xf32>
          %broadcast_in_dim3A_329 = arith.constant 0.000000e+00 : f32
          %broadcast_in_dim3A_330 = vector.broadcast %broadcast_in_dim3A_329 : f32 to vector<16xf32>
          %broadcast_in_dim3A_331 = arith.constant 0.000000e+00 : f32
          %broadcast_in_dim3A_332 = vector.broadcast %broadcast_in_dim3A_331 : f32 to vector<16xf32>
          %broadcast_in_dim3A_333 = arith.constant 0.000000e+00 : f32
          %broadcast_in_dim3A_334 = vector.broadcast %broadcast_in_dim3A_333 : f32 to vector<16xf32>
          %broadcast_in_dim3A_335 = arith.constant 0.000000e+00 : f32
          %broadcast_in_dim3A_336 = vector.broadcast %broadcast_in_dim3A_335 : f32 to vector<16xf32>
          %broadcast_in_dim3A_337 = arith.constant 0.000000e+00 : f32
          %broadcast_in_dim3A_338 = vector.broadcast %broadcast_in_dim3A_337 : f32 to vector<16xf32>
          %broadcast_in_dim3A_339 = arith.constant 0.000000e+00 : f32
          %broadcast_in_dim3A_340 = vector.broadcast %broadcast_in_dim3A_339 : f32 to vector<16xf32>
          %broadcast_in_dim3A_341 = arith.constant 0.000000e+00 : f32
          %broadcast_in_dim3A_342 = vector.broadcast %broadcast_in_dim3A_341 : f32 to vector<16xf32>
          %broadcast_in_dim3A_343 = arith.constant 0.000000e+00 : f32
          %broadcast_in_dim3A_344 = vector.broadcast %broadcast_in_dim3A_343 : f32 to vector<16xf32>
          %broadcast_in_dim3A_345 = arith.constant 0.000000e+00 : f32
          %broadcast_in_dim3A_346 = vector.broadcast %broadcast_in_dim3A_345 : f32 to vector<16xf32>
          %scan3A_347 = arith.constant 0 : i32
          %scan3A_348 = arith.constant 8 : i32
          %scan3A_349 = arith.addi %scan3A_347, %scan3A_348 : i32
          %scan3A_350 = arith.constant 1 : i32
          %scan3A_351:16 = scf.for %scan3A_434 = %scan3A_347 to %scan3A_349 step %scan3A_350 iter_args(%scan3A_435 = %broadcast_in_dim3A_316, %scan3A_436 = %broadcast_in_dim3A_318, %scan3A_437 = %broadcast_in_dim3A_320, %scan3A_438 = %broadcast_in_dim3A_322, %scan3A_439 = %broadcast_in_dim3A_324, %scan3A_440 = %broadcast_in_dim3A_326, %scan3A_441 = %broadcast_in_dim3A_328, %scan3A_442 = %broadcast_in_dim3A_330, %scan3A_443 = %broadcast_in_dim3A_332, %scan3A_444 = %broadcast_in_dim3A_334, %scan3A_445 = %broadcast_in_dim3A_336, %scan3A_446 = %broadcast_in_dim3A_338, %scan3A_447 = %broadcast_in_dim3A_340, %scan3A_448 = %broadcast_in_dim3A_342, %scan3A_449 = %broadcast_in_dim3A_344, %scan3A_450 = %broadcast_in_dim3A_346) -> (vector<16xf32>, vector<16xf32>, vector<16xf32>, vector<16xf32>, vector<16xf32>, vector<16xf32>, vector<16xf32>, vector<16xf32>, vector<16xf32>, vector<16xf32>, vector<16xf32>, vector<16xf32>, vector<16xf32>, vector<16xf32>, vector<16xf32>, vector<16xf32>)  : i32 {
            %mul3A_451 = arith.constant 16 : i32
            %mul3A_452 = arith.muli %scan3A_434, %mul3A_451 : i32
            %multiple_of3A_453 = tpu.assume_multiple %mul3A_452, 16 : i32
            %get3A = arith.index_cast %add3A_198 : i32 to index
            %get3A_454 = arith.index_cast %multiple_of3A_453 : i32 to index
            %get3A_455 = tpu.vector_load %arg9[%get3A, %get3A_454] {strides = array<i32>} : memref<32x128xf32, #tpu.memory_space<vmem>>, vector<1x16xf32>,
            %get3A_456 = vector.shape_cast %get3A_455 : vector<1x16xf32> to vector<16xf32>
            %mul3A_457 = arith.constant 32 : i32
            %mul3A_458 = arith.muli %scan3A_194, %mul3A_457 : i32
            %mul3A_459 = arith.constant 4 : i32
            %mul3A_460 = arith.muli %scan3A_434, %mul3A_459 : i32
            %add3A_461 = arith.addi %mul3A_458, %mul3A_460 : i32
            %add3A_462 = arith.constant 0 : i32
            %add3A_463 = arith.addi %add3A_461, %add3A_462 : i32
            %get3A_464 = arith.index_cast %add3A_463 : i32 to index
            %get3A_465 = arith.constant 64 : index
            %get3A_466 = tpu.vector_load %arg11[%get3A_464, %get3A_465] {strides = array<i32>} : memref<64x128xf32, #tpu.memory_space<vmem>>, vector<1x16xf32>,
            %get3A_467 = vector.shape_cast %get3A_466 : vector<1x16xf32> to vector<16xf32>
            %get3A_468 = arith.index_cast %add3A_463 : i32 to index
            %get3A_469 = arith.constant 80 : index
            %get3A_470 = tpu.vector_load %arg11[%get3A_468, %get3A_469] {strides = array<i32>} : memref<64x128xf32, #tpu.memory_space<vmem>>, vector<1x16xf32>,
            %get3A_471 = vector.shape_cast %get3A_470 : vector<1x16xf32> to vector<16xf32>
            %get3A_472 = arith.index_cast %add3A_463 : i32 to index
            %get3A_473 = arith.constant 96 : index
            %get3A_474 = tpu.vector_load %arg11[%get3A_472, %get3A_473] {strides = array<i32>} : memref<64x128xf32, #tpu.memory_space<vmem>>, vector<1x16xf32>,
            %get3A_475 = vector.shape_cast %get3A_474 : vector<1x16xf32> to vector<16xf32>
            %get3A_476 = arith.index_cast %add3A_463 : i32 to index
            %get3A_477 = arith.constant 112 : index
            %get3A_478 = tpu.vector_load %arg11[%get3A_476, %get3A_477] {strides = array<i32>} : memref<64x128xf32, #tpu.memory_space<vmem>>, vector<1x16xf32>,
            %get3A_479 = vector.shape_cast %get3A_478 : vector<1x16xf32> to vector<16xf32>
            %slice3A = vector.extract_strided_slice %get3A_456 {offsets = [0], sizes = [1], strides = [1]} : vector<16xf32> to vector<1xf32>
            %squeeze3A = vector.extract %slice3A[0] : f32 from vector<1xf32>
            %mul3A_480 = vector.broadcast %squeeze3A : f32 to vector<16xf32>
            %mul3A_481 = arith.mulf %mul3A_480, %get3A_467 : vector<16xf32>
            %add3A_482 = arith.addf %scan3A_435, %mul3A_481 : vector<16xf32>
            %mul3A_483 = vector.broadcast %squeeze3A : f32 to vector<16xf32>
            %mul3A_484 = arith.mulf %mul3A_483, %get3A_471 : vector<16xf32>
            %add3A_485 = arith.addf %scan3A_436, %mul3A_484 : vector<16xf32>
            %mul3A_486 = vector.broadcast %squeeze3A : f32 to vector<16xf32>
            %mul3A_487 = arith.mulf %mul3A_486, %get3A_475 : vector<16xf32>
            %add3A_488 = arith.addf %scan3A_437, %mul3A_487 : vector<16xf32>
            %mul3A_489 = vector.broadcast %squeeze3A : f32 to vector<16xf32>
            %mul3A_490 = arith.mulf %mul3A_489, %get3A_479 : vector<16xf32>
            %add3A_491 = arith.addf %scan3A_438, %mul3A_490 : vector<16xf32>
            %slice3A_492 = vector.extract_strided_slice %get3A_456 {offsets = [1], sizes = [1], strides = [1]} : vector<16xf32> to vector<1xf32>
            %squeeze3A_493 = vector.extract %slice3A_492[0] : f32 from vector<1xf32>
            %mul3A_494 = vector.broadcast %squeeze3A_493 : f32 to vector<16xf32>
            %mul3A_495 = arith.mulf %mul3A_494, %get3A_467 : vector<16xf32>
            %add3A_496 = arith.addf %scan3A_439, %mul3A_495 : vector<16xf32>
            %mul3A_497 = vector.broadcast %squeeze3A_493 : f32 to vector<16xf32>
            %mul3A_498 = arith.mulf %mul3A_497, %get3A_471 : vector<16xf32>
            %add3A_499 = arith.addf %scan3A_440, %mul3A_498 : vector<16xf32>
            %mul3A_500 = vector.broadcast %squeeze3A_493 : f32 to vector<16xf32>
            %mul3A_501 = arith.mulf %mul3A_500, %get3A_475 : vector<16xf32>
            %add3A_502 = arith.addf %scan3A_441, %mul3A_501 : vector<16xf32>
            %mul3A_503 = vector.broadcast %squeeze3A_493 : f32 to vector<16xf32>
            %mul3A_504 = arith.mulf %mul3A_503, %get3A_479 : vector<16xf32>
            %add3A_505 = arith.addf %scan3A_442, %mul3A_504 : vector<16xf32>
            %slice3A_506 = vector.extract_strided_slice %get3A_456 {offsets = [2], sizes = [1], strides = [1]} : vector<16xf32> to vector<1xf32>
            %squeeze3A_507 = vector.extract %slice3A_506[0] : f32 from vector<1xf32>
            %mul3A_508 = vector.broadcast %squeeze3A_507 : f32 to vector<16xf32>
            %mul3A_509 = arith.mulf %mul3A_508, %get3A_467 : vector<16xf32>
            %add3A_510 = arith.addf %scan3A_443, %mul3A_509 : vector<16xf32>
            %mul3A_511 = vector.broadcast %squeeze3A_507 : f32 to vector<16xf32>
            %mul3A_512 = arith.mulf %mul3A_511, %get3A_471 : vector<16xf32>
            %add3A_513 = arith.addf %scan3A_444, %mul3A_512 : vector<16xf32>
            %mul3A_514 = vector.broadcast %squeeze3A_507 : f32 to vector<16xf32>
            %mul3A_515 = arith.mulf %mul3A_514, %get3A_475 : vector<16xf32>
            %add3A_516 = arith.addf %scan3A_445, %mul3A_515 : vector<16xf32>
            %mul3A_517 = vector.broadcast %squeeze3A_507 : f32 to vector<16xf32>
            %mul3A_518 = arith.mulf %mul3A_517, %get3A_479 : vector<16xf32>
            %add3A_519 = arith.addf %scan3A_446, %mul3A_518 : vector<16xf32>
            %slice3A_520 = vector.extract_strided_slice %get3A_456 {offsets = [3], sizes = [1], strides = [1]} : vector<16xf32> to vector<1xf32>
            %squeeze3A_521 = vector.extract %slice3A_520[0] : f32 from vector<1xf32>
            %mul3A_522 = vector.broadcast %squeeze3A_521 : f32 to vector<16xf32>
            %mul3A_523 = arith.mulf %mul3A_522, %get3A_467 : vector<16xf32>
            %add3A_524 = arith.addf %scan3A_447, %mul3A_523 : vector<16xf32>
            %mul3A_525 = vector.broadcast %squeeze3A_521 : f32 to vector<16xf32>
            %mul3A_526 = arith.mulf %mul3A_525, %get3A_471 : vector<16xf32>
            %add3A_527 = arith.addf %scan3A_448, %mul3A_526 : vector<16xf32>
            %mul3A_528 = vector.broadcast %squeeze3A_521 : f32 to vector<16xf32>
            %mul3A_529 = arith.mulf %mul3A_528, %get3A_475 : vector<16xf32>
            %add3A_530 = arith.addf %scan3A_449, %mul3A_529 : vector<16xf32>
            %mul3A_531 = vector.broadcast %squeeze3A_521 : f32 to vector<16xf32>
            %mul3A_532 = arith.mulf %mul3A_531, %get3A_479 : vector<16xf32>
            %add3A_533 = arith.addf %scan3A_450, %mul3A_532 : vector<16xf32>
            %mul3A_534 = arith.constant 32 : i32
            %mul3A_535 = arith.muli %scan3A_194, %mul3A_534 : i32
            %mul3A_536 = arith.constant 4 : i32
            %mul3A_537 = arith.muli %scan3A_434, %mul3A_536 : i32
            %add3A_538 = arith.addi %mul3A_535, %mul3A_537 : i32
            %add3A_539 = arith.constant 1 : i32
            %add3A_540 = arith.addi %add3A_538, %add3A_539 : i32
            %get3A_541 = arith.index_cast %add3A_540 : i32 to index
            %get3A_542 = arith.constant 64 : index
            %get3A_543 = tpu.vector_load %arg11[%get3A_541, %get3A_542] {strides = array<i32>} : memref<64x128xf32, #tpu.memory_space<vmem>>, vector<1x16xf32>,
            %get3A_544 = vector.shape_cast %get3A_543 : vector<1x16xf32> to vector<16xf32>
            %get3A_545 = arith.index_cast %add3A_540 : i32 to index
            %get3A_546 = arith.constant 80 : index
            %get3A_547 = tpu.vector_load %arg11[%get3A_545, %get3A_546] {strides = array<i32>} : memref<64x128xf32, #tpu.memory_space<vmem>>, vector<1x16xf32>,
            %get3A_548 = vector.shape_cast %get3A_547 : vector<1x16xf32> to vector<16xf32>
            %get3A_549 = arith.index_cast %add3A_540 : i32 to index
            %get3A_550 = arith.constant 96 : index
            %get3A_551 = tpu.vector_load %arg11[%get3A_549, %get3A_550] {strides = array<i32>} : memref<64x128xf32, #tpu.memory_space<vmem>>, vector<1x16xf32>,
            %get3A_552 = vector.shape_cast %get3A_551 : vector<1x16xf32> to vector<16xf32>
            %get3A_553 = arith.index_cast %add3A_540 : i32 to index
            %get3A_554 = arith.constant 112 : index
            %get3A_555 = tpu.vector_load %arg11[%get3A_553, %get3A_554] {strides = array<i32>} : memref<64x128xf32, #tpu.memory_space<vmem>>, vector<1x16xf32>,
            %get3A_556 = vector.shape_cast %get3A_555 : vector<1x16xf32> to vector<16xf32>
            %slice3A_557 = vector.extract_strided_slice %get3A_456 {offsets = [4], sizes = [1], strides = [1]} : vector<16xf32> to vector<1xf32>
            %squeeze3A_558 = vector.extract %slice3A_557[0] : f32 from vector<1xf32>
            %mul3A_559 = vector.broadcast %squeeze3A_558 : f32 to vector<16xf32>
            %mul3A_560 = arith.mulf %mul3A_559, %get3A_544 : vector<16xf32>
            %add3A_561 = arith.addf %add3A_482, %mul3A_560 : vector<16xf32>
            %mul3A_562 = vector.broadcast %squeeze3A_558 : f32 to vector<16xf32>
            %mul3A_563 = arith.mulf %mul3A_562, %get3A_548 : vector<16xf32>
            %add3A_564 = arith.addf %add3A_485, %mul3A_563 : vector<16xf32>
            %mul3A_565 = vector.broadcast %squeeze3A_558 : f32 to vector<16xf32>
            %mul3A_566 = arith.mulf %mul3A_565, %get3A_552 : vector<16xf32>
            %add3A_567 = arith.addf %add3A_488, %mul3A_566 : vector<16xf32>
            %mul3A_568 = vector.broadcast %squeeze3A_558 : f32 to vector<16xf32>
            %mul3A_569 = arith.mulf %mul3A_568, %get3A_556 : vector<16xf32>
            %add3A_570 = arith.addf %add3A_491, %mul3A_569 : vector<16xf32>
            %slice3A_571 = vector.extract_strided_slice %get3A_456 {offsets = [5], sizes = [1], strides = [1]} : vector<16xf32> to vector<1xf32>
            %squeeze3A_572 = vector.extract %slice3A_571[0] : f32 from vector<1xf32>
            %mul3A_573 = vector.broadcast %squeeze3A_572 : f32 to vector<16xf32>
            %mul3A_574 = arith.mulf %mul3A_573, %get3A_544 : vector<16xf32>
            %add3A_575 = arith.addf %add3A_496, %mul3A_574 : vector<16xf32>
            %mul3A_576 = vector.broadcast %squeeze3A_572 : f32 to vector<16xf32>
            %mul3A_577 = arith.mulf %mul3A_576, %get3A_548 : vector<16xf32>
            %add3A_578 = arith.addf %add3A_499, %mul3A_577 : vector<16xf32>
            %mul3A_579 = vector.broadcast %squeeze3A_572 : f32 to vector<16xf32>
            %mul3A_580 = arith.mulf %mul3A_579, %get3A_552 : vector<16xf32>
            %add3A_581 = arith.addf %add3A_502, %mul3A_580 : vector<16xf32>
            %mul3A_582 = vector.broadcast %squeeze3A_572 : f32 to vector<16xf32>
            %mul3A_583 = arith.mulf %mul3A_582, %get3A_556 : vector<16xf32>
            %add3A_584 = arith.addf %add3A_505, %mul3A_583 : vector<16xf32>
            %slice3A_585 = vector.extract_strided_slice %get3A_456 {offsets = [6], sizes = [1], strides = [1]} : vector<16xf32> to vector<1xf32>
            %squeeze3A_586 = vector.extract %slice3A_585[0] : f32 from vector<1xf32>
            %mul3A_587 = vector.broadcast %squeeze3A_586 : f32 to vector<16xf32>
            %mul3A_588 = arith.mulf %mul3A_587, %get3A_544 : vector<16xf32>
            %add3A_589 = arith.addf %add3A_510, %mul3A_588 : vector<16xf32>
            %mul3A_590 = vector.broadcast %squeeze3A_586 : f32 to vector<16xf32>
            %mul3A_591 = arith.mulf %mul3A_590, %get3A_548 : vector<16xf32>
            %add3A_592 = arith.addf %add3A_513, %mul3A_591 : vector<16xf32>
            %mul3A_593 = vector.broadcast %squeeze3A_586 : f32 to vector<16xf32>
            %mul3A_594 = arith.mulf %mul3A_593, %get3A_552 : vector<16xf32>
            %add3A_595 = arith.addf %add3A_516, %mul3A_594 : vector<16xf32>
            %mul3A_596 = vector.broadcast %squeeze3A_586 : f32 to vector<16xf32>
            %mul3A_597 = arith.mulf %mul3A_596, %get3A_556 : vector<16xf32>
            %add3A_598 = arith.addf %add3A_519, %mul3A_597 : vector<16xf32>
            %slice3A_599 = vector.extract_strided_slice %get3A_456 {offsets = [7], sizes = [1], strides = [1]} : vector<16xf32> to vector<1xf32>
            %squeeze3A_600 = vector.extract %slice3A_599[0] : f32 from vector<1xf32>
            %mul3A_601 = vector.broadcast %squeeze3A_600 : f32 to vector<16xf32>
            %mul3A_602 = arith.mulf %mul3A_601, %get3A_544 : vector<16xf32>
            %add3A_603 = arith.addf %add3A_524, %mul3A_602 : vector<16xf32>
            %mul3A_604 = vector.broadcast %squeeze3A_600 : f32 to vector<16xf32>
            %mul3A_605 = arith.mulf %mul3A_604, %get3A_548 : vector<16xf32>
            %add3A_606 = arith.addf %add3A_527, %mul3A_605 : vector<16xf32>
            %mul3A_607 = vector.broadcast %squeeze3A_600 : f32 to vector<16xf32>
            %mul3A_608 = arith.mulf %mul3A_607, %get3A_552 : vector<16xf32>
            %add3A_609 = arith.addf %add3A_530, %mul3A_608 : vector<16xf32>
            %mul3A_610 = vector.broadcast %squeeze3A_600 : f32 to vector<16xf32>
            %mul3A_611 = arith.mulf %mul3A_610, %get3A_556 : vector<16xf32>
            %add3A_612 = arith.addf %add3A_533, %mul3A_611 : vector<16xf32>
            %mul3A_613 = arith.constant 32 : i32
            %mul3A_614 = arith.muli %scan3A_194, %mul3A_613 : i32
            %mul3A_615 = arith.constant 4 : i32
            %mul3A_616 = arith.muli %scan3A_434, %mul3A_615 : i32
            %add3A_617 = arith.addi %mul3A_614, %mul3A_616 : i32
            %add3A_618 = arith.constant 2 : i32
            %add3A_619 = arith.addi %add3A_617, %add3A_618 : i32
            %get3A_620 = arith.index_cast %add3A_619 : i32 to index
            %get3A_621 = arith.constant 64 : index
            %get3A_622 = tpu.vector_load %arg11[%get3A_620, %get3A_621] {strides = array<i32>} : memref<64x128xf32, #tpu.memory_space<vmem>>, vector<1x16xf32>,
            %get3A_623 = vector.shape_cast %get3A_622 : vector<1x16xf32> to vector<16xf32>
            %get3A_624 = arith.index_cast %add3A_619 : i32 to index
            %get3A_625 = arith.constant 80 : index
            %get3A_626 = tpu.vector_load %arg11[%get3A_624, %get3A_625] {strides = array<i32>} : memref<64x128xf32, #tpu.memory_space<vmem>>, vector<1x16xf32>,
            %get3A_627 = vector.shape_cast %get3A_626 : vector<1x16xf32> to vector<16xf32>
            %get3A_628 = arith.index_cast %add3A_619 : i32 to index
            %get3A_629 = arith.constant 96 : index
            %get3A_630 = tpu.vector_load %arg11[%get3A_628, %get3A_629] {strides = array<i32>} : memref<64x128xf32, #tpu.memory_space<vmem>>, vector<1x16xf32>,
            %get3A_631 = vector.shape_cast %get3A_630 : vector<1x16xf32> to vector<16xf32>
            %get3A_632 = arith.index_cast %add3A_619 : i32 to index
            %get3A_633 = arith.constant 112 : index
            %get3A_634 = tpu.vector_load %arg11[%get3A_632, %get3A_633] {strides = array<i32>} : memref<64x128xf32, #tpu.memory_space<vmem>>, vector<1x16xf32>,
            %get3A_635 = vector.shape_cast %get3A_634 : vector<1x16xf32> to vector<16xf32>
            %slice3A_636 = vector.extract_strided_slice %get3A_456 {offsets = [8], sizes = [1], strides = [1]} : vector<16xf32> to vector<1xf32>
            %squeeze3A_637 = vector.extract %slice3A_636[0] : f32 from vector<1xf32>
            %mul3A_638 = vector.broadcast %squeeze3A_637 : f32 to vector<16xf32>
            %mul3A_639 = arith.mulf %mul3A_638, %get3A_623 : vector<16xf32>
            %add3A_640 = arith.addf %add3A_561, %mul3A_639 : vector<16xf32>
            %mul3A_641 = vector.broadcast %squeeze3A_637 : f32 to vector<16xf32>
            %mul3A_642 = arith.mulf %mul3A_641, %get3A_627 : vector<16xf32>
            %add3A_643 = arith.addf %add3A_564, %mul3A_642 : vector<16xf32>
            %mul3A_644 = vector.broadcast %squeeze3A_637 : f32 to vector<16xf32>
            %mul3A_645 = arith.mulf %mul3A_644, %get3A_631 : vector<16xf32>
            %add3A_646 = arith.addf %add3A_567, %mul3A_645 : vector<16xf32>
            %mul3A_647 = vector.broadcast %squeeze3A_637 : f32 to vector<16xf32>
            %mul3A_648 = arith.mulf %mul3A_647, %get3A_635 : vector<16xf32>
            %add3A_649 = arith.addf %add3A_570, %mul3A_648 : vector<16xf32>
            %slice3A_650 = vector.extract_strided_slice %get3A_456 {offsets = [9], sizes = [1], strides = [1]} : vector<16xf32> to vector<1xf32>
            %squeeze3A_651 = vector.extract %slice3A_650[0] : f32 from vector<1xf32>
            %mul3A_652 = vector.broadcast %squeeze3A_651 : f32 to vector<16xf32>
            %mul3A_653 = arith.mulf %mul3A_652, %get3A_623 : vector<16xf32>
            %add3A_654 = arith.addf %add3A_575, %mul3A_653 : vector<16xf32>
            %mul3A_655 = vector.broadcast %squeeze3A_651 : f32 to vector<16xf32>
            %mul3A_656 = arith.mulf %mul3A_655, %get3A_627 : vector<16xf32>
            %add3A_657 = arith.addf %add3A_578, %mul3A_656 : vector<16xf32>
            %mul3A_658 = vector.broadcast %squeeze3A_651 : f32 to vector<16xf32>
            %mul3A_659 = arith.mulf %mul3A_658, %get3A_631 : vector<16xf32>
            %add3A_660 = arith.addf %add3A_581, %mul3A_659 : vector<16xf32>
            %mul3A_661 = vector.broadcast %squeeze3A_651 : f32 to vector<16xf32>
            %mul3A_662 = arith.mulf %mul3A_661, %get3A_635 : vector<16xf32>
            %add3A_663 = arith.addf %add3A_584, %mul3A_662 : vector<16xf32>
            %slice3A_664 = vector.extract_strided_slice %get3A_456 {offsets = [10], sizes = [1], strides = [1]} : vector<16xf32> to vector<1xf32>
            %squeeze3A_665 = vector.extract %slice3A_664[0] : f32 from vector<1xf32>
            %mul3A_666 = vector.broadcast %squeeze3A_665 : f32 to vector<16xf32>
            %mul3A_667 = arith.mulf %mul3A_666, %get3A_623 : vector<16xf32>
            %add3A_668 = arith.addf %add3A_589, %mul3A_667 : vector<16xf32>
            %mul3A_669 = vector.broadcast %squeeze3A_665 : f32 to vector<16xf32>
            %mul3A_670 = arith.mulf %mul3A_669, %get3A_627 : vector<16xf32>
            %add3A_671 = arith.addf %add3A_592, %mul3A_670 : vector<16xf32>
            %mul3A_672 = vector.broadcast %squeeze3A_665 : f32 to vector<16xf32>
            %mul3A_673 = arith.mulf %mul3A_672, %get3A_631 : vector<16xf32>
            %add3A_674 = arith.addf %add3A_595, %mul3A_673 : vector<16xf32>
            %mul3A_675 = vector.broadcast %squeeze3A_665 : f32 to vector<16xf32>
            %mul3A_676 = arith.mulf %mul3A_675, %get3A_635 : vector<16xf32>
            %add3A_677 = arith.addf %add3A_598, %mul3A_676 : vector<16xf32>
            %slice3A_678 = vector.extract_strided_slice %get3A_456 {offsets = [11], sizes = [1], strides = [1]} : vector<16xf32> to vector<1xf32>
            %squeeze3A_679 = vector.extract %slice3A_678[0] : f32 from vector<1xf32>
            %mul3A_680 = vector.broadcast %squeeze3A_679 : f32 to vector<16xf32>
            %mul3A_681 = arith.mulf %mul3A_680, %get3A_623 : vector<16xf32>
            %add3A_682 = arith.addf %add3A_603, %mul3A_681 : vector<16xf32>
            %mul3A_683 = vector.broadcast %squeeze3A_679 : f32 to vector<16xf32>
            %mul3A_684 = arith.mulf %mul3A_683, %get3A_627 : vector<16xf32>
            %add3A_685 = arith.addf %add3A_606, %mul3A_684 : vector<16xf32>
            %mul3A_686 = vector.broadcast %squeeze3A_679 : f32 to vector<16xf32>
            %mul3A_687 = arith.mulf %mul3A_686, %get3A_631 : vector<16xf32>
            %add3A_688 = arith.addf %add3A_609, %mul3A_687 : vector<16xf32>
            %mul3A_689 = vector.broadcast %squeeze3A_679 : f32 to vector<16xf32>
            %mul3A_690 = arith.mulf %mul3A_689, %get3A_635 : vector<16xf32>
            %add3A_691 = arith.addf %add3A_612, %mul3A_690 : vector<16xf32>
            %mul3A_692 = arith.constant 32 : i32
            %mul3A_693 = arith.muli %scan3A_194, %mul3A_692 : i32
            %mul3A_694 = arith.constant 4 : i32
            %mul3A_695 = arith.muli %scan3A_434, %mul3A_694 : i32
            %add3A_696 = arith.addi %mul3A_693, %mul3A_695 : i32
            %add3A_697 = arith.constant 3 : i32
            %add3A_698 = arith.addi %add3A_696, %add3A_697 : i32
            %get3A_699 = arith.index_cast %add3A_698 : i32 to index
            %get3A_700 = arith.constant 64 : index
            %get3A_701 = tpu.vector_load %arg11[%get3A_699, %get3A_700] {strides = array<i32>} : memref<64x128xf32, #tpu.memory_space<vmem>>, vector<1x16xf32>,
            %get3A_702 = vector.shape_cast %get3A_701 : vector<1x16xf32> to vector<16xf32>
            %get3A_703 = arith.index_cast %add3A_698 : i32 to index
            %get3A_704 = arith.constant 80 : index
            %get3A_705 = tpu.vector_load %arg11[%get3A_703, %get3A_704] {strides = array<i32>} : memref<64x128xf32, #tpu.memory_space<vmem>>, vector<1x16xf32>,
            %get3A_706 = vector.shape_cast %get3A_705 : vector<1x16xf32> to vector<16xf32>
            %get3A_707 = arith.index_cast %add3A_698 : i32 to index
            %get3A_708 = arith.constant 96 : index
            %get3A_709 = tpu.vector_load %arg11[%get3A_707, %get3A_708] {strides = array<i32>} : memref<64x128xf32, #tpu.memory_space<vmem>>, vector<1x16xf32>,
            %get3A_710 = vector.shape_cast %get3A_709 : vector<1x16xf32> to vector<16xf32>
            %get3A_711 = arith.index_cast %add3A_698 : i32 to index
            %get3A_712 = arith.constant 112 : index
            %get3A_713 = tpu.vector_load %arg11[%get3A_711, %get3A_712] {strides = array<i32>} : memref<64x128xf32, #tpu.memory_space<vmem>>, vector<1x16xf32>,
            %get3A_714 = vector.shape_cast %get3A_713 : vector<1x16xf32> to vector<16xf32>
            %slice3A_715 = vector.extract_strided_slice %get3A_456 {offsets = [12], sizes = [1], strides = [1]} : vector<16xf32> to vector<1xf32>
            %squeeze3A_716 = vector.extract %slice3A_715[0] : f32 from vector<1xf32>
            %mul3A_717 = vector.broadcast %squeeze3A_716 : f32 to vector<16xf32>
            %mul3A_718 = arith.mulf %mul3A_717, %get3A_702 : vector<16xf32>
            %add3A_719 = arith.addf %add3A_640, %mul3A_718 : vector<16xf32>
            %mul3A_720 = vector.broadcast %squeeze3A_716 : f32 to vector<16xf32>
            %mul3A_721 = arith.mulf %mul3A_720, %get3A_706 : vector<16xf32>
            %add3A_722 = arith.addf %add3A_643, %mul3A_721 : vector<16xf32>
            %mul3A_723 = vector.broadcast %squeeze3A_716 : f32 to vector<16xf32>
            %mul3A_724 = arith.mulf %mul3A_723, %get3A_710 : vector<16xf32>
            %add3A_725 = arith.addf %add3A_646, %mul3A_724 : vector<16xf32>
            %mul3A_726 = vector.broadcast %squeeze3A_716 : f32 to vector<16xf32>
            %mul3A_727 = arith.mulf %mul3A_726, %get3A_714 : vector<16xf32>
            %add3A_728 = arith.addf %add3A_649, %mul3A_727 : vector<16xf32>
            %slice3A_729 = vector.extract_strided_slice %get3A_456 {offsets = [13], sizes = [1], strides = [1]} : vector<16xf32> to vector<1xf32>
            %squeeze3A_730 = vector.extract %slice3A_729[0] : f32 from vector<1xf32>
            %mul3A_731 = vector.broadcast %squeeze3A_730 : f32 to vector<16xf32>
            %mul3A_732 = arith.mulf %mul3A_731, %get3A_702 : vector<16xf32>
            %add3A_733 = arith.addf %add3A_654, %mul3A_732 : vector<16xf32>
            %mul3A_734 = vector.broadcast %squeeze3A_730 : f32 to vector<16xf32>
            %mul3A_735 = arith.mulf %mul3A_734, %get3A_706 : vector<16xf32>
            %add3A_736 = arith.addf %add3A_657, %mul3A_735 : vector<16xf32>
            %mul3A_737 = vector.broadcast %squeeze3A_730 : f32 to vector<16xf32>
            %mul3A_738 = arith.mulf %mul3A_737, %get3A_710 : vector<16xf32>
            %add3A_739 = arith.addf %add3A_660, %mul3A_738 : vector<16xf32>
            %mul3A_740 = vector.broadcast %squeeze3A_730 : f32 to vector<16xf32>
            %mul3A_741 = arith.mulf %mul3A_740, %get3A_714 : vector<16xf32>
            %add3A_742 = arith.addf %add3A_663, %mul3A_741 : vector<16xf32>
            %slice3A_743 = vector.extract_strided_slice %get3A_456 {offsets = [14], sizes = [1], strides = [1]} : vector<16xf32> to vector<1xf32>
            %squeeze3A_744 = vector.extract %slice3A_743[0] : f32 from vector<1xf32>
            %mul3A_745 = vector.broadcast %squeeze3A_744 : f32 to vector<16xf32>
            %mul3A_746 = arith.mulf %mul3A_745, %get3A_702 : vector<16xf32>
            %add3A_747 = arith.addf %add3A_668, %mul3A_746 : vector<16xf32>
            %mul3A_748 = vector.broadcast %squeeze3A_744 : f32 to vector<16xf32>
            %mul3A_749 = arith.mulf %mul3A_748, %get3A_706 : vector<16xf32>
            %add3A_750 = arith.addf %add3A_671, %mul3A_749 : vector<16xf32>
            %mul3A_751 = vector.broadcast %squeeze3A_744 : f32 to vector<16xf32>
            %mul3A_752 = arith.mulf %mul3A_751, %get3A_710 : vector<16xf32>
            %add3A_753 = arith.addf %add3A_674, %mul3A_752 : vector<16xf32>
            %mul3A_754 = vector.broadcast %squeeze3A_744 : f32 to vector<16xf32>
            %mul3A_755 = arith.mulf %mul3A_754, %get3A_714 : vector<16xf32>
            %add3A_756 = arith.addf %add3A_677, %mul3A_755 : vector<16xf32>
            %slice3A_757 = vector.extract_strided_slice %get3A_456 {offsets = [15], sizes = [1], strides = [1]} : vector<16xf32> to vector<1xf32>
            %squeeze3A_758 = vector.extract %slice3A_757[0] : f32 from vector<1xf32>
            %mul3A_759 = vector.broadcast %squeeze3A_758 : f32 to vector<16xf32>
            %mul3A_760 = arith.mulf %mul3A_759, %get3A_702 : vector<16xf32>
            %add3A_761 = arith.addf %add3A_682, %mul3A_760 : vector<16xf32>
            %mul3A_762 = vector.broadcast %squeeze3A_758 : f32 to vector<16xf32>
            %mul3A_763 = arith.mulf %mul3A_762, %get3A_706 : vector<16xf32>
            %add3A_764 = arith.addf %add3A_685, %mul3A_763 : vector<16xf32>
            %mul3A_765 = vector.broadcast %squeeze3A_758 : f32 to vector<16xf32>
            %mul3A_766 = arith.mulf %mul3A_765, %get3A_710 : vector<16xf32>
            %add3A_767 = arith.addf %add3A_688, %mul3A_766 : vector<16xf32>
            %mul3A_768 = vector.broadcast %squeeze3A_758 : f32 to vector<16xf32>
            %mul3A_769 = arith.mulf %mul3A_768, %get3A_714 : vector<16xf32>
            %add3A_770 = arith.addf %add3A_691, %mul3A_769 : vector<16xf32>
            scf.yield %add3A_719, %add3A_722, %add3A_725, %add3A_728, %add3A_733, %add3A_736, %add3A_739, %add3A_742, %add3A_747, %add3A_750, %add3A_753, %add3A_756, %add3A_761, %add3A_764, %add3A_767, %add3A_770 : vector<16xf32>, vector<16xf32>, vector<16xf32>, vector<16xf32>, vector<16xf32>, vector<16xf32>, vector<16xf32>, vector<16xf32>, vector<16xf32>, vector<16xf32>, vector<16xf32>, vector<16xf32>, vector<16xf32>, vector<16xf32>, vector<16xf32>, vector<16xf32>
          }
          %scan3A_352 = arith.constant 8 : i32
          %swap3A_353 = arith.index_cast %scan3A_194 : i32 to index
          %swap3A_354 = arith.constant 64 : index
          %swap3A_355 = tpu.vector_load %arg13[%swap3A_353, %swap3A_354] {strides = array<i32>} : memref<2x512xf32, #tpu.memory_space<vmem>>, vector<1x16xf32>,
          %swap3A_356 = vector.shape_cast %swap3A_355 : vector<1x16xf32> to vector<16xf32>
          %swap3A_357 = vector.shape_cast %scan3A_351#0 : vector<16xf32> to vector<1x16xf32>
          tpu.vector_store %arg13[%swap3A_353, %swap3A_354], %swap3A_357 {strides = array<i32>} : memref<2x512xf32, #tpu.memory_space<vmem>>, vector<1x16xf32>,
          %swap3A_358 = arith.index_cast %scan3A_194 : i32 to index
          %swap3A_359 = arith.constant 80 : index
          %swap3A_360 = tpu.vector_load %arg13[%swap3A_358, %swap3A_359] {strides = array<i32>} : memref<2x512xf32, #tpu.memory_space<vmem>>, vector<1x16xf32>,
          %swap3A_361 = vector.shape_cast %swap3A_360 : vector<1x16xf32> to vector<16xf32>
          %swap3A_362 = vector.shape_cast %scan3A_351#1 : vector<16xf32> to vector<1x16xf32>
          tpu.vector_store %arg13[%swap3A_358, %swap3A_359], %swap3A_362 {strides = array<i32>} : memref<2x512xf32, #tpu.memory_space<vmem>>, vector<1x16xf32>,
          %swap3A_363 = arith.index_cast %scan3A_194 : i32 to index
          %swap3A_364 = arith.constant 96 : index
          %swap3A_365 = tpu.vector_load %arg13[%swap3A_363, %swap3A_364] {strides = array<i32>} : memref<2x512xf32, #tpu.memory_space<vmem>>, vector<1x16xf32>,
          %swap3A_366 = vector.shape_cast %swap3A_365 : vector<1x16xf32> to vector<16xf32>
          %swap3A_367 = vector.shape_cast %scan3A_351#2 : vector<16xf32> to vector<1x16xf32>
          tpu.vector_store %arg13[%swap3A_363, %swap3A_364], %swap3A_367 {strides = array<i32>} : memref<2x512xf32, #tpu.memory_space<vmem>>, vector<1x16xf32>,
          %swap3A_368 = arith.index_cast %scan3A_194 : i32 to index
          %swap3A_369 = arith.constant 112 : index
          %swap3A_370 = tpu.vector_load %arg13[%swap3A_368, %swap3A_369] {strides = array<i32>} : memref<2x512xf32, #tpu.memory_space<vmem>>, vector<1x16xf32>,
          %swap3A_371 = vector.shape_cast %swap3A_370 : vector<1x16xf32> to vector<16xf32>
          %swap3A_372 = vector.shape_cast %scan3A_351#3 : vector<16xf32> to vector<1x16xf32>
          tpu.vector_store %arg13[%swap3A_368, %swap3A_369], %swap3A_372 {strides = array<i32>} : memref<2x512xf32, #tpu.memory_space<vmem>>, vector<1x16xf32>,
          %swap3A_373 = arith.index_cast %scan3A_194 : i32 to index
          %swap3A_374 = arith.constant 192 : index
          %swap3A_375 = tpu.vector_load %arg13[%swap3A_373, %swap3A_374] {strides = array<i32>} : memref<2x512xf32, #tpu.memory_space<vmem>>, vector<1x16xf32>,
          %swap3A_376 = vector.shape_cast %swap3A_375 : vector<1x16xf32> to vector<16xf32>
          %swap3A_377 = vector.shape_cast %scan3A_351#4 : vector<16xf32> to vector<1x16xf32>
          tpu.vector_store %arg13[%swap3A_373, %swap3A_374], %swap3A_377 {strides = array<i32>} : memref<2x512xf32, #tpu.memory_space<vmem>>, vector<1x16xf32>,
          %swap3A_378 = arith.index_cast %scan3A_194 : i32 to index
          %swap3A_379 = arith.constant 208 : index
          %swap3A_380 = tpu.vector_load %arg13[%swap3A_378, %swap3A_379] {strides = array<i32>} : memref<2x512xf32, #tpu.memory_space<vmem>>, vector<1x16xf32>,
          %swap3A_381 = vector.shape_cast %swap3A_380 : vector<1x16xf32> to vector<16xf32>
          %swap3A_382 = vector.shape_cast %scan3A_351#5 : vector<16xf32> to vector<1x16xf32>
          tpu.vector_store %arg13[%swap3A_378, %swap3A_379], %swap3A_382 {strides = array<i32>} : memref<2x512xf32, #tpu.memory_space<vmem>>, vector<1x16xf32>,
          %swap3A_383 = arith.index_cast %scan3A_194 : i32 to index
          %swap3A_384 = arith.constant 224 : index
          %swap3A_385 = tpu.vector_load %arg13[%swap3A_383, %swap3A_384] {strides = array<i32>} : memref<2x512xf32, #tpu.memory_space<vmem>>, vector<1x16xf32>,
          %swap3A_386 = vector.shape_cast %swap3A_385 : vector<1x16xf32> to vector<16xf32>
          %swap3A_387 = vector.shape_cast %scan3A_351#6 : vector<16xf32> to vector<1x16xf32>
          tpu.vector_store %arg13[%swap3A_383, %swap3A_384], %swap3A_387 {strides = array<i32>} : memref<2x512xf32, #tpu.memory_space<vmem>>, vector<1x16xf32>,
          %swap3A_388 = arith.index_cast %scan3A_194 : i32 to index
          %swap3A_389 = arith.constant 240 : index
          %swap3A_390 = tpu.vector_load %arg13[%swap3A_388, %swap3A_389] {strides = array<i32>} : memref<2x512xf32, #tpu.memory_space<vmem>>, vector<1x16xf32>,
          %swap3A_391 = vector.shape_cast %swap3A_390 : vector<1x16xf32> to vector<16xf32>
          %swap3A_392 = vector.shape_cast %scan3A_351#7 : vector<16xf32> to vector<1x16xf32>
          tpu.vector_store %arg13[%swap3A_388, %swap3A_389], %swap3A_392 {strides = array<i32>} : memref<2x512xf32, #tpu.memory_space<vmem>>, vector<1x16xf32>,
          %swap3A_393 = arith.index_cast %scan3A_194 : i32 to index
          %swap3A_394 = arith.constant 320 : index
          %swap3A_395 = tpu.vector_load %arg13[%swap3A_393, %swap3A_394] {strides = array<i32>} : memref<2x512xf32, #tpu.memory_space<vmem>>, vector<1x16xf32>,
          %swap3A_396 = vector.shape_cast %swap3A_395 : vector<1x16xf32> to vector<16xf32>
          %swap3A_397 = vector.shape_cast %scan3A_351#8 : vector<16xf32> to vector<1x16xf32>
          tpu.vector_store %arg13[%swap3A_393, %swap3A_394], %swap3A_397 {strides = array<i32>} : memref<2x512xf32, #tpu.memory_space<vmem>>, vector<1x16xf32>,
          %swap3A_398 = arith.index_cast %scan3A_194 : i32 to index
          %swap3A_399 = arith.constant 336 : index
          %swap3A_400 = tpu.vector_load %arg13[%swap3A_398, %swap3A_399] {strides = array<i32>} : memref<2x512xf32, #tpu.memory_space<vmem>>, vector<1x16xf32>,
          %swap3A_401 = vector.shape_cast %swap3A_400 : vector<1x16xf32> to vector<16xf32>
          %swap3A_402 = vector.shape_cast %scan3A_351#9 : vector<16xf32> to vector<1x16xf32>
          tpu.vector_store %arg13[%swap3A_398, %swap3A_399], %swap3A_402 {strides = array<i32>} : memref<2x512xf32, #tpu.memory_space<vmem>>, vector<1x16xf32>,
          %swap3A_403 = arith.index_cast %scan3A_194 : i32 to index
          %swap3A_404 = arith.constant 352 : index
          %swap3A_405 = tpu.vector_load %arg13[%swap3A_403, %swap3A_404] {strides = array<i32>} : memref<2x512xf32, #tpu.memory_space<vmem>>, vector<1x16xf32>,
          %swap3A_406 = vector.shape_cast %swap3A_405 : vector<1x16xf32> to vector<16xf32>
          %swap3A_407 = vector.shape_cast %scan3A_351#10 : vector<16xf32> to vector<1x16xf32>
          tpu.vector_store %arg13[%swap3A_403, %swap3A_404], %swap3A_407 {strides = array<i32>} : memref<2x512xf32, #tpu.memory_space<vmem>>, vector<1x16xf32>,
          %swap3A_408 = arith.index_cast %scan3A_194 : i32 to index
          %swap3A_409 = arith.constant 368 : index
          %swap3A_410 = tpu.vector_load %arg13[%swap3A_408, %swap3A_409] {strides = array<i32>} : memref<2x512xf32, #tpu.memory_space<vmem>>, vector<1x16xf32>,
          %swap3A_411 = vector.shape_cast %swap3A_410 : vector<1x16xf32> to vector<16xf32>
          %swap3A_412 = vector.shape_cast %scan3A_351#11 : vector<16xf32> to vector<1x16xf32>
          tpu.vector_store %arg13[%swap3A_408, %swap3A_409], %swap3A_412 {strides = array<i32>} : memref<2x512xf32, #tpu.memory_space<vmem>>, vector<1x16xf32>,
          %swap3A_413 = arith.index_cast %scan3A_194 : i32 to index
          %swap3A_414 = arith.constant 448 : index
          %swap3A_415 = tpu.vector_load %arg13[%swap3A_413, %swap3A_414] {strides = array<i32>} : memref<2x512xf32, #tpu.memory_space<vmem>>, vector<1x16xf32>,
          %swap3A_416 = vector.shape_cast %swap3A_415 : vector<1x16xf32> to vector<16xf32>
          %swap3A_417 = vector.shape_cast %scan3A_351#12 : vector<16xf32> to vector<1x16xf32>
          tpu.vector_store %arg13[%swap3A_413, %swap3A_414], %swap3A_417 {strides = array<i32>} : memref<2x512xf32, #tpu.memory_space<vmem>>, vector<1x16xf32>,
          %swap3A_418 = arith.index_cast %scan3A_194 : i32 to index
          %swap3A_419 = arith.constant 464 : index
          %swap3A_420 = tpu.vector_load %arg13[%swap3A_418, %swap3A_419] {strides = array<i32>} : memref<2x512xf32, #tpu.memory_space<vmem>>, vector<1x16xf32>,
          %swap3A_421 = vector.shape_cast %swap3A_420 : vector<1x16xf32> to vector<16xf32>
          %swap3A_422 = vector.shape_cast %scan3A_351#13 : vector<16xf32> to vector<1x16xf32>
          tpu.vector_store %arg13[%swap3A_418, %swap3A_419], %swap3A_422 {strides = array<i32>} : memref<2x512xf32, #tpu.memory_space<vmem>>, vector<1x16xf32>,
          %swap3A_423 = arith.index_cast %scan3A_194 : i32 to index
          %swap3A_424 = arith.constant 480 : index
          %swap3A_425 = tpu.vector_load %arg13[%swap3A_423, %swap3A_424] {strides = array<i32>} : memref<2x512xf32, #tpu.memory_space<vmem>>, vector<1x16xf32>,
          %swap3A_426 = vector.shape_cast %swap3A_425 : vector<1x16xf32> to vector<16xf32>
          %swap3A_427 = vector.shape_cast %scan3A_351#14 : vector<16xf32> to vector<1x16xf32>
          tpu.vector_store %arg13[%swap3A_423, %swap3A_424], %swap3A_427 {strides = array<i32>} : memref<2x512xf32, #tpu.memory_space<vmem>>, vector<1x16xf32>,
          %swap3A_428 = arith.index_cast %scan3A_194 : i32 to index
          %swap3A_429 = arith.constant 496 : index
          %swap3A_430 = tpu.vector_load %arg13[%swap3A_428, %swap3A_429] {strides = array<i32>} : memref<2x512xf32, #tpu.memory_space<vmem>>, vector<1x16xf32>,
          %swap3A_431 = vector.shape_cast %swap3A_430 : vector<1x16xf32> to vector<16xf32>
          %swap3A_432 = vector.shape_cast %scan3A_351#15 : vector<16xf32> to vector<1x16xf32>
          tpu.vector_store %arg13[%swap3A_428, %swap3A_429], %swap3A_432 {strides = array<i32>} : memref<2x512xf32, #tpu.memory_space<vmem>>, vector<1x16xf32>,
          %scan3A_433 = arith.constant 0 : i32
          scf.yield %scan3A_433 : i32
        }
        %scan3A_178 = arith.constant 2 : i32
        %add3A_179 = arith.constant 2 : i32
        %add3A_180 = arith.addi %add3A_157, %add3A_179 : i32
        %lt3A_181 = arith.constant 160 : i32
        %lt3A_182 = arith.cmpi slt, %add3A_180, %lt3A_181 : i32
        %convert_element_type3A_183 = arith.extui %lt3A_182 : i1 to i32
        %cond3A_184 = arith.constant 0 : i32
        %cond3A_185 = arith.cmpi ne, %convert_element_type3A_183, %cond3A_184 : i32
        scf.if %cond3A_185 {
          %add3A_194 = arith.constant 2 : i32
          %add3A_195 = arith.addi %add3A_157, %add3A_194 : i32
          %mul3A_196 = arith.constant 2 : i32
          %mul3A_197 = arith.muli %add3A_195, %mul3A_196 : i32
          %mul3A_198 = arith.constant 32 : i32
          %mul3A_199 = arith.muli %mul3A_197, %mul3A_198 : i32
          %multiple_of3A_200 = tpu.assume_multiple %mul3A_199, 64 : i32
          %dma_start3A_201 = tpu.memref_slice %arg7[%multiple_of3A_200] : memref<10240xi32, #tpu.memory_space<vmem>> -> memref<64xi32, #tpu.memory_space<vmem>>
          %dma_start3A_202 = arith.constant 0 : i32
          %dma_start3A_203 = arith.constant 0 : i32
          %dma_start3A_204 = tpu.memref_slice %arg6[%dma_start3A_202, %dma_start3A_203] : memref<10240x128xf32, #tpu.memory_space<vmem_shared>> -> memref<10240x128xf32, #tpu.memory_space<vmem_shared>>
          tpu.enqueue_indirect_dma source(%dma_start3A_204 : memref<10240x128xf32, #tpu.memory_space<vmem_shared>>) target(%arg11 : memref<64x128xf32, #tpu.memory_space<vmem>>) offsets(%dma_start3A_201 : memref<64xi32, #tpu.memory_space<vmem>>) semaphore(%arg15 : memref<!tpu.dma_semaphore, #tpu.memory_space<semaphore_mem>>)
        } else {
        }
        %mul3A_186 = arith.constant 2 : i32
        %mul3A_187 = arith.muli %add3A_157, %mul3A_186 : i32
        %add3A_188 = arith.addi %multiple_of3A, %mul3A_187 : i32
        %dma_start3A_189 = arith.constant 0 : i32
        %dma_start3A_190 = tpu.memref_slice %arg5[%add3A_188, %dma_start3A_189] : memref<10240x512xf32, #tpu.memory_space<hbm>> -> memref<2x512xf32, #tpu.memory_space<hbm>>
        %dma_start3A_191 = arith.constant 0 : i32
        %dma_start3A_192 = tpu.memref_slice %arg5[%add3A_188, %dma_start3A_191] : memref<10240x512xf32, #tpu.memory_space<hbm>> -> memref<2x512xf32, #tpu.memory_space<hbm>>
        tpu.enqueue_dma source(%arg13 : memref<2x512xf32, #tpu.memory_space<vmem>>) target(%dma_start3A_192 : memref<2x512xf32, #tpu.memory_space<hbm>>) target_semaphore(%arg17 : memref<!tpu.dma_semaphore, #tpu.memory_space<semaphore_mem>>)
        %scan3A_193 = arith.constant 0 : i32
        scf.yield %scan3A_193 : i32
      }
      %scan3A_106 = arith.constant 8 : i32
      %scan3A_107 = arith.constant 0 : i32
      scf.yield %scan3A_107 : i32
    }
    %scan3A_39 = arith.constant 5 : i32
    %add3A_40 = arith.constant 316 : i32
    %add3A_41 = arith.addi %multiple_of3A, %add3A_40 : i32
    %dma_wait3A = arith.constant 0 : i32
    %dma_wait3A_42 = tpu.memref_slice %arg5[%add3A_41, %dma_wait3A] : memref<10240x512xf32, #tpu.memory_space<hbm>> -> memref<2x512xf32, #tpu.memory_space<hbm>>
    %dma_wait3A_43 = arith.constant 0 : i32
    %dma_wait3A_44 = tpu.memref_slice %arg5[%add3A_41, %dma_wait3A_43] : memref<10240x512xf32, #tpu.memory_space<hbm>> -> memref<2x512xf32, #tpu.memory_space<hbm>>
    tpu.wait_dma2 semaphore(%arg16 : memref<!tpu.dma_semaphore, #tpu.memory_space<semaphore_mem>>) src(%arg12 : memref<2x512xf32, #tpu.memory_space<vmem>>) dst(%dma_wait3A_44 : memref<2x512xf32, #tpu.memory_space<hbm>>)
    %add3A_45 = arith.constant 318 : i32
    %add3A_46 = arith.addi %multiple_of3A, %add3A_45 : i32
    %dma_wait3A_47 = arith.constant 0 : i32
    %dma_wait3A_48 = tpu.memref_slice %arg5[%add3A_46, %dma_wait3A_47] : memref<10240x512xf32, #tpu.memory_space<hbm>> -> memref<2x512xf32, #tpu.memory_space<hbm>>
    %dma_wait3A_49 = arith.constant 0 : i32
    %dma_wait3A_50 = tpu.memref_slice %arg5[%add3A_46, %dma_wait3A_49] : memref<10240x512xf32, #tpu.memory_space<hbm>> -> memref<2x512xf32, #tpu.memory_space<hbm>>
    tpu.wait_dma2 semaphore(%arg17 : memref<!tpu.dma_semaphore, #tpu.memory_space<semaphore_mem>>) src(%arg13 : memref<2x512xf32, #tpu.memory_space<vmem>>) dst(%dma_wait3A_50 : memref<2x512xf32, #tpu.memory_space<hbm>>)
    return
  }
}

module attributes {stable_mosaic.version = 14 : i64} {
  func.func @_mm_body(%arg0: i32, %arg1: memref<512x512xf32, #tpu.memory_space<vmem>>, %arg2: memref<512x128xf32, #tpu.memory_space<vmem>>, %arg3: memref<512x128xf32, #tpu.memory_space<vmem>>) attributes {dimension_semantics = [#tpu.dimension_semantics<arbitrary>], iteration_bounds = array<i64: 20>, scalar_prefetch = 0 : i64, scratch_operands = 0 : i64, tpu.core_type = #tpu.core_type<tc>, window_params = [{transform_indices = @transform_0, window_bounds = array<i64: 512, 512>}, {pipeline_mode = #tpu.pipeline_mode<synchronous>, transform_indices = @transform_1, window_bounds = array<i64: 512, 128>}, {transform_indices = @transform_2, window_bounds = array<i64: 512, 128>}]} {
    %get3A = arith.constant 0 : index
    %get3A_0 = arith.constant 0 : index
    %get3A_1 = vector.load %arg1[%get3A, %get3A_0] : memref<512x512xf32, #tpu.memory_space<vmem>>, vector<512x512xf32>
    %get3A_2 = arith.constant 0 : index
    %get3A_3 = arith.constant 0 : index
    %get3A_4 = vector.load %arg2[%get3A_2, %get3A_3] : memref<512x128xf32, #tpu.memory_space<vmem>>, vector<512x128xf32>
    %dot_general3A = arith.constant dense<0.000000e+00> : vector<512x128xf32>
    %dot_general3A_5 = tpu.matmul %get3A_1, %get3A_4, %dot_general3A {dimension_numbers = #tpu.dot_dimension_numbers<[1], [0], [0], [1], [0, 0, 1, 1], [], []>, transpose_lhs_hint = false} : vector<512x512xf32>, vector<512x128xf32>, vector<512x128xf32> -> vector<512x128xf32>
    %mul3A = arith.constant 3.125000e-02 : f32
    %mul3A_6 = vector.broadcast %mul3A : f32 to vector<512x128xf32>
    %mul3A_7 = arith.mulf %dot_general3A_5, %mul3A_6 : vector<512x128xf32>
    %swap3A = arith.constant 0 : index
    %swap3A_8 = arith.constant 0 : index
    %swap3A_9 = vector.load %arg3[%swap3A, %swap3A_8] : memref<512x128xf32, #tpu.memory_space<vmem>>, vector<512x128xf32>
    tpu.vector_store %arg3[%swap3A, %swap3A_8], %mul3A_7 {strides = array<i32>} : memref<512x128xf32, #tpu.memory_space<vmem>>, vector<512x128xf32>,
    return
  }
  func.func @transform_0(%arg0: i32) -> (i32, i32) {
    %c0_i32 = arith.constant 0 : i32
    %c0_i32_0 = arith.constant 0 : i32
    return %arg0, %c0_i32 : i32, i32
  }
  func.func @transform_1(%arg0: i32) -> (i32, i32) {
    %c0_i32 = arith.constant 0 : i32
    %c0_i32_0 = arith.constant 0 : i32
    %c0_i32_1 = arith.constant 0 : i32
    return %c0_i32, %c0_i32_0 : i32, i32
  }
  func.func @transform_2(%arg0: i32) -> (i32, i32) {
    %c0_i32 = arith.constant 0 : i32
    %c0_i32_0 = arith.constant 0 : i32
    return %arg0, %c0_i32 : i32, i32
  }
}

</mosaic_0001>

<sc_bundles>
// kernel: kernel.4.cloned.1.call-start
scs
__scs_entry_jumppad:
0x0: {  	(pc) =	sbr.rel $0x88, $3  }
0x1: {  	(tag) =	ssettag $0x0;
	lr =	simm.s32 $0x1  }
0x2: {  	[smem:$0x3F9D] =	sst lr;
	_ =	strace $0xD0000000  }
0x3: {  	_ = 	snop  }
0x4: {  	_ = 	snop  }
0x5: {  	_ = 	snop  }
0x6: {  	_ = 	snop  }
0x7: {  	_ = 	snop  }
__scs_overlays_trampoline_lowered:
0x8: {  	[smem:$0x3FAC] =	sst s0  }
0x9: {  	[smem:$0x3FAD] =	sst s1  }
0xa: {  	[smem:$0x3FAE] =	sst s2  }
0xb: {  	[smem:$0x3FAF] =	sst s3  }
0xc: {  	[smem:$0x3FB0] =	sst s4  }
0xd: {  	[smem:$0x3FB1] =	sst s5  }
0xe: {  	[smem:$0x3FB2] =	sst s6  }
0xf: {  	[smem:$0x3FB3] =	sst s7  }
0x10: {  	[smem:$0x3FB4] =	sst s8  }
0x11: {  	[smem:$0x3FB5] =	sst s9;
	s0 =	simm.s32 @!p0 $0x0  }
0x12: {  	s1 =	sld [smem:$0x3F9B];
	s0 =	simm.s32 @p0 $0x1  }
0x13: {  	[smem:$0x3FB6] =	sst s0;
	s0 =	simm.s32 @!p1 $0x0  }
0x14: {  	s2 =	sld [smem:$0x3F9A];
	s0 =	simm.s32 @p1 $0x1  }
0x15: {  	[smem:$0x3FB7] =	sst s0;
	s0 =	simm.s32 @!p2 $0x0  }
0x16: {  	s3 =	sld [smem:$0x3FDB];
	s0 =	simm.s32 @p2 $0x1  }
0x17: {  	s4 =	simm.s32 $0x1BF5;
	[smem:$0x3FB9] =	sst s0  }
0x18: {  	s0 =	sld [smem:$0x3F9C];
	_ =	swait.ge [sflag:s4], $0x0  }
0x19: {  	s7 =	sld [smem:$0x3F9D]  }
0x1a: {  	s8 =	sadd.s32 $0xFFFFE003, lr  }
0x1b: {  	s9 =	sadd.s32 $0xFFFFFEF7, lr;
	s5 =	simm.s32 $0xFFFFFFFF;
	p2 =	slt.u32 s8, $0xFFFFF086  }
0x1c: {  	p1 =	slt.u32 s9, $0xF7A;
	s5 =	simm.s32 @!p2 $0x0  }
0x1d: {  	s5 =	simm.s32 @p1 $0x1;
	p0 =	seq.s32 s7, s2  }
0x1e: {  	s7 =	smul.u32 @!p0 $0xF7A, s2;
	p2 =	seq.s32 @!p0 s5, $0x0  }
0x1f: {  	s9 =	smul.u32 $0xF7A, s1;
	s8 =	simm.s32 @!p0 $0x1BF5;
	p2 =	por !p2, p0  }
0x20: {  	[sflag:s8] =	ssyncset.s32 @!p0 $0xFFFFF086;
	s6 =	sadd.s32 @!p0 s3, s7;
	s7 =	simm.s32 @!p0 $0x108  }
0x21: {  	s3 =	sadd.s32 s3, s9;
	s6 =	sadd.s32 @!p0 $0x88, s6;
	s7 =	simm.s32 @p2 $0x1082  }
0x22: {  	[simem:s7], [sflag:s8] =	dma.local @!p0 [hbm:s6], $0xF7A  }
0x23: {  	s9 =	sor.u32 $0xD0000000, s2;
	s6 =	simm.s32 $0x108;
	_ =	swait.ge @!p0 [sflag:s8], $0x0  }
0x24: {  	s3 =	sadd.s32 $0x88, s3;
	s6 =	simm.s32 @!p1 $0x1082;
	[sflag:s4] =	ssyncset.s32 $0xFFFFF086  }
0x25: {  	[simem:s6], [sflag:s4] =	dma.local [hbm:s3], $0xF7A  }
0x26: {  	[smem:$0x3F9D] =	sst s1;
	(tag) =	ssettag s2;
	_ =	strace s9  }
0x27: {  	s1 =	sld [smem:$0x3FAD]  }
0x28: {  	s2 =	sld [smem:$0x3FAE]  }
0x29: {  	s4 =	sld [smem:$0x3FB0]  }
0x2a: {  	p0 =	seq.s32 s5, $0x0;
	s5 =	sld [smem:$0x3FB1]  }
0x2b: {  	s6 =	sld [smem:$0x3FB2]  }
0x2c: {  	s7 =	sld [smem:$0x3FB3]  }
0x2d: {  	s3 =	simm.s32 $0x108;
	s8 =	sld [smem:$0x3FB4]  }
0x2e: {  	s3 =	simm.s32 @!p0 $0x1082;
	s9 =	sld [smem:$0x3FB5]  }
0x2f: {  	lr =	sadd.s32 s0, s3;
	s0 =	sld [smem:$0x3FAC]  }
0x30: {  	s3 =	sld [smem:$0x3FAF]  }
0x31: {  	[smem:$0x3FB8] =	sst s10  }
0x32: {  	s10 =	sld [smem:$0x3FB6];
	_ =	sdelay $0x3  }
0x33: {  	p0 =	seq.s32 s10, $0x1;
	s10 =	sld [smem:$0x3FB8];
	_ =	sdelay $0x3  }
0x34: {  	[smem:$0x3FB8] =	sst s10  }
0x35: {  	s10 =	sld [smem:$0x3FB7];
	_ =	sdelay $0x3  }
0x36: {  	p1 =	seq.s32 s10, $0x1;
	s10 =	sld [smem:$0x3FB8];
	_ =	sdelay $0x3  }
0x37: {  	[smem:$0x3FB8] =	sst s10  }
0x38: {  	s10 =	sld [smem:$0x3FB9]  }
0x39: {  	_ = 	snop;
	(pc) =	sbr.ind lr, $3  }
0x3a: {  	_ = 	snop  }
0x3b: {  	_ = 	snop  }
0x3c: {  	p2 =	seq.s32 s10, $0x1;
	s10 =	sld [smem:$0x3FB8]  }
0x3d: {  	_ =	shalt  }
0x3e: {  	_ =	shalt  }
0x3f: {  	_ =	shalt  }
0x40: {  	_ =	shalt  }
0x41: {  	_ =	shalt  }
0x42: {  	_ =	shalt  }
0x43: {  	_ =	shalt  }
0x44: {  	_ =	shalt  }
0x45: {  	_ =	shalt  }
0x46: {  	_ =	shalt  }
0x47: {  	_ =	shalt  }
0x48: {  	_ =	shalt  }
0x49: {  	_ =	shalt  }
0x4a: {  	_ =	shalt  }
0x4b: {  	_ =	shalt  }
0x4c: {  	_ =	shalt  }
0x4d: {  	_ =	shalt  }
0x4e: {  	_ =	shalt  }
0x4f: {  	_ =	shalt  }
0x50: {  	_ =	shalt  }
0x51: {  	_ =	shalt  }
0x52: {  	_ =	shalt  }
0x53: {  	_ =	shalt  }
0x54: {  	_ =	shalt  }
0x55: {  	_ =	shalt  }
0x56: {  	_ =	shalt  }
0x57: {  	_ =	shalt  }
0x58: {  	_ =	shalt  }
0x59: {  	_ =	shalt  }
0x5a: {  	_ =	shalt  }
0x5b: {  	_ =	shalt  }
0x5c: {  	_ =	shalt  }
0x5d: {  	_ =	shalt  }
0x5e: {  	_ =	shalt  }
0x5f: {  	_ =	shalt  }
0x60: {  	_ =	shalt  }
0x61: {  	_ =	shalt  }
0x62: {  	_ =	shalt  }
0x63: {  	_ =	shalt  }
0x64: {  	_ =	shalt  }
0x65: {  	_ =	shalt  }
0x66: {  	_ =	shalt  }
0x67: {  	_ =	shalt  }
0x68: {  	_ =	shalt  }
0x69: {  	_ =	shalt  }
0x6a: {  	_ =	shalt  }
0x6b: {  	_ =	shalt  }
0x6c: {  	_ =	shalt  }
0x6d: {  	_ =	shalt  }
0x6e: {  	_ =	shalt  }
0x6f: {  	_ =	shalt  }
0x70: {  	_ =	shalt  }
0x71: {  	_ =	shalt  }
0x72: {  	_ =	shalt  }
0x73: {  	_ =	shalt  }
0x74: {  	_ =	shalt  }
0x75: {  	_ =	shalt  }
0x76: {  	_ =	shalt  }
0x77: {  	_ =	shalt  }
0x78: {  	_ =	shalt  }
0x79: {  	_ =	shalt  }
0x7a: {  	_ =	shalt  }
0x7b: {  	_ =	shalt  }
0x7c: {  	_ =	shalt  }
0x7d: {  	_ =	shalt  }
0x7e: {  	_ =	shalt  }
0x7f: {  	_ =	shalt  }
0x80: {  	_ =	shalt  }
0x81: {  	_ =	shalt  }
0x82: {  	_ =	shalt  }
0x83: {  	_ =	shalt  }
0x84: {  	_ =	shalt  }
0x85: {  	_ =	shalt  }
0x86: {  	_ =	shalt  }
0x87: {  	_ =	shalt  }
.Lfunc_end0:
.L_simem_size_0:
called_computation_lowered:
.L_overlay_start_0:
0x88: {  	s2 =	sld [smem:$0x3FD9]  }
0x89: {  	s3 =	sld [smem:$0x3FFE];
	_ =	sdelay $0x1  }
0x8a: {  	s1 =	srdreg.scid  }
0x8b: {  	s0 =	sand.u32 $0x1, s1  }
0x8c: {  	s17 =	sshll.u32 s0, $0xA;
	s2 =	sadd.s32 s3, s2  }
0x8d: {  	s2 =	sadd.s32 s2, s17  }
0x8e: {  	[smem:$0x3FC4] =	sst s2  }
0x8f: {  	_ = 	snop  }
0x90: {  	s2 =	sld [smem:$0x3FC9]  }
0x91: {  	s18 =	sld [smem:$0x3FD0];
	(tm) =	ssettm $0x1  }
0x92: {  	s4 =	sld [smem:$0x3FFB];
	_ =	sdelay $0x3  }
0x93: {  	_ =	strace s4  }
0x94: {  	s4 =	sld [smem:$0x3FFC];
	_ =	sdelay $0x3  }
0x95: {  	_ =	strace s4  }
0x96: {  	s4 =	sld [smem:$0x3FFD];
	_ =	sdelay $0x3  }
0x97: {  	_ =	strace s4  }
0x98: {  	_ =	strace $0x8FFFFFFF  }
0x99: {  	s19 =	sld [smem:$0x3FDB];
	_ =	sdelay $0x1  }
0x9a: {  	s5 =	simm.s32 $_scs_section_size  }
0x9b: {  	s6 =	simm.s32 $_size__tile_overlayer_lowered;
	s7 =	simm.s32 $_tile_overlayer_lowered  }
0x9c: {  	s22 =	simm.s32 $0x1BFF;
	s21 =	sshll.u32 s7, $0x1;
	s4 =	sadd.s32 s5, s19  }
0x9d: {  	s8 =	simm.s32 $0x0;
	s20 =	sshll.u32 s6, $0x1;
	s6 =	sadd.s32 s21, s4  }
0x9e: {  	[timem:s8], [sflag:s22] =	dma.local [hbm:s6], s20  }
0x9f: {  	_ =	swait.ge [sflag:s22], s20  }
0xa0: {  	s5 =	ssub.s32 $0x0, s20;
	[sflag:s22] =	ssyncset.done $0x0  }
0xa1: {  	[sflag:s22] =	ssyncadd.s32 s5;
	_ =	sdelay $0x1  }
0xa2: {  	s23 =	simm.s32 $0x1B8B  }
0xa3: {  	_ =	swait.ge [sflag:s23], $0x1  }
0xa4: {  	[sflag:s23] =	ssyncset.done $0x0  }
0xa5: {  	s25 =	simm.s32 $0x1B8E;
	s24 =	sld [smem:$0x3FFE];
	[sflag:s23] =	ssyncadd.s32 $0xFFFFFFFF  }
0xa6: {  	s26 =	simm.s32 $execute0_lowered;
	[smem:$0x3FD2] =	sst s25  }
0xa7: {  	s6 =	sshll.u32 s26, $0x1;
	_ =	strace $0x80000046;
	[dreg:$0x1] =	wrdreg $0xFFFFFFFF  }
0xa8: {  	s28 =	simm.s32 $_size_execute0_lowered;
	s4 =	sadd.s32 s4, s6;
	[dreg:$0x0] =	wrdreg $0x0  }
0xa9: {  	s6 =	sshll.u32 s28, $0x1;
	[dreg:$0x2] =	wrdreg s4  }
0xaa: {  	[dreg:$0x3] =	wrdreg s6  }
0xab: {  	[dreg:$0x4] =	wrdreg $0xC0  }
0xac: {  	_ =	task [dreg:s8], $0x5FFFF  }
0xad: {  	[dreg:$0x1] =	wrdreg $0xFFFFFFFF  }
0xae: {  	[dreg:$0x0] =	wrdreg $0x60  }
0xaf: {  	[dreg:$0x2] =	wrdreg s2  }
0xb0: {  	[dreg:$0x3] =	wrdreg s18  }
0xb1: {  	[dreg:$0x4] =	wrdreg s24  }
0xb2: {  	[dreg:$0x5] =	wrdreg $0x0  }
0xb3: {  	[dreg:$0x6] =	wrdreg $0x9  }
0xb4: {  	_ =	task.clear_ibuf [dreg:s8], $0x7FFFF;
	_ =	strace $0x90000046  }
0xb5: {  	s29 =	simm.s32 $0x9;
	_ =	strace $0x80000048  }
0xb6: {  	_ =	swait.ge [sflag:s29], $0x1  }
0xb7: {  	[sflag:s29] =	ssyncadd.s32 $0xFFFFFFFF  }
0xb8: {  	_ =	strace $0x90000048  }
0xb9: {  	_ =	sfence  }
0xba: {  	s30 =	sld [smem:$0x0];
	_ =	sdelay $0x2  }
0xbb: {  	s31 =	sshll.u32 s1, $0xD;
	s1 =	sshrl.u32 s1, $0x2  }
0xbc: {  	s3 =	sand.u32 $0x4000, s31;
	s1 =	sadd.s32 s1, s30  }
0xbd: {  	s0 =	sor.u32 s3, s0;
	s1 =	sshll.u32 s1, $0x11  }
0xbe: {  	s0 =	sor.u32 s1, s0  }
0xbf: {  	s0 =	sadd.s32 $0x8F2B, s0  }
0xc0: {  	[sflag:s0] =	ssyncadd.remote.s32 $0x1  }
0xc1: {  	_ =	sfence.sel $0xFFFF  }
0xc2: {  	[dreg:$0x0] =	wrdreg $0xFFFFFFFF;
	(pc) =	sbr.abs _section_cstart, $3  }
0xc3: {  	[dreg:$0x1] =	wrdreg $0xFFFFFFFF  }
0xc4: {  	_ =	task.clear_ibuf [dreg:s8], $0x2FFFF;
	_ =	strace $0x9FFFFFFF  }
0xc5: {  	(tm) =	ssettm $0x7FFFFFFF  }
tec
execute0_lowered:
.L_overlay_start_1:
0x0: {  	(tag) =	ssettag $0x1  }
0x1: {  	s0 =	rddreg [dreg:$0x0]  }
0x2: {  	s2 =	rddreg [dreg:$0x1]  }
0x3: {  	s3 =	rddreg [dreg:$0x2]  }
0x4: {  	s1 =	rddreg [dreg:$0x3]  }
0x5: {  	s4 =	simm.s32 $0x0;
	s20 =	srdreg.scid;
	s13 =	stileid.u32  }
0x6: {  	s28 =	simm.s32 $0x100;
	s29 =	simm.s32 $0x400;
	s30 =	simm.s32 $0x1C800  }
0x7: {  	s31 =	simm.s32 $0x2;
	s19 =	simm.s32 $0x3;
	[smem:$0x7FF] =	sst s4  }
0x8: {  	s4 =	sadd.s32 $0xA00, s3;
	s5 =	sadd.s32 $0x28A00, s3;
	s7 =	smul.u32 $0x50000, s13  }
0x9: {  	s3 =	sand.u32 $0x1, s20;
	s6 =	sshll.u32 s13, $0x1;
	s21 =	smul.u32 $0x2800, s13  }
0xa: {  	p0 =	seq.s32 s13, $0xF;
	s8 =	ssub.s32 $0x2, s3;
	s3 =	sor.u32 s3, s6  }
0xb: {  	s20 =	simm.s32 $0x40;
	_ =	strace $0x80000047;
	s10 =	smul.u32 $0x500, s3  }
0xc: {  	s9 =	sshrl.u32 s8, $0x1;
	s7 =	sshrl.u32 s7, $0x2;
	s11 =	smul.u32 $0x1400, s3  }
0xd: {  	s6 =	sadd.s32 s0, s21;
	s22 =	smul.u32 $0xA000, s3;
	s0 =	sadd.s32 $0x25800, s0  }
0xe: {  	s21 =	simm.s32 $0x18800;
	s8 =	ssub.s32 s8, s9;
	[dreg:$0x5] =	wrdreg s6  }
0xf: {  	s9 =	sadd.s32 s7, s1;
	s6 =	sadd.s32 $0x12C000, s1;
	[dreg:$0x6] =	wrdreg s0  }
0x10: {  	s23 =	sadd.s32 s2, s10;
	s24 =	sadd.s32 s4, s11;
	s11 =	smul.u32 $0x28000, s3  }
0x11: {  	s12 =	smov.u32 s22;
	s25 =	sadd.s32 $0x2000, s22;
	[dreg:$0x7] =	wrdreg s23  }
0x12: {  	s26 =	smax.u32 s8, $0x1;
	s0 =	sshrl.u32 @p0 s6, $0x3;
	[dreg:$0x8] =	wrdreg s24  }
0x13: {  	s3 =	simm.s32 $0x6;
	s22 =	simm.s32 $0x4;
	[dreg:$0x9] =	wrdreg s25  }
0x14: {  	s6 =	simm.s32 $0x0;
	[dreg:$0xb] =	wrdreg s0;
	s0 =	sshll.u32 @!p0 s13, $0x6  }
0x15: {  	[dreg:$0xa] =	wrdreg s26;
	s23 =	simm.s32 $0x1A800;
	s0 =	sor.u32 @!p0 $0x1C07, s0  }
0x16: {  	s24 =	simm.s32 $0x5;
	[dreg:$0xc] =	wrdreg s0;
	s0 =	sshrl.u32 @!p0 s9, $0x3  }
0x17: {  	s26 =	simm.s32 $0x1;
	[dreg:$0xd] =	wrdreg s0;
	s0 =	simm.s32 $0x1CC00  }
.LBB2_1:
0x18: {  	[dreg:$0xe] =	wrdreg s6  }
0x19: {  	s6 =	rddreg [dreg:$0x6]  }
0x1a: {  	s2 =	simm.s32 @p0 $0x1FC7;
	s7 =	rddreg [dreg:$0xb]  }
0x1b: {  	[spmem:s7], [sflag:s2] =	dma.local @p0 [hbm:s6], $0x1900  }
0x1c: {  	s2 =	simm.s32 @p0 $0x7  }
0x1d: {  	_ =	swait.ge @p0 [sflag:s2], $0x1900  }
0x1e: {  	s6 =	rddreg [dreg:$0xc]  }
0x1f: {  	[sflag:s2] =	ssyncset.done @p0 $0x0;
	s7 =	rddreg [dreg:$0xd]  }
0x20: {  	[sflag:s2] =	ssyncadd.s32 @p0 $0xFFFFE700;
	s2 =	rddreg [dreg:$0x5]  }
0x21: {  	[spmem:s7], [sflag:s6] =	dma.local @!p0 [hbm:s2], $0x2800  }
0x22: {  	s2 =	simm.s32 @!p0 $0x7  }
0x23: {  	_ =	swait.ge @!p0 [sflag:s2], $0x2800  }
0x24: {  	[sflag:s2] =	ssyncset.done @!p0 $0x0  }
0x25: {  	[sflag:s2] =	ssyncadd.s32 @!p0 $0xFFFFD800  }
0x26: {  	s14 =	simm.s32 $0x0;
	[bflag:$0x0] =	sbarrier.arrive $0xFFFF  }
0x27: {  	s16 =	simm.s32 $0x14000;
	s17 =	simm.s32 $0x7;
	s15 =	rddreg [dreg:$0x7]  }
0x28: {  	[tilespmem:s16], [sflag:$0x7] =	stream.linear.gather [hbm4b:s15+s14], $0x2800, $0x38;
	[tilespmem:$0x1D000] =	vst v63  }
0x29: {  	_ =	swait.ge [sflag:s17], $0x2800  }
0x2a: {  	[sflag:s17] =	ssyncset.done $0x0  }
0x2b: {  	s8 =	simm.s32 $0x16800;
	s18 =	rddreg [dreg:$0x8];
	[sflag:s17] =	ssyncadd.s32 $0xFFFFD800  }
0x2c: {  	[tilespmem:s8], [sflag:$0x5] =	stream.linear.gather [hbm4b:s18+s14], $0x1000, $0x38;
	[tilespmem:$0x1D000] =	vst v63  }
0x2d: {  	_ = 	snop  }
0x2e: {  	[tilespmem:s21], [sflag:$0x1] =	stream.indirect.gather [spmem:s1], $0x80, s16, s20, $0xb8;
	[tilespmem:$0x1D000] =	vst v63  }
0x2f: {  	s25 =	simm.s32 $0x14040;
	s2 =	simm.s32 $0x0  }
0x30: {  	[tilespmem:s23], [sflag:$0x2] =	stream.indirect.gather [spmem:s1], $0x80, s25, s20, $0xb8;
	[tilespmem:$0x1D000] =	vst v63  }
.LBB2_2:
0x31: {  	s6 =	sshllo.u32 s2, $0x1  }
0x32: {  	s8 =	sshll.u32 s6, $0xC  }
0x33: {  	_ =	swait.ge [sflag:s24], $0x1000;
	s8 =	sadd.s32 s12, s8  }
0x34: {  	s7 =	simm.s32 $0x17800;
	[sflag:s24] =	ssyncset.done $0x0;
	s8 =	sshrl.u32 s8, $0x3  }
0x35: {  	[sflag:s24] =	ssyncadd.s32 $0xFFFFF000;
	s9 =	sadd.s32 s4, s8;
	s8 =	simm.s32 $0x0  }
0x36: {  	[tilespmem:s7], [sflag:$0x6] =	stream.linear.gather [hbm4b:s9+s8], $0x1000, $0x38;
	[tilespmem:$0x1D000] =	vst v63  }
0x37: {  	s10 =	simm.s32 $0x16800;
	s13 =	simm.s32 $0x16900;
	s9 =	sshll.u32 s2, $0x5  }
.LBB2_3:
0x38: {  	s14 =	sshll.u32 s8, $0x1  }
0x39: {  	_ =	swait.ge [sflag:s26], $0x2000;
	s15 =	sor.u32 s9, s14  }
0x3a: {  	[sflag:s26] =	ssyncset.done $0x0;
	p1 =	seq.s32 s15, $0x0  }
0x3b: {  	[sflag:s26] =	ssyncadd.s32 $0xFFFFE000;
	s16 =	simm.s32 @!p1 $0x3  }
0x3c: {  	_ =	swait.ge @!p1 [sflag:s16], $0x400  }
0x3d: {  	[sflag:s16] =	ssyncset.done @!p1 $0x0  }
0x3e: {  	p2 =	por $0x1, $0x1;
	s17 =	simm.s32 $0x0;
	[sflag:s16] =	ssyncadd.s32 @!p1 $0xFFFFFC00  }
.LBB2_4:
0x3f: {  	s16 =	sshll.u32 s17, $0x9  }
0x40: {  	s16 =	sshrl.u32 s16, $0x2  }
0x41: {  	s18 =	sadd.s32 s16, s10  }
0x42: {  	v0 =	vmov s18;
	_ =	sdelay $0x3  }
0x43: {  	s25 =	simm.s32 $0x0  }
0x44: {  	s18 =	sshll.u32 s17, $0xE;
	v7 =	vld.idx.msk [tilespmem:v0+s25+$0x0 ss:$0x1], $0xffff  }
0x45: {  	s18 =	sshra.s32 s18, $0x2  }
0x46: {  	s7 =	sadd.s32 $0x18900, s18  }
0x47: {  	v1 =	vld [tilespmem:s7+$0x90]  }
0x48: {  	v21 =	vld [tilespmem:s7+$0xFFFFFF10]  }
0x49: {  	v23 =	vld [tilespmem:s7+$0xFFFFFF20];
	v26 =	vbroadcast v7, $0x7  }
0x4a: {  	v25 =	vld [tilespmem:s7+$0x80];
	v2 =	vbroadcast v7, $0xD;
	v14 =	vbroadcast v7, $0x2  }
0x4b: {  	v27 =	vld [tilespmem:s7+$0xFFFFFF80];
	v3 =	vbroadcast v7, $0x9;
	v6 =	vbroadcast v7, $0x6  }
0x4c: {  	v32 =	vld [tilespmem:s7+$0xFFFFFF30];
	v33 =	vbroadcast v7, $0x3;
	v39 =	vbroadcast v7, $0x1  }
0x4d: {  	v36 =	vld [tilespmem:s7+$0xFFFFFF00];
	v38 =	vbroadcast v7, $0xC;
	v15 =	vbroadcast v7, $0x5  }
0x4e: {  	v4 =	vld [tilespmem:s7+$0xFFFFFFA0];
	v8 =	vbroadcast v7, $0xB;
	v29 =	vbroadcast v7, $0x0  }
0x4f: {  	v35 =	vld [tilespmem:s7+$0xFFFFFF90];
	v47 =	vbroadcast v7, $0xE;
	v53 =	vbroadcast v7, $0x4  }
0x50: {  	v41 =	vld [tilespmem:s7+$0x10];
	v56 =	vbroadcast v7, $0xA;
	v58 =	vbroadcast v7, $0x8  }
0x51: {  	[tilespmem:$0x1FFC0] =	vst v0;
	v42 =	vld [tilespmem:s7+$0x20];
	v0 =	vmul.f32 v1, v2;
	v28 =	vmul.f32 v21, v14  }
0x52: {  	v5 =	vld [tilespmem:s7+$0x0];
	v43 =	vmul.f32 v25, v38;
	v9 =	vmul.f32 v23, v33  }
0x53: {  	v18 =	vld [tilespmem:s7+$0xA0];
	v11 =	vmul.f32 v27, v15;
	v10 =	vmul.f32 v36, v29  }
0x54: {  	v37 =	vmul.f32 v32, v29;
	v12 =	vmul.f32 v36, v14  }
0x55: {  	v30 =	vmul.f32 v4, v15;
	v16 =	vmul.f32 v23, v14  }
0x56: {  	v34 =	vmul.f32 v35, v15;
	v40 =	vmul.f32 v41, v3  }
0x57: {  	v45 =	vmul.f32 v42, v3;
	v13 =	vmul.f32 v5, v8  }
0x58: {  	v19 =	vmul.f32 v32, v33;
	v24 =	vmul.f32 v18, v38  }
0x59: {  	v49 =	vmul.f32 v21, v39;
	v51 =	vmul.f32 v25, v47  }
0x5a: {  	v52 =	vmul.f32 v36, v33;
	v54 =	vmul.f32 v32, v14  }
0x5b: {  	v14 =	vmul.f32 v18, v47;
	v63 =	vmul.f32 v21, v29  }
0x5c: {  	v17 =	vld [tilespmem:s7+$0xB0];
	v57 =	vmul.f32 v27, v53;
	v59 =	vmul.f32 v5, v56  }
0x5d: {  	v20 =	vimm.f32 $0.0e+00;
	v62 =	vmul.f32 v35, v6;
	v31 =	vmul.f32 v4, v26  }
0x5e: {  	v33 =	vmul.f32 v21, v33;
	v44 =	vadd.f32 v10, v20;
	v46 =	vadd.f32 v12, v20  }
0x5f: {  	v10 =	vmul.f32 v23, v39;
	v16 =	vadd.f32 v16, v20;
	v48 =	vadd.f32 v9, v20  }
0x60: {  	[tilespmem:$0x1FFF0] =	vst v0;
	v0 =	vmul.f32 v25, v2;
	v22 =	vadd.f32 v19, v20;
	v49 =	vadd.f32 v49, v20  }
0x61: {  	v19 =	vmul.f32 v17, v47;
	v55 =	vadd.f32 v28, v20;
	v28 =	vadd.f32 v52, v20  }
0x62: {  	v12 =	vld [tilespmem:s7+$0xFFFFFFB0];
	v23 =	vmul.f32 v23, v29;
	v52 =	vmul.f32 v4, v53;
	v37 =	vadd.f32 v37, v20  }
0x63: {  	v29 =	vbroadcast v7, $0xF;
	v50 =	vadd.f32 v10, v20;
	v34 =	vadd.f32 v34, v49  }
0x64: {  	[tilespmem:$0x1FFD0] =	vst v0;
	v0 =	vmul.f32 v1, v47;
	v47 =	vadd.f32 v63, v20;
	v23 =	vadd.f32 v23, v20  }
0x65: {  	v25 =	vmul.f32 v25, v29;
	v63 =	vmul.f32 v41, v58;
	v31 =	vadd.f32 v31, v48  }
0x66: {  	v7 =	vld [tilespmem:s7+$0x30];
	v48 =	vmul.f32 v32, v39;
	v50 =	vadd.f32 v30, v50;
	v30 =	vmul.f32 v27, v26  }
0x67: {  	v44 =	vadd.f32 v57, v44;
	v27 =	vmul.f32 v27, v6;
	v49 =	vmul.f32 v12, v6  }
0x68: {  	v61 =	vadd.f32 v40, v34;
	v60 =	vmul.f32 v12, v53;
	v40 =	vmul.f32 v12, v26  }
0x69: {  	v34 =	vadd.f32 v45, v50;
	v45 =	vmul.f32 v35, v53;
	v50 =	vadd.f32 v52, v23  }
0x6a: {  	v52 =	vmul.f32 v35, v26;
	v27 =	vadd.f32 v27, v46;
	v53 =	vmul.f32 v5, v58  }
0x6b: {  	[tilespmem:$0x1FFE0] =	vst v0;
	v0 =	vld [tilespmem:$0x1FFF0];
	v46 =	vmul.f32 v7, v58;
	v35 =	vmul.f32 v42, v58;
	v58 =	vadd.f32 v54, v20  }
0x6c: {  	v23 =	vmul.f32 v17, v29;
	v26 =	vadd.f32 v59, v27;
	v47 =	vadd.f32 v45, v47  }
0x6d: {  	v27 =	vadd.f32 v60, v37;
	v37 =	vmul.f32 v18, v29;
	v60 =	vmul.f32 v17, v38  }
0x6e: {  	v45 =	vmul.f32 v1, v38;
	v38 =	vmul.f32 v41, v8;
	v35 =	vadd.f32 v35, v50  }
0x6f: {  	v59 =	vadd.f32 v53, v44;
	v44 =	vmul.f32 v42, v56;
	v26 =	vadd.f32 v51, v26  }
0x70: {  	v21 =	vadd.f32 v46, v27;
	v27 =	vadd.f32 v0, v61;
	v46 =	vmul.f32 v41, v56  }
0x71: {  	v41 =	vadd.f32 v49, v58;
	v61 =	vmul.f32 v42, v8;
	v43 =	vadd.f32 v43, v59  }
0x72: {  	v42 =	vmul.f32 v36, v39;
	v21 =	vadd.f32 v60, v21;
	v60 =	vadd.f32 v33, v20  }
0x73: {  	v47 =	vadd.f32 v63, v47;
	v39 =	vadd.f32 v62, v55;
	v33 =	vmul.f32 v7, v56  }
0x74: {  	p1 =	por p2, p2;
	s17 =	simm.s32 $0x40;
	s25 =	sadd.s32 $0x200, s7;
	v32 =	vadd.f32 v61, v31;
	v31 =	vimm.f32 $0.0e+00;
	v36 =	vadd.f32 v52, v60  }
.LBB2_5:
0x75: {  	v0 =	vld [tilespmem:$0x1FFC0];
	_ =	sdelay $0x3  }
0x76: {  	v12 =	vmul.f32 v12, v15;
	v4 =	vmul.f32 v4, v6;
	v6 =	vadd.f32 v40, v22  }
0x77: {  	v49 =	vld [tilespmem:s25+$0x30];
	v15 =	vmul.f32 v18, v2;
	v20 =	vadd.f32 v42, v20;
	v35 =	vadd.f32 v24, v35  }
0x78: {  	v29 =	vmul.f32 v1, v29;
	v1 =	vld [tilespmem:s25+$0x90];
	v24 =	vadd.f32 v46, v39;
	v63 =	vadd.f32 v37, v32  }
0x79: {  	s7 =	sshra.s32 s17, $0x2;
	v40 =	vld [tilespmem:s25+$0xFFFFFF80];
	v18 =	vadd.f32 v48, v31;
	v22 =	vadd.f32 v15, v34  }
0x7a: {  	v8 =	vmul.f32 v7, v8;
	v15 =	vadd.f32 v30, v28;
	v28 =	vadd.f32 v33, v41;
	v34 =	vld.idx.msk [tilespmem:v0+s7+$0x0 ss:$0x1], $0xffff  }
0x7b: {  	v50 =	vld [tilespmem:s25+$0x10];
	v30 =	vadd.f32 v38, v36;
	v4 =	vadd.f32 v4, v16  }
0x7c: {  	v17 =	vmul.f32 v17, v2;
	v42 =	vld [tilespmem:s25+$0xFFFFFF20];
	v6 =	vadd.f32 v8, v6;
	v18 =	vadd.f32 v12, v18  }
0x7d: {  	v2 =	vmul.f32 v5, v3;
	v37 =	vld [tilespmem:s25+$0x80];
	v11 =	vadd.f32 v11, v20;
	v33 =	vadd.f32 v19, v28  }
0x7e: {  	v3 =	vmul.f32 v7, v3;
	v31 =	vld [tilespmem:s25+$0x0];
	v8 =	vadd.f32 v44, v4;
	v19 =	vadd.f32 v23, v6  }
0x7f: {  	v32 =	vld [tilespmem:s25+$0xFFFFFF30];
	v11 =	vadd.f32 v2, v11;
	v0 =	vadd.f32 v13, v15;
	v44 =	vbroadcast v34, $0x7  }
0x80: {  	v38 =	vld [tilespmem:s25+$0xFFFFFF10];
	v13 =	vadd.f32 v3, v18;
	v2 =	vbroadcast v34, $0xD;
	v28 =	vbroadcast v34, $0x2  }
0x81: {  	v25 =	vadd.f32 v25, v0;
	v0 =	vld [tilespmem:$0x1FFD0];
	v3 =	vbroadcast v34, $0x9;
	v6 =	vbroadcast v34, $0x6  }
0x82: {  	v45 =	vadd.f32 v45, v47;
	v36 =	vld [tilespmem:s25+$0xFFFFFF00];
	v7 =	vmovc v49;
	v49 =	vbroadcast v34, $0x3;
	v39 =	vbroadcast v34, $0x1  }
0x83: {  	v47 =	vld [tilespmem:s25+$0xFFFFFF90];
	v41 =	vadd.f32 v29, v30;
	v51 =	vbroadcast v34, $0xC;
	v15 =	vbroadcast v34, $0x5  }
0x84: {  	v4 =	vld [tilespmem:s25+$0xFFFFFFA0];
	v14 =	vadd.f32 v14, v8;
	v8 =	vbroadcast v34, $0xB;
	v29 =	vbroadcast v34, $0x0  }
0x85: {  	v52 =	vld [tilespmem:s25+$0x20];
	v48 =	vmul.f32 v1, v2;
	v23 =	vmul.f32 v38, v28  }
0x86: {  	v20 =	vadd.f32 v0, v11;
	v0 =	vmul.f32 v37, v51;
	v9 =	vmul.f32 v42, v49  }
0x87: {  	v53 =	vmul.f32 v40, v15;
	v10 =	vmul.f32 v36, v29  }
0x88: {  	v5 =	vmovc v31;
	v31 =	vadd.f32 v17, v13;
	v54 =	vmul.f32 v32, v29;
	v13 =	vmul.f32 v36, v28  }
0x89: {  	v55 =	vmul.f32 v4, v15;
	v56 =	vmul.f32 v47, v15  }
0x8a: {  	v57 =	vmul.f32 v50, v3;
	v58 =	vmul.f32 v52, v3  }
0x8b: {  	v59 =	vmul.f32 v42, v39;
	v46 =	vmul.f32 v38, v39  }
0x8c: {  	v62 =	vmul.f32 v36, v49;
	v43 =	vadd.f32 v10, v43;
	v10 =	vmul.f32 v42, v28  }
0x8d: {  	v12 =	vld [tilespmem:s25+$0xFFFFFFB0];
	v26 =	vadd.f32 v13, v26;
	v13 =	vmul.f32 v5, v8;
	v60 =	vadd.f32 v9, v63  }
0x8e: {  	v59 =	vadd.f32 v59, v22;
	v27 =	vadd.f32 v46, v27;
	v46 =	vbroadcast v34, $0x4  }
0x8f: {  	v17 =	vld [tilespmem:s25+$0xB0];
	v63 =	vmul.f32 v32, v28;
	v9 =	vbroadcast v34, $0xA;
	v28 =	vadd.f32 v62, v25  }
0x90: {  	[tilespmem:$0x1FFB0] =	vst v0;
	v0 =	vld [tilespmem:$0x1FFE0];
	v16 =	vadd.f32 v10, v14;
	v10 =	vmul.f32 v32, v49;
	v14 =	vbroadcast v34, $0xE  }
0x91: {  	v55 =	vadd.f32 v55, v59;
	v59 =	vmul.f32 v38, v29;
	v62 =	vmul.f32 v40, v46  }
0x92: {  	v18 =	vld [tilespmem:s25+$0xA0];
	v25 =	vadd.f32 v56, v27;
	v56 =	vmul.f32 v12, v6;
	v49 =	vmul.f32 v38, v49  }
0x93: {  	v38 =	vmul.f32 v50, v8;
	v61 =	vmul.f32 v37, v14  }
0x94: {  	v22 =	vadd.f32 v10, v19;
	v19 =	vmul.f32 v17, v14;
	v27 =	vadd.f32 v59, v45  }
0x95: {  	v45 =	vmul.f32 v5, v9;
	v30 =	vadd.f32 v0, v24;
	v0 =	vmul.f32 v37, v2  }
0x96: {  	v21 =	vadd.f32 v54, v21;
	v59 =	vmul.f32 v12, v46;
	v10 =	vmul.f32 v47, v6  }
0x97: {  	v24 =	vmul.f32 v18, v51;
	[tilespmem:$0x1FFD0] =	vst v0;
	v0 =	vmul.f32 v1, v14  }
0x98: {  	v21 =	vadd.f32 v59, v21;
	v59 =	vmul.f32 v17, v51;
	v14 =	vmul.f32 v18, v14  }
0x99: {  	[tilespmem:$0x1FFE0] =	vst v0;
	v0 =	vadd.f32 v23, v30;
	v30 =	vmul.f32 v40, v44;
	v23 =	vmul.f32 v42, v29  }
0x9a: {  	v57 =	vadd.f32 v57, v25;
	v42 =	vmul.f32 v4, v46;
	v29 =	vbroadcast v34, $0xF  }
0x9b: {  	v43 =	vadd.f32 v62, v43;
	v46 =	vmul.f32 v47, v46;
	v47 =	vmul.f32 v47, v44  }
0x9c: {  	v23 =	vadd.f32 v23, v35;
	v35 =	vbroadcast v34, $0x8;
	v25 =	vmul.f32 v37, v29  }
0x9d: {  	v37 =	vmul.f32 v40, v6;
	v34 =	vadd.f32 v58, v55;
	v40 =	vmul.f32 v12, v44  }
0x9e: {  	v58 =	vmul.f32 v4, v44;
	v11 =	vadd.f32 v46, v27;
	v27 =	vadd.f32 v48, v57  }
0x9f: {  	v42 =	vadd.f32 v42, v23;
	v54 =	vmul.f32 v5, v35;
	v44 =	vmul.f32 v7, v35  }
0xa0: {  	v26 =	vadd.f32 v37, v26;
	v55 =	vmul.f32 v50, v35;
	v35 =	vmul.f32 v52, v35  }
0xa1: {  	v46 =	vmul.f32 v50, v9;
	v62 =	vadd.f32 v58, v60;
	v21 =	vadd.f32 v44, v21  }
0xa2: {  	v48 =	vmul.f32 v32, v39;
	v26 =	vadd.f32 v45, v26;
	v35 =	vadd.f32 v35, v42  }
0xa3: {  	p2 =	sne.s32 s17, $0x1C0;
	v23 =	vmul.f32 v17, v29;
	v21 =	vadd.f32 v59, v21;
	v59 =	vadd.f32 v63, v33;
	v63 =	vld [tilespmem:$0x1FFB0]  }
.Ltmp0:
0xa4: {  	v43 =	vadd.f32 v54, v43;
	v42 =	vmul.f32 v36, v39;
	v39 =	vadd.f32 v10, v0;
	(pc) =	sbr.rel @p2 .LBB2_5-.Ltmp0, $4  }
0xa5: {  	v44 =	vmul.f32 v52, v9;
	v26 =	vadd.f32 v61, v26;
	v61 =	vadd.f32 v49, v41  }
0xa6: {  	v33 =	vmul.f32 v7, v9;
	v9 =	vmul.f32 v52, v8;
	v41 =	vadd.f32 v56, v59  }
0xa7: {  	v37 =	vmul.f32 v18, v29;
	v36 =	vadd.f32 v47, v61;
	v47 =	vadd.f32 v55, v11  }
0xa8: {  	s17 =	sadd.s32 $0x40, s17;
	s25 =	sadd.s32 $0x200, s25;
	v45 =	vmul.f32 v1, v51;
	v11 =	vmovc v53;
	v32 =	vadd.f32 v9, v62;
	v43 =	vadd.f32 v63, v43  }
0xa9: {  	v0 =	vadd.f32 v42, v20  }
0xaa: {  	v5 =	vmul.f32 v5, v3;
	v9 =	vmul.f32 v12, v15  }
0xab: {  	v10 =	vadd.f32 v48, v31;
	v4 =	vmul.f32 v4, v6;
	v6 =	vld [tilespmem:$0x1FFD0];
	v0 =	vadd.f32 v11, v0;
	_ =	sdelay $0x1  }
0xac: {  	v3 =	vmul.f32 v7, v3;
	v0 =	vadd.f32 v5, v0;
	v5 =	vadd.f32 v9, v10;
	_ =	sdelay $0x1  }
0xad: {  	v9 =	vmul.f32 v18, v2;
	v2 =	vmul.f32 v17, v2;
	v3 =	vadd.f32 v3, v5  }
0xae: {  	v0 =	vadd.f32 v6, v0  }
0xaf: {  	[tilespmem:s16+$0x1C830] =	vst v21;
	v2 =	vadd.f32 v2, v3  }
0xb0: {  	[tilespmem:s16+$0x1C900] =	vst v0  }
0xb1: {  	v0 =	vadd.f32 v40, v22;
	[tilespmem:s16+$0x1C930] =	vst v2;
	v2 =	vmul.f32 v7, v8  }
0xb2: {  	v12 =	vadd.f32 v24, v35;
	[tilespmem:s16+$0x1C910] =	vst v27  }
0xb3: {  	[tilespmem:s16+$0x1CA00] =	vst v26;
	v4 =	vadd.f32 v4, v16;
	v0 =	vadd.f32 v2, v0  }
0xb4: {  	[tilespmem:s16+$0x1C800] =	vst v43;
	v11 =	vadd.f32 v45, v47;
	v5 =	vadd.f32 v9, v34;
	v9 =	vld [tilespmem:$0x1FFE0]  }
0xb5: {  	[tilespmem:s16+$0x1C820] =	vst v12;
	v4 =	vadd.f32 v44, v4;
	v0 =	vadd.f32 v23, v0  }
0xb6: {  	v3 =	vadd.f32 v30, v28;
	[tilespmem:s16+$0x1C920] =	vst v5;
	v5 =	vadd.f32 v33, v41  }
0xb7: {  	v6 =	vadd.f32 v46, v39;
	v4 =	vadd.f32 v14, v4;
	[tilespmem:s16+$0x1CB30] =	vst v0;
	v0 =	vld [tilespmem:$0x1FFC0]  }
0xb8: {  	[tilespmem:s16+$0x1C810] =	vst v11;
	v3 =	vadd.f32 v13, v3;
	v5 =	vadd.f32 v19, v5  }
0xb9: {  	v1 =	vmul.f32 v1, v29;
	[tilespmem:s16+$0x1CA20] =	vst v4;
	v7 =	vadd.f32 v38, v36;
	v6 =	vadd.f32 v9, v6  }
0xba: {  	v3 =	vadd.f32 v25, v3;
	[tilespmem:s16+$0x1CA30] =	vst v5  }
0xbb: {  	v1 =	vadd.f32 v1, v7;
	[tilespmem:s16+$0x1CA10] =	vst v6  }
0xbc: {  	v2 =	vadd.f32 v37, v32;
	[tilespmem:s16+$0x1CB00] =	vst v3  }
0xbd: {  	[tilespmem:s16+$0x1CB10] =	vst v1  }
0xbe: {  	s7 =	simm.s32 $0x0;
	[tilespmem:s16+$0x1CB20] =	vst v2  }
0xbf: {  	v0 =	vld.idx.msk [tilespmem:v0+s7+$0x0 ss:$0x1], $0xffff;
	_ =	sdelay $0x1  }
0xc0: {  	s18 =	sadd.s32 $0x18940, s18  }
0xc1: {  	v1 =	vld [tilespmem:s18+$0x90]  }
0xc2: {  	v21 =	vld [tilespmem:s18+$0xFFFFFF10]  }
0xc3: {  	v7 =	vld [tilespmem:s18+$0xFFFFFF20];
	v26 =	vbroadcast v0, $0x7  }
0xc4: {  	v23 =	vld [tilespmem:s18+$0x80];
	v2 =	vbroadcast v0, $0xD;
	v14 =	vbroadcast v0, $0x2  }
0xc5: {  	v27 =	vld [tilespmem:s18+$0xFFFFFF80];
	v3 =	vbroadcast v0, $0x9;
	v6 =	vbroadcast v0, $0x6  }
0xc6: {  	v31 =	vld [tilespmem:s18+$0xFFFFFF30];
	v33 =	vbroadcast v0, $0x3;
	v39 =	vbroadcast v0, $0x1  }
0xc7: {  	v36 =	vld [tilespmem:s18+$0xFFFFFF00];
	v38 =	vbroadcast v0, $0xC;
	v15 =	vbroadcast v0, $0x5  }
0xc8: {  	v4 =	vld [tilespmem:s18+$0xFFFFFFA0];
	v8 =	vbroadcast v0, $0xB;
	v29 =	vbroadcast v0, $0x0  }
0xc9: {  	v35 =	vld [tilespmem:s18+$0xFFFFFF90];
	v30 =	vbroadcast v0, $0xE;
	v52 =	vbroadcast v0, $0x4  }
0xca: {  	v41 =	vld [tilespmem:s18+$0x10];
	v56 =	vbroadcast v0, $0xA;
	v32 =	vmul.f32 v1, v2  }
0xcb: {  	v42 =	vld [tilespmem:s18+$0x20];
	v25 =	vmul.f32 v21, v14;
	v43 =	vmul.f32 v23, v38  }
0xcc: {  	v5 =	vld [tilespmem:s18+$0x0];
	v9 =	vmul.f32 v7, v33;
	v11 =	vmul.f32 v27, v15  }
0xcd: {  	v18 =	vld [tilespmem:s18+$0xA0];
	v10 =	vmul.f32 v36, v29;
	v37 =	vmul.f32 v31, v29  }
0xce: {  	v12 =	vmul.f32 v36, v14;
	v28 =	vmul.f32 v4, v15  }
0xcf: {  	v16 =	vmul.f32 v7, v14;
	v62 =	vmul.f32 v35, v15  }
0xd0: {  	v40 =	vmul.f32 v41, v3;
	v45 =	vmul.f32 v42, v3  }
0xd1: {  	v53 =	vmul.f32 v5, v8;
	v19 =	vmul.f32 v31, v33  }
0xd2: {  	v24 =	vmul.f32 v18, v38;
	v63 =	vmul.f32 v21, v39  }
0xd3: {  	v17 =	vld [tilespmem:s18+$0xB0];
	v50 =	vmul.f32 v23, v30;
	v51 =	vmul.f32 v36, v33  }
0xd4: {  	v20 =	vimm.f32 $0.0e+00;
	v54 =	vmul.f32 v21, v29;
	v57 =	vmul.f32 v27, v52  }
0xd5: {  	v59 =	vmul.f32 v5, v56;
	v33 =	vmul.f32 v21, v33;
	v44 =	vadd.f32 v10, v20  }
0xd6: {  	v10 =	vmul.f32 v7, v39;
	v46 =	vadd.f32 v12, v20;
	v16 =	vadd.f32 v16, v20  }
0xd7: {  	v47 =	vadd.f32 v9, v20;
	v9 =	vmul.f32 v23, v2;
	v22 =	vadd.f32 v19, v20  }
0xd8: {  	v19 =	vmul.f32 v17, v30;
	v48 =	vadd.f32 v63, v20;
	v55 =	vadd.f32 v25, v20  }
0xd9: {  	v7 =	vmul.f32 v7, v29;
	v54 =	vadd.f32 v54, v20;
	v29 =	vbroadcast v0, $0xF  }
0xda: {  	v0 =	vbroadcast v0, $0x8;
	[tilespmem:$0x1FF90] =	vst v9;
	v49 =	vadd.f32 v10, v20;
	v9 =	vmul.f32 v1, v30  }
0xdb: {  	v12 =	vld [tilespmem:s18+$0xFFFFFFB0];
	v37 =	vadd.f32 v37, v20;
	v63 =	vmul.f32 v4, v26;
	v25 =	vadd.f32 v62, v48  }
0xdc: {  	v62 =	vmul.f32 v35, v6;
	[tilespmem:$0x1FFA0] =	vst v9;
	v9 =	vmul.f32 v31, v14;
	v49 =	vadd.f32 v28, v49  }
0xdd: {  	v14 =	vmul.f32 v18, v30;
	v28 =	vadd.f32 v51, v20;
	v30 =	vmul.f32 v27, v26  }
0xde: {  	v51 =	vmul.f32 v4, v52;
	v61 =	vadd.f32 v40, v25;
	v25 =	vmul.f32 v23, v29  }
0xdf: {  	v58 =	vadd.f32 v7, v20;
	v7 =	vld [tilespmem:s18+$0x30];
	v27 =	vmul.f32 v27, v6;
	v23 =	vmul.f32 v17, v29  }
0xe0: {  	v44 =	vadd.f32 v57, v44;
	v48 =	vmul.f32 v12, v6;
	v60 =	vmul.f32 v12, v52  }
0xe1: {  	v40 =	vmul.f32 v12, v26;
	v34 =	vadd.f32 v45, v49;
	v45 =	vmul.f32 v35, v52  }
0xe2: {  	v49 =	vadd.f32 v51, v58;
	v51 =	vmul.f32 v35, v26;
	v27 =	vadd.f32 v27, v46  }
0xe3: {  	v63 =	vadd.f32 v63, v47;
	v52 =	vmul.f32 v5, v0;
	v58 =	vmul.f32 v41, v0  }
0xe4: {  	v46 =	vmul.f32 v7, v0;
	v0 =	vmul.f32 v42, v0;
	v26 =	vadd.f32 v59, v27  }
0xe5: {  	v54 =	vadd.f32 v45, v54;
	v27 =	vadd.f32 v60, v37;
	v37 =	vmul.f32 v18, v29  }
0xe6: {  	v60 =	vmul.f32 v17, v38;
	v45 =	vmul.f32 v1, v38;
	v35 =	vadd.f32 v0, v49  }
0xe7: {  	v38 =	vmul.f32 v41, v8;
	v0 =	vadd.f32 v9, v20;
	v26 =	vadd.f32 v50, v26  }
0xe8: {  	v21 =	vadd.f32 v46, v27;
	v27 =	vadd.f32 v32, v61;
	v46 =	vmul.f32 v41, v56  }
0xe9: {  	v61 =	vadd.f32 v33, v20;
	v33 =	vmul.f32 v7, v56;
	v47 =	vadd.f32 v58, v54  }
0xea: {  	v41 =	vadd.f32 v48, v0;
	v0 =	vmul.f32 v42, v8;
	v48 =	vmul.f32 v31, v39  }
0xeb: {  	v21 =	vadd.f32 v60, v21;
	v60 =	vadd.f32 v52, v44;
	v44 =	vmul.f32 v42, v56  }
0xec: {  	v42 =	vmul.f32 v36, v39;
	v36 =	vadd.f32 v51, v61;
	v39 =	vadd.f32 v62, v55  }
0xed: {  	s17 =	simm.s32 $0x40;
	s18 =	sadd.s32 $0x200, s18;
	v31 =	vimm.f32 $0.0e+00;
	v32 =	vadd.f32 v0, v63;
	v43 =	vadd.f32 v43, v60  }
.LBB2_7:
0xee: {  	v9 =	vld [tilespmem:$0x1FFC0];
	_ =	sdelay $0x3  }
0xef: {  	v12 =	vmul.f32 v12, v15  }
0xf0: {  	v0 =	vld [tilespmem:s18+$0x30];
	v15 =	vmul.f32 v18, v2;
	v4 =	vmul.f32 v4, v6;
	v6 =	vadd.f32 v40, v22  }
0xf1: {  	v29 =	vmul.f32 v1, v29;
	v1 =	vld [tilespmem:s18+$0x90];
	v20 =	vadd.f32 v42, v20;
	v35 =	vadd.f32 v24, v35  }
0xf2: {  	s7 =	sshra.s32 s17, $0x2;
	v40 =	vld [tilespmem:s18+$0xFFFFFF80];
	v24 =	vadd.f32 v46, v39;
	v63 =	vadd.f32 v37, v32  }
0xf3: {  	v18 =	vadd.f32 v48, v31;
	v22 =	vadd.f32 v15, v34;
	v34 =	vld.idx.msk [tilespmem:v9+s7+$0x0 ss:$0x1], $0xffff  }
0xf4: {  	v8 =	vmul.f32 v7, v8;
	v50 =	vld [tilespmem:s18+$0x10];
	v45 =	vadd.f32 v45, v47;
	v15 =	vadd.f32 v30, v28  }
0xf5: {  	v17 =	vmul.f32 v17, v2;
	v52 =	vld [tilespmem:s18+$0x20];
	v28 =	vadd.f32 v33, v41;
	v30 =	vadd.f32 v38, v36  }
0xf6: {  	v2 =	vmul.f32 v5, v3;
	v37 =	vld [tilespmem:s18+$0x80];
	v4 =	vadd.f32 v4, v16;
	v11 =	vadd.f32 v11, v20  }
0xf7: {  	v3 =	vmul.f32 v7, v3;
	v31 =	vld [tilespmem:s18+$0x0];
	v18 =	vadd.f32 v12, v18;
	v7 =	vmovc v0;
	v0 =	vadd.f32 v8, v6  }
0xf8: {  	v32 =	vld [tilespmem:s18+$0xFFFFFF30];
	v8 =	vadd.f32 v44, v4;
	v11 =	vadd.f32 v2, v11;
	v44 =	vbroadcast v34, $0x7  }
0xf9: {  	v38 =	vld [tilespmem:s18+$0xFFFFFF10];
	v9 =	vadd.f32 v19, v28;
	v2 =	vbroadcast v34, $0xD;
	v28 =	vbroadcast v34, $0x2  }
0xfa: {  	v47 =	vld [tilespmem:s18+$0xFFFFFF90];
	v13 =	vadd.f32 v3, v18;
	v3 =	vbroadcast v34, $0x9;
	v6 =	vbroadcast v34, $0x6  }
0xfb: {  	v36 =	vld [tilespmem:s18+$0xFFFFFF00];
	v10 =	vadd.f32 v53, v15;
	v49 =	vbroadcast v34, $0x3;
	v39 =	vbroadcast v34, $0x1  }
0xfc: {  	v41 =	vadd.f32 v29, v30;
	v4 =	vld [tilespmem:s18+$0xFFFFFFA0];
	v51 =	vbroadcast v34, $0xC;
	v15 =	vbroadcast v34, $0x5  }
0xfd: {  	v14 =	vadd.f32 v14, v8;
	[tilespmem:$0x1FF70] =	vst v9;
	v9 =	vld [tilespmem:$0x1FF90];
	v8 =	vbroadcast v34, $0xB;
	v29 =	vbroadcast v34, $0x0  }
0xfe: {  	v42 =	vld [tilespmem:s18+$0xFFFFFF20];
	v0 =	vadd.f32 v23, v0;
	v33 =	vmul.f32 v1, v2;
	v23 =	vmul.f32 v38, v28  }
0xff: {  	v25 =	vadd.f32 v25, v10;
	v48 =	vmul.f32 v37, v51;
	v10 =	vmul.f32 v40, v15  }
0x100: {  	v5 =	vmovc v31;
	v31 =	vadd.f32 v17, v13;
	v54 =	vmul.f32 v32, v29;
	v13 =	vmul.f32 v36, v28  }
0x101: {  	v17 =	vld [tilespmem:s18+$0xB0];
	v55 =	vmul.f32 v4, v15;
	v56 =	vmul.f32 v47, v15  }
0x102: {  	v20 =	vadd.f32 v9, v11;
	v9 =	vld [tilespmem:$0x1FFA0];
	v57 =	vmul.f32 v50, v3;
	v58 =	vmul.f32 v52, v3  }
0x103: {  	v18 =	vld [tilespmem:s18+$0xA0];
	v19 =	vmul.f32 v42, v39;
	v53 =	vmul.f32 v5, v8  }
0x104: {  	v46 =	vmul.f32 v38, v39;
	[tilespmem:$0x1FF80] =	vst v10;
	v10 =	vmul.f32 v36, v29  }
0x105: {  	v62 =	vmul.f32 v36, v49;
	v11 =	vmul.f32 v4, v44  }
0x106: {  	v26 =	vadd.f32 v13, v26;
	v43 =	vadd.f32 v10, v43;
	v10 =	vmul.f32 v42, v28  }
0x107: {  	v13 =	vmul.f32 v17, v51;
	v30 =	vadd.f32 v9, v24;
	v9 =	vmul.f32 v42, v49  }
0x108: {  	v24 =	vmul.f32 v18, v51;
	v16 =	vadd.f32 v10, v14;
	v10 =	vmul.f32 v32, v49  }
0x109: {  	v60 =	vadd.f32 v19, v22;
	v14 =	vbroadcast v34, $0xE;
	v49 =	vmul.f32 v38, v49  }
0x10a: {  	v59 =	vadd.f32 v9, v63;
	v9 =	vmul.f32 v37, v2;
	v63 =	vmul.f32 v32, v28  }
0x10b: {  	v61 =	vmul.f32 v37, v14;
	v22 =	vadd.f32 v10, v0;
	v19 =	vmul.f32 v17, v14  }
0x10c: {  	v12 =	vld [tilespmem:s18+$0xFFFFFFB0];
	v0 =	vadd.f32 v46, v27;
	v27 =	vbroadcast v34, $0x4;
	v46 =	vadd.f32 v55, v60  }
0x10d: {  	v55 =	vmul.f32 v38, v29;
	v60 =	vadd.f32 v23, v30;
	v30 =	vmul.f32 v40, v44  }
0x10e: {  	v23 =	vmul.f32 v42, v29;
	v29 =	vbroadcast v34, $0xF  }
0x10f: {  	v21 =	vadd.f32 v54, v21;
	v38 =	vmul.f32 v50, v8;
	[tilespmem:$0x1FF90] =	vst v9;
	v9 =	vmul.f32 v1, v14  }
0x110: {  	v28 =	vadd.f32 v62, v25;
	v14 =	vmul.f32 v18, v14;
	v62 =	vmul.f32 v40, v27  }
0x111: {  	v42 =	vmul.f32 v4, v27;
	v45 =	vadd.f32 v55, v45;
	v55 =	vmul.f32 v12, v6  }
0x112: {  	v23 =	vadd.f32 v23, v35;
	v35 =	vbroadcast v34, $0x8;
	v25 =	vmul.f32 v37, v29  }
0x113: {  	v11 =	vadd.f32 v11, v59;
	v37 =	vmul.f32 v40, v6;
	[tilespmem:$0x1FFA0] =	vst v9;
	v9 =	vbroadcast v34, $0xA  }
0x114: {  	v0 =	vadd.f32 v56, v0;
	v10 =	vmul.f32 v12, v27;
	v27 =	vmul.f32 v47, v27  }
0x115: {  	v40 =	vmul.f32 v12, v44;
	v26 =	vadd.f32 v37, v26;
	v56 =	vmul.f32 v5, v9  }
0x116: {  	v34 =	vadd.f32 v58, v46;
	v0 =	vadd.f32 v57, v0;
	v57 =	vmul.f32 v47, v6  }
0x117: {  	v47 =	vmul.f32 v47, v44;
	v10 =	vadd.f32 v10, v21;
	v26 =	vadd.f32 v56, v26  }
0x118: {  	v44 =	vmul.f32 v7, v35;
	v56 =	vadd.f32 v27, v45;
	v27 =	vadd.f32 v33, v0;
	v0 =	vld [tilespmem:$0x1FF70]  }
0x119: {  	v42 =	vadd.f32 v42, v23;
	v23 =	vmul.f32 v17, v29;
	v54 =	vmul.f32 v5, v35  }
0x11a: {  	v58 =	vmul.f32 v50, v35;
	v21 =	vmul.f32 v52, v35;
	v10 =	vadd.f32 v44, v10  }
0x11b: {  	v37 =	vmul.f32 v18, v29;
	v43 =	vadd.f32 v62, v43;
	v46 =	vmul.f32 v50, v9  }
0x11c: {  	p2 =	sne.s32 s17, $0x1C0;
	v35 =	vadd.f32 v21, v42;
	v44 =	vmul.f32 v52, v9;
	v21 =	vadd.f32 v13, v10  }
.Ltmp1:
0x11d: {  	v42 =	vmul.f32 v36, v39;
	v10 =	vadd.f32 v54, v43;
	v0 =	vadd.f32 v63, v0;
	(pc) =	sbr.rel @p2 .LBB2_7-.Ltmp1, $4  }
0x11e: {  	v45 =	vmul.f32 v1, v51;
	v13 =	vadd.f32 v49, v41;
	v26 =	vadd.f32 v61, v26  }
0x11f: {  	v43 =	vadd.f32 v48, v10;
	v41 =	vadd.f32 v55, v0;
	v0 =	vmul.f32 v52, v8  }
0x120: {  	v33 =	vmul.f32 v7, v9;
	v36 =	vadd.f32 v47, v13;
	v47 =	vadd.f32 v58, v56  }
0x121: {  	s17 =	sadd.s32 $0x40, s17;
	s18 =	sadd.s32 $0x200, s18;
	v48 =	vmul.f32 v32, v39;
	v39 =	vadd.f32 v57, v60;
	v32 =	vadd.f32 v0, v11;
	v11 =	vld [tilespmem:$0x1FF80]  }
0x122: {  	v0 =	vadd.f32 v42, v20;
	v47 =	vadd.f32 v45, v47  }
0x123: {  	[tilespmem:s16+$0x1C840] =	vst v43;
	v57 =	vadd.f32 v40, v22;
	v58 =	vadd.f32 v30, v28  }
0x124: {  	v51 =	vmul.f32 v18, v2;
	[tilespmem:s16+$0x1C870] =	vst v21;
	v59 =	vadd.f32 v33, v41;
	v62 =	vadd.f32 v38, v36  }
0x125: {  	v4 =	vmul.f32 v4, v6;
	[tilespmem:s16+$0x1C950] =	vst v27;
	v60 =	vld [tilespmem:$0x1FFA0];
	v10 =	vadd.f32 v48, v31;
	v48 =	vadd.f32 v24, v35  }
0x126: {  	[tilespmem:s16+$0x1CA40] =	vst v26;
	v1 =	vmul.f32 v1, v29;
	v54 =	vadd.f32 v46, v39;
	v63 =	vadd.f32 v37, v32  }
0x127: {  	v9 =	vmul.f32 v12, v15;
	v52 =	vld [tilespmem:$0x1FF90];
	[tilespmem:s16+$0x1C850] =	vst v47;
	v56 =	vadd.f32 v51, v34;
	v4 =	vadd.f32 v4, v16  }
0x128: {  	v5 =	vmul.f32 v5, v3;
	v1 =	vadd.f32 v1, v62;
	[tilespmem:s16+$0x1C860] =	vst v48;
	v0 =	vadd.f32 v11, v0  }
0x129: {  	v50 =	vmul.f32 v7, v3;
	v49 =	vadd.f32 v9, v10;
	[tilespmem:s16+$0x1CB60] =	vst v63;
	v4 =	vadd.f32 v44, v4  }
0x12a: {  	[tilespmem:s16+$0x1C960] =	vst v56;
	v6 =	vadd.f32 v60, v54;
	v0 =	vadd.f32 v5, v0  }
0x12b: {  	v55 =	vmul.f32 v17, v2;
	[tilespmem:s16+$0x1CB50] =	vst v1;
	v3 =	vadd.f32 v50, v49;
	v4 =	vadd.f32 v14, v4  }
0x12c: {  	v61 =	vmul.f32 v7, v8;
	v5 =	vadd.f32 v19, v59;
	[tilespmem:s16+$0x1CA50] =	vst v6;
	v0 =	vadd.f32 v52, v0  }
0x12d: {  	v2 =	vadd.f32 v55, v3;
	v3 =	vadd.f32 v53, v58;
	[tilespmem:s16+$0x1CA60] =	vst v4  }
.Ltmp2:
0x12e: {  	[tilespmem:s16+$0x1C940] =	vst v0;
	v0 =	vadd.f32 v61, v57;
	(pc) =	sbr.rel @p1 .LBB2_4-.Ltmp2, $4  }
0x12f: {  	[tilespmem:s16+$0x1CA70] =	vst v5;
	v3 =	vadd.f32 v25, v3  }
0x130: {  	[tilespmem:s16+$0x1C970] =	vst v2;
	v0 =	vadd.f32 v23, v0  }
0x131: {  	[tilespmem:s16+$0x1CB40] =	vst v3  }
0x132: {  	s17 =	simm.s32 $0x1;
	p2 =	por $0x0, $0x0;
	[tilespmem:s16+$0x1CB70] =	vst v0  }
0x133: {  	s7 =	sshll.u32 s15, $0x6  }
0x134: {  	s7 =	sand.u32 $0x3FFFFFC0, s7  }
0x135: {  	s18 =	sshll.u32 s15, $0xA;
	s7 =	sadd.s32 $0x14080, s7  }
0x136: {  	[tilespmem:s21], [sflag:$0x1] =	stream.indirect.gather [spmem:s1], $0x80, s7, s20, $0xb8;
	[tilespmem:$0x1D000] =	vst v63  }
0x137: {  	s25 =	sshll.u32 s8, $0x9;
	s7 =	sadd.s32 s11, s18  }
0x138: {  	s15 =	sand.u32 $0x200, s25;
	s7 =	sand.u32 $0xFFB000, s7  }
0x139: {  	s7 =	sor.u32 s15, s7  }
0x13a: {  	s7 =	sshrl.u32 s7, $0x3  }
0x13b: {  	s14 =	sor.u32 $0x1, s14;
	s7 =	sadd.s32 s5, s7  }
0x13c: {  	[hbm4b:s7+s28] =	stream.strided.scatter [tilespmem:s30], [sflag:$0x3], $0x400, s29, s28, $0x38;
	[tilespmem:$0x1D000] =	vst v63  }
0x13d: {  	s15 =	sor.u32 s9, s14;
	_ =	swait.ge [sflag:s31], $0x2000  }
0x13e: {  	p1 =	seq.s32 s15, $0x1;
	[sflag:s31] =	ssyncset.done $0x0  }
0x13f: {  	s7 =	simm.s32 @!p1 $0x4;
	[sflag:s31] =	ssyncadd.s32 $0xFFFFE000  }
0x140: {  	_ =	swait.ge @!p1 [sflag:s7], $0x400  }
0x141: {  	[sflag:s7] =	ssyncset.done @!p1 $0x0  }
0x142: {  	s17 =	simm.s32 $0x0;
	p2 =	por $0x1, $0x1;
	[sflag:s7] =	ssyncadd.s32 @!p1 $0xFFFFFC00  }
.LBB2_10:
0x143: {  	s7 =	sshll.u32 s17, $0x9  }
0x144: {  	s16 =	sshrl.u32 s7, $0x2  }
0x145: {  	s7 =	sadd.s32 s16, s13  }
0x146: {  	v0 =	vmov s7;
	_ =	sdelay $0x3  }
0x147: {  	s25 =	simm.s32 $0x0  }
0x148: {  	s18 =	sshll.u32 s17, $0xE;
	v7 =	vld.idx.msk [tilespmem:v0+s25+$0x0 ss:$0x1], $0xffff  }
0x149: {  	s18 =	sshra.s32 s18, $0x2  }
0x14a: {  	s25 =	sadd.s32 $0x1A900, s18  }
0x14b: {  	v1 =	vld [tilespmem:s25+$0x90]  }
0x14c: {  	v21 =	vld [tilespmem:s25+$0xFFFFFF10]  }
0x14d: {  	v23 =	vld [tilespmem:s25+$0xFFFFFF20];
	v26 =	vbroadcast v7, $0x7  }
0x14e: {  	v25 =	vld [tilespmem:s25+$0x80];
	v2 =	vbroadcast v7, $0xD;
	v14 =	vbroadcast v7, $0x2  }
0x14f: {  	v27 =	vld [tilespmem:s25+$0xFFFFFF80];
	v3 =	vbroadcast v7, $0x9;
	v6 =	vbroadcast v7, $0x6  }
0x150: {  	v32 =	vld [tilespmem:s25+$0xFFFFFF30];
	v33 =	vbroadcast v7, $0x3;
	v39 =	vbroadcast v7, $0x1  }
0x151: {  	v36 =	vld [tilespmem:s25+$0xFFFFFF00];
	v38 =	vbroadcast v7, $0xC;
	v15 =	vbroadcast v7, $0x5  }
0x152: {  	v4 =	vld [tilespmem:s25+$0xFFFFFFA0];
	v8 =	vbroadcast v7, $0xB;
	v29 =	vbroadcast v7, $0x0  }
0x153: {  	v35 =	vld [tilespmem:s25+$0xFFFFFF90];
	v47 =	vbroadcast v7, $0xE;
	v53 =	vbroadcast v7, $0x4  }
0x154: {  	v41 =	vld [tilespmem:s25+$0x10];
	v56 =	vbroadcast v7, $0xA;
	v58 =	vbroadcast v7, $0x8  }
0x155: {  	[tilespmem:$0x1FF30] =	vst v0;
	v42 =	vld [tilespmem:s25+$0x20];
	v0 =	vmul.f32 v1, v2;
	v28 =	vmul.f32 v21, v14  }
0x156: {  	v5 =	vld [tilespmem:s25+$0x0];
	v43 =	vmul.f32 v25, v38;
	v9 =	vmul.f32 v23, v33  }
0x157: {  	v18 =	vld [tilespmem:s25+$0xA0];
	v11 =	vmul.f32 v27, v15;
	v10 =	vmul.f32 v36, v29  }
0x158: {  	v37 =	vmul.f32 v32, v29;
	v12 =	vmul.f32 v36, v14  }
0x159: {  	v30 =	vmul.f32 v4, v15;
	v16 =	vmul.f32 v23, v14  }
0x15a: {  	v34 =	vmul.f32 v35, v15;
	v40 =	vmul.f32 v41, v3  }
0x15b: {  	v45 =	vmul.f32 v42, v3;
	v13 =	vmul.f32 v5, v8  }
0x15c: {  	v19 =	vmul.f32 v32, v33;
	v24 =	vmul.f32 v18, v38  }
0x15d: {  	v49 =	vmul.f32 v21, v39;
	v51 =	vmul.f32 v25, v47  }
0x15e: {  	v52 =	vmul.f32 v36, v33;
	v54 =	vmul.f32 v32, v14  }
0x15f: {  	v14 =	vmul.f32 v18, v47;
	v63 =	vmul.f32 v21, v29  }
0x160: {  	v17 =	vld [tilespmem:s25+$0xB0];
	v57 =	vmul.f32 v27, v53;
	v59 =	vmul.f32 v5, v56  }
0x161: {  	v20 =	vimm.f32 $0.0e+00;
	v62 =	vmul.f32 v35, v6;
	v31 =	vmul.f32 v4, v26  }
0x162: {  	v33 =	vmul.f32 v21, v33;
	v44 =	vadd.f32 v10, v20;
	v46 =	vadd.f32 v12, v20  }
0x163: {  	v10 =	vmul.f32 v23, v39;
	v16 =	vadd.f32 v16, v20;
	v48 =	vadd.f32 v9, v20  }
0x164: {  	[tilespmem:$0x1FF60] =	vst v0;
	v0 =	vmul.f32 v25, v2;
	v22 =	vadd.f32 v19, v20;
	v49 =	vadd.f32 v49, v20  }
0x165: {  	v19 =	vmul.f32 v17, v47;
	v55 =	vadd.f32 v28, v20;
	v28 =	vadd.f32 v52, v20  }
0x166: {  	v12 =	vld [tilespmem:s25+$0xFFFFFFB0];
	v23 =	vmul.f32 v23, v29;
	v52 =	vmul.f32 v4, v53;
	v37 =	vadd.f32 v37, v20  }
0x167: {  	v29 =	vbroadcast v7, $0xF;
	v50 =	vadd.f32 v10, v20;
	v34 =	vadd.f32 v34, v49  }
0x168: {  	[tilespmem:$0x1FF40] =	vst v0;
	v0 =	vmul.f32 v1, v47;
	v47 =	vadd.f32 v63, v20;
	v23 =	vadd.f32 v23, v20  }
0x169: {  	v25 =	vmul.f32 v25, v29;
	v63 =	vmul.f32 v41, v58;
	v31 =	vadd.f32 v31, v48  }
0x16a: {  	v7 =	vld [tilespmem:s25+$0x30];
	v48 =	vmul.f32 v32, v39;
	v50 =	vadd.f32 v30, v50;
	v30 =	vmul.f32 v27, v26  }
0x16b: {  	v44 =	vadd.f32 v57, v44;
	v27 =	vmul.f32 v27, v6;
	v49 =	vmul.f32 v12, v6  }
0x16c: {  	v61 =	vadd.f32 v40, v34;
	v60 =	vmul.f32 v12, v53;
	v40 =	vmul.f32 v12, v26  }
0x16d: {  	v34 =	vadd.f32 v45, v50;
	v45 =	vmul.f32 v35, v53;
	v50 =	vadd.f32 v52, v23  }
0x16e: {  	v52 =	vmul.f32 v35, v26;
	v27 =	vadd.f32 v27, v46;
	v53 =	vmul.f32 v5, v58  }
0x16f: {  	[tilespmem:$0x1FF50] =	vst v0;
	v0 =	vld [tilespmem:$0x1FF60];
	v46 =	vmul.f32 v7, v58;
	v35 =	vmul.f32 v42, v58;
	v58 =	vadd.f32 v54, v20  }
0x170: {  	v23 =	vmul.f32 v17, v29;
	v26 =	vadd.f32 v59, v27;
	v47 =	vadd.f32 v45, v47  }
0x171: {  	v27 =	vadd.f32 v60, v37;
	v37 =	vmul.f32 v18, v29;
	v60 =	vmul.f32 v17, v38  }
0x172: {  	v45 =	vmul.f32 v1, v38;
	v38 =	vmul.f32 v41, v8;
	v35 =	vadd.f32 v35, v50  }
0x173: {  	v59 =	vadd.f32 v53, v44;
	v44 =	vmul.f32 v42, v56;
	v26 =	vadd.f32 v51, v26  }
0x174: {  	v21 =	vadd.f32 v46, v27;
	v27 =	vadd.f32 v0, v61;
	v46 =	vmul.f32 v41, v56  }
0x175: {  	v41 =	vadd.f32 v49, v58;
	v61 =	vmul.f32 v42, v8;
	v43 =	vadd.f32 v43, v59  }
0x176: {  	v42 =	vmul.f32 v36, v39;
	v21 =	vadd.f32 v60, v21;
	v60 =	vadd.f32 v33, v20  }
0x177: {  	v47 =	vadd.f32 v63, v47;
	v39 =	vadd.f32 v62, v55;
	v33 =	vmul.f32 v7, v56  }
0x178: {  	p1 =	por p2, p2;
	s17 =	simm.s32 $0x40;
	s25 =	sadd.s32 $0x200, s25;
	v32 =	vadd.f32 v61, v31;
	v31 =	vimm.f32 $0.0e+00;
	v36 =	vadd.f32 v52, v60  }
.LBB2_11:
0x179: {  	v0 =	vld [tilespmem:$0x1FF30];
	_ =	sdelay $0x3  }
0x17a: {  	v12 =	vmul.f32 v12, v15;
	v4 =	vmul.f32 v4, v6;
	v6 =	vadd.f32 v40, v22  }
0x17b: {  	v49 =	vld [tilespmem:s25+$0x30];
	v15 =	vmul.f32 v18, v2;
	v20 =	vadd.f32 v42, v20;
	v35 =	vadd.f32 v24, v35  }
0x17c: {  	v29 =	vmul.f32 v1, v29;
	v1 =	vld [tilespmem:s25+$0x90];
	v24 =	vadd.f32 v46, v39;
	v63 =	vadd.f32 v37, v32  }
0x17d: {  	s7 =	sshra.s32 s17, $0x2;
	v40 =	vld [tilespmem:s25+$0xFFFFFF80];
	v18 =	vadd.f32 v48, v31;
	v22 =	vadd.f32 v15, v34  }
0x17e: {  	v8 =	vmul.f32 v7, v8;
	v15 =	vadd.f32 v30, v28;
	v28 =	vadd.f32 v33, v41;
	v34 =	vld.idx.msk [tilespmem:v0+s7+$0x0 ss:$0x1], $0xffff  }
0x17f: {  	v50 =	vld [tilespmem:s25+$0x10];
	v30 =	vadd.f32 v38, v36;
	v4 =	vadd.f32 v4, v16  }
0x180: {  	v17 =	vmul.f32 v17, v2;
	v42 =	vld [tilespmem:s25+$0xFFFFFF20];
	v6 =	vadd.f32 v8, v6;
	v18 =	vadd.f32 v12, v18  }
0x181: {  	v2 =	vmul.f32 v5, v3;
	v37 =	vld [tilespmem:s25+$0x80];
	v11 =	vadd.f32 v11, v20;
	v33 =	vadd.f32 v19, v28  }
0x182: {  	v3 =	vmul.f32 v7, v3;
	v31 =	vld [tilespmem:s25+$0x0];
	v8 =	vadd.f32 v44, v4;
	v19 =	vadd.f32 v23, v6  }
0x183: {  	v32 =	vld [tilespmem:s25+$0xFFFFFF30];
	v11 =	vadd.f32 v2, v11;
	v0 =	vadd.f32 v13, v15;
	v44 =	vbroadcast v34, $0x7  }
0x184: {  	v38 =	vld [tilespmem:s25+$0xFFFFFF10];
	v13 =	vadd.f32 v3, v18;
	v2 =	vbroadcast v34, $0xD;
	v28 =	vbroadcast v34, $0x2  }
0x185: {  	v25 =	vadd.f32 v25, v0;
	v0 =	vld [tilespmem:$0x1FF40];
	v3 =	vbroadcast v34, $0x9;
	v6 =	vbroadcast v34, $0x6  }
0x186: {  	v45 =	vadd.f32 v45, v47;
	v36 =	vld [tilespmem:s25+$0xFFFFFF00];
	v7 =	vmovc v49;
	v49 =	vbroadcast v34, $0x3;
	v39 =	vbroadcast v34, $0x1  }
0x187: {  	v47 =	vld [tilespmem:s25+$0xFFFFFF90];
	v41 =	vadd.f32 v29, v30;
	v51 =	vbroadcast v34, $0xC;
	v15 =	vbroadcast v34, $0x5  }
0x188: {  	v4 =	vld [tilespmem:s25+$0xFFFFFFA0];
	v14 =	vadd.f32 v14, v8;
	v8 =	vbroadcast v34, $0xB;
	v29 =	vbroadcast v34, $0x0  }
0x189: {  	v52 =	vld [tilespmem:s25+$0x20];
	v48 =	vmul.f32 v1, v2;
	v23 =	vmul.f32 v38, v28  }
0x18a: {  	v20 =	vadd.f32 v0, v11;
	v0 =	vmul.f32 v37, v51;
	v9 =	vmul.f32 v42, v49  }
0x18b: {  	v53 =	vmul.f32 v40, v15;
	v10 =	vmul.f32 v36, v29  }
0x18c: {  	v5 =	vmovc v31;
	v31 =	vadd.f32 v17, v13;
	v54 =	vmul.f32 v32, v29;
	v13 =	vmul.f32 v36, v28  }
0x18d: {  	v55 =	vmul.f32 v4, v15;
	v56 =	vmul.f32 v47, v15  }
0x18e: {  	v57 =	vmul.f32 v50, v3;
	v58 =	vmul.f32 v52, v3  }
0x18f: {  	v59 =	vmul.f32 v42, v39;
	v46 =	vmul.f32 v38, v39  }
0x190: {  	v62 =	vmul.f32 v36, v49;
	v43 =	vadd.f32 v10, v43;
	v10 =	vmul.f32 v42, v28  }
0x191: {  	v12 =	vld [tilespmem:s25+$0xFFFFFFB0];
	v26 =	vadd.f32 v13, v26;
	v13 =	vmul.f32 v5, v8;
	v60 =	vadd.f32 v9, v63  }
0x192: {  	v59 =	vadd.f32 v59, v22;
	v27 =	vadd.f32 v46, v27;
	v46 =	vbroadcast v34, $0x4  }
0x193: {  	v17 =	vld [tilespmem:s25+$0xB0];
	v63 =	vmul.f32 v32, v28;
	v9 =	vbroadcast v34, $0xA;
	v28 =	vadd.f32 v62, v25  }
0x194: {  	[tilespmem:$0x1FF20] =	vst v0;
	v0 =	vld [tilespmem:$0x1FF50];
	v16 =	vadd.f32 v10, v14;
	v10 =	vmul.f32 v32, v49;
	v14 =	vbroadcast v34, $0xE  }
0x195: {  	v55 =	vadd.f32 v55, v59;
	v59 =	vmul.f32 v38, v29;
	v62 =	vmul.f32 v40, v46  }
0x196: {  	v18 =	vld [tilespmem:s25+$0xA0];
	v25 =	vadd.f32 v56, v27;
	v56 =	vmul.f32 v12, v6;
	v49 =	vmul.f32 v38, v49  }
0x197: {  	v38 =	vmul.f32 v50, v8;
	v61 =	vmul.f32 v37, v14  }
0x198: {  	v22 =	vadd.f32 v10, v19;
	v19 =	vmul.f32 v17, v14;
	v27 =	vadd.f32 v59, v45  }
0x199: {  	v45 =	vmul.f32 v5, v9;
	v30 =	vadd.f32 v0, v24;
	v0 =	vmul.f32 v37, v2  }
0x19a: {  	v21 =	vadd.f32 v54, v21;
	v59 =	vmul.f32 v12, v46;
	v10 =	vmul.f32 v47, v6  }
0x19b: {  	v24 =	vmul.f32 v18, v51;
	[tilespmem:$0x1FF40] =	vst v0;
	v0 =	vmul.f32 v1, v14  }
0x19c: {  	v21 =	vadd.f32 v59, v21;
	v59 =	vmul.f32 v17, v51;
	v14 =	vmul.f32 v18, v14  }
0x19d: {  	[tilespmem:$0x1FF50] =	vst v0;
	v0 =	vadd.f32 v23, v30;
	v30 =	vmul.f32 v40, v44;
	v23 =	vmul.f32 v42, v29  }
0x19e: {  	v57 =	vadd.f32 v57, v25;
	v42 =	vmul.f32 v4, v46;
	v29 =	vbroadcast v34, $0xF  }
0x19f: {  	v43 =	vadd.f32 v62, v43;
	v46 =	vmul.f32 v47, v46;
	v47 =	vmul.f32 v47, v44  }
0x1a0: {  	v23 =	vadd.f32 v23, v35;
	v35 =	vbroadcast v34, $0x8;
	v25 =	vmul.f32 v37, v29  }
0x1a1: {  	v37 =	vmul.f32 v40, v6;
	v34 =	vadd.f32 v58, v55;
	v40 =	vmul.f32 v12, v44  }
0x1a2: {  	v58 =	vmul.f32 v4, v44;
	v11 =	vadd.f32 v46, v27;
	v27 =	vadd.f32 v48, v57  }
0x1a3: {  	v42 =	vadd.f32 v42, v23;
	v54 =	vmul.f32 v5, v35;
	v44 =	vmul.f32 v7, v35  }
0x1a4: {  	v26 =	vadd.f32 v37, v26;
	v55 =	vmul.f32 v50, v35;
	v35 =	vmul.f32 v52, v35  }
0x1a5: {  	v46 =	vmul.f32 v50, v9;
	v62 =	vadd.f32 v58, v60;
	v21 =	vadd.f32 v44, v21  }
0x1a6: {  	v48 =	vmul.f32 v32, v39;
	v26 =	vadd.f32 v45, v26;
	v35 =	vadd.f32 v35, v42  }
0x1a7: {  	p2 =	sne.s32 s17, $0x1C0;
	v23 =	vmul.f32 v17, v29;
	v21 =	vadd.f32 v59, v21;
	v59 =	vadd.f32 v63, v33;
	v63 =	vld [tilespmem:$0x1FF20]  }
.Ltmp3:
0x1a8: {  	v43 =	vadd.f32 v54, v43;
	v42 =	vmul.f32 v36, v39;
	v39 =	vadd.f32 v10, v0;
	(pc) =	sbr.rel @p2 .LBB2_11-.Ltmp3, $4  }
0x1a9: {  	v44 =	vmul.f32 v52, v9;
	v26 =	vadd.f32 v61, v26;
	v61 =	vadd.f32 v49, v41  }
0x1aa: {  	v33 =	vmul.f32 v7, v9;
	v9 =	vmul.f32 v52, v8;
	v41 =	vadd.f32 v56, v59  }
0x1ab: {  	v37 =	vmul.f32 v18, v29;
	v36 =	vadd.f32 v47, v61;
	v47 =	vadd.f32 v55, v11  }
0x1ac: {  	s17 =	sadd.s32 $0x40, s17;
	s25 =	sadd.s32 $0x200, s25;
	v45 =	vmul.f32 v1, v51;
	v11 =	vmovc v53;
	v32 =	vadd.f32 v9, v62;
	v43 =	vadd.f32 v63, v43  }
0x1ad: {  	v0 =	vadd.f32 v42, v20  }
0x1ae: {  	v5 =	vmul.f32 v5, v3;
	v9 =	vmul.f32 v12, v15  }
0x1af: {  	v10 =	vadd.f32 v48, v31;
	v4 =	vmul.f32 v4, v6;
	v6 =	vld [tilespmem:$0x1FF40];
	v0 =	vadd.f32 v11, v0;
	_ =	sdelay $0x1  }
0x1b0: {  	v3 =	vmul.f32 v7, v3;
	v0 =	vadd.f32 v5, v0;
	v5 =	vadd.f32 v9, v10;
	_ =	sdelay $0x1  }
0x1b1: {  	v9 =	vmul.f32 v18, v2;
	v2 =	vmul.f32 v17, v2;
	v3 =	vadd.f32 v3, v5  }
0x1b2: {  	v0 =	vadd.f32 v6, v0  }
0x1b3: {  	[tilespmem:s16+$0x1CC30] =	vst v21;
	v2 =	vadd.f32 v2, v3  }
0x1b4: {  	[tilespmem:s16+$0x1CD00] =	vst v0  }
0x1b5: {  	v0 =	vadd.f32 v40, v22;
	[tilespmem:s16+$0x1CD30] =	vst v2;
	v2 =	vmul.f32 v7, v8  }
0x1b6: {  	v12 =	vadd.f32 v24, v35;
	[tilespmem:s16+$0x1CD10] =	vst v27  }
0x1b7: {  	[tilespmem:s16+$0x1CE00] =	vst v26;
	v4 =	vadd.f32 v4, v16;
	v0 =	vadd.f32 v2, v0  }
0x1b8: {  	[tilespmem:s16+$0x1CC00] =	vst v43;
	v11 =	vadd.f32 v45, v47;
	v5 =	vadd.f32 v9, v34;
	v9 =	vld [tilespmem:$0x1FF50]  }
0x1b9: {  	[tilespmem:s16+$0x1CC20] =	vst v12;
	v4 =	vadd.f32 v44, v4;
	v0 =	vadd.f32 v23, v0  }
0x1ba: {  	v3 =	vadd.f32 v30, v28;
	[tilespmem:s16+$0x1CD20] =	vst v5;
	v5 =	vadd.f32 v33, v41  }
0x1bb: {  	v6 =	vadd.f32 v46, v39;
	v4 =	vadd.f32 v14, v4;
	[tilespmem:s16+$0x1CF30] =	vst v0;
	v0 =	vld [tilespmem:$0x1FF30]  }
0x1bc: {  	[tilespmem:s16+$0x1CC10] =	vst v11;
	v3 =	vadd.f32 v13, v3;
	v5 =	vadd.f32 v19, v5  }
0x1bd: {  	v1 =	vmul.f32 v1, v29;
	[tilespmem:s16+$0x1CE20] =	vst v4;
	v7 =	vadd.f32 v38, v36;
	v6 =	vadd.f32 v9, v6  }
0x1be: {  	v3 =	vadd.f32 v25, v3;
	[tilespmem:s16+$0x1CE30] =	vst v5  }
0x1bf: {  	v1 =	vadd.f32 v1, v7;
	[tilespmem:s16+$0x1CE10] =	vst v6  }
0x1c0: {  	v2 =	vadd.f32 v37, v32;
	[tilespmem:s16+$0x1CF00] =	vst v3  }
0x1c1: {  	[tilespmem:s16+$0x1CF10] =	vst v1  }
0x1c2: {  	s7 =	simm.s32 $0x0;
	[tilespmem:s16+$0x1CF20] =	vst v2  }
0x1c3: {  	v0 =	vld.idx.msk [tilespmem:v0+s7+$0x0 ss:$0x1], $0xffff;
	_ =	sdelay $0x1  }
0x1c4: {  	s18 =	sadd.s32 $0x1A940, s18  }
0x1c5: {  	v1 =	vld [tilespmem:s18+$0x90]  }
0x1c6: {  	v21 =	vld [tilespmem:s18+$0xFFFFFF10]  }
0x1c7: {  	v7 =	vld [tilespmem:s18+$0xFFFFFF20];
	v26 =	vbroadcast v0, $0x7  }
0x1c8: {  	v23 =	vld [tilespmem:s18+$0x80];
	v2 =	vbroadcast v0, $0xD;
	v14 =	vbroadcast v0, $0x2  }
0x1c9: {  	v27 =	vld [tilespmem:s18+$0xFFFFFF80];
	v3 =	vbroadcast v0, $0x9;
	v6 =	vbroadcast v0, $0x6  }
0x1ca: {  	v31 =	vld [tilespmem:s18+$0xFFFFFF30];
	v33 =	vbroadcast v0, $0x3;
	v39 =	vbroadcast v0, $0x1  }
0x1cb: {  	v36 =	vld [tilespmem:s18+$0xFFFFFF00];
	v38 =	vbroadcast v0, $0xC;
	v15 =	vbroadcast v0, $0x5  }
0x1cc: {  	v4 =	vld [tilespmem:s18+$0xFFFFFFA0];
	v8 =	vbroadcast v0, $0xB;
	v29 =	vbroadcast v0, $0x0  }
0x1cd: {  	v35 =	vld [tilespmem:s18+$0xFFFFFF90];
	v30 =	vbroadcast v0, $0xE;
	v52 =	vbroadcast v0, $0x4  }
0x1ce: {  	v41 =	vld [tilespmem:s18+$0x10];
	v56 =	vbroadcast v0, $0xA;
	v32 =	vmul.f32 v1, v2  }
0x1cf: {  	v42 =	vld [tilespmem:s18+$0x20];
	v25 =	vmul.f32 v21, v14;
	v43 =	vmul.f32 v23, v38  }
0x1d0: {  	v5 =	vld [tilespmem:s18+$0x0];
	v9 =	vmul.f32 v7, v33;
	v11 =	vmul.f32 v27, v15  }
0x1d1: {  	v18 =	vld [tilespmem:s18+$0xA0];
	v10 =	vmul.f32 v36, v29;
	v37 =	vmul.f32 v31, v29  }
0x1d2: {  	v12 =	vmul.f32 v36, v14;
	v28 =	vmul.f32 v4, v15  }
0x1d3: {  	v16 =	vmul.f32 v7, v14;
	v62 =	vmul.f32 v35, v15  }
0x1d4: {  	v40 =	vmul.f32 v41, v3;
	v45 =	vmul.f32 v42, v3  }
0x1d5: {  	v53 =	vmul.f32 v5, v8;
	v19 =	vmul.f32 v31, v33  }
0x1d6: {  	v24 =	vmul.f32 v18, v38;
	v63 =	vmul.f32 v21, v39  }
0x1d7: {  	v17 =	vld [tilespmem:s18+$0xB0];
	v50 =	vmul.f32 v23, v30;
	v51 =	vmul.f32 v36, v33  }
0x1d8: {  	v20 =	vimm.f32 $0.0e+00;
	v54 =	vmul.f32 v21, v29;
	v57 =	vmul.f32 v27, v52  }
0x1d9: {  	v59 =	vmul.f32 v5, v56;
	v33 =	vmul.f32 v21, v33;
	v44 =	vadd.f32 v10, v20  }
0x1da: {  	v10 =	vmul.f32 v7, v39;
	v46 =	vadd.f32 v12, v20;
	v16 =	vadd.f32 v16, v20  }
0x1db: {  	v47 =	vadd.f32 v9, v20;
	v9 =	vmul.f32 v23, v2;
	v22 =	vadd.f32 v19, v20  }
0x1dc: {  	v19 =	vmul.f32 v17, v30;
	v48 =	vadd.f32 v63, v20;
	v55 =	vadd.f32 v25, v20  }
0x1dd: {  	v7 =	vmul.f32 v7, v29;
	v54 =	vadd.f32 v54, v20;
	v29 =	vbroadcast v0, $0xF  }
0x1de: {  	v0 =	vbroadcast v0, $0x8;
	[tilespmem:$0x1FF00] =	vst v9;
	v49 =	vadd.f32 v10, v20;
	v9 =	vmul.f32 v1, v30  }
0x1df: {  	v12 =	vld [tilespmem:s18+$0xFFFFFFB0];
	v37 =	vadd.f32 v37, v20;
	v63 =	vmul.f32 v4, v26;
	v25 =	vadd.f32 v62, v48  }
0x1e0: {  	v62 =	vmul.f32 v35, v6;
	[tilespmem:$0x1FF10] =	vst v9;
	v9 =	vmul.f32 v31, v14;
	v49 =	vadd.f32 v28, v49  }
0x1e1: {  	v14 =	vmul.f32 v18, v30;
	v28 =	vadd.f32 v51, v20;
	v30 =	vmul.f32 v27, v26  }
0x1e2: {  	v51 =	vmul.f32 v4, v52;
	v61 =	vadd.f32 v40, v25;
	v25 =	vmul.f32 v23, v29  }
0x1e3: {  	v58 =	vadd.f32 v7, v20;
	v7 =	vld [tilespmem:s18+$0x30];
	v27 =	vmul.f32 v27, v6;
	v23 =	vmul.f32 v17, v29  }
0x1e4: {  	v44 =	vadd.f32 v57, v44;
	v48 =	vmul.f32 v12, v6;
	v60 =	vmul.f32 v12, v52  }
0x1e5: {  	v40 =	vmul.f32 v12, v26;
	v34 =	vadd.f32 v45, v49;
	v45 =	vmul.f32 v35, v52  }
0x1e6: {  	v49 =	vadd.f32 v51, v58;
	v51 =	vmul.f32 v35, v26;
	v27 =	vadd.f32 v27, v46  }
0x1e7: {  	v63 =	vadd.f32 v63, v47;
	v52 =	vmul.f32 v5, v0;
	v58 =	vmul.f32 v41, v0  }
0x1e8: {  	v46 =	vmul.f32 v7, v0;
	v0 =	vmul.f32 v42, v0;
	v26 =	vadd.f32 v59, v27  }
0x1e9: {  	v54 =	vadd.f32 v45, v54;
	v27 =	vadd.f32 v60, v37;
	v37 =	vmul.f32 v18, v29  }
0x1ea: {  	v60 =	vmul.f32 v17, v38;
	v45 =	vmul.f32 v1, v38;
	v35 =	vadd.f32 v0, v49  }
0x1eb: {  	v38 =	vmul.f32 v41, v8;
	v0 =	vadd.f32 v9, v20;
	v26 =	vadd.f32 v50, v26  }
0x1ec: {  	v21 =	vadd.f32 v46, v27;
	v27 =	vadd.f32 v32, v61;
	v46 =	vmul.f32 v41, v56  }
0x1ed: {  	v61 =	vadd.f32 v33, v20;
	v33 =	vmul.f32 v7, v56;
	v47 =	vadd.f32 v58, v54  }
0x1ee: {  	v41 =	vadd.f32 v48, v0;
	v0 =	vmul.f32 v42, v8;
	v48 =	vmul.f32 v31, v39  }
0x1ef: {  	v21 =	vadd.f32 v60, v21;
	v60 =	vadd.f32 v52, v44;
	v44 =	vmul.f32 v42, v56  }
0x1f0: {  	v42 =	vmul.f32 v36, v39;
	v36 =	vadd.f32 v51, v61;
	v39 =	vadd.f32 v62, v55  }
0x1f1: {  	s17 =	simm.s32 $0x40;
	s18 =	sadd.s32 $0x200, s18;
	v31 =	vimm.f32 $0.0e+00;
	v32 =	vadd.f32 v0, v63;
	v43 =	vadd.f32 v43, v60  }
.LBB2_13:
0x1f2: {  	v9 =	vld [tilespmem:$0x1FF30];
	_ =	sdelay $0x3  }
0x1f3: {  	v12 =	vmul.f32 v12, v15  }
0x1f4: {  	v0 =	vld [tilespmem:s18+$0x30];
	v15 =	vmul.f32 v18, v2;
	v4 =	vmul.f32 v4, v6;
	v6 =	vadd.f32 v40, v22  }
0x1f5: {  	v29 =	vmul.f32 v1, v29;
	v1 =	vld [tilespmem:s18+$0x90];
	v20 =	vadd.f32 v42, v20;
	v35 =	vadd.f32 v24, v35  }
0x1f6: {  	s7 =	sshra.s32 s17, $0x2;
	v40 =	vld [tilespmem:s18+$0xFFFFFF80];
	v24 =	vadd.f32 v46, v39;
	v63 =	vadd.f32 v37, v32  }
0x1f7: {  	v18 =	vadd.f32 v48, v31;
	v22 =	vadd.f32 v15, v34;
	v34 =	vld.idx.msk [tilespmem:v9+s7+$0x0 ss:$0x1], $0xffff  }
0x1f8: {  	v8 =	vmul.f32 v7, v8;
	v50 =	vld [tilespmem:s18+$0x10];
	v45 =	vadd.f32 v45, v47;
	v15 =	vadd.f32 v30, v28  }
0x1f9: {  	v17 =	vmul.f32 v17, v2;
	v52 =	vld [tilespmem:s18+$0x20];
	v28 =	vadd.f32 v33, v41;
	v30 =	vadd.f32 v38, v36  }
0x1fa: {  	v2 =	vmul.f32 v5, v3;
	v37 =	vld [tilespmem:s18+$0x80];
	v4 =	vadd.f32 v4, v16;
	v11 =	vadd.f32 v11, v20  }
0x1fb: {  	v3 =	vmul.f32 v7, v3;
	v31 =	vld [tilespmem:s18+$0x0];
	v18 =	vadd.f32 v12, v18;
	v7 =	vmovc v0;
	v0 =	vadd.f32 v8, v6  }
0x1fc: {  	v32 =	vld [tilespmem:s18+$0xFFFFFF30];
	v8 =	vadd.f32 v44, v4;
	v11 =	vadd.f32 v2, v11;
	v44 =	vbroadcast v34, $0x7  }
0x1fd: {  	v38 =	vld [tilespmem:s18+$0xFFFFFF10];
	v9 =	vadd.f32 v19, v28;
	v2 =	vbroadcast v34, $0xD;
	v28 =	vbroadcast v34, $0x2  }
0x1fe: {  	v47 =	vld [tilespmem:s18+$0xFFFFFF90];
	v13 =	vadd.f32 v3, v18;
	v3 =	vbroadcast v34, $0x9;
	v6 =	vbroadcast v34, $0x6  }
0x1ff: {  	v36 =	vld [tilespmem:s18+$0xFFFFFF00];
	v10 =	vadd.f32 v53, v15;
	v49 =	vbroadcast v34, $0x3;
	v39 =	vbroadcast v34, $0x1  }
0x200: {  	v41 =	vadd.f32 v29, v30;
	v4 =	vld [tilespmem:s18+$0xFFFFFFA0];
	v51 =	vbroadcast v34, $0xC;
	v15 =	vbroadcast v34, $0x5  }
0x201: {  	v14 =	vadd.f32 v14, v8;
	[tilespmem:$0x1FEE0] =	vst v9;
	v9 =	vld [tilespmem:$0x1FF00];
	v8 =	vbroadcast v34, $0xB;
	v29 =	vbroadcast v34, $0x0  }
0x202: {  	v42 =	vld [tilespmem:s18+$0xFFFFFF20];
	v0 =	vadd.f32 v23, v0;
	v33 =	vmul.f32 v1, v2;
	v23 =	vmul.f32 v38, v28  }
0x203: {  	v25 =	vadd.f32 v25, v10;
	v48 =	vmul.f32 v37, v51;
	v10 =	vmul.f32 v40, v15  }
0x204: {  	v5 =	vmovc v31;
	v31 =	vadd.f32 v17, v13;
	v54 =	vmul.f32 v32, v29;
	v13 =	vmul.f32 v36, v28  }
0x205: {  	v17 =	vld [tilespmem:s18+$0xB0];
	v55 =	vmul.f32 v4, v15;
	v56 =	vmul.f32 v47, v15  }
0x206: {  	v20 =	vadd.f32 v9, v11;
	v9 =	vld [tilespmem:$0x1FF10];
	v57 =	vmul.f32 v50, v3;
	v58 =	vmul.f32 v52, v3  }
0x207: {  	v18 =	vld [tilespmem:s18+$0xA0];
	v19 =	vmul.f32 v42, v39;
	v53 =	vmul.f32 v5, v8  }
0x208: {  	v46 =	vmul.f32 v38, v39;
	[tilespmem:$0x1FEF0] =	vst v10;
	v10 =	vmul.f32 v36, v29  }
0x209: {  	v62 =	vmul.f32 v36, v49;
	v11 =	vmul.f32 v4, v44  }
0x20a: {  	v26 =	vadd.f32 v13, v26;
	v43 =	vadd.f32 v10, v43;
	v10 =	vmul.f32 v42, v28  }
0x20b: {  	v13 =	vmul.f32 v17, v51;
	v30 =	vadd.f32 v9, v24;
	v9 =	vmul.f32 v42, v49  }
0x20c: {  	v24 =	vmul.f32 v18, v51;
	v16 =	vadd.f32 v10, v14;
	v10 =	vmul.f32 v32, v49  }
0x20d: {  	v60 =	vadd.f32 v19, v22;
	v14 =	vbroadcast v34, $0xE;
	v49 =	vmul.f32 v38, v49  }
0x20e: {  	v59 =	vadd.f32 v9, v63;
	v9 =	vmul.f32 v37, v2;
	v63 =	vmul.f32 v32, v28  }
0x20f: {  	v61 =	vmul.f32 v37, v14;
	v22 =	vadd.f32 v10, v0;
	v19 =	vmul.f32 v17, v14  }
0x210: {  	v12 =	vld [tilespmem:s18+$0xFFFFFFB0];
	v0 =	vadd.f32 v46, v27;
	v27 =	vbroadcast v34, $0x4;
	v46 =	vadd.f32 v55, v60  }
0x211: {  	v55 =	vmul.f32 v38, v29;
	v60 =	vadd.f32 v23, v30;
	v30 =	vmul.f32 v40, v44  }
0x212: {  	v23 =	vmul.f32 v42, v29;
	v29 =	vbroadcast v34, $0xF  }
0x213: {  	v21 =	vadd.f32 v54, v21;
	v38 =	vmul.f32 v50, v8;
	[tilespmem:$0x1FF00] =	vst v9;
	v9 =	vmul.f32 v1, v14  }
0x214: {  	v28 =	vadd.f32 v62, v25;
	v14 =	vmul.f32 v18, v14;
	v62 =	vmul.f32 v40, v27  }
0x215: {  	v42 =	vmul.f32 v4, v27;
	v45 =	vadd.f32 v55, v45;
	v55 =	vmul.f32 v12, v6  }
0x216: {  	v23 =	vadd.f32 v23, v35;
	v35 =	vbroadcast v34, $0x8;
	v25 =	vmul.f32 v37, v29  }
0x217: {  	v11 =	vadd.f32 v11, v59;
	v37 =	vmul.f32 v40, v6;
	[tilespmem:$0x1FF10] =	vst v9;
	v9 =	vbroadcast v34, $0xA  }
0x218: {  	v0 =	vadd.f32 v56, v0;
	v10 =	vmul.f32 v12, v27;
	v27 =	vmul.f32 v47, v27  }
0x219: {  	v40 =	vmul.f32 v12, v44;
	v26 =	vadd.f32 v37, v26;
	v56 =	vmul.f32 v5, v9  }
0x21a: {  	v34 =	vadd.f32 v58, v46;
	v0 =	vadd.f32 v57, v0;
	v57 =	vmul.f32 v47, v6  }
0x21b: {  	v47 =	vmul.f32 v47, v44;
	v10 =	vadd.f32 v10, v21;
	v26 =	vadd.f32 v56, v26  }
0x21c: {  	v44 =	vmul.f32 v7, v35;
	v56 =	vadd.f32 v27, v45;
	v27 =	vadd.f32 v33, v0;
	v0 =	vld [tilespmem:$0x1FEE0]  }
0x21d: {  	v42 =	vadd.f32 v42, v23;
	v23 =	vmul.f32 v17, v29;
	v54 =	vmul.f32 v5, v35  }
0x21e: {  	v58 =	vmul.f32 v50, v35;
	v21 =	vmul.f32 v52, v35;
	v10 =	vadd.f32 v44, v10  }
0x21f: {  	v37 =	vmul.f32 v18, v29;
	v43 =	vadd.f32 v62, v43;
	v46 =	vmul.f32 v50, v9  }
0x220: {  	p2 =	sne.s32 s17, $0x1C0;
	v35 =	vadd.f32 v21, v42;
	v44 =	vmul.f32 v52, v9;
	v21 =	vadd.f32 v13, v10  }
.Ltmp4:
0x221: {  	v42 =	vmul.f32 v36, v39;
	v10 =	vadd.f32 v54, v43;
	v0 =	vadd.f32 v63, v0;
	(pc) =	sbr.rel @p2 .LBB2_13-.Ltmp4, $4  }
0x222: {  	v45 =	vmul.f32 v1, v51;
	v13 =	vadd.f32 v49, v41;
	v26 =	vadd.f32 v61, v26  }
0x223: {  	v43 =	vadd.f32 v48, v10;
	v41 =	vadd.f32 v55, v0;
	v0 =	vmul.f32 v52, v8  }
0x224: {  	v33 =	vmul.f32 v7, v9;
	v36 =	vadd.f32 v47, v13;
	v47 =	vadd.f32 v58, v56  }
0x225: {  	s17 =	sadd.s32 $0x40, s17;
	s18 =	sadd.s32 $0x200, s18;
	v48 =	vmul.f32 v32, v39;
	v39 =	vadd.f32 v57, v60;
	v32 =	vadd.f32 v0, v11;
	v11 =	vld [tilespmem:$0x1FEF0]  }
0x226: {  	v0 =	vadd.f32 v42, v20;
	v47 =	vadd.f32 v45, v47  }
0x227: {  	[tilespmem:s16+$0x1CC40] =	vst v43;
	v57 =	vadd.f32 v40, v22;
	v58 =	vadd.f32 v30, v28  }
0x228: {  	v51 =	vmul.f32 v18, v2;
	[tilespmem:s16+$0x1CC70] =	vst v21;
	v59 =	vadd.f32 v33, v41;
	v62 =	vadd.f32 v38, v36  }
0x229: {  	v4 =	vmul.f32 v4, v6;
	[tilespmem:s16+$0x1CD50] =	vst v27;
	v60 =	vld [tilespmem:$0x1FF10];
	v10 =	vadd.f32 v48, v31;
	v48 =	vadd.f32 v24, v35  }
0x22a: {  	[tilespmem:s16+$0x1CE40] =	vst v26;
	v1 =	vmul.f32 v1, v29;
	v54 =	vadd.f32 v46, v39;
	v63 =	vadd.f32 v37, v32  }
0x22b: {  	v9 =	vmul.f32 v12, v15;
	v52 =	vld [tilespmem:$0x1FF00];
	[tilespmem:s16+$0x1CC50] =	vst v47;
	v56 =	vadd.f32 v51, v34;
	v4 =	vadd.f32 v4, v16  }
0x22c: {  	v5 =	vmul.f32 v5, v3;
	v1 =	vadd.f32 v1, v62;
	[tilespmem:s16+$0x1CC60] =	vst v48;
	v0 =	vadd.f32 v11, v0  }
0x22d: {  	v50 =	vmul.f32 v7, v3;
	v49 =	vadd.f32 v9, v10;
	[tilespmem:s16+$0x1CF60] =	vst v63;
	v4 =	vadd.f32 v44, v4  }
0x22e: {  	[tilespmem:s16+$0x1CD60] =	vst v56;
	v6 =	vadd.f32 v60, v54;
	v0 =	vadd.f32 v5, v0  }
0x22f: {  	v55 =	vmul.f32 v17, v2;
	[tilespmem:s16+$0x1CF50] =	vst v1;
	v3 =	vadd.f32 v50, v49;
	v4 =	vadd.f32 v14, v4  }
0x230: {  	v61 =	vmul.f32 v7, v8;
	v5 =	vadd.f32 v19, v59;
	[tilespmem:s16+$0x1CE50] =	vst v6;
	v0 =	vadd.f32 v52, v0  }
0x231: {  	v2 =	vadd.f32 v55, v3;
	v3 =	vadd.f32 v53, v58;
	[tilespmem:s16+$0x1CE60] =	vst v4  }
.Ltmp5:
0x232: {  	[tilespmem:s16+$0x1CD40] =	vst v0;
	v0 =	vadd.f32 v61, v57;
	(pc) =	sbr.rel @p1 .LBB2_10-.Ltmp5, $4  }
0x233: {  	[tilespmem:s16+$0x1CE70] =	vst v5;
	v3 =	vadd.f32 v25, v3  }
0x234: {  	[tilespmem:s16+$0x1CD70] =	vst v2;
	v0 =	vadd.f32 v23, v0  }
0x235: {  	[tilespmem:s16+$0x1CF40] =	vst v3  }
0x236: {  	s17 =	simm.s32 $0x1;
	p2 =	por $0x0, $0x0;
	[tilespmem:s16+$0x1CF70] =	vst v0  }
0x237: {  	s7 =	sshll.u32 s15, $0x6  }
0x238: {  	s7 =	sand.u32 $0x3FFFFFC0, s7  }
0x239: {  	s25 =	sshll.u32 s15, $0xA;
	s8 =	sadd.s32 $0x1, s8;
	s7 =	sadd.s32 $0x14080, s7  }
0x23a: {  	[tilespmem:s23], [sflag:$0x2] =	stream.indirect.gather [spmem:s1], $0x80, s7, s20, $0xb8;
	[tilespmem:$0x1D000] =	vst v63  }
0x23b: {  	s14 =	sshll.u32 s14, $0x8;
	p1 =	sne.s32 s8, $0x8;
	s7 =	sadd.s32 s11, s25  }
.Ltmp6:
0x23c: {  	s14 =	sand.u32 $0x300, s14;
	s7 =	sand.u32 $0x7FFFF000, s7;
	(pc) =	sbr.rel @p1 .LBB2_3-.Ltmp6, $4  }
0x23d: {  	s7 =	sor.u32 s14, s7  }
0x23e: {  	s7 =	sshrl.u32 s7, $0x3  }
0x23f: {  	s10 =	sadd.s32 $0x200, s10;
	s13 =	sadd.s32 $0x200, s13;
	s7 =	sadd.s32 s5, s7  }
0x240: {  	[hbm4b:s7+s28] =	stream.strided.scatter [tilespmem:s0], [sflag:$0x4], $0x400, s29, s28, $0x38;
	[tilespmem:$0x1D000] =	vst v63  }
0x241: {  	p1 =	seq.s32 s2, $0x4;
	_ =	swait.ge [sflag:s3], $0x1000  }
0x242: {  	s7 =	sshll.u32 @!p1 s2, $0xD;
	s8 =	rddreg [dreg:$0x9]  }
0x243: {  	s6 =	sshll.u32 s6, $0x4;
	s7 =	sadd.s32 @!p1 s7, s8  }
0x244: {  	[sflag:s3] =	ssyncset.done $0x0;
	s9 =	simm.s32 @!p1 $0x16800;
	s7 =	sshrl.u32 @!p1 s7, $0x3  }
0x245: {  	[sflag:s3] =	ssyncadd.s32 $0xFFFFF000;
	s8 =	simm.s32 @!p1 $0x0;
	s7 =	sadd.s32 @!p1 s4, s7  }
0x246: {  	[tilespmem:s9], [sflag:$0x5] =	stream.linear.gather @!p1 [hbm4b:s7+s8], $0x1000, $0x38;
	[tilespmem:$0x1D000] =	vst v63  }
0x247: {  	s10 =	simm.s32 $0x17900;
	s8 =	simm.s32 $0x0;
	s9 =	simm.s32 $0x17800  }
.LBB2_17:
0x248: {  	_ =	swait.ge [sflag:s26], $0x2000  }
0x249: {  	[sflag:s26] =	ssyncset.done $0x0  }
0x24a: {  	[sflag:s26] =	ssyncadd.s32 $0xFFFFE000  }
0x24b: {  	_ =	swait.ge [sflag:s19], $0x400  }
0x24c: {  	[sflag:s19] =	ssyncset.done $0x0  }
0x24d: {  	p2 =	por $0x1, $0x1;
	s14 =	simm.s32 $0x0;
	[sflag:s19] =	ssyncadd.s32 $0xFFFFFC00  }
.LBB2_18:
0x24e: {  	s7 =	sshll.u32 s14, $0x9  }
0x24f: {  	s13 =	sshrl.u32 s7, $0x2  }
0x250: {  	s7 =	sadd.s32 s13, s9  }
0x251: {  	v0 =	vmov s7;
	_ =	sdelay $0x3  }
0x252: {  	s15 =	simm.s32 $0x0  }
0x253: {  	s25 =	sshll.u32 s14, $0xE;
	v7 =	vld.idx.msk [tilespmem:v0+s15+$0x0 ss:$0x1], $0xffff  }
0x254: {  	s14 =	sshra.s32 s25, $0x2  }
0x255: {  	s16 =	sadd.s32 $0x18900, s14  }
0x256: {  	v1 =	vld [tilespmem:s16+$0x90]  }
0x257: {  	v21 =	vld [tilespmem:s16+$0xFFFFFF10]  }
0x258: {  	v23 =	vld [tilespmem:s16+$0xFFFFFF20];
	v26 =	vbroadcast v7, $0x7  }
0x259: {  	v25 =	vld [tilespmem:s16+$0x80];
	v2 =	vbroadcast v7, $0xD;
	v14 =	vbroadcast v7, $0x2  }
0x25a: {  	v27 =	vld [tilespmem:s16+$0xFFFFFF80];
	v3 =	vbroadcast v7, $0x9;
	v6 =	vbroadcast v7, $0x6  }
0x25b: {  	v32 =	vld [tilespmem:s16+$0xFFFFFF30];
	v33 =	vbroadcast v7, $0x3;
	v39 =	vbroadcast v7, $0x1  }
0x25c: {  	v36 =	vld [tilespmem:s16+$0xFFFFFF00];
	v38 =	vbroadcast v7, $0xC;
	v15 =	vbroadcast v7, $0x5  }
0x25d: {  	v4 =	vld [tilespmem:s16+$0xFFFFFFA0];
	v8 =	vbroadcast v7, $0xB;
	v29 =	vbroadcast v7, $0x0  }
0x25e: {  	v35 =	vld [tilespmem:s16+$0xFFFFFF90];
	v47 =	vbroadcast v7, $0xE;
	v53 =	vbroadcast v7, $0x4  }
0x25f: {  	v41 =	vld [tilespmem:s16+$0x10];
	v56 =	vbroadcast v7, $0xA;
	v58 =	vbroadcast v7, $0x8  }
0x260: {  	v42 =	vld [tilespmem:s16+$0x20];
	[tilespmem:$0x1FEA0] =	vst v0;
	v0 =	vmul.f32 v1, v2;
	v28 =	vmul.f32 v21, v14  }
0x261: {  	v5 =	vld [tilespmem:s16+$0x0];
	v43 =	vmul.f32 v25, v38;
	v9 =	vmul.f32 v23, v33  }
0x262: {  	v18 =	vld [tilespmem:s16+$0xA0];
	v11 =	vmul.f32 v27, v15;
	v10 =	vmul.f32 v36, v29  }
0x263: {  	v37 =	vmul.f32 v32, v29;
	v12 =	vmul.f32 v36, v14  }
0x264: {  	v30 =	vmul.f32 v4, v15;
	v16 =	vmul.f32 v23, v14  }
0x265: {  	v34 =	vmul.f32 v35, v15;
	v40 =	vmul.f32 v41, v3  }
0x266: {  	v45 =	vmul.f32 v42, v3;
	v13 =	vmul.f32 v5, v8  }
0x267: {  	v19 =	vmul.f32 v32, v33;
	v24 =	vmul.f32 v18, v38  }
0x268: {  	v49 =	vmul.f32 v21, v39;
	v51 =	vmul.f32 v25, v47  }
0x269: {  	v52 =	vmul.f32 v36, v33;
	v54 =	vmul.f32 v32, v14  }
0x26a: {  	v14 =	vmul.f32 v18, v47;
	v63 =	vmul.f32 v21, v29  }
0x26b: {  	v17 =	vld [tilespmem:s16+$0xB0];
	v57 =	vmul.f32 v27, v53;
	v59 =	vmul.f32 v5, v56  }
0x26c: {  	v20 =	vimm.f32 $0.0e+00;
	v62 =	vmul.f32 v35, v6;
	v31 =	vmul.f32 v4, v26  }
0x26d: {  	v33 =	vmul.f32 v21, v33;
	v44 =	vadd.f32 v10, v20;
	v46 =	vadd.f32 v12, v20  }
0x26e: {  	v10 =	vmul.f32 v23, v39;
	v16 =	vadd.f32 v16, v20;
	v48 =	vadd.f32 v9, v20  }
0x26f: {  	[tilespmem:$0x1FED0] =	vst v0;
	v0 =	vmul.f32 v25, v2;
	v22 =	vadd.f32 v19, v20;
	v49 =	vadd.f32 v49, v20  }
0x270: {  	v19 =	vmul.f32 v17, v47;
	v55 =	vadd.f32 v28, v20;
	v28 =	vadd.f32 v52, v20  }
0x271: {  	v12 =	vld [tilespmem:s16+$0xFFFFFFB0];
	v23 =	vmul.f32 v23, v29;
	v52 =	vmul.f32 v4, v53;
	v37 =	vadd.f32 v37, v20  }
0x272: {  	v29 =	vbroadcast v7, $0xF;
	v50 =	vadd.f32 v10, v20;
	v34 =	vadd.f32 v34, v49  }
0x273: {  	[tilespmem:$0x1FEB0] =	vst v0;
	v0 =	vmul.f32 v1, v47;
	v47 =	vadd.f32 v63, v20;
	v23 =	vadd.f32 v23, v20  }
0x274: {  	v25 =	vmul.f32 v25, v29;
	v63 =	vmul.f32 v41, v58;
	v31 =	vadd.f32 v31, v48  }
0x275: {  	v7 =	vld [tilespmem:s16+$0x30];
	v48 =	vmul.f32 v32, v39;
	v50 =	vadd.f32 v30, v50;
	v30 =	vmul.f32 v27, v26  }
0x276: {  	v44 =	vadd.f32 v57, v44;
	v27 =	vmul.f32 v27, v6;
	v49 =	vmul.f32 v12, v6  }
0x277: {  	v61 =	vadd.f32 v40, v34;
	v60 =	vmul.f32 v12, v53;
	v40 =	vmul.f32 v12, v26  }
0x278: {  	v34 =	vadd.f32 v45, v50;
	v45 =	vmul.f32 v35, v53;
	v50 =	vadd.f32 v52, v23  }
0x279: {  	v52 =	vmul.f32 v35, v26;
	v27 =	vadd.f32 v27, v46;
	v53 =	vmul.f32 v5, v58  }
0x27a: {  	[tilespmem:$0x1FEC0] =	vst v0;
	v0 =	vld [tilespmem:$0x1FED0];
	v46 =	vmul.f32 v7, v58;
	v35 =	vmul.f32 v42, v58;
	v58 =	vadd.f32 v54, v20  }
0x27b: {  	v23 =	vmul.f32 v17, v29;
	v26 =	vadd.f32 v59, v27;
	v47 =	vadd.f32 v45, v47  }
0x27c: {  	v27 =	vadd.f32 v60, v37;
	v37 =	vmul.f32 v18, v29;
	v60 =	vmul.f32 v17, v38  }
0x27d: {  	v45 =	vmul.f32 v1, v38;
	v38 =	vmul.f32 v41, v8;
	v35 =	vadd.f32 v35, v50  }
0x27e: {  	v59 =	vadd.f32 v53, v44;
	v44 =	vmul.f32 v42, v56;
	v26 =	vadd.f32 v51, v26  }
0x27f: {  	v21 =	vadd.f32 v46, v27;
	v27 =	vadd.f32 v0, v61;
	v46 =	vmul.f32 v41, v56  }
0x280: {  	v41 =	vadd.f32 v49, v58;
	v61 =	vmul.f32 v42, v8;
	v43 =	vadd.f32 v43, v59  }
0x281: {  	v42 =	vmul.f32 v36, v39;
	v21 =	vadd.f32 v60, v21;
	v60 =	vadd.f32 v33, v20  }
0x282: {  	v47 =	vadd.f32 v63, v47;
	v39 =	vadd.f32 v62, v55;
	v33 =	vmul.f32 v7, v56  }
0x283: {  	p1 =	por p2, p2;
	s15 =	simm.s32 $0x40;
	s16 =	sadd.s32 $0x200, s16;
	v32 =	vadd.f32 v61, v31;
	v31 =	vimm.f32 $0.0e+00;
	v36 =	vadd.f32 v52, v60  }
.LBB2_19:
0x284: {  	v0 =	vld [tilespmem:$0x1FEA0];
	_ =	sdelay $0x3  }
0x285: {  	v12 =	vmul.f32 v12, v15;
	v4 =	vmul.f32 v4, v6;
	v6 =	vadd.f32 v40, v22  }
0x286: {  	v49 =	vld [tilespmem:s16+$0x30];
	v15 =	vmul.f32 v18, v2;
	v20 =	vadd.f32 v42, v20;
	v35 =	vadd.f32 v24, v35  }
0x287: {  	v29 =	vmul.f32 v1, v29;
	v1 =	vld [tilespmem:s16+$0x90];
	v24 =	vadd.f32 v46, v39;
	v63 =	vadd.f32 v37, v32  }
0x288: {  	s7 =	sshra.s32 s15, $0x2;
	v40 =	vld [tilespmem:s16+$0xFFFFFF80];
	v18 =	vadd.f32 v48, v31;
	v22 =	vadd.f32 v15, v34  }
0x289: {  	v8 =	vmul.f32 v7, v8;
	v15 =	vadd.f32 v30, v28;
	v28 =	vadd.f32 v33, v41;
	v34 =	vld.idx.msk [tilespmem:v0+s7+$0x0 ss:$0x1], $0xffff  }
0x28a: {  	v50 =	vld [tilespmem:s16+$0x10];
	v30 =	vadd.f32 v38, v36;
	v4 =	vadd.f32 v4, v16  }
0x28b: {  	v17 =	vmul.f32 v17, v2;
	v42 =	vld [tilespmem:s16+$0xFFFFFF20];
	v6 =	vadd.f32 v8, v6;
	v18 =	vadd.f32 v12, v18  }
0x28c: {  	v2 =	vmul.f32 v5, v3;
	v37 =	vld [tilespmem:s16+$0x80];
	v11 =	vadd.f32 v11, v20;
	v33 =	vadd.f32 v19, v28  }
0x28d: {  	v3 =	vmul.f32 v7, v3;
	v31 =	vld [tilespmem:s16+$0x0];
	v8 =	vadd.f32 v44, v4;
	v19 =	vadd.f32 v23, v6  }
0x28e: {  	v32 =	vld [tilespmem:s16+$0xFFFFFF30];
	v11 =	vadd.f32 v2, v11;
	v0 =	vadd.f32 v13, v15;
	v44 =	vbroadcast v34, $0x7  }
0x28f: {  	v38 =	vld [tilespmem:s16+$0xFFFFFF10];
	v13 =	vadd.f32 v3, v18;
	v2 =	vbroadcast v34, $0xD;
	v28 =	vbroadcast v34, $0x2  }
0x290: {  	v25 =	vadd.f32 v25, v0;
	v0 =	vld [tilespmem:$0x1FEB0];
	v3 =	vbroadcast v34, $0x9;
	v6 =	vbroadcast v34, $0x6  }
0x291: {  	v45 =	vadd.f32 v45, v47;
	v36 =	vld [tilespmem:s16+$0xFFFFFF00];
	v7 =	vmovc v49;
	v49 =	vbroadcast v34, $0x3;
	v39 =	vbroadcast v34, $0x1  }
0x292: {  	v47 =	vld [tilespmem:s16+$0xFFFFFF90];
	v41 =	vadd.f32 v29, v30;
	v51 =	vbroadcast v34, $0xC;
	v15 =	vbroadcast v34, $0x5  }
0x293: {  	v4 =	vld [tilespmem:s16+$0xFFFFFFA0];
	v14 =	vadd.f32 v14, v8;
	v8 =	vbroadcast v34, $0xB;
	v29 =	vbroadcast v34, $0x0  }
0x294: {  	v52 =	vld [tilespmem:s16+$0x20];
	v48 =	vmul.f32 v1, v2;
	v23 =	vmul.f32 v38, v28  }
0x295: {  	v20 =	vadd.f32 v0, v11;
	v0 =	vmul.f32 v37, v51;
	v9 =	vmul.f32 v42, v49  }
0x296: {  	v53 =	vmul.f32 v40, v15;
	v10 =	vmul.f32 v36, v29  }
0x297: {  	v5 =	vmovc v31;
	v31 =	vadd.f32 v17, v13;
	v54 =	vmul.f32 v32, v29;
	v13 =	vmul.f32 v36, v28  }
0x298: {  	v55 =	vmul.f32 v4, v15;
	v56 =	vmul.f32 v47, v15  }
0x299: {  	v57 =	vmul.f32 v50, v3;
	v58 =	vmul.f32 v52, v3  }
0x29a: {  	v59 =	vmul.f32 v42, v39;
	v46 =	vmul.f32 v38, v39  }
0x29b: {  	v62 =	vmul.f32 v36, v49;
	v43 =	vadd.f32 v10, v43;
	v10 =	vmul.f32 v42, v28  }
0x29c: {  	v12 =	vld [tilespmem:s16+$0xFFFFFFB0];
	v26 =	vadd.f32 v13, v26;
	v13 =	vmul.f32 v5, v8;
	v60 =	vadd.f32 v9, v63  }
0x29d: {  	v59 =	vadd.f32 v59, v22;
	v27 =	vadd.f32 v46, v27;
	v46 =	vbroadcast v34, $0x4  }
0x29e: {  	v17 =	vld [tilespmem:s16+$0xB0];
	v63 =	vmul.f32 v32, v28;
	v9 =	vbroadcast v34, $0xA;
	v28 =	vadd.f32 v62, v25  }
0x29f: {  	[tilespmem:$0x1FE90] =	vst v0;
	v0 =	vld [tilespmem:$0x1FEC0];
	v16 =	vadd.f32 v10, v14;
	v10 =	vmul.f32 v32, v49;
	v14 =	vbroadcast v34, $0xE  }
0x2a0: {  	v55 =	vadd.f32 v55, v59;
	v59 =	vmul.f32 v38, v29;
	v62 =	vmul.f32 v40, v46  }
0x2a1: {  	v18 =	vld [tilespmem:s16+$0xA0];
	v25 =	vadd.f32 v56, v27;
	v56 =	vmul.f32 v12, v6;
	v49 =	vmul.f32 v38, v49  }
0x2a2: {  	v38 =	vmul.f32 v50, v8;
	v61 =	vmul.f32 v37, v14  }
0x2a3: {  	v22 =	vadd.f32 v10, v19;
	v19 =	vmul.f32 v17, v14;
	v27 =	vadd.f32 v59, v45  }
0x2a4: {  	v45 =	vmul.f32 v5, v9;
	v30 =	vadd.f32 v0, v24;
	v0 =	vmul.f32 v37, v2  }
0x2a5: {  	v21 =	vadd.f32 v54, v21;
	v59 =	vmul.f32 v12, v46;
	v10 =	vmul.f32 v47, v6  }
0x2a6: {  	v24 =	vmul.f32 v18, v51;
	[tilespmem:$0x1FEB0] =	vst v0;
	v0 =	vmul.f32 v1, v14  }
0x2a7: {  	v21 =	vadd.f32 v59, v21;
	v59 =	vmul.f32 v17, v51;
	v14 =	vmul.f32 v18, v14  }
0x2a8: {  	[tilespmem:$0x1FEC0] =	vst v0;
	v0 =	vadd.f32 v23, v30;
	v30 =	vmul.f32 v40, v44;
	v23 =	vmul.f32 v42, v29  }
0x2a9: {  	v57 =	vadd.f32 v57, v25;
	v42 =	vmul.f32 v4, v46;
	v29 =	vbroadcast v34, $0xF  }
0x2aa: {  	v43 =	vadd.f32 v62, v43;
	v46 =	vmul.f32 v47, v46;
	v47 =	vmul.f32 v47, v44  }
0x2ab: {  	v23 =	vadd.f32 v23, v35;
	v35 =	vbroadcast v34, $0x8;
	v25 =	vmul.f32 v37, v29  }
0x2ac: {  	v37 =	vmul.f32 v40, v6;
	v34 =	vadd.f32 v58, v55;
	v40 =	vmul.f32 v12, v44  }
0x2ad: {  	v58 =	vmul.f32 v4, v44;
	v11 =	vadd.f32 v46, v27;
	v27 =	vadd.f32 v48, v57  }
0x2ae: {  	v42 =	vadd.f32 v42, v23;
	v54 =	vmul.f32 v5, v35;
	v44 =	vmul.f32 v7, v35  }
0x2af: {  	v26 =	vadd.f32 v37, v26;
	v55 =	vmul.f32 v50, v35;
	v35 =	vmul.f32 v52, v35  }
0x2b0: {  	v46 =	vmul.f32 v50, v9;
	v62 =	vadd.f32 v58, v60;
	v21 =	vadd.f32 v44, v21  }
0x2b1: {  	v48 =	vmul.f32 v32, v39;
	v26 =	vadd.f32 v45, v26;
	v35 =	vadd.f32 v35, v42  }
0x2b2: {  	p2 =	sne.s32 s15, $0x1C0;
	v23 =	vmul.f32 v17, v29;
	v21 =	vadd.f32 v59, v21;
	v59 =	vadd.f32 v63, v33;
	v63 =	vld [tilespmem:$0x1FE90]  }
.Ltmp7:
0x2b3: {  	v43 =	vadd.f32 v54, v43;
	v42 =	vmul.f32 v36, v39;
	v39 =	vadd.f32 v10, v0;
	(pc) =	sbr.rel @p2 .LBB2_19-.Ltmp7, $4  }
0x2b4: {  	v44 =	vmul.f32 v52, v9;
	v26 =	vadd.f32 v61, v26;
	v61 =	vadd.f32 v49, v41  }
0x2b5: {  	v33 =	vmul.f32 v7, v9;
	v9 =	vmul.f32 v52, v8;
	v41 =	vadd.f32 v56, v59  }
0x2b6: {  	v37 =	vmul.f32 v18, v29;
	v36 =	vadd.f32 v47, v61;
	v47 =	vadd.f32 v55, v11  }
0x2b7: {  	s15 =	sadd.s32 $0x40, s15;
	s16 =	sadd.s32 $0x200, s16;
	v45 =	vmul.f32 v1, v51;
	v11 =	vmovc v53;
	v32 =	vadd.f32 v9, v62;
	v43 =	vadd.f32 v63, v43  }
0x2b8: {  	v0 =	vadd.f32 v42, v20  }
0x2b9: {  	v5 =	vmul.f32 v5, v3;
	v9 =	vmul.f32 v12, v15  }
0x2ba: {  	v10 =	vadd.f32 v48, v31;
	v4 =	vmul.f32 v4, v6;
	v6 =	vld [tilespmem:$0x1FEB0];
	v0 =	vadd.f32 v11, v0;
	_ =	sdelay $0x1  }
0x2bb: {  	v3 =	vmul.f32 v7, v3;
	v0 =	vadd.f32 v5, v0;
	v5 =	vadd.f32 v9, v10;
	_ =	sdelay $0x1  }
0x2bc: {  	v9 =	vmul.f32 v18, v2;
	v2 =	vmul.f32 v17, v2;
	v3 =	vadd.f32 v3, v5  }
0x2bd: {  	v0 =	vadd.f32 v6, v0  }
0x2be: {  	[tilespmem:s13+$0x1C830] =	vst v21;
	v2 =	vadd.f32 v2, v3  }
0x2bf: {  	[tilespmem:s13+$0x1C900] =	vst v0  }
0x2c0: {  	v0 =	vadd.f32 v40, v22;
	[tilespmem:s13+$0x1C930] =	vst v2;
	v2 =	vmul.f32 v7, v8  }
0x2c1: {  	v12 =	vadd.f32 v24, v35;
	[tilespmem:s13+$0x1C910] =	vst v27  }
0x2c2: {  	[tilespmem:s13+$0x1CA00] =	vst v26;
	v4 =	vadd.f32 v4, v16;
	v0 =	vadd.f32 v2, v0  }
0x2c3: {  	[tilespmem:s13+$0x1C800] =	vst v43;
	v11 =	vadd.f32 v45, v47;
	v5 =	vadd.f32 v9, v34;
	v9 =	vld [tilespmem:$0x1FEC0]  }
0x2c4: {  	[tilespmem:s13+$0x1C820] =	vst v12;
	v4 =	vadd.f32 v44, v4;
	v0 =	vadd.f32 v23, v0  }
0x2c5: {  	v3 =	vadd.f32 v30, v28;
	[tilespmem:s13+$0x1C920] =	vst v5;
	v5 =	vadd.f32 v33, v41  }
0x2c6: {  	v6 =	vadd.f32 v46, v39;
	v4 =	vadd.f32 v14, v4;
	[tilespmem:s13+$0x1CB30] =	vst v0;
	v0 =	vld [tilespmem:$0x1FEA0]  }
0x2c7: {  	[tilespmem:s13+$0x1C810] =	vst v11;
	v3 =	vadd.f32 v13, v3;
	v5 =	vadd.f32 v19, v5  }
0x2c8: {  	v1 =	vmul.f32 v1, v29;
	[tilespmem:s13+$0x1CA20] =	vst v4;
	v7 =	vadd.f32 v38, v36;
	v6 =	vadd.f32 v9, v6  }
0x2c9: {  	v3 =	vadd.f32 v25, v3;
	[tilespmem:s13+$0x1CA30] =	vst v5  }
0x2ca: {  	v1 =	vadd.f32 v1, v7;
	[tilespmem:s13+$0x1CA10] =	vst v6  }
0x2cb: {  	v2 =	vadd.f32 v37, v32;
	[tilespmem:s13+$0x1CB00] =	vst v3  }
0x2cc: {  	[tilespmem:s13+$0x1CB10] =	vst v1  }
0x2cd: {  	s7 =	simm.s32 $0x0;
	[tilespmem:s13+$0x1CB20] =	vst v2  }
0x2ce: {  	v0 =	vld.idx.msk [tilespmem:v0+s7+$0x0 ss:$0x1], $0xffff;
	_ =	sdelay $0x1  }
0x2cf: {  	s15 =	sadd.s32 $0x18940, s14  }
0x2d0: {  	v1 =	vld [tilespmem:s15+$0x90]  }
0x2d1: {  	v21 =	vld [tilespmem:s15+$0xFFFFFF10]  }
0x2d2: {  	v7 =	vld [tilespmem:s15+$0xFFFFFF20];
	v26 =	vbroadcast v0, $0x7  }
0x2d3: {  	v23 =	vld [tilespmem:s15+$0x80];
	v2 =	vbroadcast v0, $0xD;
	v14 =	vbroadcast v0, $0x2  }
0x2d4: {  	v27 =	vld [tilespmem:s15+$0xFFFFFF80];
	v3 =	vbroadcast v0, $0x9;
	v6 =	vbroadcast v0, $0x6  }
0x2d5: {  	v31 =	vld [tilespmem:s15+$0xFFFFFF30];
	v33 =	vbroadcast v0, $0x3;
	v39 =	vbroadcast v0, $0x1  }
0x2d6: {  	v36 =	vld [tilespmem:s15+$0xFFFFFF00];
	v38 =	vbroadcast v0, $0xC;
	v15 =	vbroadcast v0, $0x5  }
0x2d7: {  	v4 =	vld [tilespmem:s15+$0xFFFFFFA0];
	v8 =	vbroadcast v0, $0xB;
	v29 =	vbroadcast v0, $0x0  }
0x2d8: {  	v35 =	vld [tilespmem:s15+$0xFFFFFF90];
	v30 =	vbroadcast v0, $0xE;
	v52 =	vbroadcast v0, $0x4  }
0x2d9: {  	v41 =	vld [tilespmem:s15+$0x10];
	v56 =	vbroadcast v0, $0xA;
	v32 =	vmul.f32 v1, v2  }
0x2da: {  	v42 =	vld [tilespmem:s15+$0x20];
	v25 =	vmul.f32 v21, v14;
	v43 =	vmul.f32 v23, v38  }
0x2db: {  	v5 =	vld [tilespmem:s15+$0x0];
	v9 =	vmul.f32 v7, v33;
	v11 =	vmul.f32 v27, v15  }
0x2dc: {  	v18 =	vld [tilespmem:s15+$0xA0];
	v10 =	vmul.f32 v36, v29;
	v37 =	vmul.f32 v31, v29  }
0x2dd: {  	v12 =	vmul.f32 v36, v14;
	v28 =	vmul.f32 v4, v15  }
0x2de: {  	v16 =	vmul.f32 v7, v14;
	v62 =	vmul.f32 v35, v15  }
0x2df: {  	v40 =	vmul.f32 v41, v3;
	v45 =	vmul.f32 v42, v3  }
0x2e0: {  	v53 =	vmul.f32 v5, v8;
	v19 =	vmul.f32 v31, v33  }
0x2e1: {  	v24 =	vmul.f32 v18, v38;
	v63 =	vmul.f32 v21, v39  }
0x2e2: {  	v17 =	vld [tilespmem:s15+$0xB0];
	v50 =	vmul.f32 v23, v30;
	v51 =	vmul.f32 v36, v33  }
0x2e3: {  	v20 =	vimm.f32 $0.0e+00;
	v54 =	vmul.f32 v21, v29;
	v57 =	vmul.f32 v27, v52  }
0x2e4: {  	v59 =	vmul.f32 v5, v56;
	v33 =	vmul.f32 v21, v33;
	v44 =	vadd.f32 v10, v20  }
0x2e5: {  	v10 =	vmul.f32 v7, v39;
	v46 =	vadd.f32 v12, v20;
	v16 =	vadd.f32 v16, v20  }
0x2e6: {  	v47 =	vadd.f32 v9, v20;
	v9 =	vmul.f32 v23, v2;
	v22 =	vadd.f32 v19, v20  }
0x2e7: {  	v19 =	vmul.f32 v17, v30;
	v48 =	vadd.f32 v63, v20;
	v55 =	vadd.f32 v25, v20  }
0x2e8: {  	v7 =	vmul.f32 v7, v29;
	v54 =	vadd.f32 v54, v20;
	v29 =	vbroadcast v0, $0xF  }
0x2e9: {  	v0 =	vbroadcast v0, $0x8;
	[tilespmem:$0x1FE70] =	vst v9;
	v49 =	vadd.f32 v10, v20;
	v9 =	vmul.f32 v1, v30  }
0x2ea: {  	v12 =	vld [tilespmem:s15+$0xFFFFFFB0];
	v37 =	vadd.f32 v37, v20;
	v63 =	vmul.f32 v4, v26;
	v25 =	vadd.f32 v62, v48  }
0x2eb: {  	v62 =	vmul.f32 v35, v6;
	[tilespmem:$0x1FE80] =	vst v9;
	v9 =	vmul.f32 v31, v14;
	v49 =	vadd.f32 v28, v49  }
0x2ec: {  	v14 =	vmul.f32 v18, v30;
	v28 =	vadd.f32 v51, v20;
	v30 =	vmul.f32 v27, v26  }
0x2ed: {  	v51 =	vmul.f32 v4, v52;
	v61 =	vadd.f32 v40, v25;
	v25 =	vmul.f32 v23, v29  }
0x2ee: {  	v58 =	vadd.f32 v7, v20;
	v7 =	vld [tilespmem:s15+$0x30];
	v27 =	vmul.f32 v27, v6;
	v23 =	vmul.f32 v17, v29  }
0x2ef: {  	v44 =	vadd.f32 v57, v44;
	v48 =	vmul.f32 v12, v6;
	v60 =	vmul.f32 v12, v52  }
0x2f0: {  	v40 =	vmul.f32 v12, v26;
	v34 =	vadd.f32 v45, v49;
	v45 =	vmul.f32 v35, v52  }
0x2f1: {  	v49 =	vadd.f32 v51, v58;
	v51 =	vmul.f32 v35, v26;
	v27 =	vadd.f32 v27, v46  }
0x2f2: {  	v63 =	vadd.f32 v63, v47;
	v52 =	vmul.f32 v5, v0;
	v58 =	vmul.f32 v41, v0  }
0x2f3: {  	v46 =	vmul.f32 v7, v0;
	v0 =	vmul.f32 v42, v0;
	v26 =	vadd.f32 v59, v27  }
0x2f4: {  	v54 =	vadd.f32 v45, v54;
	v27 =	vadd.f32 v60, v37;
	v37 =	vmul.f32 v18, v29  }
0x2f5: {  	v60 =	vmul.f32 v17, v38;
	v45 =	vmul.f32 v1, v38;
	v35 =	vadd.f32 v0, v49  }
0x2f6: {  	v38 =	vmul.f32 v41, v8;
	v0 =	vadd.f32 v9, v20;
	v26 =	vadd.f32 v50, v26  }
0x2f7: {  	v21 =	vadd.f32 v46, v27;
	v27 =	vadd.f32 v32, v61;
	v46 =	vmul.f32 v41, v56  }
0x2f8: {  	v61 =	vadd.f32 v33, v20;
	v33 =	vmul.f32 v7, v56;
	v47 =	vadd.f32 v58, v54  }
0x2f9: {  	v41 =	vadd.f32 v48, v0;
	v0 =	vmul.f32 v42, v8;
	v48 =	vmul.f32 v31, v39  }
0x2fa: {  	v21 =	vadd.f32 v60, v21;
	v60 =	vadd.f32 v52, v44;
	v44 =	vmul.f32 v42, v56  }
0x2fb: {  	v42 =	vmul.f32 v36, v39;
	v36 =	vadd.f32 v51, v61;
	v39 =	vadd.f32 v62, v55  }
0x2fc: {  	s14 =	simm.s32 $0x40;
	s15 =	sadd.s32 $0x200, s15;
	v31 =	vimm.f32 $0.0e+00;
	v32 =	vadd.f32 v0, v63;
	v43 =	vadd.f32 v43, v60  }
.LBB2_21:
0x2fd: {  	v9 =	vld [tilespmem:$0x1FEA0];
	_ =	sdelay $0x3  }
0x2fe: {  	v12 =	vmul.f32 v12, v15  }
0x2ff: {  	v0 =	vld [tilespmem:s15+$0x30];
	v15 =	vmul.f32 v18, v2;
	v4 =	vmul.f32 v4, v6;
	v6 =	vadd.f32 v40, v22  }
0x300: {  	v29 =	vmul.f32 v1, v29;
	v1 =	vld [tilespmem:s15+$0x90];
	v20 =	vadd.f32 v42, v20;
	v35 =	vadd.f32 v24, v35  }
0x301: {  	s7 =	sshra.s32 s14, $0x2;
	v40 =	vld [tilespmem:s15+$0xFFFFFF80];
	v24 =	vadd.f32 v46, v39;
	v63 =	vadd.f32 v37, v32  }
0x302: {  	v18 =	vadd.f32 v48, v31;
	v22 =	vadd.f32 v15, v34;
	v34 =	vld.idx.msk [tilespmem:v9+s7+$0x0 ss:$0x1], $0xffff  }
0x303: {  	v8 =	vmul.f32 v7, v8;
	v50 =	vld [tilespmem:s15+$0x10];
	v45 =	vadd.f32 v45, v47;
	v15 =	vadd.f32 v30, v28  }
0x304: {  	v17 =	vmul.f32 v17, v2;
	v52 =	vld [tilespmem:s15+$0x20];
	v28 =	vadd.f32 v33, v41;
	v30 =	vadd.f32 v38, v36  }
0x305: {  	v2 =	vmul.f32 v5, v3;
	v37 =	vld [tilespmem:s15+$0x80];
	v4 =	vadd.f32 v4, v16;
	v11 =	vadd.f32 v11, v20  }
0x306: {  	v3 =	vmul.f32 v7, v3;
	v31 =	vld [tilespmem:s15+$0x0];
	v18 =	vadd.f32 v12, v18;
	v7 =	vmovc v0;
	v0 =	vadd.f32 v8, v6  }
0x307: {  	v32 =	vld [tilespmem:s15+$0xFFFFFF30];
	v8 =	vadd.f32 v44, v4;
	v11 =	vadd.f32 v2, v11;
	v44 =	vbroadcast v34, $0x7  }
0x308: {  	v38 =	vld [tilespmem:s15+$0xFFFFFF10];
	v9 =	vadd.f32 v19, v28;
	v2 =	vbroadcast v34, $0xD;
	v28 =	vbroadcast v34, $0x2  }
0x309: {  	v47 =	vld [tilespmem:s15+$0xFFFFFF90];
	v13 =	vadd.f32 v3, v18;
	v3 =	vbroadcast v34, $0x9;
	v6 =	vbroadcast v34, $0x6  }
0x30a: {  	v36 =	vld [tilespmem:s15+$0xFFFFFF00];
	v10 =	vadd.f32 v53, v15;
	v49 =	vbroadcast v34, $0x3;
	v39 =	vbroadcast v34, $0x1  }
0x30b: {  	v41 =	vadd.f32 v29, v30;
	v4 =	vld [tilespmem:s15+$0xFFFFFFA0];
	v51 =	vbroadcast v34, $0xC;
	v15 =	vbroadcast v34, $0x5  }
0x30c: {  	v14 =	vadd.f32 v14, v8;
	[tilespmem:$0x1FE50] =	vst v9;
	v9 =	vld [tilespmem:$0x1FE70];
	v8 =	vbroadcast v34, $0xB;
	v29 =	vbroadcast v34, $0x0  }
0x30d: {  	v42 =	vld [tilespmem:s15+$0xFFFFFF20];
	v0 =	vadd.f32 v23, v0;
	v33 =	vmul.f32 v1, v2;
	v23 =	vmul.f32 v38, v28  }
0x30e: {  	v25 =	vadd.f32 v25, v10;
	v48 =	vmul.f32 v37, v51;
	v10 =	vmul.f32 v40, v15  }
0x30f: {  	v5 =	vmovc v31;
	v31 =	vadd.f32 v17, v13;
	v54 =	vmul.f32 v32, v29;
	v13 =	vmul.f32 v36, v28  }
0x310: {  	v17 =	vld [tilespmem:s15+$0xB0];
	v55 =	vmul.f32 v4, v15;
	v56 =	vmul.f32 v47, v15  }
0x311: {  	v20 =	vadd.f32 v9, v11;
	v9 =	vld [tilespmem:$0x1FE80];
	v57 =	vmul.f32 v50, v3;
	v58 =	vmul.f32 v52, v3  }
0x312: {  	v18 =	vld [tilespmem:s15+$0xA0];
	v19 =	vmul.f32 v42, v39;
	v53 =	vmul.f32 v5, v8  }
0x313: {  	v46 =	vmul.f32 v38, v39;
	[tilespmem:$0x1FE60] =	vst v10;
	v10 =	vmul.f32 v36, v29  }
0x314: {  	v62 =	vmul.f32 v36, v49;
	v11 =	vmul.f32 v4, v44  }
0x315: {  	v26 =	vadd.f32 v13, v26;
	v43 =	vadd.f32 v10, v43;
	v10 =	vmul.f32 v42, v28  }
0x316: {  	v13 =	vmul.f32 v17, v51;
	v30 =	vadd.f32 v9, v24;
	v9 =	vmul.f32 v42, v49  }
0x317: {  	v24 =	vmul.f32 v18, v51;
	v16 =	vadd.f32 v10, v14;
	v10 =	vmul.f32 v32, v49  }
0x318: {  	v60 =	vadd.f32 v19, v22;
	v14 =	vbroadcast v34, $0xE;
	v49 =	vmul.f32 v38, v49  }
0x319: {  	v59 =	vadd.f32 v9, v63;
	v9 =	vmul.f32 v37, v2;
	v63 =	vmul.f32 v32, v28  }
0x31a: {  	v61 =	vmul.f32 v37, v14;
	v22 =	vadd.f32 v10, v0;
	v19 =	vmul.f32 v17, v14  }
0x31b: {  	v12 =	vld [tilespmem:s15+$0xFFFFFFB0];
	v0 =	vadd.f32 v46, v27;
	v27 =	vbroadcast v34, $0x4;
	v46 =	vadd.f32 v55, v60  }
0x31c: {  	v55 =	vmul.f32 v38, v29;
	v60 =	vadd.f32 v23, v30;
	v30 =	vmul.f32 v40, v44  }
0x31d: {  	v23 =	vmul.f32 v42, v29;
	v29 =	vbroadcast v34, $0xF  }
0x31e: {  	v21 =	vadd.f32 v54, v21;
	v38 =	vmul.f32 v50, v8;
	[tilespmem:$0x1FE70] =	vst v9;
	v9 =	vmul.f32 v1, v14  }
0x31f: {  	v28 =	vadd.f32 v62, v25;
	v14 =	vmul.f32 v18, v14;
	v62 =	vmul.f32 v40, v27  }
0x320: {  	v42 =	vmul.f32 v4, v27;
	v45 =	vadd.f32 v55, v45;
	v55 =	vmul.f32 v12, v6  }
0x321: {  	v23 =	vadd.f32 v23, v35;
	v35 =	vbroadcast v34, $0x8;
	v25 =	vmul.f32 v37, v29  }
0x322: {  	v11 =	vadd.f32 v11, v59;
	v37 =	vmul.f32 v40, v6;
	[tilespmem:$0x1FE80] =	vst v9;
	v9 =	vbroadcast v34, $0xA  }
0x323: {  	v0 =	vadd.f32 v56, v0;
	v10 =	vmul.f32 v12, v27;
	v27 =	vmul.f32 v47, v27  }
0x324: {  	v40 =	vmul.f32 v12, v44;
	v26 =	vadd.f32 v37, v26;
	v56 =	vmul.f32 v5, v9  }
0x325: {  	v34 =	vadd.f32 v58, v46;
	v0 =	vadd.f32 v57, v0;
	v57 =	vmul.f32 v47, v6  }
0x326: {  	v47 =	vmul.f32 v47, v44;
	v10 =	vadd.f32 v10, v21;
	v26 =	vadd.f32 v56, v26  }
0x327: {  	v44 =	vmul.f32 v7, v35;
	v56 =	vadd.f32 v27, v45;
	v27 =	vadd.f32 v33, v0;
	v0 =	vld [tilespmem:$0x1FE50]  }
0x328: {  	v42 =	vadd.f32 v42, v23;
	v23 =	vmul.f32 v17, v29;
	v54 =	vmul.f32 v5, v35  }
0x329: {  	v58 =	vmul.f32 v50, v35;
	v21 =	vmul.f32 v52, v35;
	v10 =	vadd.f32 v44, v10  }
0x32a: {  	v37 =	vmul.f32 v18, v29;
	v43 =	vadd.f32 v62, v43;
	v46 =	vmul.f32 v50, v9  }
0x32b: {  	p2 =	sne.s32 s14, $0x1C0;
	v35 =	vadd.f32 v21, v42;
	v44 =	vmul.f32 v52, v9;
	v21 =	vadd.f32 v13, v10  }
.Ltmp8:
0x32c: {  	v42 =	vmul.f32 v36, v39;
	v10 =	vadd.f32 v54, v43;
	v0 =	vadd.f32 v63, v0;
	(pc) =	sbr.rel @p2 .LBB2_21-.Ltmp8, $4  }
0x32d: {  	v45 =	vmul.f32 v1, v51;
	v13 =	vadd.f32 v49, v41;
	v26 =	vadd.f32 v61, v26  }
0x32e: {  	v43 =	vadd.f32 v48, v10;
	v41 =	vadd.f32 v55, v0;
	v0 =	vmul.f32 v52, v8  }
0x32f: {  	v33 =	vmul.f32 v7, v9;
	v36 =	vadd.f32 v47, v13;
	v47 =	vadd.f32 v58, v56  }
0x330: {  	s14 =	sadd.s32 $0x40, s14;
	s15 =	sadd.s32 $0x200, s15;
	v48 =	vmul.f32 v32, v39;
	v39 =	vadd.f32 v57, v60;
	v32 =	vadd.f32 v0, v11;
	v11 =	vld [tilespmem:$0x1FE60]  }
0x331: {  	v0 =	vadd.f32 v42, v20;
	v47 =	vadd.f32 v45, v47  }
0x332: {  	[tilespmem:s13+$0x1C840] =	vst v43;
	v57 =	vadd.f32 v40, v22;
	v58 =	vadd.f32 v30, v28  }
0x333: {  	v51 =	vmul.f32 v18, v2;
	[tilespmem:s13+$0x1C870] =	vst v21;
	v59 =	vadd.f32 v33, v41;
	v62 =	vadd.f32 v38, v36  }
0x334: {  	v4 =	vmul.f32 v4, v6;
	[tilespmem:s13+$0x1C950] =	vst v27;
	v60 =	vld [tilespmem:$0x1FE80];
	v10 =	vadd.f32 v48, v31;
	v48 =	vadd.f32 v24, v35  }
0x335: {  	[tilespmem:s13+$0x1CA40] =	vst v26;
	v1 =	vmul.f32 v1, v29;
	v54 =	vadd.f32 v46, v39;
	v63 =	vadd.f32 v37, v32  }
0x336: {  	v9 =	vmul.f32 v12, v15;
	v52 =	vld [tilespmem:$0x1FE70];
	[tilespmem:s13+$0x1C850] =	vst v47;
	v56 =	vadd.f32 v51, v34;
	v4 =	vadd.f32 v4, v16  }
0x337: {  	v5 =	vmul.f32 v5, v3;
	v1 =	vadd.f32 v1, v62;
	[tilespmem:s13+$0x1C860] =	vst v48;
	v0 =	vadd.f32 v11, v0  }
0x338: {  	v50 =	vmul.f32 v7, v3;
	v49 =	vadd.f32 v9, v10;
	[tilespmem:s13+$0x1CB60] =	vst v63;
	v4 =	vadd.f32 v44, v4  }
0x339: {  	[tilespmem:s13+$0x1C960] =	vst v56;
	v6 =	vadd.f32 v60, v54;
	v0 =	vadd.f32 v5, v0  }
0x33a: {  	v55 =	vmul.f32 v17, v2;
	[tilespmem:s13+$0x1CB50] =	vst v1;
	v3 =	vadd.f32 v50, v49;
	v4 =	vadd.f32 v14, v4  }
0x33b: {  	v61 =	vmul.f32 v7, v8;
	v5 =	vadd.f32 v19, v59;
	[tilespmem:s13+$0x1CA50] =	vst v6;
	v0 =	vadd.f32 v52, v0  }
0x33c: {  	v2 =	vadd.f32 v55, v3;
	v3 =	vadd.f32 v53, v58;
	[tilespmem:s13+$0x1CA60] =	vst v4  }
.Ltmp9:
0x33d: {  	[tilespmem:s13+$0x1C940] =	vst v0;
	v0 =	vadd.f32 v61, v57;
	(pc) =	sbr.rel @p1 .LBB2_18-.Ltmp9, $4  }
0x33e: {  	[tilespmem:s13+$0x1CA70] =	vst v5;
	v3 =	vadd.f32 v25, v3  }
0x33f: {  	[tilespmem:s13+$0x1C970] =	vst v2;
	v0 =	vadd.f32 v23, v0  }
0x340: {  	[tilespmem:s13+$0x1CB40] =	vst v3  }
0x341: {  	s14 =	simm.s32 $0x1;
	p2 =	por $0x0, $0x0;
	[tilespmem:s13+$0x1CB70] =	vst v0  }
0x342: {  	s7 =	sshll.u32 s8, $0x1  }
0x343: {  	s13 =	sor.u32 s6, s7  }
0x344: {  	p1 =	sgt.u32 s13, $0x9D  }
0x345: {  	s25 =	sshll.u32 s8, $0x9;
	s14 =	sshll.u32 @!p1 s13, $0x6  }
0x346: {  	s15 =	simm.s32 @!p1 $0x40;
	s13 =	sshll.u32 s13, $0xA;
	s14 =	sand.u32 @!p1 $0x3FFFFFC0, s14  }
0x347: {  	s16 =	simm.s32 @!p1 $0x18800;
	s13 =	sadd.s32 s11, s13;
	s14 =	sadd.s32 @!p1 $0x14080, s14  }
0x348: {  	[tilespmem:s16], [sflag:$0x1] =	stream.indirect.gather @!p1 [spmem:s1], $0x80, s14, s15, $0xb8;
	[tilespmem:$0x1D000] =	vst v63  }
0x349: {  	s13 =	sand.u32 $0x7FFFF000, s13;
	s14 =	sand.u32 $0x200, s25  }
0x34a: {  	s13 =	sor.u32 s14, s13  }
0x34b: {  	s13 =	sshrl.u32 s13, $0x3  }
0x34c: {  	s13 =	sadd.s32 s5, s13  }
0x34d: {  	[hbm4b:s13+s28] =	stream.strided.scatter [tilespmem:s30], [sflag:$0x3], $0x400, s29, s28, $0x38;
	[tilespmem:$0x1D000] =	vst v63  }
0x34e: {  	_ =	swait.ge [sflag:s31], $0x2000  }
0x34f: {  	[sflag:s31] =	ssyncset.done $0x0  }
0x350: {  	[sflag:s31] =	ssyncadd.s32 $0xFFFFE000  }
0x351: {  	_ =	swait.ge [sflag:s22], $0x400  }
0x352: {  	p2 =	por $0x1, $0x1;
	[sflag:s22] =	ssyncset.done $0x0  }
0x353: {  	s15 =	simm.s32 $0x0;
	s13 =	sor.u32 $0x1, s7;
	[sflag:s22] =	ssyncadd.s32 $0xFFFFFC00  }
.LBB2_24:
0x354: {  	s7 =	sshll.u32 s15, $0x9  }
0x355: {  	s14 =	sshrl.u32 s7, $0x2  }
0x356: {  	s7 =	sadd.s32 s14, s10  }
0x357: {  	v0 =	vmov s7;
	_ =	sdelay $0x3  }
0x358: {  	s16 =	simm.s32 $0x0  }
0x359: {  	s25 =	sshll.u32 s15, $0xE;
	v7 =	vld.idx.msk [tilespmem:v0+s16+$0x0 ss:$0x1], $0xffff  }
0x35a: {  	s15 =	sshra.s32 s25, $0x2  }
0x35b: {  	s17 =	sadd.s32 $0x1A900, s15  }
0x35c: {  	v1 =	vld [tilespmem:s17+$0x90]  }
0x35d: {  	v21 =	vld [tilespmem:s17+$0xFFFFFF10]  }
0x35e: {  	v23 =	vld [tilespmem:s17+$0xFFFFFF20];
	v26 =	vbroadcast v7, $0x7  }
0x35f: {  	v25 =	vld [tilespmem:s17+$0x80];
	v2 =	vbroadcast v7, $0xD;
	v14 =	vbroadcast v7, $0x2  }
0x360: {  	v27 =	vld [tilespmem:s17+$0xFFFFFF80];
	v3 =	vbroadcast v7, $0x9;
	v6 =	vbroadcast v7, $0x6  }
0x361: {  	v32 =	vld [tilespmem:s17+$0xFFFFFF30];
	v33 =	vbroadcast v7, $0x3;
	v39 =	vbroadcast v7, $0x1  }
0x362: {  	v36 =	vld [tilespmem:s17+$0xFFFFFF00];
	v38 =	vbroadcast v7, $0xC;
	v15 =	vbroadcast v7, $0x5  }
0x363: {  	v4 =	vld [tilespmem:s17+$0xFFFFFFA0];
	v8 =	vbroadcast v7, $0xB;
	v29 =	vbroadcast v7, $0x0  }
0x364: {  	v35 =	vld [tilespmem:s17+$0xFFFFFF90];
	v47 =	vbroadcast v7, $0xE;
	v53 =	vbroadcast v7, $0x4  }
0x365: {  	v41 =	vld [tilespmem:s17+$0x10];
	v56 =	vbroadcast v7, $0xA;
	v58 =	vbroadcast v7, $0x8  }
0x366: {  	v42 =	vld [tilespmem:s17+$0x20];
	[tilespmem:$0x1FE10] =	vst v0;
	v0 =	vmul.f32 v1, v2;
	v28 =	vmul.f32 v21, v14  }
0x367: {  	v5 =	vld [tilespmem:s17+$0x0];
	v43 =	vmul.f32 v25, v38;
	v9 =	vmul.f32 v23, v33  }
0x368: {  	v18 =	vld [tilespmem:s17+$0xA0];
	v11 =	vmul.f32 v27, v15;
	v10 =	vmul.f32 v36, v29  }
0x369: {  	v37 =	vmul.f32 v32, v29;
	v12 =	vmul.f32 v36, v14  }
0x36a: {  	v30 =	vmul.f32 v4, v15;
	v16 =	vmul.f32 v23, v14  }
0x36b: {  	v34 =	vmul.f32 v35, v15;
	v40 =	vmul.f32 v41, v3  }
0x36c: {  	v45 =	vmul.f32 v42, v3;
	v13 =	vmul.f32 v5, v8  }
0x36d: {  	v19 =	vmul.f32 v32, v33;
	v24 =	vmul.f32 v18, v38  }
0x36e: {  	v49 =	vmul.f32 v21, v39;
	v51 =	vmul.f32 v25, v47  }
0x36f: {  	v52 =	vmul.f32 v36, v33;
	v54 =	vmul.f32 v32, v14  }
0x370: {  	v14 =	vmul.f32 v18, v47;
	v63 =	vmul.f32 v21, v29  }
0x371: {  	v17 =	vld [tilespmem:s17+$0xB0];
	v57 =	vmul.f32 v27, v53;
	v59 =	vmul.f32 v5, v56  }
0x372: {  	v20 =	vimm.f32 $0.0e+00;
	v62 =	vmul.f32 v35, v6;
	v31 =	vmul.f32 v4, v26  }
0x373: {  	v33 =	vmul.f32 v21, v33;
	v44 =	vadd.f32 v10, v20;
	v46 =	vadd.f32 v12, v20  }
0x374: {  	v10 =	vmul.f32 v23, v39;
	v16 =	vadd.f32 v16, v20;
	v48 =	vadd.f32 v9, v20  }
0x375: {  	[tilespmem:$0x1FE40] =	vst v0;
	v0 =	vmul.f32 v25, v2;
	v22 =	vadd.f32 v19, v20;
	v49 =	vadd.f32 v49, v20  }
0x376: {  	v19 =	vmul.f32 v17, v47;
	v55 =	vadd.f32 v28, v20;
	v28 =	vadd.f32 v52, v20  }
0x377: {  	v12 =	vld [tilespmem:s17+$0xFFFFFFB0];
	v23 =	vmul.f32 v23, v29;
	v52 =	vmul.f32 v4, v53;
	v37 =	vadd.f32 v37, v20  }
0x378: {  	v29 =	vbroadcast v7, $0xF;
	v50 =	vadd.f32 v10, v20;
	v34 =	vadd.f32 v34, v49  }
0x379: {  	[tilespmem:$0x1FE20] =	vst v0;
	v0 =	vmul.f32 v1, v47;
	v47 =	vadd.f32 v63, v20;
	v23 =	vadd.f32 v23, v20  }
0x37a: {  	v25 =	vmul.f32 v25, v29;
	v63 =	vmul.f32 v41, v58;
	v31 =	vadd.f32 v31, v48  }
0x37b: {  	v7 =	vld [tilespmem:s17+$0x30];
	v48 =	vmul.f32 v32, v39;
	v50 =	vadd.f32 v30, v50;
	v30 =	vmul.f32 v27, v26  }
0x37c: {  	v44 =	vadd.f32 v57, v44;
	v27 =	vmul.f32 v27, v6;
	v49 =	vmul.f32 v12, v6  }
0x37d: {  	v61 =	vadd.f32 v40, v34;
	v60 =	vmul.f32 v12, v53;
	v40 =	vmul.f32 v12, v26  }
0x37e: {  	v34 =	vadd.f32 v45, v50;
	v45 =	vmul.f32 v35, v53;
	v50 =	vadd.f32 v52, v23  }
0x37f: {  	v52 =	vmul.f32 v35, v26;
	v27 =	vadd.f32 v27, v46;
	v53 =	vmul.f32 v5, v58  }
0x380: {  	[tilespmem:$0x1FE30] =	vst v0;
	v0 =	vld [tilespmem:$0x1FE40];
	v46 =	vmul.f32 v7, v58;
	v35 =	vmul.f32 v42, v58;
	v58 =	vadd.f32 v54, v20  }
0x381: {  	v23 =	vmul.f32 v17, v29;
	v26 =	vadd.f32 v59, v27;
	v47 =	vadd.f32 v45, v47  }
0x382: {  	v27 =	vadd.f32 v60, v37;
	v37 =	vmul.f32 v18, v29;
	v60 =	vmul.f32 v17, v38  }
0x383: {  	v45 =	vmul.f32 v1, v38;
	v38 =	vmul.f32 v41, v8;
	v35 =	vadd.f32 v35, v50  }
0x384: {  	v59 =	vadd.f32 v53, v44;
	v44 =	vmul.f32 v42, v56;
	v26 =	vadd.f32 v51, v26  }
0x385: {  	v21 =	vadd.f32 v46, v27;
	v27 =	vadd.f32 v0, v61;
	v46 =	vmul.f32 v41, v56  }
0x386: {  	v41 =	vadd.f32 v49, v58;
	v61 =	vmul.f32 v42, v8;
	v43 =	vadd.f32 v43, v59  }
0x387: {  	v42 =	vmul.f32 v36, v39;
	v21 =	vadd.f32 v60, v21;
	v60 =	vadd.f32 v33, v20  }
0x388: {  	v47 =	vadd.f32 v63, v47;
	v39 =	vadd.f32 v62, v55;
	v33 =	vmul.f32 v7, v56  }
0x389: {  	p1 =	por p2, p2;
	s16 =	simm.s32 $0x40;
	s17 =	sadd.s32 $0x200, s17;
	v32 =	vadd.f32 v61, v31;
	v31 =	vimm.f32 $0.0e+00;
	v36 =	vadd.f32 v52, v60  }
.LBB2_25:
0x38a: {  	v0 =	vld [tilespmem:$0x1FE10];
	_ =	sdelay $0x3  }
0x38b: {  	v12 =	vmul.f32 v12, v15;
	v4 =	vmul.f32 v4, v6;
	v6 =	vadd.f32 v40, v22  }
0x38c: {  	v49 =	vld [tilespmem:s17+$0x30];
	v15 =	vmul.f32 v18, v2;
	v20 =	vadd.f32 v42, v20;
	v35 =	vadd.f32 v24, v35  }
0x38d: {  	v29 =	vmul.f32 v1, v29;
	v1 =	vld [tilespmem:s17+$0x90];
	v24 =	vadd.f32 v46, v39;
	v63 =	vadd.f32 v37, v32  }
0x38e: {  	s7 =	sshra.s32 s16, $0x2;
	v40 =	vld [tilespmem:s17+$0xFFFFFF80];
	v18 =	vadd.f32 v48, v31;
	v22 =	vadd.f32 v15, v34  }
0x38f: {  	v8 =	vmul.f32 v7, v8;
	v15 =	vadd.f32 v30, v28;
	v28 =	vadd.f32 v33, v41;
	v34 =	vld.idx.msk [tilespmem:v0+s7+$0x0 ss:$0x1], $0xffff  }
0x390: {  	v50 =	vld [tilespmem:s17+$0x10];
	v30 =	vadd.f32 v38, v36;
	v4 =	vadd.f32 v4, v16  }
0x391: {  	v17 =	vmul.f32 v17, v2;
	v42 =	vld [tilespmem:s17+$0xFFFFFF20];
	v6 =	vadd.f32 v8, v6;
	v18 =	vadd.f32 v12, v18  }
0x392: {  	v2 =	vmul.f32 v5, v3;
	v37 =	vld [tilespmem:s17+$0x80];
	v11 =	vadd.f32 v11, v20;
	v33 =	vadd.f32 v19, v28  }
0x393: {  	v3 =	vmul.f32 v7, v3;
	v31 =	vld [tilespmem:s17+$0x0];
	v8 =	vadd.f32 v44, v4;
	v19 =	vadd.f32 v23, v6  }
0x394: {  	v32 =	vld [tilespmem:s17+$0xFFFFFF30];
	v11 =	vadd.f32 v2, v11;
	v0 =	vadd.f32 v13, v15;
	v44 =	vbroadcast v34, $0x7  }
0x395: {  	v38 =	vld [tilespmem:s17+$0xFFFFFF10];
	v13 =	vadd.f32 v3, v18;
	v2 =	vbroadcast v34, $0xD;
	v28 =	vbroadcast v34, $0x2  }
0x396: {  	v25 =	vadd.f32 v25, v0;
	v0 =	vld [tilespmem:$0x1FE20];
	v3 =	vbroadcast v34, $0x9;
	v6 =	vbroadcast v34, $0x6  }
0x397: {  	v45 =	vadd.f32 v45, v47;
	v36 =	vld [tilespmem:s17+$0xFFFFFF00];
	v7 =	vmovc v49;
	v49 =	vbroadcast v34, $0x3;
	v39 =	vbroadcast v34, $0x1  }
0x398: {  	v47 =	vld [tilespmem:s17+$0xFFFFFF90];
	v41 =	vadd.f32 v29, v30;
	v51 =	vbroadcast v34, $0xC;
	v15 =	vbroadcast v34, $0x5  }
0x399: {  	v4 =	vld [tilespmem:s17+$0xFFFFFFA0];
	v14 =	vadd.f32 v14, v8;
	v8 =	vbroadcast v34, $0xB;
	v29 =	vbroadcast v34, $0x0  }
0x39a: {  	v52 =	vld [tilespmem:s17+$0x20];
	v48 =	vmul.f32 v1, v2;
	v23 =	vmul.f32 v38, v28  }
0x39b: {  	v20 =	vadd.f32 v0, v11;
	v0 =	vmul.f32 v37, v51;
	v9 =	vmul.f32 v42, v49  }
0x39c: {  	v53 =	vmul.f32 v40, v15;
	v10 =	vmul.f32 v36, v29  }
0x39d: {  	v5 =	vmovc v31;
	v31 =	vadd.f32 v17, v13;
	v54 =	vmul.f32 v32, v29;
	v13 =	vmul.f32 v36, v28  }
0x39e: {  	v55 =	vmul.f32 v4, v15;
	v56 =	vmul.f32 v47, v15  }
0x39f: {  	v57 =	vmul.f32 v50, v3;
	v58 =	vmul.f32 v52, v3  }
0x3a0: {  	v59 =	vmul.f32 v42, v39;
	v46 =	vmul.f32 v38, v39  }
0x3a1: {  	v62 =	vmul.f32 v36, v49;
	v43 =	vadd.f32 v10, v43;
	v10 =	vmul.f32 v42, v28  }
0x3a2: {  	v12 =	vld [tilespmem:s17+$0xFFFFFFB0];
	v26 =	vadd.f32 v13, v26;
	v13 =	vmul.f32 v5, v8;
	v60 =	vadd.f32 v9, v63  }
0x3a3: {  	v59 =	vadd.f32 v59, v22;
	v27 =	vadd.f32 v46, v27;
	v46 =	vbroadcast v34, $0x4  }
0x3a4: {  	v17 =	vld [tilespmem:s17+$0xB0];
	v63 =	vmul.f32 v32, v28;
	v9 =	vbroadcast v34, $0xA;
	v28 =	vadd.f32 v62, v25  }
0x3a5: {  	[tilespmem:$0x1FE00] =	vst v0;
	v0 =	vld [tilespmem:$0x1FE30];
	v16 =	vadd.f32 v10, v14;
	v10 =	vmul.f32 v32, v49;
	v14 =	vbroadcast v34, $0xE  }
0x3a6: {  	v55 =	vadd.f32 v55, v59;
	v59 =	vmul.f32 v38, v29;
	v62 =	vmul.f32 v40, v46  }
0x3a7: {  	v18 =	vld [tilespmem:s17+$0xA0];
	v25 =	vadd.f32 v56, v27;
	v56 =	vmul.f32 v12, v6;
	v49 =	vmul.f32 v38, v49  }
0x3a8: {  	v38 =	vmul.f32 v50, v8;
	v61 =	vmul.f32 v37, v14  }
0x3a9: {  	v22 =	vadd.f32 v10, v19;
	v19 =	vmul.f32 v17, v14;
	v27 =	vadd.f32 v59, v45  }
0x3aa: {  	v45 =	vmul.f32 v5, v9;
	v30 =	vadd.f32 v0, v24;
	v0 =	vmul.f32 v37, v2  }
0x3ab: {  	v21 =	vadd.f32 v54, v21;
	v59 =	vmul.f32 v12, v46;
	v10 =	vmul.f32 v47, v6  }
0x3ac: {  	v24 =	vmul.f32 v18, v51;
	[tilespmem:$0x1FE20] =	vst v0;
	v0 =	vmul.f32 v1, v14  }
0x3ad: {  	v21 =	vadd.f32 v59, v21;
	v59 =	vmul.f32 v17, v51;
	v14 =	vmul.f32 v18, v14  }
0x3ae: {  	[tilespmem:$0x1FE30] =	vst v0;
	v0 =	vadd.f32 v23, v30;
	v30 =	vmul.f32 v40, v44;
	v23 =	vmul.f32 v42, v29  }
0x3af: {  	v57 =	vadd.f32 v57, v25;
	v42 =	vmul.f32 v4, v46;
	v29 =	vbroadcast v34, $0xF  }
0x3b0: {  	v43 =	vadd.f32 v62, v43;
	v46 =	vmul.f32 v47, v46;
	v47 =	vmul.f32 v47, v44  }
0x3b1: {  	v23 =	vadd.f32 v23, v35;
	v35 =	vbroadcast v34, $0x8;
	v25 =	vmul.f32 v37, v29  }
0x3b2: {  	v37 =	vmul.f32 v40, v6;
	v34 =	vadd.f32 v58, v55;
	v40 =	vmul.f32 v12, v44  }
0x3b3: {  	v58 =	vmul.f32 v4, v44;
	v11 =	vadd.f32 v46, v27;
	v27 =	vadd.f32 v48, v57  }
0x3b4: {  	v42 =	vadd.f32 v42, v23;
	v54 =	vmul.f32 v5, v35;
	v44 =	vmul.f32 v7, v35  }
0x3b5: {  	v26 =	vadd.f32 v37, v26;
	v55 =	vmul.f32 v50, v35;
	v35 =	vmul.f32 v52, v35  }
0x3b6: {  	v46 =	vmul.f32 v50, v9;
	v62 =	vadd.f32 v58, v60;
	v21 =	vadd.f32 v44, v21  }
0x3b7: {  	v48 =	vmul.f32 v32, v39;
	v26 =	vadd.f32 v45, v26;
	v35 =	vadd.f32 v35, v42  }
0x3b8: {  	p2 =	sne.s32 s16, $0x1C0;
	v23 =	vmul.f32 v17, v29;
	v21 =	vadd.f32 v59, v21;
	v59 =	vadd.f32 v63, v33;
	v63 =	vld [tilespmem:$0x1FE00]  }
.Ltmp10:
0x3b9: {  	v43 =	vadd.f32 v54, v43;
	v42 =	vmul.f32 v36, v39;
	v39 =	vadd.f32 v10, v0;
	(pc) =	sbr.rel @p2 .LBB2_25-.Ltmp10, $4  }
0x3ba: {  	v44 =	vmul.f32 v52, v9;
	v26 =	vadd.f32 v61, v26;
	v61 =	vadd.f32 v49, v41  }
0x3bb: {  	v33 =	vmul.f32 v7, v9;
	v9 =	vmul.f32 v52, v8;
	v41 =	vadd.f32 v56, v59  }
0x3bc: {  	v37 =	vmul.f32 v18, v29;
	v36 =	vadd.f32 v47, v61;
	v47 =	vadd.f32 v55, v11  }
0x3bd: {  	s16 =	sadd.s32 $0x40, s16;
	s17 =	sadd.s32 $0x200, s17;
	v45 =	vmul.f32 v1, v51;
	v11 =	vmovc v53;
	v32 =	vadd.f32 v9, v62;
	v43 =	vadd.f32 v63, v43  }
0x3be: {  	v0 =	vadd.f32 v42, v20  }
0x3bf: {  	v5 =	vmul.f32 v5, v3;
	v9 =	vmul.f32 v12, v15  }
0x3c0: {  	v10 =	vadd.f32 v48, v31;
	v4 =	vmul.f32 v4, v6;
	v6 =	vld [tilespmem:$0x1FE20];
	v0 =	vadd.f32 v11, v0;
	_ =	sdelay $0x1  }
0x3c1: {  	v3 =	vmul.f32 v7, v3;
	v0 =	vadd.f32 v5, v0;
	v5 =	vadd.f32 v9, v10;
	_ =	sdelay $0x1  }
0x3c2: {  	v9 =	vmul.f32 v18, v2;
	v2 =	vmul.f32 v17, v2;
	v3 =	vadd.f32 v3, v5  }
0x3c3: {  	v0 =	vadd.f32 v6, v0  }
0x3c4: {  	[tilespmem:s14+$0x1CC30] =	vst v21;
	v2 =	vadd.f32 v2, v3  }
0x3c5: {  	[tilespmem:s14+$0x1CD00] =	vst v0  }
0x3c6: {  	v0 =	vadd.f32 v40, v22;
	[tilespmem:s14+$0x1CD30] =	vst v2;
	v2 =	vmul.f32 v7, v8  }
0x3c7: {  	v12 =	vadd.f32 v24, v35;
	[tilespmem:s14+$0x1CD10] =	vst v27  }
0x3c8: {  	[tilespmem:s14+$0x1CE00] =	vst v26;
	v4 =	vadd.f32 v4, v16;
	v0 =	vadd.f32 v2, v0  }
0x3c9: {  	[tilespmem:s14+$0x1CC00] =	vst v43;
	v11 =	vadd.f32 v45, v47;
	v5 =	vadd.f32 v9, v34;
	v9 =	vld [tilespmem:$0x1FE30]  }
0x3ca: {  	[tilespmem:s14+$0x1CC20] =	vst v12;
	v4 =	vadd.f32 v44, v4;
	v0 =	vadd.f32 v23, v0  }
0x3cb: {  	v3 =	vadd.f32 v30, v28;
	[tilespmem:s14+$0x1CD20] =	vst v5;
	v5 =	vadd.f32 v33, v41  }
0x3cc: {  	v6 =	vadd.f32 v46, v39;
	v4 =	vadd.f32 v14, v4;
	[tilespmem:s14+$0x1CF30] =	vst v0;
	v0 =	vld [tilespmem:$0x1FE10]  }
0x3cd: {  	[tilespmem:s14+$0x1CC10] =	vst v11;
	v3 =	vadd.f32 v13, v3;
	v5 =	vadd.f32 v19, v5  }
0x3ce: {  	v1 =	vmul.f32 v1, v29;
	[tilespmem:s14+$0x1CE20] =	vst v4;
	v7 =	vadd.f32 v38, v36;
	v6 =	vadd.f32 v9, v6  }
0x3cf: {  	v3 =	vadd.f32 v25, v3;
	[tilespmem:s14+$0x1CE30] =	vst v5  }
0x3d0: {  	v1 =	vadd.f32 v1, v7;
	[tilespmem:s14+$0x1CE10] =	vst v6  }
0x3d1: {  	v2 =	vadd.f32 v37, v32;
	[tilespmem:s14+$0x1CF00] =	vst v3  }
0x3d2: {  	[tilespmem:s14+$0x1CF10] =	vst v1  }
0x3d3: {  	s7 =	simm.s32 $0x0;
	[tilespmem:s14+$0x1CF20] =	vst v2  }
0x3d4: {  	v0 =	vld.idx.msk [tilespmem:v0+s7+$0x0 ss:$0x1], $0xffff;
	_ =	sdelay $0x1  }
0x3d5: {  	s16 =	sadd.s32 $0x1A940, s15  }
0x3d6: {  	v1 =	vld [tilespmem:s16+$0x90]  }
0x3d7: {  	v21 =	vld [tilespmem:s16+$0xFFFFFF10]  }
0x3d8: {  	v7 =	vld [tilespmem:s16+$0xFFFFFF20];
	v26 =	vbroadcast v0, $0x7  }
0x3d9: {  	v23 =	vld [tilespmem:s16+$0x80];
	v2 =	vbroadcast v0, $0xD;
	v14 =	vbroadcast v0, $0x2  }
0x3da: {  	v27 =	vld [tilespmem:s16+$0xFFFFFF80];
	v3 =	vbroadcast v0, $0x9;
	v6 =	vbroadcast v0, $0x6  }
0x3db: {  	v31 =	vld [tilespmem:s16+$0xFFFFFF30];
	v33 =	vbroadcast v0, $0x3;
	v39 =	vbroadcast v0, $0x1  }
0x3dc: {  	v36 =	vld [tilespmem:s16+$0xFFFFFF00];
	v38 =	vbroadcast v0, $0xC;
	v15 =	vbroadcast v0, $0x5  }
0x3dd: {  	v4 =	vld [tilespmem:s16+$0xFFFFFFA0];
	v8 =	vbroadcast v0, $0xB;
	v29 =	vbroadcast v0, $0x0  }
0x3de: {  	v35 =	vld [tilespmem:s16+$0xFFFFFF90];
	v30 =	vbroadcast v0, $0xE;
	v52 =	vbroadcast v0, $0x4  }
0x3df: {  	v41 =	vld [tilespmem:s16+$0x10];
	v56 =	vbroadcast v0, $0xA;
	v32 =	vmul.f32 v1, v2  }
0x3e0: {  	v42 =	vld [tilespmem:s16+$0x20];
	v25 =	vmul.f32 v21, v14;
	v43 =	vmul.f32 v23, v38  }
0x3e1: {  	v5 =	vld [tilespmem:s16+$0x0];
	v9 =	vmul.f32 v7, v33;
	v11 =	vmul.f32 v27, v15  }
0x3e2: {  	v18 =	vld [tilespmem:s16+$0xA0];
	v10 =	vmul.f32 v36, v29;
	v37 =	vmul.f32 v31, v29  }
0x3e3: {  	v12 =	vmul.f32 v36, v14;
	v28 =	vmul.f32 v4, v15  }
0x3e4: {  	v16 =	vmul.f32 v7, v14;
	v62 =	vmul.f32 v35, v15  }
0x3e5: {  	v40 =	vmul.f32 v41, v3;
	v45 =	vmul.f32 v42, v3  }
0x3e6: {  	v53 =	vmul.f32 v5, v8;
	v19 =	vmul.f32 v31, v33  }
0x3e7: {  	v24 =	vmul.f32 v18, v38;
	v63 =	vmul.f32 v21, v39  }
0x3e8: {  	v17 =	vld [tilespmem:s16+$0xB0];
	v50 =	vmul.f32 v23, v30;
	v51 =	vmul.f32 v36, v33  }
0x3e9: {  	v20 =	vimm.f32 $0.0e+00;
	v54 =	vmul.f32 v21, v29;
	v57 =	vmul.f32 v27, v52  }
0x3ea: {  	v59 =	vmul.f32 v5, v56;
	v33 =	vmul.f32 v21, v33;
	v44 =	vadd.f32 v10, v20  }
0x3eb: {  	v10 =	vmul.f32 v7, v39;
	v46 =	vadd.f32 v12, v20;
	v16 =	vadd.f32 v16, v20  }
0x3ec: {  	v47 =	vadd.f32 v9, v20;
	v9 =	vmul.f32 v23, v2;
	v22 =	vadd.f32 v19, v20  }
0x3ed: {  	v19 =	vmul.f32 v17, v30;
	v48 =	vadd.f32 v63, v20;
	v55 =	vadd.f32 v25, v20  }
0x3ee: {  	v7 =	vmul.f32 v7, v29;
	v54 =	vadd.f32 v54, v20;
	v29 =	vbroadcast v0, $0xF  }
0x3ef: {  	v0 =	vbroadcast v0, $0x8;
	[tilespmem:$0x1FDE0] =	vst v9;
	v49 =	vadd.f32 v10, v20;
	v9 =	vmul.f32 v1, v30  }
0x3f0: {  	v12 =	vld [tilespmem:s16+$0xFFFFFFB0];
	v37 =	vadd.f32 v37, v20;
	v63 =	vmul.f32 v4, v26;
	v25 =	vadd.f32 v62, v48  }
0x3f1: {  	v62 =	vmul.f32 v35, v6;
	[tilespmem:$0x1FDF0] =	vst v9;
	v9 =	vmul.f32 v31, v14;
	v49 =	vadd.f32 v28, v49  }
0x3f2: {  	v14 =	vmul.f32 v18, v30;
	v28 =	vadd.f32 v51, v20;
	v30 =	vmul.f32 v27, v26  }
0x3f3: {  	v51 =	vmul.f32 v4, v52;
	v61 =	vadd.f32 v40, v25;
	v25 =	vmul.f32 v23, v29  }
0x3f4: {  	v58 =	vadd.f32 v7, v20;
	v7 =	vld [tilespmem:s16+$0x30];
	v27 =	vmul.f32 v27, v6;
	v23 =	vmul.f32 v17, v29  }
0x3f5: {  	v44 =	vadd.f32 v57, v44;
	v48 =	vmul.f32 v12, v6;
	v60 =	vmul.f32 v12, v52  }
0x3f6: {  	v40 =	vmul.f32 v12, v26;
	v34 =	vadd.f32 v45, v49;
	v45 =	vmul.f32 v35, v52  }
0x3f7: {  	v49 =	vadd.f32 v51, v58;
	v51 =	vmul.f32 v35, v26;
	v27 =	vadd.f32 v27, v46  }
0x3f8: {  	v63 =	vadd.f32 v63, v47;
	v52 =	vmul.f32 v5, v0;
	v58 =	vmul.f32 v41, v0  }
0x3f9: {  	v46 =	vmul.f32 v7, v0;
	v0 =	vmul.f32 v42, v0;
	v26 =	vadd.f32 v59, v27  }
0x3fa: {  	v54 =	vadd.f32 v45, v54;
	v27 =	vadd.f32 v60, v37;
	v37 =	vmul.f32 v18, v29  }
0x3fb: {  	v60 =	vmul.f32 v17, v38;
	v45 =	vmul.f32 v1, v38;
	v35 =	vadd.f32 v0, v49  }
0x3fc: {  	v38 =	vmul.f32 v41, v8;
	v0 =	vadd.f32 v9, v20;
	v26 =	vadd.f32 v50, v26  }
0x3fd: {  	v21 =	vadd.f32 v46, v27;
	v27 =	vadd.f32 v32, v61;
	v46 =	vmul.f32 v41, v56  }
0x3fe: {  	v61 =	vadd.f32 v33, v20;
	v33 =	vmul.f32 v7, v56;
	v47 =	vadd.f32 v58, v54  }
0x3ff: {  	v41 =	vadd.f32 v48, v0;
	v0 =	vmul.f32 v42, v8;
	v48 =	vmul.f32 v31, v39  }
0x400: {  	v21 =	vadd.f32 v60, v21;
	v60 =	vadd.f32 v52, v44;
	v44 =	vmul.f32 v42, v56  }
0x401: {  	v42 =	vmul.f32 v36, v39;
	v36 =	vadd.f32 v51, v61;
	v39 =	vadd.f32 v62, v55  }
0x402: {  	s15 =	simm.s32 $0x40;
	s16 =	sadd.s32 $0x200, s16;
	v31 =	vimm.f32 $0.0e+00;
	v32 =	vadd.f32 v0, v63;
	v43 =	vadd.f32 v43, v60  }
.LBB2_27:
0x403: {  	v9 =	vld [tilespmem:$0x1FE10];
	_ =	sdelay $0x3  }
0x404: {  	v12 =	vmul.f32 v12, v15  }
0x405: {  	v0 =	vld [tilespmem:s16+$0x30];
	v15 =	vmul.f32 v18, v2;
	v4 =	vmul.f32 v4, v6;
	v6 =	vadd.f32 v40, v22  }
0x406: {  	v29 =	vmul.f32 v1, v29;
	v1 =	vld [tilespmem:s16+$0x90];
	v20 =	vadd.f32 v42, v20;
	v35 =	vadd.f32 v24, v35  }
0x407: {  	s7 =	sshra.s32 s15, $0x2;
	v40 =	vld [tilespmem:s16+$0xFFFFFF80];
	v24 =	vadd.f32 v46, v39;
	v63 =	vadd.f32 v37, v32  }
0x408: {  	v18 =	vadd.f32 v48, v31;
	v22 =	vadd.f32 v15, v34;
	v34 =	vld.idx.msk [tilespmem:v9+s7+$0x0 ss:$0x1], $0xffff  }
0x409: {  	v8 =	vmul.f32 v7, v8;
	v50 =	vld [tilespmem:s16+$0x10];
	v45 =	vadd.f32 v45, v47;
	v15 =	vadd.f32 v30, v28  }
0x40a: {  	v17 =	vmul.f32 v17, v2;
	v52 =	vld [tilespmem:s16+$0x20];
	v28 =	vadd.f32 v33, v41;
	v30 =	vadd.f32 v38, v36  }
0x40b: {  	v2 =	vmul.f32 v5, v3;
	v37 =	vld [tilespmem:s16+$0x80];
	v4 =	vadd.f32 v4, v16;
	v11 =	vadd.f32 v11, v20  }
0x40c: {  	v3 =	vmul.f32 v7, v3;
	v31 =	vld [tilespmem:s16+$0x0];
	v18 =	vadd.f32 v12, v18;
	v7 =	vmovc v0;
	v0 =	vadd.f32 v8, v6  }
0x40d: {  	v32 =	vld [tilespmem:s16+$0xFFFFFF30];
	v8 =	vadd.f32 v44, v4;
	v11 =	vadd.f32 v2, v11;
	v44 =	vbroadcast v34, $0x7  }
0x40e: {  	v38 =	vld [tilespmem:s16+$0xFFFFFF10];
	v9 =	vadd.f32 v19, v28;
	v2 =	vbroadcast v34, $0xD;
	v28 =	vbroadcast v34, $0x2  }
0x40f: {  	v47 =	vld [tilespmem:s16+$0xFFFFFF90];
	v13 =	vadd.f32 v3, v18;
	v3 =	vbroadcast v34, $0x9;
	v6 =	vbroadcast v34, $0x6  }
0x410: {  	v36 =	vld [tilespmem:s16+$0xFFFFFF00];
	v10 =	vadd.f32 v53, v15;
	v49 =	vbroadcast v34, $0x3;
	v39 =	vbroadcast v34, $0x1  }
0x411: {  	v41 =	vadd.f32 v29, v30;
	v4 =	vld [tilespmem:s16+$0xFFFFFFA0];
	v51 =	vbroadcast v34, $0xC;
	v15 =	vbroadcast v34, $0x5  }
0x412: {  	v14 =	vadd.f32 v14, v8;
	[tilespmem:$0x1FDC0] =	vst v9;
	v9 =	vld [tilespmem:$0x1FDE0];
	v8 =	vbroadcast v34, $0xB;
	v29 =	vbroadcast v34, $0x0  }
0x413: {  	v42 =	vld [tilespmem:s16+$0xFFFFFF20];
	v0 =	vadd.f32 v23, v0;
	v33 =	vmul.f32 v1, v2;
	v23 =	vmul.f32 v38, v28  }
0x414: {  	v25 =	vadd.f32 v25, v10;
	v48 =	vmul.f32 v37, v51;
	v10 =	vmul.f32 v40, v15  }
0x415: {  	v5 =	vmovc v31;
	v31 =	vadd.f32 v17, v13;
	v54 =	vmul.f32 v32, v29;
	v13 =	vmul.f32 v36, v28  }
0x416: {  	v17 =	vld [tilespmem:s16+$0xB0];
	v55 =	vmul.f32 v4, v15;
	v56 =	vmul.f32 v47, v15  }
0x417: {  	v20 =	vadd.f32 v9, v11;
	v9 =	vld [tilespmem:$0x1FDF0];
	v57 =	vmul.f32 v50, v3;
	v58 =	vmul.f32 v52, v3  }
0x418: {  	v18 =	vld [tilespmem:s16+$0xA0];
	v19 =	vmul.f32 v42, v39;
	v53 =	vmul.f32 v5, v8  }
0x419: {  	v46 =	vmul.f32 v38, v39;
	[tilespmem:$0x1FDD0] =	vst v10;
	v10 =	vmul.f32 v36, v29  }
0x41a: {  	v62 =	vmul.f32 v36, v49;
	v11 =	vmul.f32 v4, v44  }
0x41b: {  	v26 =	vadd.f32 v13, v26;
	v43 =	vadd.f32 v10, v43;
	v10 =	vmul.f32 v42, v28  }
0x41c: {  	v13 =	vmul.f32 v17, v51;
	v30 =	vadd.f32 v9, v24;
	v9 =	vmul.f32 v42, v49  }
0x41d: {  	v24 =	vmul.f32 v18, v51;
	v16 =	vadd.f32 v10, v14;
	v10 =	vmul.f32 v32, v49  }
0x41e: {  	v60 =	vadd.f32 v19, v22;
	v14 =	vbroadcast v34, $0xE;
	v49 =	vmul.f32 v38, v49  }
0x41f: {  	v59 =	vadd.f32 v9, v63;
	v9 =	vmul.f32 v37, v2;
	v63 =	vmul.f32 v32, v28  }
0x420: {  	v61 =	vmul.f32 v37, v14;
	v22 =	vadd.f32 v10, v0;
	v19 =	vmul.f32 v17, v14  }
0x421: {  	v12 =	vld [tilespmem:s16+$0xFFFFFFB0];
	v0 =	vadd.f32 v46, v27;
	v27 =	vbroadcast v34, $0x4;
	v46 =	vadd.f32 v55, v60  }
0x422: {  	v55 =	vmul.f32 v38, v29;
	v60 =	vadd.f32 v23, v30;
	v30 =	vmul.f32 v40, v44  }
0x423: {  	v23 =	vmul.f32 v42, v29;
	v29 =	vbroadcast v34, $0xF  }
0x424: {  	v21 =	vadd.f32 v54, v21;
	v38 =	vmul.f32 v50, v8;
	[tilespmem:$0x1FDE0] =	vst v9;
	v9 =	vmul.f32 v1, v14  }
0x425: {  	v28 =	vadd.f32 v62, v25;
	v14 =	vmul.f32 v18, v14;
	v62 =	vmul.f32 v40, v27  }
0x426: {  	v42 =	vmul.f32 v4, v27;
	v45 =	vadd.f32 v55, v45;
	v55 =	vmul.f32 v12, v6  }
0x427: {  	v23 =	vadd.f32 v23, v35;
	v35 =	vbroadcast v34, $0x8;
	v25 =	vmul.f32 v37, v29  }
0x428: {  	v11 =	vadd.f32 v11, v59;
	v37 =	vmul.f32 v40, v6;
	[tilespmem:$0x1FDF0] =	vst v9;
	v9 =	vbroadcast v34, $0xA  }
0x429: {  	v0 =	vadd.f32 v56, v0;
	v10 =	vmul.f32 v12, v27;
	v27 =	vmul.f32 v47, v27  }
0x42a: {  	v40 =	vmul.f32 v12, v44;
	v26 =	vadd.f32 v37, v26;
	v56 =	vmul.f32 v5, v9  }
0x42b: {  	v34 =	vadd.f32 v58, v46;
	v0 =	vadd.f32 v57, v0;
	v57 =	vmul.f32 v47, v6  }
0x42c: {  	v47 =	vmul.f32 v47, v44;
	v10 =	vadd.f32 v10, v21;
	v26 =	vadd.f32 v56, v26  }
0x42d: {  	v44 =	vmul.f32 v7, v35;
	v56 =	vadd.f32 v27, v45;
	v27 =	vadd.f32 v33, v0;
	v0 =	vld [tilespmem:$0x1FDC0]  }
0x42e: {  	v42 =	vadd.f32 v42, v23;
	v23 =	vmul.f32 v17, v29;
	v54 =	vmul.f32 v5, v35  }
0x42f: {  	v58 =	vmul.f32 v50, v35;
	v21 =	vmul.f32 v52, v35;
	v10 =	vadd.f32 v44, v10  }
0x430: {  	v37 =	vmul.f32 v18, v29;
	v43 =	vadd.f32 v62, v43;
	v46 =	vmul.f32 v50, v9  }
0x431: {  	p2 =	sne.s32 s15, $0x1C0;
	v35 =	vadd.f32 v21, v42;
	v44 =	vmul.f32 v52, v9;
	v21 =	vadd.f32 v13, v10  }
.Ltmp11:
0x432: {  	v42 =	vmul.f32 v36, v39;
	v10 =	vadd.f32 v54, v43;
	v0 =	vadd.f32 v63, v0;
	(pc) =	sbr.rel @p2 .LBB2_27-.Ltmp11, $4  }
0x433: {  	v45 =	vmul.f32 v1, v51;
	v13 =	vadd.f32 v49, v41;
	v26 =	vadd.f32 v61, v26  }
0x434: {  	v43 =	vadd.f32 v48, v10;
	v41 =	vadd.f32 v55, v0;
	v0 =	vmul.f32 v52, v8  }
0x435: {  	v33 =	vmul.f32 v7, v9;
	v36 =	vadd.f32 v47, v13;
	v47 =	vadd.f32 v58, v56  }
0x436: {  	s15 =	sadd.s32 $0x40, s15;
	s16 =	sadd.s32 $0x200, s16;
	v48 =	vmul.f32 v32, v39;
	v39 =	vadd.f32 v57, v60;
	v32 =	vadd.f32 v0, v11;
	v11 =	vld [tilespmem:$0x1FDD0]  }
0x437: {  	v0 =	vadd.f32 v42, v20;
	v47 =	vadd.f32 v45, v47  }
0x438: {  	[tilespmem:s14+$0x1CC40] =	vst v43;
	v57 =	vadd.f32 v40, v22;
	v58 =	vadd.f32 v30, v28  }
0x439: {  	v51 =	vmul.f32 v18, v2;
	[tilespmem:s14+$0x1CC70] =	vst v21;
	v59 =	vadd.f32 v33, v41;
	v62 =	vadd.f32 v38, v36  }
0x43a: {  	v4 =	vmul.f32 v4, v6;
	[tilespmem:s14+$0x1CD50] =	vst v27;
	v60 =	vld [tilespmem:$0x1FDF0];
	v10 =	vadd.f32 v48, v31;
	v48 =	vadd.f32 v24, v35  }
0x43b: {  	[tilespmem:s14+$0x1CE40] =	vst v26;
	v1 =	vmul.f32 v1, v29;
	v54 =	vadd.f32 v46, v39;
	v63 =	vadd.f32 v37, v32  }
0x43c: {  	v9 =	vmul.f32 v12, v15;
	v52 =	vld [tilespmem:$0x1FDE0];
	[tilespmem:s14+$0x1CC50] =	vst v47;
	v56 =	vadd.f32 v51, v34;
	v4 =	vadd.f32 v4, v16  }
0x43d: {  	v5 =	vmul.f32 v5, v3;
	v1 =	vadd.f32 v1, v62;
	[tilespmem:s14+$0x1CC60] =	vst v48;
	v0 =	vadd.f32 v11, v0  }
0x43e: {  	v50 =	vmul.f32 v7, v3;
	v49 =	vadd.f32 v9, v10;
	[tilespmem:s14+$0x1CF60] =	vst v63;
	v4 =	vadd.f32 v44, v4  }
0x43f: {  	[tilespmem:s14+$0x1CD60] =	vst v56;
	v6 =	vadd.f32 v60, v54;
	v0 =	vadd.f32 v5, v0  }
0x440: {  	v55 =	vmul.f32 v17, v2;
	[tilespmem:s14+$0x1CF50] =	vst v1;
	v3 =	vadd.f32 v50, v49;
	v4 =	vadd.f32 v14, v4  }
0x441: {  	v61 =	vmul.f32 v7, v8;
	v5 =	vadd.f32 v19, v59;
	[tilespmem:s14+$0x1CE50] =	vst v6;
	v0 =	vadd.f32 v52, v0  }
0x442: {  	v2 =	vadd.f32 v55, v3;
	v3 =	vadd.f32 v53, v58;
	[tilespmem:s14+$0x1CE60] =	vst v4  }
.Ltmp12:
0x443: {  	[tilespmem:s14+$0x1CD40] =	vst v0;
	v0 =	vadd.f32 v61, v57;
	(pc) =	sbr.rel @p1 .LBB2_24-.Ltmp12, $4  }
0x444: {  	[tilespmem:s14+$0x1CE70] =	vst v5;
	v3 =	vadd.f32 v25, v3  }
0x445: {  	[tilespmem:s14+$0x1CD70] =	vst v2;
	v0 =	vadd.f32 v23, v0  }
0x446: {  	[tilespmem:s14+$0x1CF40] =	vst v3  }
0x447: {  	s15 =	simm.s32 $0x1;
	p2 =	por $0x0, $0x0;
	[tilespmem:s14+$0x1CF70] =	vst v0  }
0x448: {  	s7 =	sor.u32 s6, s13  }
0x449: {  	p1 =	sgt.u32 s7, $0x9D  }
0x44a: {  	s14 =	sshll.u32 @!p1 s7, $0x6  }
0x44b: {  	s8 =	sadd.s32 $0x1, s8;
	s15 =	simm.s32 @!p1 $0x40;
	s14 =	sand.u32 @!p1 $0x3FFFFFC0, s14  }
0x44c: {  	s16 =	simm.s32 @!p1 $0x1A800;
	s7 =	sshll.u32 s7, $0xA;
	s14 =	sadd.s32 @!p1 $0x14080, s14  }
0x44d: {  	[tilespmem:s16], [sflag:$0x2] =	stream.indirect.gather @!p1 [spmem:s1], $0x80, s14, s15, $0xb8;
	[tilespmem:$0x1D000] =	vst v63  }
0x44e: {  	s25 =	sshll.u32 s13, $0x8;
	s7 =	sadd.s32 s11, s7;
	p1 =	sne.s32 s8, $0x8  }
.Ltmp13:
0x44f: {  	s13 =	sand.u32 $0x300, s25;
	s7 =	sand.u32 $0x7FFFF000, s7;
	(pc) =	sbr.rel @p1 .LBB2_17-.Ltmp13, $4  }
0x450: {  	s7 =	sor.u32 s13, s7  }
0x451: {  	s7 =	sshrl.u32 s7, $0x3  }
0x452: {  	s9 =	sadd.s32 $0x200, s9;
	s10 =	sadd.s32 $0x200, s10;
	s7 =	sadd.s32 s5, s7  }
0x453: {  	[hbm4b:s7+s28] =	stream.strided.scatter [tilespmem:s0], [sflag:$0x4], $0x400, s29, s28, $0x38;
	[tilespmem:$0x1D000] =	vst v63  }
0x454: {  	s2 =	sadd.s32 $0x1, s2  }
0x455: {  	p1 =	sne.s32 s2, $0x5  }
.Ltmp14:
0x456: {  	_ = 	snop;
	(pc) =	sbr.rel @p1 .LBB2_2-.Ltmp14, $1  }
0x457: {  	_ =	sdelay $0x3  }
0x458: {  	_ =	swait.ge [sflag:s19], $0x400  }
0x459: {  	[sflag:s19] =	ssyncset.done $0x0  }
0x45a: {  	[sflag:s19] =	ssyncadd.s32 $0xFFFFFC00  }
0x45b: {  	_ =	swait.ge [sflag:s22], $0x400  }
0x45c: {  	s6 =	rddreg [dreg:$0xe]  }
0x45d: {  	s2 =	rddreg [dreg:$0xa];
	s6 =	sadd.s32 $0x1, s6  }
0x45e: {  	p1 =	sne.s32 s6, s2  }
.Ltmp15:
0x45f: {  	_ = 	snop;
	(pc) =	sbr.rel @p1 .LBB2_1-.Ltmp15, $3  }
0x460: {  	_ =	sdelay $0x1  }
0x461: {  	[sflag:s22] =	ssyncset.done $0x0  }
0x462: {  	[sflag:s22] =	ssyncadd.s32 $0xFFFFFC00  }
0x463: {  	_ =	sfence.sel $0x180000  }
0x464: {  	[bflag:$0x0] =	sbarrier.arrive $0xFFFF  }
0x465: {  	_ =	strace $0x90000047  }
0x466: {  	s0 =	stileid.u32;
	[bflag:$0x2] =	sbarrier.arrive $0xFFFF  }
0x467: {  	p0 =	sne.s32 s0, $0x0;
	s0 =	rddreg [dreg:$0x4]  }
0x468: {  	s0 =	sadd.s32 @!p0 $0x100000, s0  }
0x469: {  	[sflag:s0] =	ssyncadd.tile.s32 @!p0 $0x1;
	_ =	shalt  }
.Lfunc_end2:
_tile_overlayer_lowered:
.L_overlay_start_2:
0x46a: {  	(tag) =	ssettag $0x2  }
0x46b: {  	s0 =	rddreg [dreg:$0x0];
	s2 =	stileid.u32  }
0x46c: {  	s1 =	rddreg [dreg:$0x1];
	p0 =	sne.s32 s2, $0x0  }
0x46d: {  	s3 =	rddreg [dreg:$0x2];
	[bflag:$0x3] =	sbarrier.arrive $0xFFFF;
	s2 =	simm.s32 @!p0 $0x1C07  }
0x46e: {  	[timem:s3], [sflag:s2] =	dma.local @!p0 [hbm:s0], s1  }
0x46f: {  	s0 =	simm.s32 @!p0 $0x7  }
0x470: {  	_ =	swait.ge @!p0 [sflag:s0], s1  }
0x471: {  	s1 =	ssub.s32 @!p0 $0x0, s1;
	[sflag:s0] =	ssyncset.done @!p0 $0x0  }
0x472: {  	[sflag:s0] =	ssyncadd.s32 @!p0 s1  }
0x473: {  	[bflag:$0x3] =	sbarrier.arrive $0xFFFF  }
0x474: {  	_ =	shalt  }

</sc_bundles>
